<compile_context>
chip_gen: v7x
topology: tpu7x:2x2x1
jax: 0.10.2.dev20260603
libtpu: 0.0.44.dev20260713+nightly
codegen_flags: <defaults>
</compile_context>

<pallas_src>
import dataclasses
import functools

import jax
import jax.numpy as jnp
from jax import lax
from jax.experimental import pallas as pl
from jax.experimental.pallas import tpu as pltpu
from jax.experimental.pallas import tpu_sc as plsc

_NW = 32
_LANES = 16


def _sc_compiler_params():
    cp = pltpu.CompilerParams()
    if "needs_layout_passes" in pltpu.CompilerParams.__dataclass_fields__:
        cp = dataclasses.replace(cp, needs_layout_passes=False)
    return cp


def _sc_mesh():
    return plsc.VectorSubcoreMesh(core_axis_name="c", subcore_axis_name="s")


def _sload(ref, i):
    return ref[pl.ds(i, _LANES)][0]


def _sc_seg_means(starts, ends, x, kmax):
    B = ends.shape[0]
    N, D = x.shape
    TB = B // _NW
    CB = 64
    WIN = CB * kmax + 8
    NCH = TB // CB
    NC = D // _LANES

    @functools.partial(
        pl.kernel,
        mesh=_sc_mesh(),
        compiler_params=_sc_compiler_params(),
        out_type=jax.ShapeDtypeStruct((B, D), jnp.float32),
        scratch_types=[
            pltpu.VMEM((WIN, D), jnp.float32),
            pltpu.VMEM((CB, D), jnp.float32),
            pltpu.VMEM((TB + 16,), jnp.int32),
            pltpu.VMEM((TB + 16,), jnp.int32),
            pltpu.SemaphoreType.DMA,
        ],
    )
    def k(starts_hbm, ends_hbm, x_hbm, m_hbm, xw, mbuf, starts_v, ends_v, sem):
        w = lax.axis_index("s") * 2 + lax.axis_index("c")
        pltpu.sync_copy(starts_hbm.at[pl.ds(w * TB, TB)], starts_v.at[pl.ds(0, TB)])
        pltpu.sync_copy(ends_hbm.at[pl.ds(w * TB, TB)], ends_v.at[pl.ds(0, TB)])

        @pl.loop(0, NCH)
        def _(ch):
            c0 = ch * CB
            s0 = jnp.minimum((_sload(starts_v, c0) // 8) * 8, N - WIN)
            pltpu.async_copy(x_hbm.at[pl.ds(s0, WIN)], xw, sem).wait()

            @pl.loop(0, CB)
            def _(bi):
                sti = _sload(starts_v, c0 + bi)
                st = sti - s0
                kk = _sload(ends_v, c0 + bi) - sti
                accs = [jnp.zeros((_LANES,), jnp.float32) for _ in range(NC)]
                for a in range(kmax):
                    valid = (a < kk).astype(jnp.float32)
                    for c in range(NC):
                        accs[c] = accs[c] + xw[st + a, pl.ds(c * _LANES, _LANES)] * valid
                inv = jnp.float32(0.0)
                for kv in range(1, kmax + 1):
                    inv = jnp.where(kk == kv, jnp.float32(1.0 / kv), inv)
                for c in range(NC):
                    mbuf[bi, pl.ds(c * _LANES, _LANES)] = accs[c] * inv

            pltpu.async_copy(mbuf, m_hbm.at[pl.ds(w * TB + c0, CB)], sem).wait()

    return k(starts, ends, x)


def _tc_matmul(m, w_neigh):
    B, D = m.shape
    BLK = 512

    def body(m_ref, w_ref, y_ref):
        y_ref[...] = jnp.dot(m_ref[...], w_ref[...],
                             preferred_element_type=jnp.float32)

    return pl.pallas_call(
        body,
        grid=(B // BLK,),
        in_specs=[pl.BlockSpec((BLK, D), lambda j: (j, 0)),
                  pl.BlockSpec((D, D), lambda j: (0, 0))],
        out_specs=pl.BlockSpec((BLK, D), lambda j: (j, 0)),
        out_shape=jax.ShapeDtypeStruct((B, D), jnp.float32),
    )(m, w_neigh)


def _sc_expand(y_ext, ends_ext, n_rows, b_segs, d_dim):
    D = d_dim
    N = n_rows
    B = b_segs
    TB = B // _NW
    YW = TB + 16
    RC = 256
    NC = D // _LANES

    @functools.partial(
        pl.kernel,
        mesh=_sc_mesh(),
        compiler_params=_sc_compiler_params(),
        out_type=jax.ShapeDtypeStruct((N, D), jnp.float32),
        scratch_types=[
            pltpu.VMEM((YW, D), jnp.float32),
            pltpu.VMEM((RC, D), jnp.float32),
            pltpu.VMEM((B + 56,), jnp.int32),
            pltpu.VMEM((32,), jnp.int32),
            pltpu.VMEM((8, D), jnp.float32),
            pltpu.SemaphoreType.DMA,
        ],
    )
    def k(y_hbm, ends_hbm, ya_hbm, yloc, obuf, ends_g, tvec_b, ybnd, sem):
        w = lax.axis_index("s") * 2 + lax.axis_index("c")
        pltpu.sync_copy(y_hbm.at[pl.ds(w * TB, YW)], yloc)
        pltpu.sync_copy(ends_hbm, ends_g.at[pl.ds(0, B + 40)])
        r_lo = _sload(ends_g, w * TB + 7)
        r_hi = _sload(ends_g, (w + 1) * TB + 7)
        a0 = (r_lo // 8) * 8
        a1 = jnp.where(w == _NW - 1, ((r_hi + 7) // 8) * 8, (r_hi // 8) * 8)
        nback = r_lo - a0

        lane = lax.iota(jnp.int32, _LANES)

        def group(base_row, iters, lo_init, hi_init):
            rvec = base_row + lane
            lo = jnp.full((_LANES,), 0, jnp.int32) + lo_init
            hi = jnp.full((_LANES,), 0, jnp.int32) + hi_init
            for _ in range(iters):
                mid = (lo + hi) >> 1
                ev = plsc.load_gather(ends_g, [mid])
                gt = ev > rvec
                lo = jnp.where(gt, lo, mid + 1)
                hi = jnp.where(gt, mid, hi)
            tvec_b[pl.ds(0, _LANES)] = lo - (w * TB)

        def chunk_rows(base_row):
            @pl.loop(0, RC // _LANES)
            def _(g):
                rl0 = g * _LANES
                group(base_row + rl0, 10, w * TB, w * TB + TB + 40)
                for j in range(_LANES):
                    t = _sload(tvec_b, j)
                    t = jnp.minimum(jnp.maximum(t, 0), YW - 1)
                    vals = [yloc[t, pl.ds(c * _LANES, _LANES)]
                            for c in range(NC)]
                    for c in range(NC):
                        obuf[rl0 + j, pl.ds(c * _LANES, _LANES)] = vals[c]

        def fix_boundary():
            group(a0, 15, 0, B + 40)
            for j in range(8):
                @pl.when(j < nback)
                def _():
                    jg = _sload(tvec_b, j) + w * TB
                    w8 = (jg // 8) * 8
                    pltpu.async_copy(y_hbm.at[pl.ds(w8, 8)], ybnd, sem).wait()
                    ri = jg - w8
                    for c in range(NC):
                        obuf[j, pl.ds(c * _LANES, _LANES)] = (
                            ybnd[ri, pl.ds(c * _LANES, _LANES)])

        nch = (N // _NW + RC) // RC

        def flush(base, limit):
            @pl.when(base + RC <= limit)
            def _():
                pltpu.async_copy(obuf, ya_hbm.at[pl.ds(base, RC)],
                                 sem).wait()

            @pl.when(base + RC > limit)
            def _():
                rem = limit - base
                off = jnp.int32(0)
                for sz in (128, 64, 32, 16, 8):
                    pred = (rem & sz) != 0
                    off_c = off

                    @pl.when(pred)
                    def _():
                        pltpu.async_copy(
                            obuf.at[pl.ds(off_c, sz)],
                            ya_hbm.at[pl.ds(base + off_c, sz)],
                            sem).wait()

                    off = off + jnp.where(pred, sz, 0)

        @pl.loop(0, nch)
        def _(ci):
            base = a0 + ci * RC

            @pl.when(base < a1)
            def _():
                chunk_rows(base)

                @pl.when(ci == 0)
                def _():
                    fix_boundary()

                flush(base, a1)

        total = _sload(ends_g, B + 7)
        z0 = ((total + 7) // 8) * 8
        nz8 = (N - z0) // 8
        zlo = z0 + (w * nz8 // _NW) * 8
        zhi = z0 + ((w + 1) * nz8 // _NW) * 8

        @pl.when(zlo < zhi)
        def _():
            zv = jnp.zeros((_LANES,), jnp.float32)

            @pl.loop(0, RC)
            def _(r):
                for c in range(NC):
                    obuf[r, pl.ds(c * _LANES, _LANES)] = zv

            @pl.loop(0, nch)
            def _(ci):
                base = zlo + ci * RC

                @pl.when(base < zhi)
                def _():
                    flush(base, zhi)

    return k(y_ext, ends_ext)


def _tc_final(x, w_self, b, ya):
    N, D = x.shape
    BLK = 2048

    def body(x_ref, w_ref, b_ref, ya_ref, o_ref):
        z = jnp.dot(x_ref[...], w_ref[...], preferred_element_type=jnp.float32)
        o_ref[...] = jnp.maximum(z + ya_ref[...] + b_ref[...], 0.0)

    return pl.pallas_call(
        body,
        grid=(N // BLK,),
        in_specs=[pl.BlockSpec((BLK, D), lambda j: (j, 0)),
                  pl.BlockSpec((D, D), lambda j: (0, 0)),
                  pl.BlockSpec((1, D), lambda j: (0, 0)),
                  pl.BlockSpec((BLK, D), lambda j: (j, 0))],
        out_specs=pl.BlockSpec((BLK, D), lambda j: (j, 0)),
        out_shape=jax.ShapeDtypeStruct((N, D), jnp.float32),
    )(x, w_self, b.reshape(1, D), ya)


def kernel(num_obj, object_branch_output, W_self, W_neigh, b):
    x = object_branch_output
    N, D = x.shape
    B = num_obj.shape[0]
    kmax = N // B
    counts = num_obj.astype(jnp.int32)
    ends = jnp.cumsum(counts)
    starts = ends - counts
    m = _sc_seg_means(starts, ends, x, kmax)
    y = _tc_matmul(m, W_neigh)
    zeros8 = jnp.zeros((8, D), jnp.float32)
    y_ext = jnp.concatenate([zeros8, y, zeros8], axis=0)
    ends_ext = jnp.concatenate(
        [jnp.zeros((8,), jnp.int32), ends, jnp.full((32,), N, jnp.int32)])
    ya = _sc_expand(y_ext, ends_ext, N, B, D)
    return _tc_final(x, W_self, b, ya)

# --- scband reference (transcript-rebuilt; emitter-appended) ---
"""Pipeline reference for scband-graphical-branch-vsgnet-36077725286713 (READ-ONLY COPY).

The authoritative reference and input builder live on the scoring server;
editing this copy changes nothing except your own understanding.
"""

import jax, jax.numpy as jnp
import numpy as np


def _build_combined_edge_index(num_obj_np):
    # Faithful port of generate_fc_edge_index + the per-batch offset/concat loop in forward.
    edges = []
    offset = 0
    for k in np.asarray(num_obj_np).tolist():
        k = int(k)
        if k > 0:
            a = np.arange(k, dtype=np.int64)
            src = np.repeat(a, k) + offset  # t1 varies slowest -> row 0
            dst = np.tile(a, k) + offset    # t2 varies fastest -> row 1
            edges.append(np.stack([src, dst], axis=0))
        offset += k
    if len(edges) == 0:
        return np.zeros((2, 0), dtype=np.int64)
    return np.concatenate(edges, axis=1)


def setup_inputs(seed: int = 0):
    key = jax.random.key(seed)
    k1, k2, k3, k4 = jax.random.split(key, 4)
    batch = 16384
    d = 128  # config['gnn_dimensions']
    num_obj = jax.random.randint(k1, (batch,), 0, 12, dtype=jnp.int32)
    object_branch_output = jax.random.normal(k2, (batch * 11, d), dtype=jnp.float32)
    # GNN layer parameters (GraphConv-style: self transform + mean-aggregated neighbor transform)
    W_self = jax.random.normal(k3, (d, d), dtype=jnp.float32) * 0.05
    W_neigh = jax.random.normal(k4, (d, d), dtype=jnp.float32) * 0.05
    b = jnp.zeros((d,), dtype=jnp.float32)
    return {"num_obj": num_obj, "object_branch_output": object_branch_output,
            "W_self": W_self, "W_neigh": W_neigh, "b": b}


def reference(num_obj, object_branch_output, W_self, W_neigh, b):
    N = object_branch_output.shape[0]
    B = num_obj.shape[0]
    Kmax = N // B
    a = jnp.arange(Kmax, dtype=jnp.int32)
    a1 = jnp.repeat(a, Kmax)  # t1 varies slowest -> row 0
    a2 = jnp.tile(a, Kmax)    # t2 varies fastest -> row 1
    offsets = jnp.cumsum(num_obj) - num_obj  # exclusive prefix sum of per-batch counts
    valid = (a1[None, :] < num_obj[:, None]) & (a2[None, :] < num_obj[:, None])
    src = jnp.where(valid, offsets[:, None] + a1[None, :], 0).reshape(-1)
    dst = jnp.where(valid, offsets[:, None] + a2[None, :], N).reshape(-1)
    validf = valid.reshape(-1).astype(object_branch_output.dtype)
    # message passing: gather source node features along edges
    msgs = jnp.take(object_branch_output, src, axis=0) * validf[:, None]
    agg = jax.ops.segment_sum(msgs, dst, num_segments=N + 1)[:N]
    deg = jax.ops.segment_sum(validf, dst, num_segments=N + 1)[:N]
    agg = agg / jnp.clip(deg, 1.0)[:, None]
    graphical_obj_features = jax.nn.relu(object_branch_output @ W_self + agg @ W_neigh + b)
    return graphical_obj_features

if __name__ == "__main__":
    import jax
    _d = setup_inputs()
    print(jax.jit(kernel)(*tuple(_d.values())))

</pallas_src>

<mosaic_0001>
#map = affine_map<(d0, d1) -> (0, 0)>
#map1 = affine_map<(d0, d1) -> (0)>
module attributes {stable_mosaic.version = 14 : i64} {
  func.func @k(%arg0: i32, %arg1: i32, %arg2: memref<16400x128xf32, #tpu.memory_space<hbm>>, %arg3: memref<16424xi32, #tpu.memory_space<hbm>>, %arg4: memref<180224x128xf32, #tpu.memory_space<hbm>>, %arg5: memref<528x128xf32, #tpu.memory_space<vmem>>, %arg6: memref<256x128xf32, #tpu.memory_space<vmem>>, %arg7: memref<16440xi32, #tpu.memory_space<vmem>>, %arg8: memref<32xi32, #tpu.memory_space<vmem>>, %arg9: memref<8x128xf32, #tpu.memory_space<vmem>>, %arg10: memref<!tpu.dma_semaphore, #tpu.memory_space<semaphore_mem>>) attributes {dimension_semantics = [#tpu.dimension_semantics<core_parallel>, #tpu.dimension_semantics<subcore_parallel>], iteration_bounds = array<i64: 2, 16>, scalar_prefetch = 0 : i64, scratch_operands = 6 : i64, tpu.core_type = #tpu.core_type<sc_vector_subcore>, window_params = [{transform_indices = #map}, {transform_indices = #map1}, {transform_indices = #map}]} {
    %mul3A = arith.constant 2 : i32
    %mul3A_0 = arith.muli %arg1, %mul3A : i32
    %add3A = arith.addi %mul3A_0, %arg0 : i32
    %mul3A_1 = arith.constant 512 : i32
    %mul3A_2 = arith.muli %add3A, %mul3A_1 : i32
    "tpu.region"() ({
      %run_scoped3A = tpu.sem_alloc : memref<!tpu.dma_semaphore, #tpu.memory_space<semaphore_mem>>
      %dma_start3A = arith.constant 0 : i32
      %dma_start3A_214 = tpu.memref_slice %arg2[%mul3A_2, %dma_start3A] : memref<16400x128xf32, #tpu.memory_space<hbm>> -> memref<528x128xf32, #tpu.memory_space<hbm>>
      %dma_start3A_215 = arith.constant 0 : i32
      %dma_start3A_216 = tpu.memref_slice %arg2[%mul3A_2, %dma_start3A_215] : memref<16400x128xf32, #tpu.memory_space<hbm>> -> memref<528x128xf32, #tpu.memory_space<hbm>>
      tpu.enqueue_dma source(%dma_start3A_216 : memref<528x128xf32, #tpu.memory_space<hbm>>) target(%arg5 : memref<528x128xf32, #tpu.memory_space<vmem>>) target_semaphore(%run_scoped3A : memref<!tpu.dma_semaphore, #tpu.memory_space<semaphore_mem>>)
      %dma_wait3A = arith.constant 0 : i32
      %dma_wait3A_217 = tpu.memref_slice %arg2[%mul3A_2, %dma_wait3A] : memref<16400x128xf32, #tpu.memory_space<hbm>> -> memref<528x128xf32, #tpu.memory_space<hbm>>
      %dma_wait3A_218 = arith.constant 0 : i32
      %dma_wait3A_219 = tpu.memref_slice %arg2[%mul3A_2, %dma_wait3A_218] : memref<16400x128xf32, #tpu.memory_space<hbm>> -> memref<528x128xf32, #tpu.memory_space<hbm>>
      tpu.wait_dma2 semaphore(%run_scoped3A : memref<!tpu.dma_semaphore, #tpu.memory_space<semaphore_mem>>) src(%dma_wait3A_219 : memref<528x128xf32, #tpu.memory_space<hbm>>) dst(%arg5 : memref<528x128xf32, #tpu.memory_space<vmem>>)
      tpu.yield
    }) : () -> ()
    "tpu.region"() ({
      %run_scoped3A = tpu.sem_alloc : memref<!tpu.dma_semaphore, #tpu.memory_space<semaphore_mem>>
      %dma_start3A = arith.constant 0 : i32
      %dma_start3A_214 = tpu.memref_slice %arg7[%dma_start3A] : memref<16440xi32, #tpu.memory_space<vmem>> -> memref<16424xi32, #tpu.memory_space<vmem>>
      %dma_start3A_215 = arith.constant 0 : i32
      %dma_start3A_216 = tpu.memref_slice %arg7[%dma_start3A_215] : memref<16440xi32, #tpu.memory_space<vmem>> -> memref<16424xi32, #tpu.memory_space<vmem>>
      tpu.enqueue_dma source(%arg3 : memref<16424xi32, #tpu.memory_space<hbm>>) target(%dma_start3A_216 : memref<16424xi32, #tpu.memory_space<vmem>>) target_semaphore(%run_scoped3A : memref<!tpu.dma_semaphore, #tpu.memory_space<semaphore_mem>>)
      %dma_wait3A = arith.constant 0 : i32
      %dma_wait3A_217 = tpu.memref_slice %arg7[%dma_wait3A] : memref<16440xi32, #tpu.memory_space<vmem>> -> memref<16424xi32, #tpu.memory_space<vmem>>
      %dma_wait3A_218 = arith.constant 0 : i32
      %dma_wait3A_219 = tpu.memref_slice %arg7[%dma_wait3A_218] : memref<16440xi32, #tpu.memory_space<vmem>> -> memref<16424xi32, #tpu.memory_space<vmem>>
      tpu.wait_dma2 semaphore(%run_scoped3A : memref<!tpu.dma_semaphore, #tpu.memory_space<semaphore_mem>>) src(%arg3 : memref<16424xi32, #tpu.memory_space<hbm>>) dst(%dma_wait3A_219 : memref<16424xi32, #tpu.memory_space<vmem>>)
      tpu.yield
    }) : () -> ()
    %mul3A_3 = arith.constant 512 : i32
    %mul3A_4 = arith.muli %add3A, %mul3A_3 : i32
    %add3A_5 = arith.constant 7 : i32
    %add3A_6 = arith.addi %mul3A_4, %add3A_5 : i32
    %get3A = arith.index_cast %add3A_6 : i32 to index
    %get3A_7 = tpu.vector_load %arg7[%get3A] {strides = array<i32>} : memref<16440xi32, #tpu.memory_space<vmem>>, vector<16xi32>,
    %slice3A = vector.extract_strided_slice %get3A_7 {offsets = [0], sizes = [1], strides = [1]} : vector<16xi32> to vector<1xi32>
    %squeeze3A = vector.extract %slice3A[0] : i32 from vector<1xi32>
    %add3A_8 = arith.constant 1 : i32
    %add3A_9 = arith.addi %add3A, %add3A_8 : i32
    %mul3A_10 = arith.constant 512 : i32
    %mul3A_11 = arith.muli %add3A_9, %mul3A_10 : i32
    %add3A_12 = arith.constant 7 : i32
    %add3A_13 = arith.addi %mul3A_11, %add3A_12 : i32
    %get3A_14 = arith.index_cast %add3A_13 : i32 to index
    %get3A_15 = tpu.vector_load %arg7[%get3A_14] {strides = array<i32>} : memref<16440xi32, #tpu.memory_space<vmem>>, vector<16xi32>,
    %slice3A_16 = vector.extract_strided_slice %get3A_15 {offsets = [0], sizes = [1], strides = [1]} : vector<16xi32> to vector<1xi32>
    %squeeze3A_17 = vector.extract %slice3A_16[0] : i32 from vector<1xi32>
    %jit3A = arith.constant 8 : i32
    %div3A = arith.divsi %squeeze3A, %jit3A : i32
    %sign3A = arith.constant 0 : i32
    %sign3A_18 = arith.cmpi sgt, %squeeze3A, %sign3A : i32
    %sign3A_19 = arith.extui %sign3A_18 : i1 to i32
    %sign3A_20 = arith.constant 0 : i32
    %sign3A_21 = arith.cmpi slt, %squeeze3A, %sign3A_20 : i32
    %sign3A_22 = arith.extui %sign3A_21 : i1 to i32
    %sign3A_23 = arith.subi %sign3A_19, %sign3A_22 : i32
    %sign3A_24 = arith.constant 0 : i32
    %sign3A_25 = arith.cmpi sgt, %jit3A, %sign3A_24 : i32
    %sign3A_26 = arith.extui %sign3A_25 : i1 to i32
    %sign3A_27 = arith.constant 0 : i32
    %sign3A_28 = arith.cmpi slt, %jit3A, %sign3A_27 : i32
    %sign3A_29 = arith.extui %sign3A_28 : i1 to i32
    %sign3A_30 = arith.subi %sign3A_26, %sign3A_29 : i32
    %ne3A = arith.cmpi ne, %sign3A_23, %sign3A_30 : i32
    %rem3A = arith.remsi %squeeze3A, %jit3A : i32
    %ne3A_31 = arith.constant 0 : i32
    %ne3A_32 = arith.cmpi ne, %rem3A, %ne3A_31 : i32
    %and3A = arith.andi %ne3A, %ne3A_32 : i1
    %sub3A = arith.constant 1 : i32
    %sub3A_33 = arith.subi %div3A, %sub3A : i32
    %select_n3A = arith.select %and3A, %sub3A_33, %div3A : i32
    %mul3A_34 = arith.constant 8 : i32
    %mul3A_35 = arith.muli %select_n3A, %mul3A_34 : i32
    %eq3A = arith.constant 31 : i32
    %eq3A_36 = arith.cmpi eq, %add3A, %eq3A : i32
    %add3A_37 = arith.constant 7 : i32
    %add3A_38 = arith.addi %squeeze3A_17, %add3A_37 : i32
    %jit3A_39 = arith.constant 8 : i32
    %div3A_40 = arith.divsi %add3A_38, %jit3A_39 : i32
    %sign3A_41 = arith.constant 0 : i32
    %sign3A_42 = arith.cmpi sgt, %add3A_38, %sign3A_41 : i32
    %sign3A_43 = arith.extui %sign3A_42 : i1 to i32
    %sign3A_44 = arith.constant 0 : i32
    %sign3A_45 = arith.cmpi slt, %add3A_38, %sign3A_44 : i32
    %sign3A_46 = arith.extui %sign3A_45 : i1 to i32
    %sign3A_47 = arith.subi %sign3A_43, %sign3A_46 : i32
    %sign3A_48 = arith.constant 0 : i32
    %sign3A_49 = arith.cmpi sgt, %jit3A_39, %sign3A_48 : i32
    %sign3A_50 = arith.extui %sign3A_49 : i1 to i32
    %sign3A_51 = arith.constant 0 : i32
    %sign3A_52 = arith.cmpi slt, %jit3A_39, %sign3A_51 : i32
    %sign3A_53 = arith.extui %sign3A_52 : i1 to i32
    %sign3A_54 = arith.subi %sign3A_50, %sign3A_53 : i32
    %ne3A_55 = arith.cmpi ne, %sign3A_47, %sign3A_54 : i32
    %rem3A_56 = arith.remsi %add3A_38, %jit3A_39 : i32
    %ne3A_57 = arith.constant 0 : i32
    %ne3A_58 = arith.cmpi ne, %rem3A_56, %ne3A_57 : i32
    %and3A_59 = arith.andi %ne3A_55, %ne3A_58 : i1
    %sub3A_60 = arith.constant 1 : i32
    %sub3A_61 = arith.subi %div3A_40, %sub3A_60 : i32
    %select_n3A_62 = arith.select %and3A_59, %sub3A_61, %div3A_40 : i32
    %mul3A_63 = arith.constant 8 : i32
    %mul3A_64 = arith.muli %select_n3A_62, %mul3A_63 : i32
    %jit3A_65 = arith.constant 8 : i32
    %div3A_66 = arith.divsi %squeeze3A_17, %jit3A_65 : i32
    %sign3A_67 = arith.constant 0 : i32
    %sign3A_68 = arith.cmpi sgt, %squeeze3A_17, %sign3A_67 : i32
    %sign3A_69 = arith.extui %sign3A_68 : i1 to i32
    %sign3A_70 = arith.constant 0 : i32
    %sign3A_71 = arith.cmpi slt, %squeeze3A_17, %sign3A_70 : i32
    %sign3A_72 = arith.extui %sign3A_71 : i1 to i32
    %sign3A_73 = arith.subi %sign3A_69, %sign3A_72 : i32
    %sign3A_74 = arith.constant 0 : i32
    %sign3A_75 = arith.cmpi sgt, %jit3A_65, %sign3A_74 : i32
    %sign3A_76 = arith.extui %sign3A_75 : i1 to i32
    %sign3A_77 = arith.constant 0 : i32
    %sign3A_78 = arith.cmpi slt, %jit3A_65, %sign3A_77 : i32
    %sign3A_79 = arith.extui %sign3A_78 : i1 to i32
    %sign3A_80 = arith.subi %sign3A_76, %sign3A_79 : i32
    %ne3A_81 = arith.cmpi ne, %sign3A_73, %sign3A_80 : i32
    %rem3A_82 = arith.remsi %squeeze3A_17, %jit3A_65 : i32
    %ne3A_83 = arith.constant 0 : i32
    %ne3A_84 = arith.cmpi ne, %rem3A_82, %ne3A_83 : i32
    %and3A_85 = arith.andi %ne3A_81, %ne3A_84 : i1
    %sub3A_86 = arith.constant 1 : i32
    %sub3A_87 = arith.subi %div3A_66, %sub3A_86 : i32
    %select_n3A_88 = arith.select %and3A_85, %sub3A_87, %div3A_66 : i32
    %mul3A_89 = arith.constant 8 : i32
    %mul3A_90 = arith.muli %select_n3A_88, %mul3A_89 : i32
    %select_n3A_91 = arith.select %eq3A_36, %mul3A_64, %mul3A_90 : i32
    %sub3A_92 = arith.subi %squeeze3A, %mul3A_35 : i32
    %iota3A = tpu.iota {dimensions = array<i32: 0>} : vector<16xi32>
    %scan3A = arith.constant 0 : i32
    %scan3A_93 = arith.constant 23 : i32
    %scan3A_94 = arith.addi %scan3A, %scan3A_93 : i32
    %scan3A_95 = arith.constant 1 : i32
    scf.for %scan3A_214 = %scan3A to %scan3A_94 step %scan3A_95  : i32 {
      %mul3A_215 = arith.constant 1 : i32
      %mul3A_216 = arith.muli %scan3A_214, %mul3A_215 : i32
      %add3A_217 = arith.constant 0 : i32
      %add3A_218 = arith.addi %add3A_217, %mul3A_216 : i32
      %mul3A_219 = arith.constant 256 : i32
      %mul3A_220 = arith.muli %add3A_218, %mul3A_219 : i32
      %add3A_221 = arith.addi %mul3A_35, %mul3A_220 : i32
      %lt3A_222 = arith.cmpi slt, %add3A_221, %select_n3A_91 : i32
      %convert_element_type3A_223 = arith.extui %lt3A_222 : i1 to i32
      %cond3A_224 = arith.constant 0 : i32
      %cond3A_225 = arith.cmpi ne, %convert_element_type3A_223, %cond3A_224 : i32
      scf.if %cond3A_225 {
        %scan3A_226 = arith.constant 0 : i32
        %scan3A_227 = arith.constant 16 : i32
        %scan3A_228 = arith.addi %scan3A_226, %scan3A_227 : i32
        %scan3A_229 = arith.constant 1 : i32
        scf.for %scan3A_246 = %scan3A_226 to %scan3A_228 step %scan3A_229  : i32 {
          %mul3A_247 = arith.constant 1 : i32
          %mul3A_248 = arith.muli %scan3A_246, %mul3A_247 : i32
          %add3A_249 = arith.constant 0 : i32
          %add3A_250 = arith.addi %add3A_249, %mul3A_248 : i32
          %mul3A_251 = arith.constant 16 : i32
          %mul3A_252 = arith.muli %add3A_250, %mul3A_251 : i32
          %add3A_253 = arith.addi %add3A_221, %mul3A_252 : i32
          %mul3A_254 = arith.constant 512 : i32
          %mul3A_255 = arith.muli %add3A, %mul3A_254 : i32
          %mul3A_256 = arith.constant 512 : i32
          %mul3A_257 = arith.muli %add3A, %mul3A_256 : i32
          %add3A_258 = arith.constant 512 : i32
          %add3A_259 = arith.addi %mul3A_257, %add3A_258 : i32
          %add3A_260 = arith.constant 40 : i32
          %add3A_261 = arith.addi %add3A_259, %add3A_260 : i32
          %add3A_262 = vector.broadcast %add3A_253 : i32 to vector<16xi32>
          %add3A_263 = arith.addi %add3A_262, %iota3A : vector<16xi32>
          %broadcast_in_dim3A = arith.constant 0 : i32
          %broadcast_in_dim3A_264 = vector.broadcast %broadcast_in_dim3A : i32 to vector<16xi32>
          %add3A_265 = vector.broadcast %mul3A_255 : i32 to vector<16xi32>
          %add3A_266 = arith.addi %broadcast_in_dim3A_264, %add3A_265 : vector<16xi32>
          %broadcast_in_dim3A_267 = arith.constant 0 : i32
          %broadcast_in_dim3A_268 = vector.broadcast %broadcast_in_dim3A_267 : i32 to vector<16xi32>
          %add3A_269 = vector.broadcast %add3A_261 : i32 to vector<16xi32>
          %add3A_270 = arith.addi %broadcast_in_dim3A_268, %add3A_269 : vector<16xi32>
          %add3A_271 = arith.addi %add3A_266, %add3A_270 : vector<16xi32>
          %shift_right_arithmetic3A = arith.constant 1 : i32
          %shift_right_arithmetic3A_272 = vector.broadcast %shift_right_arithmetic3A : i32 to vector<16xi32>
          %shift_right_arithmetic3A_273 = arith.shrsi %add3A_271, %shift_right_arithmetic3A_272 : vector<16xi32>
          %gather3A = tpu.vector_load_idx %arg7[%shift_right_arithmetic3A_273] : memref<16440xi32, #tpu.memory_space<vmem>>[vector<16xi32>], vector<16xi32>,
          %gt3A_274 = arith.cmpi sgt, %gather3A, %add3A_263 : vector<16xi32>
          %add3A_275 = arith.constant 1 : i32
          %add3A_276 = vector.broadcast %add3A_275 : i32 to vector<16xi32>
          %add3A_277 = arith.addi %shift_right_arithmetic3A_273, %add3A_276 : vector<16xi32>
          %select_n3A_278 = arith.select %gt3A_274, %add3A_266, %add3A_277 : vector<16xi1>, vector<16xi32>
          %select_n3A_279 = arith.select %gt3A_274, %shift_right_arithmetic3A_273, %add3A_270 : vector<16xi1>, vector<16xi32>
          %add3A_280 = arith.addi %select_n3A_278, %select_n3A_279 : vector<16xi32>
          %shift_right_arithmetic3A_281 = arith.constant 1 : i32
          %shift_right_arithmetic3A_282 = vector.broadcast %shift_right_arithmetic3A_281 : i32 to vector<16xi32>
          %shift_right_arithmetic3A_283 = arith.shrsi %add3A_280, %shift_right_arithmetic3A_282 : vector<16xi32>
          %gather3A_284 = tpu.vector_load_idx %arg7[%shift_right_arithmetic3A_283] : memref<16440xi32, #tpu.memory_space<vmem>>[vector<16xi32>], vector<16xi32>,
          %gt3A_285 = arith.cmpi sgt, %gather3A_284, %add3A_263 : vector<16xi32>
          %add3A_286 = arith.constant 1 : i32
          %add3A_287 = vector.broadcast %add3A_286 : i32 to vector<16xi32>
          %add3A_288 = arith.addi %shift_right_arithmetic3A_283, %add3A_287 : vector<16xi32>
          %select_n3A_289 = arith.select %gt3A_285, %select_n3A_278, %add3A_288 : vector<16xi1>, vector<16xi32>
          %select_n3A_290 = arith.select %gt3A_285, %shift_right_arithmetic3A_283, %select_n3A_279 : vector<16xi1>, vector<16xi32>
          %add3A_291 = arith.addi %select_n3A_289, %select_n3A_290 : vector<16xi32>
          %shift_right_arithmetic3A_292 = arith.constant 1 : i32
          %shift_right_arithmetic3A_293 = vector.broadcast %shift_right_arithmetic3A_292 : i32 to vector<16xi32>
          %shift_right_arithmetic3A_294 = arith.shrsi %add3A_291, %shift_right_arithmetic3A_293 : vector<16xi32>
          %gather3A_295 = tpu.vector_load_idx %arg7[%shift_right_arithmetic3A_294] : memref<16440xi32, #tpu.memory_space<vmem>>[vector<16xi32>], vector<16xi32>,
          %gt3A_296 = arith.cmpi sgt, %gather3A_295, %add3A_263 : vector<16xi32>
          %add3A_297 = arith.constant 1 : i32
          %add3A_298 = vector.broadcast %add3A_297 : i32 to vector<16xi32>
          %add3A_299 = arith.addi %shift_right_arithmetic3A_294, %add3A_298 : vector<16xi32>
          %select_n3A_300 = arith.select %gt3A_296, %select_n3A_289, %add3A_299 : vector<16xi1>, vector<16xi32>
          %select_n3A_301 = arith.select %gt3A_296, %shift_right_arithmetic3A_294, %select_n3A_290 : vector<16xi1>, vector<16xi32>
          %add3A_302 = arith.addi %select_n3A_300, %select_n3A_301 : vector<16xi32>
          %shift_right_arithmetic3A_303 = arith.constant 1 : i32
          %shift_right_arithmetic3A_304 = vector.broadcast %shift_right_arithmetic3A_303 : i32 to vector<16xi32>
          %shift_right_arithmetic3A_305 = arith.shrsi %add3A_302, %shift_right_arithmetic3A_304 : vector<16xi32>
          %gather3A_306 = tpu.vector_load_idx %arg7[%shift_right_arithmetic3A_305] : memref<16440xi32, #tpu.memory_space<vmem>>[vector<16xi32>], vector<16xi32>,
          %gt3A_307 = arith.cmpi sgt, %gather3A_306, %add3A_263 : vector<16xi32>
          %add3A_308 = arith.constant 1 : i32
          %add3A_309 = vector.broadcast %add3A_308 : i32 to vector<16xi32>
          %add3A_310 = arith.addi %shift_right_arithmetic3A_305, %add3A_309 : vector<16xi32>
          %select_n3A_311 = arith.select %gt3A_307, %select_n3A_300, %add3A_310 : vector<16xi1>, vector<16xi32>
          %select_n3A_312 = arith.select %gt3A_307, %shift_right_arithmetic3A_305, %select_n3A_301 : vector<16xi1>, vector<16xi32>
          %add3A_313 = arith.addi %select_n3A_311, %select_n3A_312 : vector<16xi32>
          %shift_right_arithmetic3A_314 = arith.constant 1 : i32
          %shift_right_arithmetic3A_315 = vector.broadcast %shift_right_arithmetic3A_314 : i32 to vector<16xi32>
          %shift_right_arithmetic3A_316 = arith.shrsi %add3A_313, %shift_right_arithmetic3A_315 : vector<16xi32>
          %gather3A_317 = tpu.vector_load_idx %arg7[%shift_right_arithmetic3A_316] : memref<16440xi32, #tpu.memory_space<vmem>>[vector<16xi32>], vector<16xi32>,
          %gt3A_318 = arith.cmpi sgt, %gather3A_317, %add3A_263 : vector<16xi32>
          %add3A_319 = arith.constant 1 : i32
          %add3A_320 = vector.broadcast %add3A_319 : i32 to vector<16xi32>
          %add3A_321 = arith.addi %shift_right_arithmetic3A_316, %add3A_320 : vector<16xi32>
          %select_n3A_322 = arith.select %gt3A_318, %select_n3A_311, %add3A_321 : vector<16xi1>, vector<16xi32>
          %select_n3A_323 = arith.select %gt3A_318, %shift_right_arithmetic3A_316, %select_n3A_312 : vector<16xi1>, vector<16xi32>
          %add3A_324 = arith.addi %select_n3A_322, %select_n3A_323 : vector<16xi32>
          %shift_right_arithmetic3A_325 = arith.constant 1 : i32
          %shift_right_arithmetic3A_326 = vector.broadcast %shift_right_arithmetic3A_325 : i32 to vector<16xi32>
          %shift_right_arithmetic3A_327 = arith.shrsi %add3A_324, %shift_right_arithmetic3A_326 : vector<16xi32>
          %gather3A_328 = tpu.vector_load_idx %arg7[%shift_right_arithmetic3A_327] : memref<16440xi32, #tpu.memory_space<vmem>>[vector<16xi32>], vector<16xi32>,
          %gt3A_329 = arith.cmpi sgt, %gather3A_328, %add3A_263 : vector<16xi32>
          %add3A_330 = arith.constant 1 : i32
          %add3A_331 = vector.broadcast %add3A_330 : i32 to vector<16xi32>
          %add3A_332 = arith.addi %shift_right_arithmetic3A_327, %add3A_331 : vector<16xi32>
          %select_n3A_333 = arith.select %gt3A_329, %select_n3A_322, %add3A_332 : vector<16xi1>, vector<16xi32>
          %select_n3A_334 = arith.select %gt3A_329, %shift_right_arithmetic3A_327, %select_n3A_323 : vector<16xi1>, vector<16xi32>
          %add3A_335 = arith.addi %select_n3A_333, %select_n3A_334 : vector<16xi32>
          %shift_right_arithmetic3A_336 = arith.constant 1 : i32
          %shift_right_arithmetic3A_337 = vector.broadcast %shift_right_arithmetic3A_336 : i32 to vector<16xi32>
          %shift_right_arithmetic3A_338 = arith.shrsi %add3A_335, %shift_right_arithmetic3A_337 : vector<16xi32>
          %gather3A_339 = tpu.vector_load_idx %arg7[%shift_right_arithmetic3A_338] : memref<16440xi32, #tpu.memory_space<vmem>>[vector<16xi32>], vector<16xi32>,
          %gt3A_340 = arith.cmpi sgt, %gather3A_339, %add3A_263 : vector<16xi32>
          %add3A_341 = arith.constant 1 : i32
          %add3A_342 = vector.broadcast %add3A_341 : i32 to vector<16xi32>
          %add3A_343 = arith.addi %shift_right_arithmetic3A_338, %add3A_342 : vector<16xi32>
          %select_n3A_344 = arith.select %gt3A_340, %select_n3A_333, %add3A_343 : vector<16xi1>, vector<16xi32>
          %select_n3A_345 = arith.select %gt3A_340, %shift_right_arithmetic3A_338, %select_n3A_334 : vector<16xi1>, vector<16xi32>
          %add3A_346 = arith.addi %select_n3A_344, %select_n3A_345 : vector<16xi32>
          %shift_right_arithmetic3A_347 = arith.constant 1 : i32
          %shift_right_arithmetic3A_348 = vector.broadcast %shift_right_arithmetic3A_347 : i32 to vector<16xi32>
          %shift_right_arithmetic3A_349 = arith.shrsi %add3A_346, %shift_right_arithmetic3A_348 : vector<16xi32>
          %gather3A_350 = tpu.vector_load_idx %arg7[%shift_right_arithmetic3A_349] : memref<16440xi32, #tpu.memory_space<vmem>>[vector<16xi32>], vector<16xi32>,
          %gt3A_351 = arith.cmpi sgt, %gather3A_350, %add3A_263 : vector<16xi32>
          %add3A_352 = arith.constant 1 : i32
          %add3A_353 = vector.broadcast %add3A_352 : i32 to vector<16xi32>
          %add3A_354 = arith.addi %shift_right_arithmetic3A_349, %add3A_353 : vector<16xi32>
          %select_n3A_355 = arith.select %gt3A_351, %select_n3A_344, %add3A_354 : vector<16xi1>, vector<16xi32>
          %select_n3A_356 = arith.select %gt3A_351, %shift_right_arithmetic3A_349, %select_n3A_345 : vector<16xi1>, vector<16xi32>
          %add3A_357 = arith.addi %select_n3A_355, %select_n3A_356 : vector<16xi32>
          %shift_right_arithmetic3A_358 = arith.constant 1 : i32
          %shift_right_arithmetic3A_359 = vector.broadcast %shift_right_arithmetic3A_358 : i32 to vector<16xi32>
          %shift_right_arithmetic3A_360 = arith.shrsi %add3A_357, %shift_right_arithmetic3A_359 : vector<16xi32>
          %gather3A_361 = tpu.vector_load_idx %arg7[%shift_right_arithmetic3A_360] : memref<16440xi32, #tpu.memory_space<vmem>>[vector<16xi32>], vector<16xi32>,
          %gt3A_362 = arith.cmpi sgt, %gather3A_361, %add3A_263 : vector<16xi32>
          %add3A_363 = arith.constant 1 : i32
          %add3A_364 = vector.broadcast %add3A_363 : i32 to vector<16xi32>
          %add3A_365 = arith.addi %shift_right_arithmetic3A_360, %add3A_364 : vector<16xi32>
          %select_n3A_366 = arith.select %gt3A_362, %select_n3A_355, %add3A_365 : vector<16xi1>, vector<16xi32>
          %select_n3A_367 = arith.select %gt3A_362, %shift_right_arithmetic3A_360, %select_n3A_356 : vector<16xi1>, vector<16xi32>
          %add3A_368 = arith.addi %select_n3A_366, %select_n3A_367 : vector<16xi32>
          %shift_right_arithmetic3A_369 = arith.constant 1 : i32
          %shift_right_arithmetic3A_370 = vector.broadcast %shift_right_arithmetic3A_369 : i32 to vector<16xi32>
          %shift_right_arithmetic3A_371 = arith.shrsi %add3A_368, %shift_right_arithmetic3A_370 : vector<16xi32>
          %gather3A_372 = tpu.vector_load_idx %arg7[%shift_right_arithmetic3A_371] : memref<16440xi32, #tpu.memory_space<vmem>>[vector<16xi32>], vector<16xi32>,
          %gt3A_373 = arith.cmpi sgt, %gather3A_372, %add3A_263 : vector<16xi32>
          %add3A_374 = arith.constant 1 : i32
          %add3A_375 = vector.broadcast %add3A_374 : i32 to vector<16xi32>
          %add3A_376 = arith.addi %shift_right_arithmetic3A_371, %add3A_375 : vector<16xi32>
          %select_n3A_377 = arith.select %gt3A_373, %select_n3A_366, %add3A_376 : vector<16xi1>, vector<16xi32>
          %select_n3A_378 = arith.select %gt3A_373, %shift_right_arithmetic3A_371, %select_n3A_367 : vector<16xi1>, vector<16xi32>
          %mul3A_379 = arith.constant 512 : i32
          %mul3A_380 = arith.muli %add3A, %mul3A_379 : i32
          %sub3A_381 = vector.broadcast %mul3A_380 : i32 to vector<16xi32>
          %sub3A_382 = arith.subi %select_n3A_377, %sub3A_381 : vector<16xi32>
          %swap3A = arith.constant 0 : index
          %swap3A_383 = tpu.vector_load %arg8[%swap3A] {strides = array<i32>} : memref<32xi32, #tpu.memory_space<vmem>>, vector<16xi32>,
          tpu.vector_store %arg8[%swap3A], %sub3A_382 {strides = array<i32>} : memref<32xi32, #tpu.memory_space<vmem>>, vector<16xi32>,
          %get3A_384 = arith.constant 0 : index
          %get3A_385 = tpu.vector_load %arg8[%get3A_384] {strides = array<i32>} : memref<32xi32, #tpu.memory_space<vmem>>, vector<16xi32>,
          %slice3A_386 = vector.extract_strided_slice %get3A_385 {offsets = [0], sizes = [1], strides = [1]} : vector<16xi32> to vector<1xi32>
          %squeeze3A_387 = vector.extract %slice3A_386[0] : i32 from vector<1xi32>
          %max3A = arith.constant 0 : i32
          %max3A_388 = arith.maxsi %squeeze3A_387, %max3A : i32
          %min3A = arith.constant 527 : i32
          %min3A_389 = arith.minsi %max3A_388, %min3A : i32
          %get3A_390 = arith.index_cast %min3A_389 : i32 to index
          %get3A_391 = arith.constant 0 : index
          %get3A_392 = tpu.vector_load %arg5[%get3A_390, %get3A_391] {strides = array<i32>} : memref<528x128xf32, #tpu.memory_space<vmem>>, vector<16xf32>,
          %get3A_393 = arith.index_cast %min3A_389 : i32 to index
          %get3A_394 = arith.constant 16 : index
          %get3A_395 = tpu.vector_load %arg5[%get3A_393, %get3A_394] {strides = array<i32>} : memref<528x128xf32, #tpu.memory_space<vmem>>, vector<16xf32>,
          %get3A_396 = arith.index_cast %min3A_389 : i32 to index
          %get3A_397 = arith.constant 32 : index
          %get3A_398 = tpu.vector_load %arg5[%get3A_396, %get3A_397] {strides = array<i32>} : memref<528x128xf32, #tpu.memory_space<vmem>>, vector<16xf32>,
          %get3A_399 = arith.index_cast %min3A_389 : i32 to index
          %get3A_400 = arith.constant 48 : index
          %get3A_401 = tpu.vector_load %arg5[%get3A_399, %get3A_400] {strides = array<i32>} : memref<528x128xf32, #tpu.memory_space<vmem>>, vector<16xf32>,
          %get3A_402 = arith.index_cast %min3A_389 : i32 to index
          %get3A_403 = arith.constant 64 : index
          %get3A_404 = tpu.vector_load %arg5[%get3A_402, %get3A_403] {strides = array<i32>} : memref<528x128xf32, #tpu.memory_space<vmem>>, vector<16xf32>,
          %get3A_405 = arith.index_cast %min3A_389 : i32 to index
          %get3A_406 = arith.constant 80 : index
          %get3A_407 = tpu.vector_load %arg5[%get3A_405, %get3A_406] {strides = array<i32>} : memref<528x128xf32, #tpu.memory_space<vmem>>, vector<16xf32>,
          %get3A_408 = arith.index_cast %min3A_389 : i32 to index
          %get3A_409 = arith.constant 96 : index
          %get3A_410 = tpu.vector_load %arg5[%get3A_408, %get3A_409] {strides = array<i32>} : memref<528x128xf32, #tpu.memory_space<vmem>>, vector<16xf32>,
          %get3A_411 = arith.index_cast %min3A_389 : i32 to index
          %get3A_412 = arith.constant 112 : index
          %get3A_413 = tpu.vector_load %arg5[%get3A_411, %get3A_412] {strides = array<i32>} : memref<528x128xf32, #tpu.memory_space<vmem>>, vector<16xf32>,
          %add3A_414 = arith.constant 0 : i32
          %add3A_415 = arith.addi %mul3A_252, %add3A_414 : i32
          %swap3A_416 = arith.index_cast %add3A_415 : i32 to index
          %swap3A_417 = arith.constant 0 : index
          %swap3A_418 = tpu.vector_load %arg6[%swap3A_416, %swap3A_417] {strides = array<i32>} : memref<256x128xf32, #tpu.memory_space<vmem>>, vector<16xf32>,
          tpu.vector_store %arg6[%swap3A_416, %swap3A_417], %get3A_392 {strides = array<i32>} : memref<256x128xf32, #tpu.memory_space<vmem>>, vector<16xf32>,
          %add3A_419 = arith.constant 0 : i32
          %add3A_420 = arith.addi %mul3A_252, %add3A_419 : i32
          %swap3A_421 = arith.index_cast %add3A_420 : i32 to index
          %swap3A_422 = arith.constant 16 : index
          %swap3A_423 = tpu.vector_load %arg6[%swap3A_421, %swap3A_422] {strides = array<i32>} : memref<256x128xf32, #tpu.memory_space<vmem>>, vector<16xf32>,
          tpu.vector_store %arg6[%swap3A_421, %swap3A_422], %get3A_395 {strides = array<i32>} : memref<256x128xf32, #tpu.memory_space<vmem>>, vector<16xf32>,
          %add3A_424 = arith.constant 0 : i32
          %add3A_425 = arith.addi %mul3A_252, %add3A_424 : i32
          %swap3A_426 = arith.index_cast %add3A_425 : i32 to index
          %swap3A_427 = arith.constant 32 : index
          %swap3A_428 = tpu.vector_load %arg6[%swap3A_426, %swap3A_427] {strides = array<i32>} : memref<256x128xf32, #tpu.memory_space<vmem>>, vector<16xf32>,
          tpu.vector_store %arg6[%swap3A_426, %swap3A_427], %get3A_398 {strides = array<i32>} : memref<256x128xf32, #tpu.memory_space<vmem>>, vector<16xf32>,
          %add3A_429 = arith.constant 0 : i32
          %add3A_430 = arith.addi %mul3A_252, %add3A_429 : i32
          %swap3A_431 = arith.index_cast %add3A_430 : i32 to index
          %swap3A_432 = arith.constant 48 : index
          %swap3A_433 = tpu.vector_load %arg6[%swap3A_431, %swap3A_432] {strides = array<i32>} : memref<256x128xf32, #tpu.memory_space<vmem>>, vector<16xf32>,
          tpu.vector_store %arg6[%swap3A_431, %swap3A_432], %get3A_401 {strides = array<i32>} : memref<256x128xf32, #tpu.memory_space<vmem>>, vector<16xf32>,
          %add3A_434 = arith.constant 0 : i32
          %add3A_435 = arith.addi %mul3A_252, %add3A_434 : i32
          %swap3A_436 = arith.index_cast %add3A_435 : i32 to index
          %swap3A_437 = arith.constant 64 : index
          %swap3A_438 = tpu.vector_load %arg6[%swap3A_436, %swap3A_437] {strides = array<i32>} : memref<256x128xf32, #tpu.memory_space<vmem>>, vector<16xf32>,
          tpu.vector_store %arg6[%swap3A_436, %swap3A_437], %get3A_404 {strides = array<i32>} : memref<256x128xf32, #tpu.memory_space<vmem>>, vector<16xf32>,
          %add3A_439 = arith.constant 0 : i32
          %add3A_440 = arith.addi %mul3A_252, %add3A_439 : i32
          %swap3A_441 = arith.index_cast %add3A_440 : i32 to index
          %swap3A_442 = arith.constant 80 : index
          %swap3A_443 = tpu.vector_load %arg6[%swap3A_441, %swap3A_442] {strides = array<i32>} : memref<256x128xf32, #tpu.memory_space<vmem>>, vector<16xf32>,
          tpu.vector_store %arg6[%swap3A_441, %swap3A_442], %get3A_407 {strides = array<i32>} : memref<256x128xf32, #tpu.memory_space<vmem>>, vector<16xf32>,
          %add3A_444 = arith.constant 0 : i32
          %add3A_445 = arith.addi %mul3A_252, %add3A_444 : i32
          %swap3A_446 = arith.index_cast %add3A_445 : i32 to index
          %swap3A_447 = arith.constant 96 : index
          %swap3A_448 = tpu.vector_load %arg6[%swap3A_446, %swap3A_447] {strides = array<i32>} : memref<256x128xf32, #tpu.memory_space<vmem>>, vector<16xf32>,
          tpu.vector_store %arg6[%swap3A_446, %swap3A_447], %get3A_410 {strides = array<i32>} : memref<256x128xf32, #tpu.memory_space<vmem>>, vector<16xf32>,
          %add3A_449 = arith.constant 0 : i32
          %add3A_450 = arith.addi %mul3A_252, %add3A_449 : i32
          %swap3A_451 = arith.index_cast %add3A_450 : i32 to index
          %swap3A_452 = arith.constant 112 : index
          %swap3A_453 = tpu.vector_load %arg6[%swap3A_451, %swap3A_452] {strides = array<i32>} : memref<256x128xf32, #tpu.memory_space<vmem>>, vector<16xf32>,
          tpu.vector_store %arg6[%swap3A_451, %swap3A_452], %get3A_413 {strides = array<i32>} : memref<256x128xf32, #tpu.memory_space<vmem>>, vector<16xf32>,
          %get3A_454 = arith.constant 1 : index
          %get3A_455 = tpu.vector_load %arg8[%get3A_454] {strides = array<i32>} : memref<32xi32, #tpu.memory_space<vmem>>, vector<16xi32>,
          %slice3A_456 = vector.extract_strided_slice %get3A_455 {offsets = [0], sizes = [1], strides = [1]} : vector<16xi32> to vector<1xi32>
          %squeeze3A_457 = vector.extract %slice3A_456[0] : i32 from vector<1xi32>
          %max3A_458 = arith.constant 0 : i32
          %max3A_459 = arith.maxsi %squeeze3A_457, %max3A_458 : i32
          %min3A_460 = arith.constant 527 : i32
          %min3A_461 = arith.minsi %max3A_459, %min3A_460 : i32
          %get3A_462 = arith.index_cast %min3A_461 : i32 to index
          %get3A_463 = arith.constant 0 : index
          %get3A_464 = tpu.vector_load %arg5[%get3A_462, %get3A_463] {strides = array<i32>} : memref<528x128xf32, #tpu.memory_space<vmem>>, vector<16xf32>,
          %get3A_465 = arith.index_cast %min3A_461 : i32 to index
          %get3A_466 = arith.constant 16 : index
          %get3A_467 = tpu.vector_load %arg5[%get3A_465, %get3A_466] {strides = array<i32>} : memref<528x128xf32, #tpu.memory_space<vmem>>, vector<16xf32>,
          %get3A_468 = arith.index_cast %min3A_461 : i32 to index
          %get3A_469 = arith.constant 32 : index
          %get3A_470 = tpu.vector_load %arg5[%get3A_468, %get3A_469] {strides = array<i32>} : memref<528x128xf32, #tpu.memory_space<vmem>>, vector<16xf32>,
          %get3A_471 = arith.index_cast %min3A_461 : i32 to index
          %get3A_472 = arith.constant 48 : index
          %get3A_473 = tpu.vector_load %arg5[%get3A_471, %get3A_472] {strides = array<i32>} : memref<528x128xf32, #tpu.memory_space<vmem>>, vector<16xf32>,
          %get3A_474 = arith.index_cast %min3A_461 : i32 to index
          %get3A_475 = arith.constant 64 : index
          %get3A_476 = tpu.vector_load %arg5[%get3A_474, %get3A_475] {strides = array<i32>} : memref<528x128xf32, #tpu.memory_space<vmem>>, vector<16xf32>,
          %get3A_477 = arith.index_cast %min3A_461 : i32 to index
          %get3A_478 = arith.constant 80 : index
          %get3A_479 = tpu.vector_load %arg5[%get3A_477, %get3A_478] {strides = array<i32>} : memref<528x128xf32, #tpu.memory_space<vmem>>, vector<16xf32>,
          %get3A_480 = arith.index_cast %min3A_461 : i32 to index
          %get3A_481 = arith.constant 96 : index
          %get3A_482 = tpu.vector_load %arg5[%get3A_480, %get3A_481] {strides = array<i32>} : memref<528x128xf32, #tpu.memory_space<vmem>>, vector<16xf32>,
          %get3A_483 = arith.index_cast %min3A_461 : i32 to index
          %get3A_484 = arith.constant 112 : index
          %get3A_485 = tpu.vector_load %arg5[%get3A_483, %get3A_484] {strides = array<i32>} : memref<528x128xf32, #tpu.memory_space<vmem>>, vector<16xf32>,
          %add3A_486 = arith.constant 1 : i32
          %add3A_487 = arith.addi %mul3A_252, %add3A_486 : i32
          %swap3A_488 = arith.index_cast %add3A_487 : i32 to index
          %swap3A_489 = arith.constant 0 : index
          %swap3A_490 = tpu.vector_load %arg6[%swap3A_488, %swap3A_489] {strides = array<i32>} : memref<256x128xf32, #tpu.memory_space<vmem>>, vector<16xf32>,
          tpu.vector_store %arg6[%swap3A_488, %swap3A_489], %get3A_464 {strides = array<i32>} : memref<256x128xf32, #tpu.memory_space<vmem>>, vector<16xf32>,
          %add3A_491 = arith.constant 1 : i32
          %add3A_492 = arith.addi %mul3A_252, %add3A_491 : i32
          %swap3A_493 = arith.index_cast %add3A_492 : i32 to index
          %swap3A_494 = arith.constant 16 : index
          %swap3A_495 = tpu.vector_load %arg6[%swap3A_493, %swap3A_494] {strides = array<i32>} : memref<256x128xf32, #tpu.memory_space<vmem>>, vector<16xf32>,
          tpu.vector_store %arg6[%swap3A_493, %swap3A_494], %get3A_467 {strides = array<i32>} : memref<256x128xf32, #tpu.memory_space<vmem>>, vector<16xf32>,
          %add3A_496 = arith.constant 1 : i32
          %add3A_497 = arith.addi %mul3A_252, %add3A_496 : i32
          %swap3A_498 = arith.index_cast %add3A_497 : i32 to index
          %swap3A_499 = arith.constant 32 : index
          %swap3A_500 = tpu.vector_load %arg6[%swap3A_498, %swap3A_499] {strides = array<i32>} : memref<256x128xf32, #tpu.memory_space<vmem>>, vector<16xf32>,
          tpu.vector_store %arg6[%swap3A_498, %swap3A_499], %get3A_470 {strides = array<i32>} : memref<256x128xf32, #tpu.memory_space<vmem>>, vector<16xf32>,
          %add3A_501 = arith.constant 1 : i32
          %add3A_502 = arith.addi %mul3A_252, %add3A_501 : i32
          %swap3A_503 = arith.index_cast %add3A_502 : i32 to index
          %swap3A_504 = arith.constant 48 : index
          %swap3A_505 = tpu.vector_load %arg6[%swap3A_503, %swap3A_504] {strides = array<i32>} : memref<256x128xf32, #tpu.memory_space<vmem>>, vector<16xf32>,
          tpu.vector_store %arg6[%swap3A_503, %swap3A_504], %get3A_473 {strides = array<i32>} : memref<256x128xf32, #tpu.memory_space<vmem>>, vector<16xf32>,
          %add3A_506 = arith.constant 1 : i32
          %add3A_507 = arith.addi %mul3A_252, %add3A_506 : i32
          %swap3A_508 = arith.index_cast %add3A_507 : i32 to index
          %swap3A_509 = arith.constant 64 : index
          %swap3A_510 = tpu.vector_load %arg6[%swap3A_508, %swap3A_509] {strides = array<i32>} : memref<256x128xf32, #tpu.memory_space<vmem>>, vector<16xf32>,
          tpu.vector_store %arg6[%swap3A_508, %swap3A_509], %get3A_476 {strides = array<i32>} : memref<256x128xf32, #tpu.memory_space<vmem>>, vector<16xf32>,
          %add3A_511 = arith.constant 1 : i32
          %add3A_512 = arith.addi %mul3A_252, %add3A_511 : i32
          %swap3A_513 = arith.index_cast %add3A_512 : i32 to index
          %swap3A_514 = arith.constant 80 : index
          %swap3A_515 = tpu.vector_load %arg6[%swap3A_513, %swap3A_514] {strides = array<i32>} : memref<256x128xf32, #tpu.memory_space<vmem>>, vector<16xf32>,
          tpu.vector_store %arg6[%swap3A_513, %swap3A_514], %get3A_479 {strides = array<i32>} : memref<256x128xf32, #tpu.memory_space<vmem>>, vector<16xf32>,
          %add3A_516 = arith.constant 1 : i32
          %add3A_517 = arith.addi %mul3A_252, %add3A_516 : i32
          %swap3A_518 = arith.index_cast %add3A_517 : i32 to index
          %swap3A_519 = arith.constant 96 : index
          %swap3A_520 = tpu.vector_load %arg6[%swap3A_518, %swap3A_519] {strides = array<i32>} : memref<256x128xf32, #tpu.memory_space<vmem>>, vector<16xf32>,
          tpu.vector_store %arg6[%swap3A_518, %swap3A_519], %get3A_482 {strides = array<i32>} : memref<256x128xf32, #tpu.memory_space<vmem>>, vector<16xf32>,
          %add3A_521 = arith.constant 1 : i32
          %add3A_522 = arith.addi %mul3A_252, %add3A_521 : i32
          %swap3A_523 = arith.index_cast %add3A_522 : i32 to index
          %swap3A_524 = arith.constant 112 : index
          %swap3A_525 = tpu.vector_load %arg6[%swap3A_523, %swap3A_524] {strides = array<i32>} : memref<256x128xf32, #tpu.memory_space<vmem>>, vector<16xf32>,
          tpu.vector_store %arg6[%swap3A_523, %swap3A_524], %get3A_485 {strides = array<i32>} : memref<256x128xf32, #tpu.memory_space<vmem>>, vector<16xf32>,
          %get3A_526 = arith.constant 2 : index
          %get3A_527 = tpu.vector_load %arg8[%get3A_526] {strides = array<i32>} : memref<32xi32, #tpu.memory_space<vmem>>, vector<16xi32>,
          %slice3A_528 = vector.extract_strided_slice %get3A_527 {offsets = [0], sizes = [1], strides = [1]} : vector<16xi32> to vector<1xi32>
          %squeeze3A_529 = vector.extract %slice3A_528[0] : i32 from vector<1xi32>
          %max3A_530 = arith.constant 0 : i32
          %max3A_531 = arith.maxsi %squeeze3A_529, %max3A_530 : i32
          %min3A_532 = arith.constant 527 : i32
          %min3A_533 = arith.minsi %max3A_531, %min3A_532 : i32
          %get3A_534 = arith.index_cast %min3A_533 : i32 to index
          %get3A_535 = arith.constant 0 : index
          %get3A_536 = tpu.vector_load %arg5[%get3A_534, %get3A_535] {strides = array<i32>} : memref<528x128xf32, #tpu.memory_space<vmem>>, vector<16xf32>,
          %get3A_537 = arith.index_cast %min3A_533 : i32 to index
          %get3A_538 = arith.constant 16 : index
          %get3A_539 = tpu.vector_load %arg5[%get3A_537, %get3A_538] {strides = array<i32>} : memref<528x128xf32, #tpu.memory_space<vmem>>, vector<16xf32>,
          %get3A_540 = arith.index_cast %min3A_533 : i32 to index
          %get3A_541 = arith.constant 32 : index
          %get3A_542 = tpu.vector_load %arg5[%get3A_540, %get3A_541] {strides = array<i32>} : memref<528x128xf32, #tpu.memory_space<vmem>>, vector<16xf32>,
          %get3A_543 = arith.index_cast %min3A_533 : i32 to index
          %get3A_544 = arith.constant 48 : index
          %get3A_545 = tpu.vector_load %arg5[%get3A_543, %get3A_544] {strides = array<i32>} : memref<528x128xf32, #tpu.memory_space<vmem>>, vector<16xf32>,
          %get3A_546 = arith.index_cast %min3A_533 : i32 to index
          %get3A_547 = arith.constant 64 : index
          %get3A_548 = tpu.vector_load %arg5[%get3A_546, %get3A_547] {strides = array<i32>} : memref<528x128xf32, #tpu.memory_space<vmem>>, vector<16xf32>,
          %get3A_549 = arith.index_cast %min3A_533 : i32 to index
          %get3A_550 = arith.constant 80 : index
          %get3A_551 = tpu.vector_load %arg5[%get3A_549, %get3A_550] {strides = array<i32>} : memref<528x128xf32, #tpu.memory_space<vmem>>, vector<16xf32>,
          %get3A_552 = arith.index_cast %min3A_533 : i32 to index
          %get3A_553 = arith.constant 96 : index
          %get3A_554 = tpu.vector_load %arg5[%get3A_552, %get3A_553] {strides = array<i32>} : memref<528x128xf32, #tpu.memory_space<vmem>>, vector<16xf32>,
          %get3A_555 = arith.index_cast %min3A_533 : i32 to index
          %get3A_556 = arith.constant 112 : index
          %get3A_557 = tpu.vector_load %arg5[%get3A_555, %get3A_556] {strides = array<i32>} : memref<528x128xf32, #tpu.memory_space<vmem>>, vector<16xf32>,
          %add3A_558 = arith.constant 2 : i32
          %add3A_559 = arith.addi %mul3A_252, %add3A_558 : i32
          %swap3A_560 = arith.index_cast %add3A_559 : i32 to index
          %swap3A_561 = arith.constant 0 : index
          %swap3A_562 = tpu.vector_load %arg6[%swap3A_560, %swap3A_561] {strides = array<i32>} : memref<256x128xf32, #tpu.memory_space<vmem>>, vector<16xf32>,
          tpu.vector_store %arg6[%swap3A_560, %swap3A_561], %get3A_536 {strides = array<i32>} : memref<256x128xf32, #tpu.memory_space<vmem>>, vector<16xf32>,
          %add3A_563 = arith.constant 2 : i32
          %add3A_564 = arith.addi %mul3A_252, %add3A_563 : i32
          %swap3A_565 = arith.index_cast %add3A_564 : i32 to index
          %swap3A_566 = arith.constant 16 : index
          %swap3A_567 = tpu.vector_load %arg6[%swap3A_565, %swap3A_566] {strides = array<i32>} : memref<256x128xf32, #tpu.memory_space<vmem>>, vector<16xf32>,
          tpu.vector_store %arg6[%swap3A_565, %swap3A_566], %get3A_539 {strides = array<i32>} : memref<256x128xf32, #tpu.memory_space<vmem>>, vector<16xf32>,
          %add3A_568 = arith.constant 2 : i32
          %add3A_569 = arith.addi %mul3A_252, %add3A_568 : i32
          %swap3A_570 = arith.index_cast %add3A_569 : i32 to index
          %swap3A_571 = arith.constant 32 : index
          %swap3A_572 = tpu.vector_load %arg6[%swap3A_570, %swap3A_571] {strides = array<i32>} : memref<256x128xf32, #tpu.memory_space<vmem>>, vector<16xf32>,
          tpu.vector_store %arg6[%swap3A_570, %swap3A_571], %get3A_542 {strides = array<i32>} : memref<256x128xf32, #tpu.memory_space<vmem>>, vector<16xf32>,
          %add3A_573 = arith.constant 2 : i32
          %add3A_574 = arith.addi %mul3A_252, %add3A_573 : i32
          %swap3A_575 = arith.index_cast %add3A_574 : i32 to index
          %swap3A_576 = arith.constant 48 : index
          %swap3A_577 = tpu.vector_load %arg6[%swap3A_575, %swap3A_576] {strides = array<i32>} : memref<256x128xf32, #tpu.memory_space<vmem>>, vector<16xf32>,
          tpu.vector_store %arg6[%swap3A_575, %swap3A_576], %get3A_545 {strides = array<i32>} : memref<256x128xf32, #tpu.memory_space<vmem>>, vector<16xf32>,
          %add3A_578 = arith.constant 2 : i32
          %add3A_579 = arith.addi %mul3A_252, %add3A_578 : i32
          %swap3A_580 = arith.index_cast %add3A_579 : i32 to index
          %swap3A_581 = arith.constant 64 : index
          %swap3A_582 = tpu.vector_load %arg6[%swap3A_580, %swap3A_581] {strides = array<i32>} : memref<256x128xf32, #tpu.memory_space<vmem>>, vector<16xf32>,
          tpu.vector_store %arg6[%swap3A_580, %swap3A_581], %get3A_548 {strides = array<i32>} : memref<256x128xf32, #tpu.memory_space<vmem>>, vector<16xf32>,
          %add3A_583 = arith.constant 2 : i32
          %add3A_584 = arith.addi %mul3A_252, %add3A_583 : i32
          %swap3A_585 = arith.index_cast %add3A_584 : i32 to index
          %swap3A_586 = arith.constant 80 : index
          %swap3A_587 = tpu.vector_load %arg6[%swap3A_585, %swap3A_586] {strides = array<i32>} : memref<256x128xf32, #tpu.memory_space<vmem>>, vector<16xf32>,
          tpu.vector_store %arg6[%swap3A_585, %swap3A_586], %get3A_551 {strides = array<i32>} : memref<256x128xf32, #tpu.memory_space<vmem>>, vector<16xf32>,
          %add3A_588 = arith.constant 2 : i32
          %add3A_589 = arith.addi %mul3A_252, %add3A_588 : i32
          %swap3A_590 = arith.index_cast %add3A_589 : i32 to index
          %swap3A_591 = arith.constant 96 : index
          %swap3A_592 = tpu.vector_load %arg6[%swap3A_590, %swap3A_591] {strides = array<i32>} : memref<256x128xf32, #tpu.memory_space<vmem>>, vector<16xf32>,
          tpu.vector_store %arg6[%swap3A_590, %swap3A_591], %get3A_554 {strides = array<i32>} : memref<256x128xf32, #tpu.memory_space<vmem>>, vector<16xf32>,
          %add3A_593 = arith.constant 2 : i32
          %add3A_594 = arith.addi %mul3A_252, %add3A_593 : i32
          %swap3A_595 = arith.index_cast %add3A_594 : i32 to index
          %swap3A_596 = arith.constant 112 : index
          %swap3A_597 = tpu.vector_load %arg6[%swap3A_595, %swap3A_596] {strides = array<i32>} : memref<256x128xf32, #tpu.memory_space<vmem>>, vector<16xf32>,
          tpu.vector_store %arg6[%swap3A_595, %swap3A_596], %get3A_557 {strides = array<i32>} : memref<256x128xf32, #tpu.memory_space<vmem>>, vector<16xf32>,
          %get3A_598 = arith.constant 3 : index
          %get3A_599 = tpu.vector_load %arg8[%get3A_598] {strides = array<i32>} : memref<32xi32, #tpu.memory_space<vmem>>, vector<16xi32>,
          %slice3A_600 = vector.extract_strided_slice %get3A_599 {offsets = [0], sizes = [1], strides = [1]} : vector<16xi32> to vector<1xi32>
          %squeeze3A_601 = vector.extract %slice3A_600[0] : i32 from vector<1xi32>
          %max3A_602 = arith.constant 0 : i32
          %max3A_603 = arith.maxsi %squeeze3A_601, %max3A_602 : i32
          %min3A_604 = arith.constant 527 : i32
          %min3A_605 = arith.minsi %max3A_603, %min3A_604 : i32
          %get3A_606 = arith.index_cast %min3A_605 : i32 to index
          %get3A_607 = arith.constant 0 : index
          %get3A_608 = tpu.vector_load %arg5[%get3A_606, %get3A_607] {strides = array<i32>} : memref<528x128xf32, #tpu.memory_space<vmem>>, vector<16xf32>,
          %get3A_609 = arith.index_cast %min3A_605 : i32 to index
          %get3A_610 = arith.constant 16 : index
          %get3A_611 = tpu.vector_load %arg5[%get3A_609, %get3A_610] {strides = array<i32>} : memref<528x128xf32, #tpu.memory_space<vmem>>, vector<16xf32>,
          %get3A_612 = arith.index_cast %min3A_605 : i32 to index
          %get3A_613 = arith.constant 32 : index
          %get3A_614 = tpu.vector_load %arg5[%get3A_612, %get3A_613] {strides = array<i32>} : memref<528x128xf32, #tpu.memory_space<vmem>>, vector<16xf32>,
          %get3A_615 = arith.index_cast %min3A_605 : i32 to index
          %get3A_616 = arith.constant 48 : index
          %get3A_617 = tpu.vector_load %arg5[%get3A_615, %get3A_616] {strides = array<i32>} : memref<528x128xf32, #tpu.memory_space<vmem>>, vector<16xf32>,
          %get3A_618 = arith.index_cast %min3A_605 : i32 to index
          %get3A_619 = arith.constant 64 : index
          %get3A_620 = tpu.vector_load %arg5[%get3A_618, %get3A_619] {strides = array<i32>} : memref<528x128xf32, #tpu.memory_space<vmem>>, vector<16xf32>,
          %get3A_621 = arith.index_cast %min3A_605 : i32 to index
          %get3A_622 = arith.constant 80 : index
          %get3A_623 = tpu.vector_load %arg5[%get3A_621, %get3A_622] {strides = array<i32>} : memref<528x128xf32, #tpu.memory_space<vmem>>, vector<16xf32>,
          %get3A_624 = arith.index_cast %min3A_605 : i32 to index
          %get3A_625 = arith.constant 96 : index
          %get3A_626 = tpu.vector_load %arg5[%get3A_624, %get3A_625] {strides = array<i32>} : memref<528x128xf32, #tpu.memory_space<vmem>>, vector<16xf32>,
          %get3A_627 = arith.index_cast %min3A_605 : i32 to index
          %get3A_628 = arith.constant 112 : index
          %get3A_629 = tpu.vector_load %arg5[%get3A_627, %get3A_628] {strides = array<i32>} : memref<528x128xf32, #tpu.memory_space<vmem>>, vector<16xf32>,
          %add3A_630 = arith.constant 3 : i32
          %add3A_631 = arith.addi %mul3A_252, %add3A_630 : i32
          %swap3A_632 = arith.index_cast %add3A_631 : i32 to index
          %swap3A_633 = arith.constant 0 : index
          %swap3A_634 = tpu.vector_load %arg6[%swap3A_632, %swap3A_633] {strides = array<i32>} : memref<256x128xf32, #tpu.memory_space<vmem>>, vector<16xf32>,
          tpu.vector_store %arg6[%swap3A_632, %swap3A_633], %get3A_608 {strides = array<i32>} : memref<256x128xf32, #tpu.memory_space<vmem>>, vector<16xf32>,
          %add3A_635 = arith.constant 3 : i32
          %add3A_636 = arith.addi %mul3A_252, %add3A_635 : i32
          %swap3A_637 = arith.index_cast %add3A_636 : i32 to index
          %swap3A_638 = arith.constant 16 : index
          %swap3A_639 = tpu.vector_load %arg6[%swap3A_637, %swap3A_638] {strides = array<i32>} : memref<256x128xf32, #tpu.memory_space<vmem>>, vector<16xf32>,
          tpu.vector_store %arg6[%swap3A_637, %swap3A_638], %get3A_611 {strides = array<i32>} : memref<256x128xf32, #tpu.memory_space<vmem>>, vector<16xf32>,
          %add3A_640 = arith.constant 3 : i32
          %add3A_641 = arith.addi %mul3A_252, %add3A_640 : i32
          %swap3A_642 = arith.index_cast %add3A_641 : i32 to index
          %swap3A_643 = arith.constant 32 : index
          %swap3A_644 = tpu.vector_load %arg6[%swap3A_642, %swap3A_643] {strides = array<i32>} : memref<256x128xf32, #tpu.memory_space<vmem>>, vector<16xf32>,
          tpu.vector_store %arg6[%swap3A_642, %swap3A_643], %get3A_614 {strides = array<i32>} : memref<256x128xf32, #tpu.memory_space<vmem>>, vector<16xf32>,
          %add3A_645 = arith.constant 3 : i32
          %add3A_646 = arith.addi %mul3A_252, %add3A_645 : i32
          %swap3A_647 = arith.index_cast %add3A_646 : i32 to index
          %swap3A_648 = arith.constant 48 : index
          %swap3A_649 = tpu.vector_load %arg6[%swap3A_647, %swap3A_648] {strides = array<i32>} : memref<256x128xf32, #tpu.memory_space<vmem>>, vector<16xf32>,
          tpu.vector_store %arg6[%swap3A_647, %swap3A_648], %get3A_617 {strides = array<i32>} : memref<256x128xf32, #tpu.memory_space<vmem>>, vector<16xf32>,
          %add3A_650 = arith.constant 3 : i32
          %add3A_651 = arith.addi %mul3A_252, %add3A_650 : i32
          %swap3A_652 = arith.index_cast %add3A_651 : i32 to index
          %swap3A_653 = arith.constant 64 : index
          %swap3A_654 = tpu.vector_load %arg6[%swap3A_652, %swap3A_653] {strides = array<i32>} : memref<256x128xf32, #tpu.memory_space<vmem>>, vector<16xf32>,
          tpu.vector_store %arg6[%swap3A_652, %swap3A_653], %get3A_620 {strides = array<i32>} : memref<256x128xf32, #tpu.memory_space<vmem>>, vector<16xf32>,
          %add3A_655 = arith.constant 3 : i32
          %add3A_656 = arith.addi %mul3A_252, %add3A_655 : i32
          %swap3A_657 = arith.index_cast %add3A_656 : i32 to index
          %swap3A_658 = arith.constant 80 : index
          %swap3A_659 = tpu.vector_load %arg6[%swap3A_657, %swap3A_658] {strides = array<i32>} : memref<256x128xf32, #tpu.memory_space<vmem>>, vector<16xf32>,
          tpu.vector_store %arg6[%swap3A_657, %swap3A_658], %get3A_623 {strides = array<i32>} : memref<256x128xf32, #tpu.memory_space<vmem>>, vector<16xf32>,
          %add3A_660 = arith.constant 3 : i32
          %add3A_661 = arith.addi %mul3A_252, %add3A_660 : i32
          %swap3A_662 = arith.index_cast %add3A_661 : i32 to index
          %swap3A_663 = arith.constant 96 : index
          %swap3A_664 = tpu.vector_load %arg6[%swap3A_662, %swap3A_663] {strides = array<i32>} : memref<256x128xf32, #tpu.memory_space<vmem>>, vector<16xf32>,
          tpu.vector_store %arg6[%swap3A_662, %swap3A_663], %get3A_626 {strides = array<i32>} : memref<256x128xf32, #tpu.memory_space<vmem>>, vector<16xf32>,
          %add3A_665 = arith.constant 3 : i32
          %add3A_666 = arith.addi %mul3A_252, %add3A_665 : i32
          %swap3A_667 = arith.index_cast %add3A_666 : i32 to index
          %swap3A_668 = arith.constant 112 : index
          %swap3A_669 = tpu.vector_load %arg6[%swap3A_667, %swap3A_668] {strides = array<i32>} : memref<256x128xf32, #tpu.memory_space<vmem>>, vector<16xf32>,
          tpu.vector_store %arg6[%swap3A_667, %swap3A_668], %get3A_629 {strides = array<i32>} : memref<256x128xf32, #tpu.memory_space<vmem>>, vector<16xf32>,
          %get3A_670 = arith.constant 4 : index
          %get3A_671 = tpu.vector_load %arg8[%get3A_670] {strides = array<i32>} : memref<32xi32, #tpu.memory_space<vmem>>, vector<16xi32>,
          %slice3A_672 = vector.extract_strided_slice %get3A_671 {offsets = [0], sizes = [1], strides = [1]} : vector<16xi32> to vector<1xi32>
          %squeeze3A_673 = vector.extract %slice3A_672[0] : i32 from vector<1xi32>
          %max3A_674 = arith.constant 0 : i32
          %max3A_675 = arith.maxsi %squeeze3A_673, %max3A_674 : i32
          %min3A_676 = arith.constant 527 : i32
          %min3A_677 = arith.minsi %max3A_675, %min3A_676 : i32
          %get3A_678 = arith.index_cast %min3A_677 : i32 to index
          %get3A_679 = arith.constant 0 : index
          %get3A_680 = tpu.vector_load %arg5[%get3A_678, %get3A_679] {strides = array<i32>} : memref<528x128xf32, #tpu.memory_space<vmem>>, vector<16xf32>,
          %get3A_681 = arith.index_cast %min3A_677 : i32 to index
          %get3A_682 = arith.constant 16 : index
          %get3A_683 = tpu.vector_load %arg5[%get3A_681, %get3A_682] {strides = array<i32>} : memref<528x128xf32, #tpu.memory_space<vmem>>, vector<16xf32>,
          %get3A_684 = arith.index_cast %min3A_677 : i32 to index
          %get3A_685 = arith.constant 32 : index
          %get3A_686 = tpu.vector_load %arg5[%get3A_684, %get3A_685] {strides = array<i32>} : memref<528x128xf32, #tpu.memory_space<vmem>>, vector<16xf32>,
          %get3A_687 = arith.index_cast %min3A_677 : i32 to index
          %get3A_688 = arith.constant 48 : index
          %get3A_689 = tpu.vector_load %arg5[%get3A_687, %get3A_688] {strides = array<i32>} : memref<528x128xf32, #tpu.memory_space<vmem>>, vector<16xf32>,
          %get3A_690 = arith.index_cast %min3A_677 : i32 to index
          %get3A_691 = arith.constant 64 : index
          %get3A_692 = tpu.vector_load %arg5[%get3A_690, %get3A_691] {strides = array<i32>} : memref<528x128xf32, #tpu.memory_space<vmem>>, vector<16xf32>,
          %get3A_693 = arith.index_cast %min3A_677 : i32 to index
          %get3A_694 = arith.constant 80 : index
          %get3A_695 = tpu.vector_load %arg5[%get3A_693, %get3A_694] {strides = array<i32>} : memref<528x128xf32, #tpu.memory_space<vmem>>, vector<16xf32>,
          %get3A_696 = arith.index_cast %min3A_677 : i32 to index
          %get3A_697 = arith.constant 96 : index
          %get3A_698 = tpu.vector_load %arg5[%get3A_696, %get3A_697] {strides = array<i32>} : memref<528x128xf32, #tpu.memory_space<vmem>>, vector<16xf32>,
          %get3A_699 = arith.index_cast %min3A_677 : i32 to index
          %get3A_700 = arith.constant 112 : index
          %get3A_701 = tpu.vector_load %arg5[%get3A_699, %get3A_700] {strides = array<i32>} : memref<528x128xf32, #tpu.memory_space<vmem>>, vector<16xf32>,
          %add3A_702 = arith.constant 4 : i32
          %add3A_703 = arith.addi %mul3A_252, %add3A_702 : i32
          %swap3A_704 = arith.index_cast %add3A_703 : i32 to index
          %swap3A_705 = arith.constant 0 : index
          %swap3A_706 = tpu.vector_load %arg6[%swap3A_704, %swap3A_705] {strides = array<i32>} : memref<256x128xf32, #tpu.memory_space<vmem>>, vector<16xf32>,
          tpu.vector_store %arg6[%swap3A_704, %swap3A_705], %get3A_680 {strides = array<i32>} : memref<256x128xf32, #tpu.memory_space<vmem>>, vector<16xf32>,
          %add3A_707 = arith.constant 4 : i32
          %add3A_708 = arith.addi %mul3A_252, %add3A_707 : i32
          %swap3A_709 = arith.index_cast %add3A_708 : i32 to index
          %swap3A_710 = arith.constant 16 : index
          %swap3A_711 = tpu.vector_load %arg6[%swap3A_709, %swap3A_710] {strides = array<i32>} : memref<256x128xf32, #tpu.memory_space<vmem>>, vector<16xf32>,
          tpu.vector_store %arg6[%swap3A_709, %swap3A_710], %get3A_683 {strides = array<i32>} : memref<256x128xf32, #tpu.memory_space<vmem>>, vector<16xf32>,
          %add3A_712 = arith.constant 4 : i32
          %add3A_713 = arith.addi %mul3A_252, %add3A_712 : i32
          %swap3A_714 = arith.index_cast %add3A_713 : i32 to index
          %swap3A_715 = arith.constant 32 : index
          %swap3A_716 = tpu.vector_load %arg6[%swap3A_714, %swap3A_715] {strides = array<i32>} : memref<256x128xf32, #tpu.memory_space<vmem>>, vector<16xf32>,
          tpu.vector_store %arg6[%swap3A_714, %swap3A_715], %get3A_686 {strides = array<i32>} : memref<256x128xf32, #tpu.memory_space<vmem>>, vector<16xf32>,
          %add3A_717 = arith.constant 4 : i32
          %add3A_718 = arith.addi %mul3A_252, %add3A_717 : i32
          %swap3A_719 = arith.index_cast %add3A_718 : i32 to index
          %swap3A_720 = arith.constant 48 : index
          %swap3A_721 = tpu.vector_load %arg6[%swap3A_719, %swap3A_720] {strides = array<i32>} : memref<256x128xf32, #tpu.memory_space<vmem>>, vector<16xf32>,
          tpu.vector_store %arg6[%swap3A_719, %swap3A_720], %get3A_689 {strides = array<i32>} : memref<256x128xf32, #tpu.memory_space<vmem>>, vector<16xf32>,
          %add3A_722 = arith.constant 4 : i32
          %add3A_723 = arith.addi %mul3A_252, %add3A_722 : i32
          %swap3A_724 = arith.index_cast %add3A_723 : i32 to index
          %swap3A_725 = arith.constant 64 : index
          %swap3A_726 = tpu.vector_load %arg6[%swap3A_724, %swap3A_725] {strides = array<i32>} : memref<256x128xf32, #tpu.memory_space<vmem>>, vector<16xf32>,
          tpu.vector_store %arg6[%swap3A_724, %swap3A_725], %get3A_692 {strides = array<i32>} : memref<256x128xf32, #tpu.memory_space<vmem>>, vector<16xf32>,
          %add3A_727 = arith.constant 4 : i32
          %add3A_728 = arith.addi %mul3A_252, %add3A_727 : i32
          %swap3A_729 = arith.index_cast %add3A_728 : i32 to index
          %swap3A_730 = arith.constant 80 : index
          %swap3A_731 = tpu.vector_load %arg6[%swap3A_729, %swap3A_730] {strides = array<i32>} : memref<256x128xf32, #tpu.memory_space<vmem>>, vector<16xf32>,
          tpu.vector_store %arg6[%swap3A_729, %swap3A_730], %get3A_695 {strides = array<i32>} : memref<256x128xf32, #tpu.memory_space<vmem>>, vector<16xf32>,
          %add3A_732 = arith.constant 4 : i32
          %add3A_733 = arith.addi %mul3A_252, %add3A_732 : i32
          %swap3A_734 = arith.index_cast %add3A_733 : i32 to index
          %swap3A_735 = arith.constant 96 : index
          %swap3A_736 = tpu.vector_load %arg6[%swap3A_734, %swap3A_735] {strides = array<i32>} : memref<256x128xf32, #tpu.memory_space<vmem>>, vector<16xf32>,
          tpu.vector_store %arg6[%swap3A_734, %swap3A_735], %get3A_698 {strides = array<i32>} : memref<256x128xf32, #tpu.memory_space<vmem>>, vector<16xf32>,
          %add3A_737 = arith.constant 4 : i32
          %add3A_738 = arith.addi %mul3A_252, %add3A_737 : i32
          %swap3A_739 = arith.index_cast %add3A_738 : i32 to index
          %swap3A_740 = arith.constant 112 : index
          %swap3A_741 = tpu.vector_load %arg6[%swap3A_739, %swap3A_740] {strides = array<i32>} : memref<256x128xf32, #tpu.memory_space<vmem>>, vector<16xf32>,
          tpu.vector_store %arg6[%swap3A_739, %swap3A_740], %get3A_701 {strides = array<i32>} : memref<256x128xf32, #tpu.memory_space<vmem>>, vector<16xf32>,
          %get3A_742 = arith.constant 5 : index
          %get3A_743 = tpu.vector_load %arg8[%get3A_742] {strides = array<i32>} : memref<32xi32, #tpu.memory_space<vmem>>, vector<16xi32>,
          %slice3A_744 = vector.extract_strided_slice %get3A_743 {offsets = [0], sizes = [1], strides = [1]} : vector<16xi32> to vector<1xi32>
          %squeeze3A_745 = vector.extract %slice3A_744[0] : i32 from vector<1xi32>
          %max3A_746 = arith.constant 0 : i32
          %max3A_747 = arith.maxsi %squeeze3A_745, %max3A_746 : i32
          %min3A_748 = arith.constant 527 : i32
          %min3A_749 = arith.minsi %max3A_747, %min3A_748 : i32
          %get3A_750 = arith.index_cast %min3A_749 : i32 to index
          %get3A_751 = arith.constant 0 : index
          %get3A_752 = tpu.vector_load %arg5[%get3A_750, %get3A_751] {strides = array<i32>} : memref<528x128xf32, #tpu.memory_space<vmem>>, vector<16xf32>,
          %get3A_753 = arith.index_cast %min3A_749 : i32 to index
          %get3A_754 = arith.constant 16 : index
          %get3A_755 = tpu.vector_load %arg5[%get3A_753, %get3A_754] {strides = array<i32>} : memref<528x128xf32, #tpu.memory_space<vmem>>, vector<16xf32>,
          %get3A_756 = arith.index_cast %min3A_749 : i32 to index
          %get3A_757 = arith.constant 32 : index
          %get3A_758 = tpu.vector_load %arg5[%get3A_756, %get3A_757] {strides = array<i32>} : memref<528x128xf32, #tpu.memory_space<vmem>>, vector<16xf32>,
          %get3A_759 = arith.index_cast %min3A_749 : i32 to index
          %get3A_760 = arith.constant 48 : index
          %get3A_761 = tpu.vector_load %arg5[%get3A_759, %get3A_760] {strides = array<i32>} : memref<528x128xf32, #tpu.memory_space<vmem>>, vector<16xf32>,
          %get3A_762 = arith.index_cast %min3A_749 : i32 to index
          %get3A_763 = arith.constant 64 : index
          %get3A_764 = tpu.vector_load %arg5[%get3A_762, %get3A_763] {strides = array<i32>} : memref<528x128xf32, #tpu.memory_space<vmem>>, vector<16xf32>,
          %get3A_765 = arith.index_cast %min3A_749 : i32 to index
          %get3A_766 = arith.constant 80 : index
          %get3A_767 = tpu.vector_load %arg5[%get3A_765, %get3A_766] {strides = array<i32>} : memref<528x128xf32, #tpu.memory_space<vmem>>, vector<16xf32>,
          %get3A_768 = arith.index_cast %min3A_749 : i32 to index
          %get3A_769 = arith.constant 96 : index
          %get3A_770 = tpu.vector_load %arg5[%get3A_768, %get3A_769] {strides = array<i32>} : memref<528x128xf32, #tpu.memory_space<vmem>>, vector<16xf32>,
          %get3A_771 = arith.index_cast %min3A_749 : i32 to index
          %get3A_772 = arith.constant 112 : index
          %get3A_773 = tpu.vector_load %arg5[%get3A_771, %get3A_772] {strides = array<i32>} : memref<528x128xf32, #tpu.memory_space<vmem>>, vector<16xf32>,
          %add3A_774 = arith.constant 5 : i32
          %add3A_775 = arith.addi %mul3A_252, %add3A_774 : i32
          %swap3A_776 = arith.index_cast %add3A_775 : i32 to index
          %swap3A_777 = arith.constant 0 : index
          %swap3A_778 = tpu.vector_load %arg6[%swap3A_776, %swap3A_777] {strides = array<i32>} : memref<256x128xf32, #tpu.memory_space<vmem>>, vector<16xf32>,
          tpu.vector_store %arg6[%swap3A_776, %swap3A_777], %get3A_752 {strides = array<i32>} : memref<256x128xf32, #tpu.memory_space<vmem>>, vector<16xf32>,
          %add3A_779 = arith.constant 5 : i32
          %add3A_780 = arith.addi %mul3A_252, %add3A_779 : i32
          %swap3A_781 = arith.index_cast %add3A_780 : i32 to index
          %swap3A_782 = arith.constant 16 : index
          %swap3A_783 = tpu.vector_load %arg6[%swap3A_781, %swap3A_782] {strides = array<i32>} : memref<256x128xf32, #tpu.memory_space<vmem>>, vector<16xf32>,
          tpu.vector_store %arg6[%swap3A_781, %swap3A_782], %get3A_755 {strides = array<i32>} : memref<256x128xf32, #tpu.memory_space<vmem>>, vector<16xf32>,
          %add3A_784 = arith.constant 5 : i32
          %add3A_785 = arith.addi %mul3A_252, %add3A_784 : i32
          %swap3A_786 = arith.index_cast %add3A_785 : i32 to index
          %swap3A_787 = arith.constant 32 : index
          %swap3A_788 = tpu.vector_load %arg6[%swap3A_786, %swap3A_787] {strides = array<i32>} : memref<256x128xf32, #tpu.memory_space<vmem>>, vector<16xf32>,
          tpu.vector_store %arg6[%swap3A_786, %swap3A_787], %get3A_758 {strides = array<i32>} : memref<256x128xf32, #tpu.memory_space<vmem>>, vector<16xf32>,
          %add3A_789 = arith.constant 5 : i32
          %add3A_790 = arith.addi %mul3A_252, %add3A_789 : i32
          %swap3A_791 = arith.index_cast %add3A_790 : i32 to index
          %swap3A_792 = arith.constant 48 : index
          %swap3A_793 = tpu.vector_load %arg6[%swap3A_791, %swap3A_792] {strides = array<i32>} : memref<256x128xf32, #tpu.memory_space<vmem>>, vector<16xf32>,
          tpu.vector_store %arg6[%swap3A_791, %swap3A_792], %get3A_761 {strides = array<i32>} : memref<256x128xf32, #tpu.memory_space<vmem>>, vector<16xf32>,
          %add3A_794 = arith.constant 5 : i32
          %add3A_795 = arith.addi %mul3A_252, %add3A_794 : i32
          %swap3A_796 = arith.index_cast %add3A_795 : i32 to index
          %swap3A_797 = arith.constant 64 : index
          %swap3A_798 = tpu.vector_load %arg6[%swap3A_796, %swap3A_797] {strides = array<i32>} : memref<256x128xf32, #tpu.memory_space<vmem>>, vector<16xf32>,
          tpu.vector_store %arg6[%swap3A_796, %swap3A_797], %get3A_764 {strides = array<i32>} : memref<256x128xf32, #tpu.memory_space<vmem>>, vector<16xf32>,
          %add3A_799 = arith.constant 5 : i32
          %add3A_800 = arith.addi %mul3A_252, %add3A_799 : i32
          %swap3A_801 = arith.index_cast %add3A_800 : i32 to index
          %swap3A_802 = arith.constant 80 : index
          %swap3A_803 = tpu.vector_load %arg6[%swap3A_801, %swap3A_802] {strides = array<i32>} : memref<256x128xf32, #tpu.memory_space<vmem>>, vector<16xf32>,
          tpu.vector_store %arg6[%swap3A_801, %swap3A_802], %get3A_767 {strides = array<i32>} : memref<256x128xf32, #tpu.memory_space<vmem>>, vector<16xf32>,
          %add3A_804 = arith.constant 5 : i32
          %add3A_805 = arith.addi %mul3A_252, %add3A_804 : i32
          %swap3A_806 = arith.index_cast %add3A_805 : i32 to index
          %swap3A_807 = arith.constant 96 : index
          %swap3A_808 = tpu.vector_load %arg6[%swap3A_806, %swap3A_807] {strides = array<i32>} : memref<256x128xf32, #tpu.memory_space<vmem>>, vector<16xf32>,
          tpu.vector_store %arg6[%swap3A_806, %swap3A_807], %get3A_770 {strides = array<i32>} : memref<256x128xf32, #tpu.memory_space<vmem>>, vector<16xf32>,
          %add3A_809 = arith.constant 5 : i32
          %add3A_810 = arith.addi %mul3A_252, %add3A_809 : i32
          %swap3A_811 = arith.index_cast %add3A_810 : i32 to index
          %swap3A_812 = arith.constant 112 : index
          %swap3A_813 = tpu.vector_load %arg6[%swap3A_811, %swap3A_812] {strides = array<i32>} : memref<256x128xf32, #tpu.memory_space<vmem>>, vector<16xf32>,
          tpu.vector_store %arg6[%swap3A_811, %swap3A_812], %get3A_773 {strides = array<i32>} : memref<256x128xf32, #tpu.memory_space<vmem>>, vector<16xf32>,
          %get3A_814 = arith.constant 6 : index
          %get3A_815 = tpu.vector_load %arg8[%get3A_814] {strides = array<i32>} : memref<32xi32, #tpu.memory_space<vmem>>, vector<16xi32>,
          %slice3A_816 = vector.extract_strided_slice %get3A_815 {offsets = [0], sizes = [1], strides = [1]} : vector<16xi32> to vector<1xi32>
          %squeeze3A_817 = vector.extract %slice3A_816[0] : i32 from vector<1xi32>
          %max3A_818 = arith.constant 0 : i32
          %max3A_819 = arith.maxsi %squeeze3A_817, %max3A_818 : i32
          %min3A_820 = arith.constant 527 : i32
          %min3A_821 = arith.minsi %max3A_819, %min3A_820 : i32
          %get3A_822 = arith.index_cast %min3A_821 : i32 to index
          %get3A_823 = arith.constant 0 : index
          %get3A_824 = tpu.vector_load %arg5[%get3A_822, %get3A_823] {strides = array<i32>} : memref<528x128xf32, #tpu.memory_space<vmem>>, vector<16xf32>,
          %get3A_825 = arith.index_cast %min3A_821 : i32 to index
          %get3A_826 = arith.constant 16 : index
          %get3A_827 = tpu.vector_load %arg5[%get3A_825, %get3A_826] {strides = array<i32>} : memref<528x128xf32, #tpu.memory_space<vmem>>, vector<16xf32>,
          %get3A_828 = arith.index_cast %min3A_821 : i32 to index
          %get3A_829 = arith.constant 32 : index
          %get3A_830 = tpu.vector_load %arg5[%get3A_828, %get3A_829] {strides = array<i32>} : memref<528x128xf32, #tpu.memory_space<vmem>>, vector<16xf32>,
          %get3A_831 = arith.index_cast %min3A_821 : i32 to index
          %get3A_832 = arith.constant 48 : index
          %get3A_833 = tpu.vector_load %arg5[%get3A_831, %get3A_832] {strides = array<i32>} : memref<528x128xf32, #tpu.memory_space<vmem>>, vector<16xf32>,
          %get3A_834 = arith.index_cast %min3A_821 : i32 to index
          %get3A_835 = arith.constant 64 : index
          %get3A_836 = tpu.vector_load %arg5[%get3A_834, %get3A_835] {strides = array<i32>} : memref<528x128xf32, #tpu.memory_space<vmem>>, vector<16xf32>,
          %get3A_837 = arith.index_cast %min3A_821 : i32 to index
          %get3A_838 = arith.constant 80 : index
          %get3A_839 = tpu.vector_load %arg5[%get3A_837, %get3A_838] {strides = array<i32>} : memref<528x128xf32, #tpu.memory_space<vmem>>, vector<16xf32>,
          %get3A_840 = arith.index_cast %min3A_821 : i32 to index
          %get3A_841 = arith.constant 96 : index
          %get3A_842 = tpu.vector_load %arg5[%get3A_840, %get3A_841] {strides = array<i32>} : memref<528x128xf32, #tpu.memory_space<vmem>>, vector<16xf32>,
          %get3A_843 = arith.index_cast %min3A_821 : i32 to index
          %get3A_844 = arith.constant 112 : index
          %get3A_845 = tpu.vector_load %arg5[%get3A_843, %get3A_844] {strides = array<i32>} : memref<528x128xf32, #tpu.memory_space<vmem>>, vector<16xf32>,
          %add3A_846 = arith.constant 6 : i32
          %add3A_847 = arith.addi %mul3A_252, %add3A_846 : i32
          %swap3A_848 = arith.index_cast %add3A_847 : i32 to index
          %swap3A_849 = arith.constant 0 : index
          %swap3A_850 = tpu.vector_load %arg6[%swap3A_848, %swap3A_849] {strides = array<i32>} : memref<256x128xf32, #tpu.memory_space<vmem>>, vector<16xf32>,
          tpu.vector_store %arg6[%swap3A_848, %swap3A_849], %get3A_824 {strides = array<i32>} : memref<256x128xf32, #tpu.memory_space<vmem>>, vector<16xf32>,
          %add3A_851 = arith.constant 6 : i32
          %add3A_852 = arith.addi %mul3A_252, %add3A_851 : i32
          %swap3A_853 = arith.index_cast %add3A_852 : i32 to index
          %swap3A_854 = arith.constant 16 : index
          %swap3A_855 = tpu.vector_load %arg6[%swap3A_853, %swap3A_854] {strides = array<i32>} : memref<256x128xf32, #tpu.memory_space<vmem>>, vector<16xf32>,
          tpu.vector_store %arg6[%swap3A_853, %swap3A_854], %get3A_827 {strides = array<i32>} : memref<256x128xf32, #tpu.memory_space<vmem>>, vector<16xf32>,
          %add3A_856 = arith.constant 6 : i32
          %add3A_857 = arith.addi %mul3A_252, %add3A_856 : i32
          %swap3A_858 = arith.index_cast %add3A_857 : i32 to index
          %swap3A_859 = arith.constant 32 : index
          %swap3A_860 = tpu.vector_load %arg6[%swap3A_858, %swap3A_859] {strides = array<i32>} : memref<256x128xf32, #tpu.memory_space<vmem>>, vector<16xf32>,
          tpu.vector_store %arg6[%swap3A_858, %swap3A_859], %get3A_830 {strides = array<i32>} : memref<256x128xf32, #tpu.memory_space<vmem>>, vector<16xf32>,
          %add3A_861 = arith.constant 6 : i32
          %add3A_862 = arith.addi %mul3A_252, %add3A_861 : i32
          %swap3A_863 = arith.index_cast %add3A_862 : i32 to index
          %swap3A_864 = arith.constant 48 : index
          %swap3A_865 = tpu.vector_load %arg6[%swap3A_863, %swap3A_864] {strides = array<i32>} : memref<256x128xf32, #tpu.memory_space<vmem>>, vector<16xf32>,
          tpu.vector_store %arg6[%swap3A_863, %swap3A_864], %get3A_833 {strides = array<i32>} : memref<256x128xf32, #tpu.memory_space<vmem>>, vector<16xf32>,
          %add3A_866 = arith.constant 6 : i32
          %add3A_867 = arith.addi %mul3A_252, %add3A_866 : i32
          %swap3A_868 = arith.index_cast %add3A_867 : i32 to index
          %swap3A_869 = arith.constant 64 : index
          %swap3A_870 = tpu.vector_load %arg6[%swap3A_868, %swap3A_869] {strides = array<i32>} : memref<256x128xf32, #tpu.memory_space<vmem>>, vector<16xf32>,
          tpu.vector_store %arg6[%swap3A_868, %swap3A_869], %get3A_836 {strides = array<i32>} : memref<256x128xf32, #tpu.memory_space<vmem>>, vector<16xf32>,
          %add3A_871 = arith.constant 6 : i32
          %add3A_872 = arith.addi %mul3A_252, %add3A_871 : i32
          %swap3A_873 = arith.index_cast %add3A_872 : i32 to index
          %swap3A_874 = arith.constant 80 : index
          %swap3A_875 = tpu.vector_load %arg6[%swap3A_873, %swap3A_874] {strides = array<i32>} : memref<256x128xf32, #tpu.memory_space<vmem>>, vector<16xf32>,
          tpu.vector_store %arg6[%swap3A_873, %swap3A_874], %get3A_839 {strides = array<i32>} : memref<256x128xf32, #tpu.memory_space<vmem>>, vector<16xf32>,
          %add3A_876 = arith.constant 6 : i32
          %add3A_877 = arith.addi %mul3A_252, %add3A_876 : i32
          %swap3A_878 = arith.index_cast %add3A_877 : i32 to index
          %swap3A_879 = arith.constant 96 : index
          %swap3A_880 = tpu.vector_load %arg6[%swap3A_878, %swap3A_879] {strides = array<i32>} : memref<256x128xf32, #tpu.memory_space<vmem>>, vector<16xf32>,
          tpu.vector_store %arg6[%swap3A_878, %swap3A_879], %get3A_842 {strides = array<i32>} : memref<256x128xf32, #tpu.memory_space<vmem>>, vector<16xf32>,
          %add3A_881 = arith.constant 6 : i32
          %add3A_882 = arith.addi %mul3A_252, %add3A_881 : i32
          %swap3A_883 = arith.index_cast %add3A_882 : i32 to index
          %swap3A_884 = arith.constant 112 : index
          %swap3A_885 = tpu.vector_load %arg6[%swap3A_883, %swap3A_884] {strides = array<i32>} : memref<256x128xf32, #tpu.memory_space<vmem>>, vector<16xf32>,
          tpu.vector_store %arg6[%swap3A_883, %swap3A_884], %get3A_845 {strides = array<i32>} : memref<256x128xf32, #tpu.memory_space<vmem>>, vector<16xf32>,
          %get3A_886 = arith.constant 7 : index
          %get3A_887 = tpu.vector_load %arg8[%get3A_886] {strides = array<i32>} : memref<32xi32, #tpu.memory_space<vmem>>, vector<16xi32>,
          %slice3A_888 = vector.extract_strided_slice %get3A_887 {offsets = [0], sizes = [1], strides = [1]} : vector<16xi32> to vector<1xi32>
          %squeeze3A_889 = vector.extract %slice3A_888[0] : i32 from vector<1xi32>
          %max3A_890 = arith.constant 0 : i32
          %max3A_891 = arith.maxsi %squeeze3A_889, %max3A_890 : i32
          %min3A_892 = arith.constant 527 : i32
          %min3A_893 = arith.minsi %max3A_891, %min3A_892 : i32
          %get3A_894 = arith.index_cast %min3A_893 : i32 to index
          %get3A_895 = arith.constant 0 : index
          %get3A_896 = tpu.vector_load %arg5[%get3A_894, %get3A_895] {strides = array<i32>} : memref<528x128xf32, #tpu.memory_space<vmem>>, vector<16xf32>,
          %get3A_897 = arith.index_cast %min3A_893 : i32 to index
          %get3A_898 = arith.constant 16 : index
          %get3A_899 = tpu.vector_load %arg5[%get3A_897, %get3A_898] {strides = array<i32>} : memref<528x128xf32, #tpu.memory_space<vmem>>, vector<16xf32>,
          %get3A_900 = arith.index_cast %min3A_893 : i32 to index
          %get3A_901 = arith.constant 32 : index
          %get3A_902 = tpu.vector_load %arg5[%get3A_900, %get3A_901] {strides = array<i32>} : memref<528x128xf32, #tpu.memory_space<vmem>>, vector<16xf32>,
          %get3A_903 = arith.index_cast %min3A_893 : i32 to index
          %get3A_904 = arith.constant 48 : index
          %get3A_905 = tpu.vector_load %arg5[%get3A_903, %get3A_904] {strides = array<i32>} : memref<528x128xf32, #tpu.memory_space<vmem>>, vector<16xf32>,
          %get3A_906 = arith.index_cast %min3A_893 : i32 to index
          %get3A_907 = arith.constant 64 : index
          %get3A_908 = tpu.vector_load %arg5[%get3A_906, %get3A_907] {strides = array<i32>} : memref<528x128xf32, #tpu.memory_space<vmem>>, vector<16xf32>,
          %get3A_909 = arith.index_cast %min3A_893 : i32 to index
          %get3A_910 = arith.constant 80 : index
          %get3A_911 = tpu.vector_load %arg5[%get3A_909, %get3A_910] {strides = array<i32>} : memref<528x128xf32, #tpu.memory_space<vmem>>, vector<16xf32>,
          %get3A_912 = arith.index_cast %min3A_893 : i32 to index
          %get3A_913 = arith.constant 96 : index
          %get3A_914 = tpu.vector_load %arg5[%get3A_912, %get3A_913] {strides = array<i32>} : memref<528x128xf32, #tpu.memory_space<vmem>>, vector<16xf32>,
          %get3A_915 = arith.index_cast %min3A_893 : i32 to index
          %get3A_916 = arith.constant 112 : index
          %get3A_917 = tpu.vector_load %arg5[%get3A_915, %get3A_916] {strides = array<i32>} : memref<528x128xf32, #tpu.memory_space<vmem>>, vector<16xf32>,
          %add3A_918 = arith.constant 7 : i32
          %add3A_919 = arith.addi %mul3A_252, %add3A_918 : i32
          %swap3A_920 = arith.index_cast %add3A_919 : i32 to index
          %swap3A_921 = arith.constant 0 : index
          %swap3A_922 = tpu.vector_load %arg6[%swap3A_920, %swap3A_921] {strides = array<i32>} : memref<256x128xf32, #tpu.memory_space<vmem>>, vector<16xf32>,
          tpu.vector_store %arg6[%swap3A_920, %swap3A_921], %get3A_896 {strides = array<i32>} : memref<256x128xf32, #tpu.memory_space<vmem>>, vector<16xf32>,
          %add3A_923 = arith.constant 7 : i32
          %add3A_924 = arith.addi %mul3A_252, %add3A_923 : i32
          %swap3A_925 = arith.index_cast %add3A_924 : i32 to index
          %swap3A_926 = arith.constant 16 : index
          %swap3A_927 = tpu.vector_load %arg6[%swap3A_925, %swap3A_926] {strides = array<i32>} : memref<256x128xf32, #tpu.memory_space<vmem>>, vector<16xf32>,
          tpu.vector_store %arg6[%swap3A_925, %swap3A_926], %get3A_899 {strides = array<i32>} : memref<256x128xf32, #tpu.memory_space<vmem>>, vector<16xf32>,
          %add3A_928 = arith.constant 7 : i32
          %add3A_929 = arith.addi %mul3A_252, %add3A_928 : i32
          %swap3A_930 = arith.index_cast %add3A_929 : i32 to index
          %swap3A_931 = arith.constant 32 : index
          %swap3A_932 = tpu.vector_load %arg6[%swap3A_930, %swap3A_931] {strides = array<i32>} : memref<256x128xf32, #tpu.memory_space<vmem>>, vector<16xf32>,
          tpu.vector_store %arg6[%swap3A_930, %swap3A_931], %get3A_902 {strides = array<i32>} : memref<256x128xf32, #tpu.memory_space<vmem>>, vector<16xf32>,
          %add3A_933 = arith.constant 7 : i32
          %add3A_934 = arith.addi %mul3A_252, %add3A_933 : i32
          %swap3A_935 = arith.index_cast %add3A_934 : i32 to index
          %swap3A_936 = arith.constant 48 : index
          %swap3A_937 = tpu.vector_load %arg6[%swap3A_935, %swap3A_936] {strides = array<i32>} : memref<256x128xf32, #tpu.memory_space<vmem>>, vector<16xf32>,
          tpu.vector_store %arg6[%swap3A_935, %swap3A_936], %get3A_905 {strides = array<i32>} : memref<256x128xf32, #tpu.memory_space<vmem>>, vector<16xf32>,
          %add3A_938 = arith.constant 7 : i32
          %add3A_939 = arith.addi %mul3A_252, %add3A_938 : i32
          %swap3A_940 = arith.index_cast %add3A_939 : i32 to index
          %swap3A_941 = arith.constant 64 : index
          %swap3A_942 = tpu.vector_load %arg6[%swap3A_940, %swap3A_941] {strides = array<i32>} : memref<256x128xf32, #tpu.memory_space<vmem>>, vector<16xf32>,
          tpu.vector_store %arg6[%swap3A_940, %swap3A_941], %get3A_908 {strides = array<i32>} : memref<256x128xf32, #tpu.memory_space<vmem>>, vector<16xf32>,
          %add3A_943 = arith.constant 7 : i32
          %add3A_944 = arith.addi %mul3A_252, %add3A_943 : i32
          %swap3A_945 = arith.index_cast %add3A_944 : i32 to index
          %swap3A_946 = arith.constant 80 : index
          %swap3A_947 = tpu.vector_load %arg6[%swap3A_945, %swap3A_946] {strides = array<i32>} : memref<256x128xf32, #tpu.memory_space<vmem>>, vector<16xf32>,
          tpu.vector_store %arg6[%swap3A_945, %swap3A_946], %get3A_911 {strides = array<i32>} : memref<256x128xf32, #tpu.memory_space<vmem>>, vector<16xf32>,
          %add3A_948 = arith.constant 7 : i32
          %add3A_949 = arith.addi %mul3A_252, %add3A_948 : i32
          %swap3A_950 = arith.index_cast %add3A_949 : i32 to index
          %swap3A_951 = arith.constant 96 : index
          %swap3A_952 = tpu.vector_load %arg6[%swap3A_950, %swap3A_951] {strides = array<i32>} : memref<256x128xf32, #tpu.memory_space<vmem>>, vector<16xf32>,
          tpu.vector_store %arg6[%swap3A_950, %swap3A_951], %get3A_914 {strides = array<i32>} : memref<256x128xf32, #tpu.memory_space<vmem>>, vector<16xf32>,
          %add3A_953 = arith.constant 7 : i32
          %add3A_954 = arith.addi %mul3A_252, %add3A_953 : i32
          %swap3A_955 = arith.index_cast %add3A_954 : i32 to index
          %swap3A_956 = arith.constant 112 : index
          %swap3A_957 = tpu.vector_load %arg6[%swap3A_955, %swap3A_956] {strides = array<i32>} : memref<256x128xf32, #tpu.memory_space<vmem>>, vector<16xf32>,
          tpu.vector_store %arg6[%swap3A_955, %swap3A_956], %get3A_917 {strides = array<i32>} : memref<256x128xf32, #tpu.memory_space<vmem>>, vector<16xf32>,
          %get3A_958 = arith.constant 8 : index
          %get3A_959 = tpu.vector_load %arg8[%get3A_958] {strides = array<i32>} : memref<32xi32, #tpu.memory_space<vmem>>, vector<16xi32>,
          %slice3A_960 = vector.extract_strided_slice %get3A_959 {offsets = [0], sizes = [1], strides = [1]} : vector<16xi32> to vector<1xi32>
          %squeeze3A_961 = vector.extract %slice3A_960[0] : i32 from vector<1xi32>
          %max3A_962 = arith.constant 0 : i32
          %max3A_963 = arith.maxsi %squeeze3A_961, %max3A_962 : i32
          %min3A_964 = arith.constant 527 : i32
          %min3A_965 = arith.minsi %max3A_963, %min3A_964 : i32
          %get3A_966 = arith.index_cast %min3A_965 : i32 to index
          %get3A_967 = arith.constant 0 : index
          %get3A_968 = tpu.vector_load %arg5[%get3A_966, %get3A_967] {strides = array<i32>} : memref<528x128xf32, #tpu.memory_space<vmem>>, vector<16xf32>,
          %get3A_969 = arith.index_cast %min3A_965 : i32 to index
          %get3A_970 = arith.constant 16 : index
          %get3A_971 = tpu.vector_load %arg5[%get3A_969, %get3A_970] {strides = array<i32>} : memref<528x128xf32, #tpu.memory_space<vmem>>, vector<16xf32>,
          %get3A_972 = arith.index_cast %min3A_965 : i32 to index
          %get3A_973 = arith.constant 32 : index
          %get3A_974 = tpu.vector_load %arg5[%get3A_972, %get3A_973] {strides = array<i32>} : memref<528x128xf32, #tpu.memory_space<vmem>>, vector<16xf32>,
          %get3A_975 = arith.index_cast %min3A_965 : i32 to index
          %get3A_976 = arith.constant 48 : index
          %get3A_977 = tpu.vector_load %arg5[%get3A_975, %get3A_976] {strides = array<i32>} : memref<528x128xf32, #tpu.memory_space<vmem>>, vector<16xf32>,
          %get3A_978 = arith.index_cast %min3A_965 : i32 to index
          %get3A_979 = arith.constant 64 : index
          %get3A_980 = tpu.vector_load %arg5[%get3A_978, %get3A_979] {strides = array<i32>} : memref<528x128xf32, #tpu.memory_space<vmem>>, vector<16xf32>,
          %get3A_981 = arith.index_cast %min3A_965 : i32 to index
          %get3A_982 = arith.constant 80 : index
          %get3A_983 = tpu.vector_load %arg5[%get3A_981, %get3A_982] {strides = array<i32>} : memref<528x128xf32, #tpu.memory_space<vmem>>, vector<16xf32>,
          %get3A_984 = arith.index_cast %min3A_965 : i32 to index
          %get3A_985 = arith.constant 96 : index
          %get3A_986 = tpu.vector_load %arg5[%get3A_984, %get3A_985] {strides = array<i32>} : memref<528x128xf32, #tpu.memory_space<vmem>>, vector<16xf32>,
          %get3A_987 = arith.index_cast %min3A_965 : i32 to index
          %get3A_988 = arith.constant 112 : index
          %get3A_989 = tpu.vector_load %arg5[%get3A_987, %get3A_988] {strides = array<i32>} : memref<528x128xf32, #tpu.memory_space<vmem>>, vector<16xf32>,
          %add3A_990 = arith.constant 8 : i32
          %add3A_991 = arith.addi %mul3A_252, %add3A_990 : i32
          %swap3A_992 = arith.index_cast %add3A_991 : i32 to index
          %swap3A_993 = arith.constant 0 : index
          %swap3A_994 = tpu.vector_load %arg6[%swap3A_992, %swap3A_993] {strides = array<i32>} : memref<256x128xf32, #tpu.memory_space<vmem>>, vector<16xf32>,
          tpu.vector_store %arg6[%swap3A_992, %swap3A_993], %get3A_968 {strides = array<i32>} : memref<256x128xf32, #tpu.memory_space<vmem>>, vector<16xf32>,
          %add3A_995 = arith.constant 8 : i32
          %add3A_996 = arith.addi %mul3A_252, %add3A_995 : i32
          %swap3A_997 = arith.index_cast %add3A_996 : i32 to index
          %swap3A_998 = arith.constant 16 : index
          %swap3A_999 = tpu.vector_load %arg6[%swap3A_997, %swap3A_998] {strides = array<i32>} : memref<256x128xf32, #tpu.memory_space<vmem>>, vector<16xf32>,
          tpu.vector_store %arg6[%swap3A_997, %swap3A_998], %get3A_971 {strides = array<i32>} : memref<256x128xf32, #tpu.memory_space<vmem>>, vector<16xf32>,
          %add3A_1000 = arith.constant 8 : i32
          %add3A_1001 = arith.addi %mul3A_252, %add3A_1000 : i32
          %swap3A_1002 = arith.index_cast %add3A_1001 : i32 to index
          %swap3A_1003 = arith.constant 32 : index
          %swap3A_1004 = tpu.vector_load %arg6[%swap3A_1002, %swap3A_1003] {strides = array<i32>} : memref<256x128xf32, #tpu.memory_space<vmem>>, vector<16xf32>,
          tpu.vector_store %arg6[%swap3A_1002, %swap3A_1003], %get3A_974 {strides = array<i32>} : memref<256x128xf32, #tpu.memory_space<vmem>>, vector<16xf32>,
          %add3A_1005 = arith.constant 8 : i32
          %add3A_1006 = arith.addi %mul3A_252, %add3A_1005 : i32
          %swap3A_1007 = arith.index_cast %add3A_1006 : i32 to index
          %swap3A_1008 = arith.constant 48 : index
          %swap3A_1009 = tpu.vector_load %arg6[%swap3A_1007, %swap3A_1008] {strides = array<i32>} : memref<256x128xf32, #tpu.memory_space<vmem>>, vector<16xf32>,
          tpu.vector_store %arg6[%swap3A_1007, %swap3A_1008], %get3A_977 {strides = array<i32>} : memref<256x128xf32, #tpu.memory_space<vmem>>, vector<16xf32>,
          %add3A_1010 = arith.constant 8 : i32
          %add3A_1011 = arith.addi %mul3A_252, %add3A_1010 : i32
          %swap3A_1012 = arith.index_cast %add3A_1011 : i32 to index
          %swap3A_1013 = arith.constant 64 : index
          %swap3A_1014 = tpu.vector_load %arg6[%swap3A_1012, %swap3A_1013] {strides = array<i32>} : memref<256x128xf32, #tpu.memory_space<vmem>>, vector<16xf32>,
          tpu.vector_store %arg6[%swap3A_1012, %swap3A_1013], %get3A_980 {strides = array<i32>} : memref<256x128xf32, #tpu.memory_space<vmem>>, vector<16xf32>,
          %add3A_1015 = arith.constant 8 : i32
          %add3A_1016 = arith.addi %mul3A_252, %add3A_1015 : i32
          %swap3A_1017 = arith.index_cast %add3A_1016 : i32 to index
          %swap3A_1018 = arith.constant 80 : index
          %swap3A_1019 = tpu.vector_load %arg6[%swap3A_1017, %swap3A_1018] {strides = array<i32>} : memref<256x128xf32, #tpu.memory_space<vmem>>, vector<16xf32>,
          tpu.vector_store %arg6[%swap3A_1017, %swap3A_1018], %get3A_983 {strides = array<i32>} : memref<256x128xf32, #tpu.memory_space<vmem>>, vector<16xf32>,
          %add3A_1020 = arith.constant 8 : i32
          %add3A_1021 = arith.addi %mul3A_252, %add3A_1020 : i32
          %swap3A_1022 = arith.index_cast %add3A_1021 : i32 to index
          %swap3A_1023 = arith.constant 96 : index
          %swap3A_1024 = tpu.vector_load %arg6[%swap3A_1022, %swap3A_1023] {strides = array<i32>} : memref<256x128xf32, #tpu.memory_space<vmem>>, vector<16xf32>,
          tpu.vector_store %arg6[%swap3A_1022, %swap3A_1023], %get3A_986 {strides = array<i32>} : memref<256x128xf32, #tpu.memory_space<vmem>>, vector<16xf32>,
          %add3A_1025 = arith.constant 8 : i32
          %add3A_1026 = arith.addi %mul3A_252, %add3A_1025 : i32
          %swap3A_1027 = arith.index_cast %add3A_1026 : i32 to index
          %swap3A_1028 = arith.constant 112 : index
          %swap3A_1029 = tpu.vector_load %arg6[%swap3A_1027, %swap3A_1028] {strides = array<i32>} : memref<256x128xf32, #tpu.memory_space<vmem>>, vector<16xf32>,
          tpu.vector_store %arg6[%swap3A_1027, %swap3A_1028], %get3A_989 {strides = array<i32>} : memref<256x128xf32, #tpu.memory_space<vmem>>, vector<16xf32>,
          %get3A_1030 = arith.constant 9 : index
          %get3A_1031 = tpu.vector_load %arg8[%get3A_1030] {strides = array<i32>} : memref<32xi32, #tpu.memory_space<vmem>>, vector<16xi32>,
          %slice3A_1032 = vector.extract_strided_slice %get3A_1031 {offsets = [0], sizes = [1], strides = [1]} : vector<16xi32> to vector<1xi32>
          %squeeze3A_1033 = vector.extract %slice3A_1032[0] : i32 from vector<1xi32>
          %max3A_1034 = arith.constant 0 : i32
          %max3A_1035 = arith.maxsi %squeeze3A_1033, %max3A_1034 : i32
          %min3A_1036 = arith.constant 527 : i32
          %min3A_1037 = arith.minsi %max3A_1035, %min3A_1036 : i32
          %get3A_1038 = arith.index_cast %min3A_1037 : i32 to index
          %get3A_1039 = arith.constant 0 : index
          %get3A_1040 = tpu.vector_load %arg5[%get3A_1038, %get3A_1039] {strides = array<i32>} : memref<528x128xf32, #tpu.memory_space<vmem>>, vector<16xf32>,
          %get3A_1041 = arith.index_cast %min3A_1037 : i32 to index
          %get3A_1042 = arith.constant 16 : index
          %get3A_1043 = tpu.vector_load %arg5[%get3A_1041, %get3A_1042] {strides = array<i32>} : memref<528x128xf32, #tpu.memory_space<vmem>>, vector<16xf32>,
          %get3A_1044 = arith.index_cast %min3A_1037 : i32 to index
          %get3A_1045 = arith.constant 32 : index
          %get3A_1046 = tpu.vector_load %arg5[%get3A_1044, %get3A_1045] {strides = array<i32>} : memref<528x128xf32, #tpu.memory_space<vmem>>, vector<16xf32>,
          %get3A_1047 = arith.index_cast %min3A_1037 : i32 to index
          %get3A_1048 = arith.constant 48 : index
          %get3A_1049 = tpu.vector_load %arg5[%get3A_1047, %get3A_1048] {strides = array<i32>} : memref<528x128xf32, #tpu.memory_space<vmem>>, vector<16xf32>,
          %get3A_1050 = arith.index_cast %min3A_1037 : i32 to index
          %get3A_1051 = arith.constant 64 : index
          %get3A_1052 = tpu.vector_load %arg5[%get3A_1050, %get3A_1051] {strides = array<i32>} : memref<528x128xf32, #tpu.memory_space<vmem>>, vector<16xf32>,
          %get3A_1053 = arith.index_cast %min3A_1037 : i32 to index
          %get3A_1054 = arith.constant 80 : index
          %get3A_1055 = tpu.vector_load %arg5[%get3A_1053, %get3A_1054] {strides = array<i32>} : memref<528x128xf32, #tpu.memory_space<vmem>>, vector<16xf32>,
          %get3A_1056 = arith.index_cast %min3A_1037 : i32 to index
          %get3A_1057 = arith.constant 96 : index
          %get3A_1058 = tpu.vector_load %arg5[%get3A_1056, %get3A_1057] {strides = array<i32>} : memref<528x128xf32, #tpu.memory_space<vmem>>, vector<16xf32>,
          %get3A_1059 = arith.index_cast %min3A_1037 : i32 to index
          %get3A_1060 = arith.constant 112 : index
          %get3A_1061 = tpu.vector_load %arg5[%get3A_1059, %get3A_1060] {strides = array<i32>} : memref<528x128xf32, #tpu.memory_space<vmem>>, vector<16xf32>,
          %add3A_1062 = arith.constant 9 : i32
          %add3A_1063 = arith.addi %mul3A_252, %add3A_1062 : i32
          %swap3A_1064 = arith.index_cast %add3A_1063 : i32 to index
          %swap3A_1065 = arith.constant 0 : index
          %swap3A_1066 = tpu.vector_load %arg6[%swap3A_1064, %swap3A_1065] {strides = array<i32>} : memref<256x128xf32, #tpu.memory_space<vmem>>, vector<16xf32>,
          tpu.vector_store %arg6[%swap3A_1064, %swap3A_1065], %get3A_1040 {strides = array<i32>} : memref<256x128xf32, #tpu.memory_space<vmem>>, vector<16xf32>,
          %add3A_1067 = arith.constant 9 : i32
          %add3A_1068 = arith.addi %mul3A_252, %add3A_1067 : i32
          %swap3A_1069 = arith.index_cast %add3A_1068 : i32 to index
          %swap3A_1070 = arith.constant 16 : index
          %swap3A_1071 = tpu.vector_load %arg6[%swap3A_1069, %swap3A_1070] {strides = array<i32>} : memref<256x128xf32, #tpu.memory_space<vmem>>, vector<16xf32>,
          tpu.vector_store %arg6[%swap3A_1069, %swap3A_1070], %get3A_1043 {strides = array<i32>} : memref<256x128xf32, #tpu.memory_space<vmem>>, vector<16xf32>,
          %add3A_1072 = arith.constant 9 : i32
          %add3A_1073 = arith.addi %mul3A_252, %add3A_1072 : i32
          %swap3A_1074 = arith.index_cast %add3A_1073 : i32 to index
          %swap3A_1075 = arith.constant 32 : index
          %swap3A_1076 = tpu.vector_load %arg6[%swap3A_1074, %swap3A_1075] {strides = array<i32>} : memref<256x128xf32, #tpu.memory_space<vmem>>, vector<16xf32>,
          tpu.vector_store %arg6[%swap3A_1074, %swap3A_1075], %get3A_1046 {strides = array<i32>} : memref<256x128xf32, #tpu.memory_space<vmem>>, vector<16xf32>,
          %add3A_1077 = arith.constant 9 : i32
          %add3A_1078 = arith.addi %mul3A_252, %add3A_1077 : i32
          %swap3A_1079 = arith.index_cast %add3A_1078 : i32 to index
          %swap3A_1080 = arith.constant 48 : index
          %swap3A_1081 = tpu.vector_load %arg6[%swap3A_1079, %swap3A_1080] {strides = array<i32>} : memref<256x128xf32, #tpu.memory_space<vmem>>, vector<16xf32>,
          tpu.vector_store %arg6[%swap3A_1079, %swap3A_1080], %get3A_1049 {strides = array<i32>} : memref<256x128xf32, #tpu.memory_space<vmem>>, vector<16xf32>,
          %add3A_1082 = arith.constant 9 : i32
          %add3A_1083 = arith.addi %mul3A_252, %add3A_1082 : i32
          %swap3A_1084 = arith.index_cast %add3A_1083 : i32 to index
          %swap3A_1085 = arith.constant 64 : index
          %swap3A_1086 = tpu.vector_load %arg6[%swap3A_1084, %swap3A_1085] {strides = array<i32>} : memref<256x128xf32, #tpu.memory_space<vmem>>, vector<16xf32>,
          tpu.vector_store %arg6[%swap3A_1084, %swap3A_1085], %get3A_1052 {strides = array<i32>} : memref<256x128xf32, #tpu.memory_space<vmem>>, vector<16xf32>,
          %add3A_1087 = arith.constant 9 : i32
          %add3A_1088 = arith.addi %mul3A_252, %add3A_1087 : i32
          %swap3A_1089 = arith.index_cast %add3A_1088 : i32 to index
          %swap3A_1090 = arith.constant 80 : index
          %swap3A_1091 = tpu.vector_load %arg6[%swap3A_1089, %swap3A_1090] {strides = array<i32>} : memref<256x128xf32, #tpu.memory_space<vmem>>, vector<16xf32>,
          tpu.vector_store %arg6[%swap3A_1089, %swap3A_1090], %get3A_1055 {strides = array<i32>} : memref<256x128xf32, #tpu.memory_space<vmem>>, vector<16xf32>,
          %add3A_1092 = arith.constant 9 : i32
          %add3A_1093 = arith.addi %mul3A_252, %add3A_1092 : i32
          %swap3A_1094 = arith.index_cast %add3A_1093 : i32 to index
          %swap3A_1095 = arith.constant 96 : index
          %swap3A_1096 = tpu.vector_load %arg6[%swap3A_1094, %swap3A_1095] {strides = array<i32>} : memref<256x128xf32, #tpu.memory_space<vmem>>, vector<16xf32>,
          tpu.vector_store %arg6[%swap3A_1094, %swap3A_1095], %get3A_1058 {strides = array<i32>} : memref<256x128xf32, #tpu.memory_space<vmem>>, vector<16xf32>,
          %add3A_1097 = arith.constant 9 : i32
          %add3A_1098 = arith.addi %mul3A_252, %add3A_1097 : i32
          %swap3A_1099 = arith.index_cast %add3A_1098 : i32 to index
          %swap3A_1100 = arith.constant 112 : index
          %swap3A_1101 = tpu.vector_load %arg6[%swap3A_1099, %swap3A_1100] {strides = array<i32>} : memref<256x128xf32, #tpu.memory_space<vmem>>, vector<16xf32>,
          tpu.vector_store %arg6[%swap3A_1099, %swap3A_1100], %get3A_1061 {strides = array<i32>} : memref<256x128xf32, #tpu.memory_space<vmem>>, vector<16xf32>,
          %get3A_1102 = arith.constant 10 : index
          %get3A_1103 = tpu.vector_load %arg8[%get3A_1102] {strides = array<i32>} : memref<32xi32, #tpu.memory_space<vmem>>, vector<16xi32>,
          %slice3A_1104 = vector.extract_strided_slice %get3A_1103 {offsets = [0], sizes = [1], strides = [1]} : vector<16xi32> to vector<1xi32>
          %squeeze3A_1105 = vector.extract %slice3A_1104[0] : i32 from vector<1xi32>
          %max3A_1106 = arith.constant 0 : i32
          %max3A_1107 = arith.maxsi %squeeze3A_1105, %max3A_1106 : i32
          %min3A_1108 = arith.constant 527 : i32
          %min3A_1109 = arith.minsi %max3A_1107, %min3A_1108 : i32
          %get3A_1110 = arith.index_cast %min3A_1109 : i32 to index
          %get3A_1111 = arith.constant 0 : index
          %get3A_1112 = tpu.vector_load %arg5[%get3A_1110, %get3A_1111] {strides = array<i32>} : memref<528x128xf32, #tpu.memory_space<vmem>>, vector<16xf32>,
          %get3A_1113 = arith.index_cast %min3A_1109 : i32 to index
          %get3A_1114 = arith.constant 16 : index
          %get3A_1115 = tpu.vector_load %arg5[%get3A_1113, %get3A_1114] {strides = array<i32>} : memref<528x128xf32, #tpu.memory_space<vmem>>, vector<16xf32>,
          %get3A_1116 = arith.index_cast %min3A_1109 : i32 to index
          %get3A_1117 = arith.constant 32 : index
          %get3A_1118 = tpu.vector_load %arg5[%get3A_1116, %get3A_1117] {strides = array<i32>} : memref<528x128xf32, #tpu.memory_space<vmem>>, vector<16xf32>,
          %get3A_1119 = arith.index_cast %min3A_1109 : i32 to index
          %get3A_1120 = arith.constant 48 : index
          %get3A_1121 = tpu.vector_load %arg5[%get3A_1119, %get3A_1120] {strides = array<i32>} : memref<528x128xf32, #tpu.memory_space<vmem>>, vector<16xf32>,
          %get3A_1122 = arith.index_cast %min3A_1109 : i32 to index
          %get3A_1123 = arith.constant 64 : index
          %get3A_1124 = tpu.vector_load %arg5[%get3A_1122, %get3A_1123] {strides = array<i32>} : memref<528x128xf32, #tpu.memory_space<vmem>>, vector<16xf32>,
          %get3A_1125 = arith.index_cast %min3A_1109 : i32 to index
          %get3A_1126 = arith.constant 80 : index
          %get3A_1127 = tpu.vector_load %arg5[%get3A_1125, %get3A_1126] {strides = array<i32>} : memref<528x128xf32, #tpu.memory_space<vmem>>, vector<16xf32>,
          %get3A_1128 = arith.index_cast %min3A_1109 : i32 to index
          %get3A_1129 = arith.constant 96 : index
          %get3A_1130 = tpu.vector_load %arg5[%get3A_1128, %get3A_1129] {strides = array<i32>} : memref<528x128xf32, #tpu.memory_space<vmem>>, vector<16xf32>,
          %get3A_1131 = arith.index_cast %min3A_1109 : i32 to index
          %get3A_1132 = arith.constant 112 : index
          %get3A_1133 = tpu.vector_load %arg5[%get3A_1131, %get3A_1132] {strides = array<i32>} : memref<528x128xf32, #tpu.memory_space<vmem>>, vector<16xf32>,
          %add3A_1134 = arith.constant 10 : i32
          %add3A_1135 = arith.addi %mul3A_252, %add3A_1134 : i32
          %swap3A_1136 = arith.index_cast %add3A_1135 : i32 to index
          %swap3A_1137 = arith.constant 0 : index
          %swap3A_1138 = tpu.vector_load %arg6[%swap3A_1136, %swap3A_1137] {strides = array<i32>} : memref<256x128xf32, #tpu.memory_space<vmem>>, vector<16xf32>,
          tpu.vector_store %arg6[%swap3A_1136, %swap3A_1137], %get3A_1112 {strides = array<i32>} : memref<256x128xf32, #tpu.memory_space<vmem>>, vector<16xf32>,
          %add3A_1139 = arith.constant 10 : i32
          %add3A_1140 = arith.addi %mul3A_252, %add3A_1139 : i32
          %swap3A_1141 = arith.index_cast %add3A_1140 : i32 to index
          %swap3A_1142 = arith.constant 16 : index
          %swap3A_1143 = tpu.vector_load %arg6[%swap3A_1141, %swap3A_1142] {strides = array<i32>} : memref<256x128xf32, #tpu.memory_space<vmem>>, vector<16xf32>,
          tpu.vector_store %arg6[%swap3A_1141, %swap3A_1142], %get3A_1115 {strides = array<i32>} : memref<256x128xf32, #tpu.memory_space<vmem>>, vector<16xf32>,
          %add3A_1144 = arith.constant 10 : i32
          %add3A_1145 = arith.addi %mul3A_252, %add3A_1144 : i32
          %swap3A_1146 = arith.index_cast %add3A_1145 : i32 to index
          %swap3A_1147 = arith.constant 32 : index
          %swap3A_1148 = tpu.vector_load %arg6[%swap3A_1146, %swap3A_1147] {strides = array<i32>} : memref<256x128xf32, #tpu.memory_space<vmem>>, vector<16xf32>,
          tpu.vector_store %arg6[%swap3A_1146, %swap3A_1147], %get3A_1118 {strides = array<i32>} : memref<256x128xf32, #tpu.memory_space<vmem>>, vector<16xf32>,
          %add3A_1149 = arith.constant 10 : i32
          %add3A_1150 = arith.addi %mul3A_252, %add3A_1149 : i32
          %swap3A_1151 = arith.index_cast %add3A_1150 : i32 to index
          %swap3A_1152 = arith.constant 48 : index
          %swap3A_1153 = tpu.vector_load %arg6[%swap3A_1151, %swap3A_1152] {strides = array<i32>} : memref<256x128xf32, #tpu.memory_space<vmem>>, vector<16xf32>,
          tpu.vector_store %arg6[%swap3A_1151, %swap3A_1152], %get3A_1121 {strides = array<i32>} : memref<256x128xf32, #tpu.memory_space<vmem>>, vector<16xf32>,
          %add3A_1154 = arith.constant 10 : i32
          %add3A_1155 = arith.addi %mul3A_252, %add3A_1154 : i32
          %swap3A_1156 = arith.index_cast %add3A_1155 : i32 to index
          %swap3A_1157 = arith.constant 64 : index
          %swap3A_1158 = tpu.vector_load %arg6[%swap3A_1156, %swap3A_1157] {strides = array<i32>} : memref<256x128xf32, #tpu.memory_space<vmem>>, vector<16xf32>,
          tpu.vector_store %arg6[%swap3A_1156, %swap3A_1157], %get3A_1124 {strides = array<i32>} : memref<256x128xf32, #tpu.memory_space<vmem>>, vector<16xf32>,
          %add3A_1159 = arith.constant 10 : i32
          %add3A_1160 = arith.addi %mul3A_252, %add3A_1159 : i32
          %swap3A_1161 = arith.index_cast %add3A_1160 : i32 to index
          %swap3A_1162 = arith.constant 80 : index
          %swap3A_1163 = tpu.vector_load %arg6[%swap3A_1161, %swap3A_1162] {strides = array<i32>} : memref<256x128xf32, #tpu.memory_space<vmem>>, vector<16xf32>,
          tpu.vector_store %arg6[%swap3A_1161, %swap3A_1162], %get3A_1127 {strides = array<i32>} : memref<256x128xf32, #tpu.memory_space<vmem>>, vector<16xf32>,
          %add3A_1164 = arith.constant 10 : i32
          %add3A_1165 = arith.addi %mul3A_252, %add3A_1164 : i32
          %swap3A_1166 = arith.index_cast %add3A_1165 : i32 to index
          %swap3A_1167 = arith.constant 96 : index
          %swap3A_1168 = tpu.vector_load %arg6[%swap3A_1166, %swap3A_1167] {strides = array<i32>} : memref<256x128xf32, #tpu.memory_space<vmem>>, vector<16xf32>,
          tpu.vector_store %arg6[%swap3A_1166, %swap3A_1167], %get3A_1130 {strides = array<i32>} : memref<256x128xf32, #tpu.memory_space<vmem>>, vector<16xf32>,
          %add3A_1169 = arith.constant 10 : i32
          %add3A_1170 = arith.addi %mul3A_252, %add3A_1169 : i32
          %swap3A_1171 = arith.index_cast %add3A_1170 : i32 to index
          %swap3A_1172 = arith.constant 112 : index
          %swap3A_1173 = tpu.vector_load %arg6[%swap3A_1171, %swap3A_1172] {strides = array<i32>} : memref<256x128xf32, #tpu.memory_space<vmem>>, vector<16xf32>,
          tpu.vector_store %arg6[%swap3A_1171, %swap3A_1172], %get3A_1133 {strides = array<i32>} : memref<256x128xf32, #tpu.memory_space<vmem>>, vector<16xf32>,
          %get3A_1174 = arith.constant 11 : index
          %get3A_1175 = tpu.vector_load %arg8[%get3A_1174] {strides = array<i32>} : memref<32xi32, #tpu.memory_space<vmem>>, vector<16xi32>,
          %slice3A_1176 = vector.extract_strided_slice %get3A_1175 {offsets = [0], sizes = [1], strides = [1]} : vector<16xi32> to vector<1xi32>
          %squeeze3A_1177 = vector.extract %slice3A_1176[0] : i32 from vector<1xi32>
          %max3A_1178 = arith.constant 0 : i32
          %max3A_1179 = arith.maxsi %squeeze3A_1177, %max3A_1178 : i32
          %min3A_1180 = arith.constant 527 : i32
          %min3A_1181 = arith.minsi %max3A_1179, %min3A_1180 : i32
          %get3A_1182 = arith.index_cast %min3A_1181 : i32 to index
          %get3A_1183 = arith.constant 0 : index
          %get3A_1184 = tpu.vector_load %arg5[%get3A_1182, %get3A_1183] {strides = array<i32>} : memref<528x128xf32, #tpu.memory_space<vmem>>, vector<16xf32>,
          %get3A_1185 = arith.index_cast %min3A_1181 : i32 to index
          %get3A_1186 = arith.constant 16 : index
          %get3A_1187 = tpu.vector_load %arg5[%get3A_1185, %get3A_1186] {strides = array<i32>} : memref<528x128xf32, #tpu.memory_space<vmem>>, vector<16xf32>,
          %get3A_1188 = arith.index_cast %min3A_1181 : i32 to index
          %get3A_1189 = arith.constant 32 : index
          %get3A_1190 = tpu.vector_load %arg5[%get3A_1188, %get3A_1189] {strides = array<i32>} : memref<528x128xf32, #tpu.memory_space<vmem>>, vector<16xf32>,
          %get3A_1191 = arith.index_cast %min3A_1181 : i32 to index
          %get3A_1192 = arith.constant 48 : index
          %get3A_1193 = tpu.vector_load %arg5[%get3A_1191, %get3A_1192] {strides = array<i32>} : memref<528x128xf32, #tpu.memory_space<vmem>>, vector<16xf32>,
          %get3A_1194 = arith.index_cast %min3A_1181 : i32 to index
          %get3A_1195 = arith.constant 64 : index
          %get3A_1196 = tpu.vector_load %arg5[%get3A_1194, %get3A_1195] {strides = array<i32>} : memref<528x128xf32, #tpu.memory_space<vmem>>, vector<16xf32>,
          %get3A_1197 = arith.index_cast %min3A_1181 : i32 to index
          %get3A_1198 = arith.constant 80 : index
          %get3A_1199 = tpu.vector_load %arg5[%get3A_1197, %get3A_1198] {strides = array<i32>} : memref<528x128xf32, #tpu.memory_space<vmem>>, vector<16xf32>,
          %get3A_1200 = arith.index_cast %min3A_1181 : i32 to index
          %get3A_1201 = arith.constant 96 : index
          %get3A_1202 = tpu.vector_load %arg5[%get3A_1200, %get3A_1201] {strides = array<i32>} : memref<528x128xf32, #tpu.memory_space<vmem>>, vector<16xf32>,
          %get3A_1203 = arith.index_cast %min3A_1181 : i32 to index
          %get3A_1204 = arith.constant 112 : index
          %get3A_1205 = tpu.vector_load %arg5[%get3A_1203, %get3A_1204] {strides = array<i32>} : memref<528x128xf32, #tpu.memory_space<vmem>>, vector<16xf32>,
          %add3A_1206 = arith.constant 11 : i32
          %add3A_1207 = arith.addi %mul3A_252, %add3A_1206 : i32
          %swap3A_1208 = arith.index_cast %add3A_1207 : i32 to index
          %swap3A_1209 = arith.constant 0 : index
          %swap3A_1210 = tpu.vector_load %arg6[%swap3A_1208, %swap3A_1209] {strides = array<i32>} : memref<256x128xf32, #tpu.memory_space<vmem>>, vector<16xf32>,
          tpu.vector_store %arg6[%swap3A_1208, %swap3A_1209], %get3A_1184 {strides = array<i32>} : memref<256x128xf32, #tpu.memory_space<vmem>>, vector<16xf32>,
          %add3A_1211 = arith.constant 11 : i32
          %add3A_1212 = arith.addi %mul3A_252, %add3A_1211 : i32
          %swap3A_1213 = arith.index_cast %add3A_1212 : i32 to index
          %swap3A_1214 = arith.constant 16 : index
          %swap3A_1215 = tpu.vector_load %arg6[%swap3A_1213, %swap3A_1214] {strides = array<i32>} : memref<256x128xf32, #tpu.memory_space<vmem>>, vector<16xf32>,
          tpu.vector_store %arg6[%swap3A_1213, %swap3A_1214], %get3A_1187 {strides = array<i32>} : memref<256x128xf32, #tpu.memory_space<vmem>>, vector<16xf32>,
          %add3A_1216 = arith.constant 11 : i32
          %add3A_1217 = arith.addi %mul3A_252, %add3A_1216 : i32
          %swap3A_1218 = arith.index_cast %add3A_1217 : i32 to index
          %swap3A_1219 = arith.constant 32 : index
          %swap3A_1220 = tpu.vector_load %arg6[%swap3A_1218, %swap3A_1219] {strides = array<i32>} : memref<256x128xf32, #tpu.memory_space<vmem>>, vector<16xf32>,
          tpu.vector_store %arg6[%swap3A_1218, %swap3A_1219], %get3A_1190 {strides = array<i32>} : memref<256x128xf32, #tpu.memory_space<vmem>>, vector<16xf32>,
          %add3A_1221 = arith.constant 11 : i32
          %add3A_1222 = arith.addi %mul3A_252, %add3A_1221 : i32
          %swap3A_1223 = arith.index_cast %add3A_1222 : i32 to index
          %swap3A_1224 = arith.constant 48 : index
          %swap3A_1225 = tpu.vector_load %arg6[%swap3A_1223, %swap3A_1224] {strides = array<i32>} : memref<256x128xf32, #tpu.memory_space<vmem>>, vector<16xf32>,
          tpu.vector_store %arg6[%swap3A_1223, %swap3A_1224], %get3A_1193 {strides = array<i32>} : memref<256x128xf32, #tpu.memory_space<vmem>>, vector<16xf32>,
          %add3A_1226 = arith.constant 11 : i32
          %add3A_1227 = arith.addi %mul3A_252, %add3A_1226 : i32
          %swap3A_1228 = arith.index_cast %add3A_1227 : i32 to index
          %swap3A_1229 = arith.constant 64 : index
          %swap3A_1230 = tpu.vector_load %arg6[%swap3A_1228, %swap3A_1229] {strides = array<i32>} : memref<256x128xf32, #tpu.memory_space<vmem>>, vector<16xf32>,
          tpu.vector_store %arg6[%swap3A_1228, %swap3A_1229], %get3A_1196 {strides = array<i32>} : memref<256x128xf32, #tpu.memory_space<vmem>>, vector<16xf32>,
          %add3A_1231 = arith.constant 11 : i32
          %add3A_1232 = arith.addi %mul3A_252, %add3A_1231 : i32
          %swap3A_1233 = arith.index_cast %add3A_1232 : i32 to index
          %swap3A_1234 = arith.constant 80 : index
          %swap3A_1235 = tpu.vector_load %arg6[%swap3A_1233, %swap3A_1234] {strides = array<i32>} : memref<256x128xf32, #tpu.memory_space<vmem>>, vector<16xf32>,
          tpu.vector_store %arg6[%swap3A_1233, %swap3A_1234], %get3A_1199 {strides = array<i32>} : memref<256x128xf32, #tpu.memory_space<vmem>>, vector<16xf32>,
          %add3A_1236 = arith.constant 11 : i32
          %add3A_1237 = arith.addi %mul3A_252, %add3A_1236 : i32
          %swap3A_1238 = arith.index_cast %add3A_1237 : i32 to index
          %swap3A_1239 = arith.constant 96 : index
          %swap3A_1240 = tpu.vector_load %arg6[%swap3A_1238, %swap3A_1239] {strides = array<i32>} : memref<256x128xf32, #tpu.memory_space<vmem>>, vector<16xf32>,
          tpu.vector_store %arg6[%swap3A_1238, %swap3A_1239], %get3A_1202 {strides = array<i32>} : memref<256x128xf32, #tpu.memory_space<vmem>>, vector<16xf32>,
          %add3A_1241 = arith.constant 11 : i32
          %add3A_1242 = arith.addi %mul3A_252, %add3A_1241 : i32
          %swap3A_1243 = arith.index_cast %add3A_1242 : i32 to index
          %swap3A_1244 = arith.constant 112 : index
          %swap3A_1245 = tpu.vector_load %arg6[%swap3A_1243, %swap3A_1244] {strides = array<i32>} : memref<256x128xf32, #tpu.memory_space<vmem>>, vector<16xf32>,
          tpu.vector_store %arg6[%swap3A_1243, %swap3A_1244], %get3A_1205 {strides = array<i32>} : memref<256x128xf32, #tpu.memory_space<vmem>>, vector<16xf32>,
          %get3A_1246 = arith.constant 12 : index
          %get3A_1247 = tpu.vector_load %arg8[%get3A_1246] {strides = array<i32>} : memref<32xi32, #tpu.memory_space<vmem>>, vector<16xi32>,
          %slice3A_1248 = vector.extract_strided_slice %get3A_1247 {offsets = [0], sizes = [1], strides = [1]} : vector<16xi32> to vector<1xi32>
          %squeeze3A_1249 = vector.extract %slice3A_1248[0] : i32 from vector<1xi32>
          %max3A_1250 = arith.constant 0 : i32
          %max3A_1251 = arith.maxsi %squeeze3A_1249, %max3A_1250 : i32
          %min3A_1252 = arith.constant 527 : i32
          %min3A_1253 = arith.minsi %max3A_1251, %min3A_1252 : i32
          %get3A_1254 = arith.index_cast %min3A_1253 : i32 to index
          %get3A_1255 = arith.constant 0 : index
          %get3A_1256 = tpu.vector_load %arg5[%get3A_1254, %get3A_1255] {strides = array<i32>} : memref<528x128xf32, #tpu.memory_space<vmem>>, vector<16xf32>,
          %get3A_1257 = arith.index_cast %min3A_1253 : i32 to index
          %get3A_1258 = arith.constant 16 : index
          %get3A_1259 = tpu.vector_load %arg5[%get3A_1257, %get3A_1258] {strides = array<i32>} : memref<528x128xf32, #tpu.memory_space<vmem>>, vector<16xf32>,
          %get3A_1260 = arith.index_cast %min3A_1253 : i32 to index
          %get3A_1261 = arith.constant 32 : index
          %get3A_1262 = tpu.vector_load %arg5[%get3A_1260, %get3A_1261] {strides = array<i32>} : memref<528x128xf32, #tpu.memory_space<vmem>>, vector<16xf32>,
          %get3A_1263 = arith.index_cast %min3A_1253 : i32 to index
          %get3A_1264 = arith.constant 48 : index
          %get3A_1265 = tpu.vector_load %arg5[%get3A_1263, %get3A_1264] {strides = array<i32>} : memref<528x128xf32, #tpu.memory_space<vmem>>, vector<16xf32>,
          %get3A_1266 = arith.index_cast %min3A_1253 : i32 to index
          %get3A_1267 = arith.constant 64 : index
          %get3A_1268 = tpu.vector_load %arg5[%get3A_1266, %get3A_1267] {strides = array<i32>} : memref<528x128xf32, #tpu.memory_space<vmem>>, vector<16xf32>,
          %get3A_1269 = arith.index_cast %min3A_1253 : i32 to index
          %get3A_1270 = arith.constant 80 : index
          %get3A_1271 = tpu.vector_load %arg5[%get3A_1269, %get3A_1270] {strides = array<i32>} : memref<528x128xf32, #tpu.memory_space<vmem>>, vector<16xf32>,
          %get3A_1272 = arith.index_cast %min3A_1253 : i32 to index
          %get3A_1273 = arith.constant 96 : index
          %get3A_1274 = tpu.vector_load %arg5[%get3A_1272, %get3A_1273] {strides = array<i32>} : memref<528x128xf32, #tpu.memory_space<vmem>>, vector<16xf32>,
          %get3A_1275 = arith.index_cast %min3A_1253 : i32 to index
          %get3A_1276 = arith.constant 112 : index
          %get3A_1277 = tpu.vector_load %arg5[%get3A_1275, %get3A_1276] {strides = array<i32>} : memref<528x128xf32, #tpu.memory_space<vmem>>, vector<16xf32>,
          %add3A_1278 = arith.constant 12 : i32
          %add3A_1279 = arith.addi %mul3A_252, %add3A_1278 : i32
          %swap3A_1280 = arith.index_cast %add3A_1279 : i32 to index
          %swap3A_1281 = arith.constant 0 : index
          %swap3A_1282 = tpu.vector_load %arg6[%swap3A_1280, %swap3A_1281] {strides = array<i32>} : memref<256x128xf32, #tpu.memory_space<vmem>>, vector<16xf32>,
          tpu.vector_store %arg6[%swap3A_1280, %swap3A_1281], %get3A_1256 {strides = array<i32>} : memref<256x128xf32, #tpu.memory_space<vmem>>, vector<16xf32>,
          %add3A_1283 = arith.constant 12 : i32
          %add3A_1284 = arith.addi %mul3A_252, %add3A_1283 : i32
          %swap3A_1285 = arith.index_cast %add3A_1284 : i32 to index
          %swap3A_1286 = arith.constant 16 : index
          %swap3A_1287 = tpu.vector_load %arg6[%swap3A_1285, %swap3A_1286] {strides = array<i32>} : memref<256x128xf32, #tpu.memory_space<vmem>>, vector<16xf32>,
          tpu.vector_store %arg6[%swap3A_1285, %swap3A_1286], %get3A_1259 {strides = array<i32>} : memref<256x128xf32, #tpu.memory_space<vmem>>, vector<16xf32>,
          %add3A_1288 = arith.constant 12 : i32
          %add3A_1289 = arith.addi %mul3A_252, %add3A_1288 : i32
          %swap3A_1290 = arith.index_cast %add3A_1289 : i32 to index
          %swap3A_1291 = arith.constant 32 : index
          %swap3A_1292 = tpu.vector_load %arg6[%swap3A_1290, %swap3A_1291] {strides = array<i32>} : memref<256x128xf32, #tpu.memory_space<vmem>>, vector<16xf32>,
          tpu.vector_store %arg6[%swap3A_1290, %swap3A_1291], %get3A_1262 {strides = array<i32>} : memref<256x128xf32, #tpu.memory_space<vmem>>, vector<16xf32>,
          %add3A_1293 = arith.constant 12 : i32
          %add3A_1294 = arith.addi %mul3A_252, %add3A_1293 : i32
          %swap3A_1295 = arith.index_cast %add3A_1294 : i32 to index
          %swap3A_1296 = arith.constant 48 : index
          %swap3A_1297 = tpu.vector_load %arg6[%swap3A_1295, %swap3A_1296] {strides = array<i32>} : memref<256x128xf32, #tpu.memory_space<vmem>>, vector<16xf32>,
          tpu.vector_store %arg6[%swap3A_1295, %swap3A_1296], %get3A_1265 {strides = array<i32>} : memref<256x128xf32, #tpu.memory_space<vmem>>, vector<16xf32>,
          %add3A_1298 = arith.constant 12 : i32
          %add3A_1299 = arith.addi %mul3A_252, %add3A_1298 : i32
          %swap3A_1300 = arith.index_cast %add3A_1299 : i32 to index
          %swap3A_1301 = arith.constant 64 : index
          %swap3A_1302 = tpu.vector_load %arg6[%swap3A_1300, %swap3A_1301] {strides = array<i32>} : memref<256x128xf32, #tpu.memory_space<vmem>>, vector<16xf32>,
          tpu.vector_store %arg6[%swap3A_1300, %swap3A_1301], %get3A_1268 {strides = array<i32>} : memref<256x128xf32, #tpu.memory_space<vmem>>, vector<16xf32>,
          %add3A_1303 = arith.constant 12 : i32
          %add3A_1304 = arith.addi %mul3A_252, %add3A_1303 : i32
          %swap3A_1305 = arith.index_cast %add3A_1304 : i32 to index
          %swap3A_1306 = arith.constant 80 : index
          %swap3A_1307 = tpu.vector_load %arg6[%swap3A_1305, %swap3A_1306] {strides = array<i32>} : memref<256x128xf32, #tpu.memory_space<vmem>>, vector<16xf32>,
          tpu.vector_store %arg6[%swap3A_1305, %swap3A_1306], %get3A_1271 {strides = array<i32>} : memref<256x128xf32, #tpu.memory_space<vmem>>, vector<16xf32>,
          %add3A_1308 = arith.constant 12 : i32
          %add3A_1309 = arith.addi %mul3A_252, %add3A_1308 : i32
          %swap3A_1310 = arith.index_cast %add3A_1309 : i32 to index
          %swap3A_1311 = arith.constant 96 : index
          %swap3A_1312 = tpu.vector_load %arg6[%swap3A_1310, %swap3A_1311] {strides = array<i32>} : memref<256x128xf32, #tpu.memory_space<vmem>>, vector<16xf32>,
          tpu.vector_store %arg6[%swap3A_1310, %swap3A_1311], %get3A_1274 {strides = array<i32>} : memref<256x128xf32, #tpu.memory_space<vmem>>, vector<16xf32>,
          %add3A_1313 = arith.constant 12 : i32
          %add3A_1314 = arith.addi %mul3A_252, %add3A_1313 : i32
          %swap3A_1315 = arith.index_cast %add3A_1314 : i32 to index
          %swap3A_1316 = arith.constant 112 : index
          %swap3A_1317 = tpu.vector_load %arg6[%swap3A_1315, %swap3A_1316] {strides = array<i32>} : memref<256x128xf32, #tpu.memory_space<vmem>>, vector<16xf32>,
          tpu.vector_store %arg6[%swap3A_1315, %swap3A_1316], %get3A_1277 {strides = array<i32>} : memref<256x128xf32, #tpu.memory_space<vmem>>, vector<16xf32>,
          %get3A_1318 = arith.constant 13 : index
          %get3A_1319 = tpu.vector_load %arg8[%get3A_1318] {strides = array<i32>} : memref<32xi32, #tpu.memory_space<vmem>>, vector<16xi32>,
          %slice3A_1320 = vector.extract_strided_slice %get3A_1319 {offsets = [0], sizes = [1], strides = [1]} : vector<16xi32> to vector<1xi32>
          %squeeze3A_1321 = vector.extract %slice3A_1320[0] : i32 from vector<1xi32>
          %max3A_1322 = arith.constant 0 : i32
          %max3A_1323 = arith.maxsi %squeeze3A_1321, %max3A_1322 : i32
          %min3A_1324 = arith.constant 527 : i32
          %min3A_1325 = arith.minsi %max3A_1323, %min3A_1324 : i32
          %get3A_1326 = arith.index_cast %min3A_1325 : i32 to index
          %get3A_1327 = arith.constant 0 : index
          %get3A_1328 = tpu.vector_load %arg5[%get3A_1326, %get3A_1327] {strides = array<i32>} : memref<528x128xf32, #tpu.memory_space<vmem>>, vector<16xf32>,
          %get3A_1329 = arith.index_cast %min3A_1325 : i32 to index
          %get3A_1330 = arith.constant 16 : index
          %get3A_1331 = tpu.vector_load %arg5[%get3A_1329, %get3A_1330] {strides = array<i32>} : memref<528x128xf32, #tpu.memory_space<vmem>>, vector<16xf32>,
          %get3A_1332 = arith.index_cast %min3A_1325 : i32 to index
          %get3A_1333 = arith.constant 32 : index
          %get3A_1334 = tpu.vector_load %arg5[%get3A_1332, %get3A_1333] {strides = array<i32>} : memref<528x128xf32, #tpu.memory_space<vmem>>, vector<16xf32>,
          %get3A_1335 = arith.index_cast %min3A_1325 : i32 to index
          %get3A_1336 = arith.constant 48 : index
          %get3A_1337 = tpu.vector_load %arg5[%get3A_1335, %get3A_1336] {strides = array<i32>} : memref<528x128xf32, #tpu.memory_space<vmem>>, vector<16xf32>,
          %get3A_1338 = arith.index_cast %min3A_1325 : i32 to index
          %get3A_1339 = arith.constant 64 : index
          %get3A_1340 = tpu.vector_load %arg5[%get3A_1338, %get3A_1339] {strides = array<i32>} : memref<528x128xf32, #tpu.memory_space<vmem>>, vector<16xf32>,
          %get3A_1341 = arith.index_cast %min3A_1325 : i32 to index
          %get3A_1342 = arith.constant 80 : index
          %get3A_1343 = tpu.vector_load %arg5[%get3A_1341, %get3A_1342] {strides = array<i32>} : memref<528x128xf32, #tpu.memory_space<vmem>>, vector<16xf32>,
          %get3A_1344 = arith.index_cast %min3A_1325 : i32 to index
          %get3A_1345 = arith.constant 96 : index
          %get3A_1346 = tpu.vector_load %arg5[%get3A_1344, %get3A_1345] {strides = array<i32>} : memref<528x128xf32, #tpu.memory_space<vmem>>, vector<16xf32>,
          %get3A_1347 = arith.index_cast %min3A_1325 : i32 to index
          %get3A_1348 = arith.constant 112 : index
          %get3A_1349 = tpu.vector_load %arg5[%get3A_1347, %get3A_1348] {strides = array<i32>} : memref<528x128xf32, #tpu.memory_space<vmem>>, vector<16xf32>,
          %add3A_1350 = arith.constant 13 : i32
          %add3A_1351 = arith.addi %mul3A_252, %add3A_1350 : i32
          %swap3A_1352 = arith.index_cast %add3A_1351 : i32 to index
          %swap3A_1353 = arith.constant 0 : index
          %swap3A_1354 = tpu.vector_load %arg6[%swap3A_1352, %swap3A_1353] {strides = array<i32>} : memref<256x128xf32, #tpu.memory_space<vmem>>, vector<16xf32>,
          tpu.vector_store %arg6[%swap3A_1352, %swap3A_1353], %get3A_1328 {strides = array<i32>} : memref<256x128xf32, #tpu.memory_space<vmem>>, vector<16xf32>,
          %add3A_1355 = arith.constant 13 : i32
          %add3A_1356 = arith.addi %mul3A_252, %add3A_1355 : i32
          %swap3A_1357 = arith.index_cast %add3A_1356 : i32 to index
          %swap3A_1358 = arith.constant 16 : index
          %swap3A_1359 = tpu.vector_load %arg6[%swap3A_1357, %swap3A_1358] {strides = array<i32>} : memref<256x128xf32, #tpu.memory_space<vmem>>, vector<16xf32>,
          tpu.vector_store %arg6[%swap3A_1357, %swap3A_1358], %get3A_1331 {strides = array<i32>} : memref<256x128xf32, #tpu.memory_space<vmem>>, vector<16xf32>,
          %add3A_1360 = arith.constant 13 : i32
          %add3A_1361 = arith.addi %mul3A_252, %add3A_1360 : i32
          %swap3A_1362 = arith.index_cast %add3A_1361 : i32 to index
          %swap3A_1363 = arith.constant 32 : index
          %swap3A_1364 = tpu.vector_load %arg6[%swap3A_1362, %swap3A_1363] {strides = array<i32>} : memref<256x128xf32, #tpu.memory_space<vmem>>, vector<16xf32>,
          tpu.vector_store %arg6[%swap3A_1362, %swap3A_1363], %get3A_1334 {strides = array<i32>} : memref<256x128xf32, #tpu.memory_space<vmem>>, vector<16xf32>,
          %add3A_1365 = arith.constant 13 : i32
          %add3A_1366 = arith.addi %mul3A_252, %add3A_1365 : i32
          %swap3A_1367 = arith.index_cast %add3A_1366 : i32 to index
          %swap3A_1368 = arith.constant 48 : index
          %swap3A_1369 = tpu.vector_load %arg6[%swap3A_1367, %swap3A_1368] {strides = array<i32>} : memref<256x128xf32, #tpu.memory_space<vmem>>, vector<16xf32>,
          tpu.vector_store %arg6[%swap3A_1367, %swap3A_1368], %get3A_1337 {strides = array<i32>} : memref<256x128xf32, #tpu.memory_space<vmem>>, vector<16xf32>,
          %add3A_1370 = arith.constant 13 : i32
          %add3A_1371 = arith.addi %mul3A_252, %add3A_1370 : i32
          %swap3A_1372 = arith.index_cast %add3A_1371 : i32 to index
          %swap3A_1373 = arith.constant 64 : index
          %swap3A_1374 = tpu.vector_load %arg6[%swap3A_1372, %swap3A_1373] {strides = array<i32>} : memref<256x128xf32, #tpu.memory_space<vmem>>, vector<16xf32>,
          tpu.vector_store %arg6[%swap3A_1372, %swap3A_1373], %get3A_1340 {strides = array<i32>} : memref<256x128xf32, #tpu.memory_space<vmem>>, vector<16xf32>,
          %add3A_1375 = arith.constant 13 : i32
          %add3A_1376 = arith.addi %mul3A_252, %add3A_1375 : i32
          %swap3A_1377 = arith.index_cast %add3A_1376 : i32 to index
          %swap3A_1378 = arith.constant 80 : index
          %swap3A_1379 = tpu.vector_load %arg6[%swap3A_1377, %swap3A_1378] {strides = array<i32>} : memref<256x128xf32, #tpu.memory_space<vmem>>, vector<16xf32>,
          tpu.vector_store %arg6[%swap3A_1377, %swap3A_1378], %get3A_1343 {strides = array<i32>} : memref<256x128xf32, #tpu.memory_space<vmem>>, vector<16xf32>,
          %add3A_1380 = arith.constant 13 : i32
          %add3A_1381 = arith.addi %mul3A_252, %add3A_1380 : i32
          %swap3A_1382 = arith.index_cast %add3A_1381 : i32 to index
          %swap3A_1383 = arith.constant 96 : index
          %swap3A_1384 = tpu.vector_load %arg6[%swap3A_1382, %swap3A_1383] {strides = array<i32>} : memref<256x128xf32, #tpu.memory_space<vmem>>, vector<16xf32>,
          tpu.vector_store %arg6[%swap3A_1382, %swap3A_1383], %get3A_1346 {strides = array<i32>} : memref<256x128xf32, #tpu.memory_space<vmem>>, vector<16xf32>,
          %add3A_1385 = arith.constant 13 : i32
          %add3A_1386 = arith.addi %mul3A_252, %add3A_1385 : i32
          %swap3A_1387 = arith.index_cast %add3A_1386 : i32 to index
          %swap3A_1388 = arith.constant 112 : index
          %swap3A_1389 = tpu.vector_load %arg6[%swap3A_1387, %swap3A_1388] {strides = array<i32>} : memref<256x128xf32, #tpu.memory_space<vmem>>, vector<16xf32>,
          tpu.vector_store %arg6[%swap3A_1387, %swap3A_1388], %get3A_1349 {strides = array<i32>} : memref<256x128xf32, #tpu.memory_space<vmem>>, vector<16xf32>,
          %get3A_1390 = arith.constant 14 : index
          %get3A_1391 = tpu.vector_load %arg8[%get3A_1390] {strides = array<i32>} : memref<32xi32, #tpu.memory_space<vmem>>, vector<16xi32>,
          %slice3A_1392 = vector.extract_strided_slice %get3A_1391 {offsets = [0], sizes = [1], strides = [1]} : vector<16xi32> to vector<1xi32>
          %squeeze3A_1393 = vector.extract %slice3A_1392[0] : i32 from vector<1xi32>
          %max3A_1394 = arith.constant 0 : i32
          %max3A_1395 = arith.maxsi %squeeze3A_1393, %max3A_1394 : i32
          %min3A_1396 = arith.constant 527 : i32
          %min3A_1397 = arith.minsi %max3A_1395, %min3A_1396 : i32
          %get3A_1398 = arith.index_cast %min3A_1397 : i32 to index
          %get3A_1399 = arith.constant 0 : index
          %get3A_1400 = tpu.vector_load %arg5[%get3A_1398, %get3A_1399] {strides = array<i32>} : memref<528x128xf32, #tpu.memory_space<vmem>>, vector<16xf32>,
          %get3A_1401 = arith.index_cast %min3A_1397 : i32 to index
          %get3A_1402 = arith.constant 16 : index
          %get3A_1403 = tpu.vector_load %arg5[%get3A_1401, %get3A_1402] {strides = array<i32>} : memref<528x128xf32, #tpu.memory_space<vmem>>, vector<16xf32>,
          %get3A_1404 = arith.index_cast %min3A_1397 : i32 to index
          %get3A_1405 = arith.constant 32 : index
          %get3A_1406 = tpu.vector_load %arg5[%get3A_1404, %get3A_1405] {strides = array<i32>} : memref<528x128xf32, #tpu.memory_space<vmem>>, vector<16xf32>,
          %get3A_1407 = arith.index_cast %min3A_1397 : i32 to index
          %get3A_1408 = arith.constant 48 : index
          %get3A_1409 = tpu.vector_load %arg5[%get3A_1407, %get3A_1408] {strides = array<i32>} : memref<528x128xf32, #tpu.memory_space<vmem>>, vector<16xf32>,
          %get3A_1410 = arith.index_cast %min3A_1397 : i32 to index
          %get3A_1411 = arith.constant 64 : index
          %get3A_1412 = tpu.vector_load %arg5[%get3A_1410, %get3A_1411] {strides = array<i32>} : memref<528x128xf32, #tpu.memory_space<vmem>>, vector<16xf32>,
          %get3A_1413 = arith.index_cast %min3A_1397 : i32 to index
          %get3A_1414 = arith.constant 80 : index
          %get3A_1415 = tpu.vector_load %arg5[%get3A_1413, %get3A_1414] {strides = array<i32>} : memref<528x128xf32, #tpu.memory_space<vmem>>, vector<16xf32>,
          %get3A_1416 = arith.index_cast %min3A_1397 : i32 to index
          %get3A_1417 = arith.constant 96 : index
          %get3A_1418 = tpu.vector_load %arg5[%get3A_1416, %get3A_1417] {strides = array<i32>} : memref<528x128xf32, #tpu.memory_space<vmem>>, vector<16xf32>,
          %get3A_1419 = arith.index_cast %min3A_1397 : i32 to index
          %get3A_1420 = arith.constant 112 : index
          %get3A_1421 = tpu.vector_load %arg5[%get3A_1419, %get3A_1420] {strides = array<i32>} : memref<528x128xf32, #tpu.memory_space<vmem>>, vector<16xf32>,
          %add3A_1422 = arith.constant 14 : i32
          %add3A_1423 = arith.addi %mul3A_252, %add3A_1422 : i32
          %swap3A_1424 = arith.index_cast %add3A_1423 : i32 to index
          %swap3A_1425 = arith.constant 0 : index
          %swap3A_1426 = tpu.vector_load %arg6[%swap3A_1424, %swap3A_1425] {strides = array<i32>} : memref<256x128xf32, #tpu.memory_space<vmem>>, vector<16xf32>,
          tpu.vector_store %arg6[%swap3A_1424, %swap3A_1425], %get3A_1400 {strides = array<i32>} : memref<256x128xf32, #tpu.memory_space<vmem>>, vector<16xf32>,
          %add3A_1427 = arith.constant 14 : i32
          %add3A_1428 = arith.addi %mul3A_252, %add3A_1427 : i32
          %swap3A_1429 = arith.index_cast %add3A_1428 : i32 to index
          %swap3A_1430 = arith.constant 16 : index
          %swap3A_1431 = tpu.vector_load %arg6[%swap3A_1429, %swap3A_1430] {strides = array<i32>} : memref<256x128xf32, #tpu.memory_space<vmem>>, vector<16xf32>,
          tpu.vector_store %arg6[%swap3A_1429, %swap3A_1430], %get3A_1403 {strides = array<i32>} : memref<256x128xf32, #tpu.memory_space<vmem>>, vector<16xf32>,
          %add3A_1432 = arith.constant 14 : i32
          %add3A_1433 = arith.addi %mul3A_252, %add3A_1432 : i32
          %swap3A_1434 = arith.index_cast %add3A_1433 : i32 to index
          %swap3A_1435 = arith.constant 32 : index
          %swap3A_1436 = tpu.vector_load %arg6[%swap3A_1434, %swap3A_1435] {strides = array<i32>} : memref<256x128xf32, #tpu.memory_space<vmem>>, vector<16xf32>,
          tpu.vector_store %arg6[%swap3A_1434, %swap3A_1435], %get3A_1406 {strides = array<i32>} : memref<256x128xf32, #tpu.memory_space<vmem>>, vector<16xf32>,
          %add3A_1437 = arith.constant 14 : i32
          %add3A_1438 = arith.addi %mul3A_252, %add3A_1437 : i32
          %swap3A_1439 = arith.index_cast %add3A_1438 : i32 to index
          %swap3A_1440 = arith.constant 48 : index
          %swap3A_1441 = tpu.vector_load %arg6[%swap3A_1439, %swap3A_1440] {strides = array<i32>} : memref<256x128xf32, #tpu.memory_space<vmem>>, vector<16xf32>,
          tpu.vector_store %arg6[%swap3A_1439, %swap3A_1440], %get3A_1409 {strides = array<i32>} : memref<256x128xf32, #tpu.memory_space<vmem>>, vector<16xf32>,
          %add3A_1442 = arith.constant 14 : i32
          %add3A_1443 = arith.addi %mul3A_252, %add3A_1442 : i32
          %swap3A_1444 = arith.index_cast %add3A_1443 : i32 to index
          %swap3A_1445 = arith.constant 64 : index
          %swap3A_1446 = tpu.vector_load %arg6[%swap3A_1444, %swap3A_1445] {strides = array<i32>} : memref<256x128xf32, #tpu.memory_space<vmem>>, vector<16xf32>,
          tpu.vector_store %arg6[%swap3A_1444, %swap3A_1445], %get3A_1412 {strides = array<i32>} : memref<256x128xf32, #tpu.memory_space<vmem>>, vector<16xf32>,
          %add3A_1447 = arith.constant 14 : i32
          %add3A_1448 = arith.addi %mul3A_252, %add3A_1447 : i32
          %swap3A_1449 = arith.index_cast %add3A_1448 : i32 to index
          %swap3A_1450 = arith.constant 80 : index
          %swap3A_1451 = tpu.vector_load %arg6[%swap3A_1449, %swap3A_1450] {strides = array<i32>} : memref<256x128xf32, #tpu.memory_space<vmem>>, vector<16xf32>,
          tpu.vector_store %arg6[%swap3A_1449, %swap3A_1450], %get3A_1415 {strides = array<i32>} : memref<256x128xf32, #tpu.memory_space<vmem>>, vector<16xf32>,
          %add3A_1452 = arith.constant 14 : i32
          %add3A_1453 = arith.addi %mul3A_252, %add3A_1452 : i32
          %swap3A_1454 = arith.index_cast %add3A_1453 : i32 to index
          %swap3A_1455 = arith.constant 96 : index
          %swap3A_1456 = tpu.vector_load %arg6[%swap3A_1454, %swap3A_1455] {strides = array<i32>} : memref<256x128xf32, #tpu.memory_space<vmem>>, vector<16xf32>,
          tpu.vector_store %arg6[%swap3A_1454, %swap3A_1455], %get3A_1418 {strides = array<i32>} : memref<256x128xf32, #tpu.memory_space<vmem>>, vector<16xf32>,
          %add3A_1457 = arith.constant 14 : i32
          %add3A_1458 = arith.addi %mul3A_252, %add3A_1457 : i32
          %swap3A_1459 = arith.index_cast %add3A_1458 : i32 to index
          %swap3A_1460 = arith.constant 112 : index
          %swap3A_1461 = tpu.vector_load %arg6[%swap3A_1459, %swap3A_1460] {strides = array<i32>} : memref<256x128xf32, #tpu.memory_space<vmem>>, vector<16xf32>,
          tpu.vector_store %arg6[%swap3A_1459, %swap3A_1460], %get3A_1421 {strides = array<i32>} : memref<256x128xf32, #tpu.memory_space<vmem>>, vector<16xf32>,
          %get3A_1462 = arith.constant 15 : index
          %get3A_1463 = tpu.vector_load %arg8[%get3A_1462] {strides = array<i32>} : memref<32xi32, #tpu.memory_space<vmem>>, vector<16xi32>,
          %slice3A_1464 = vector.extract_strided_slice %get3A_1463 {offsets = [0], sizes = [1], strides = [1]} : vector<16xi32> to vector<1xi32>
          %squeeze3A_1465 = vector.extract %slice3A_1464[0] : i32 from vector<1xi32>
          %max3A_1466 = arith.constant 0 : i32
          %max3A_1467 = arith.maxsi %squeeze3A_1465, %max3A_1466 : i32
          %min3A_1468 = arith.constant 527 : i32
          %min3A_1469 = arith.minsi %max3A_1467, %min3A_1468 : i32
          %get3A_1470 = arith.index_cast %min3A_1469 : i32 to index
          %get3A_1471 = arith.constant 0 : index
          %get3A_1472 = tpu.vector_load %arg5[%get3A_1470, %get3A_1471] {strides = array<i32>} : memref<528x128xf32, #tpu.memory_space<vmem>>, vector<16xf32>,
          %get3A_1473 = arith.index_cast %min3A_1469 : i32 to index
          %get3A_1474 = arith.constant 16 : index
          %get3A_1475 = tpu.vector_load %arg5[%get3A_1473, %get3A_1474] {strides = array<i32>} : memref<528x128xf32, #tpu.memory_space<vmem>>, vector<16xf32>,
          %get3A_1476 = arith.index_cast %min3A_1469 : i32 to index
          %get3A_1477 = arith.constant 32 : index
          %get3A_1478 = tpu.vector_load %arg5[%get3A_1476, %get3A_1477] {strides = array<i32>} : memref<528x128xf32, #tpu.memory_space<vmem>>, vector<16xf32>,
          %get3A_1479 = arith.index_cast %min3A_1469 : i32 to index
          %get3A_1480 = arith.constant 48 : index
          %get3A_1481 = tpu.vector_load %arg5[%get3A_1479, %get3A_1480] {strides = array<i32>} : memref<528x128xf32, #tpu.memory_space<vmem>>, vector<16xf32>,
          %get3A_1482 = arith.index_cast %min3A_1469 : i32 to index
          %get3A_1483 = arith.constant 64 : index
          %get3A_1484 = tpu.vector_load %arg5[%get3A_1482, %get3A_1483] {strides = array<i32>} : memref<528x128xf32, #tpu.memory_space<vmem>>, vector<16xf32>,
          %get3A_1485 = arith.index_cast %min3A_1469 : i32 to index
          %get3A_1486 = arith.constant 80 : index
          %get3A_1487 = tpu.vector_load %arg5[%get3A_1485, %get3A_1486] {strides = array<i32>} : memref<528x128xf32, #tpu.memory_space<vmem>>, vector<16xf32>,
          %get3A_1488 = arith.index_cast %min3A_1469 : i32 to index
          %get3A_1489 = arith.constant 96 : index
          %get3A_1490 = tpu.vector_load %arg5[%get3A_1488, %get3A_1489] {strides = array<i32>} : memref<528x128xf32, #tpu.memory_space<vmem>>, vector<16xf32>,
          %get3A_1491 = arith.index_cast %min3A_1469 : i32 to index
          %get3A_1492 = arith.constant 112 : index
          %get3A_1493 = tpu.vector_load %arg5[%get3A_1491, %get3A_1492] {strides = array<i32>} : memref<528x128xf32, #tpu.memory_space<vmem>>, vector<16xf32>,
          %add3A_1494 = arith.constant 15 : i32
          %add3A_1495 = arith.addi %mul3A_252, %add3A_1494 : i32
          %swap3A_1496 = arith.index_cast %add3A_1495 : i32 to index
          %swap3A_1497 = arith.constant 0 : index
          %swap3A_1498 = tpu.vector_load %arg6[%swap3A_1496, %swap3A_1497] {strides = array<i32>} : memref<256x128xf32, #tpu.memory_space<vmem>>, vector<16xf32>,
          tpu.vector_store %arg6[%swap3A_1496, %swap3A_1497], %get3A_1472 {strides = array<i32>} : memref<256x128xf32, #tpu.memory_space<vmem>>, vector<16xf32>,
          %add3A_1499 = arith.constant 15 : i32
          %add3A_1500 = arith.addi %mul3A_252, %add3A_1499 : i32
          %swap3A_1501 = arith.index_cast %add3A_1500 : i32 to index
          %swap3A_1502 = arith.constant 16 : index
          %swap3A_1503 = tpu.vector_load %arg6[%swap3A_1501, %swap3A_1502] {strides = array<i32>} : memref<256x128xf32, #tpu.memory_space<vmem>>, vector<16xf32>,
          tpu.vector_store %arg6[%swap3A_1501, %swap3A_1502], %get3A_1475 {strides = array<i32>} : memref<256x128xf32, #tpu.memory_space<vmem>>, vector<16xf32>,
          %add3A_1504 = arith.constant 15 : i32
          %add3A_1505 = arith.addi %mul3A_252, %add3A_1504 : i32
          %swap3A_1506 = arith.index_cast %add3A_1505 : i32 to index
          %swap3A_1507 = arith.constant 32 : index
          %swap3A_1508 = tpu.vector_load %arg6[%swap3A_1506, %swap3A_1507] {strides = array<i32>} : memref<256x128xf32, #tpu.memory_space<vmem>>, vector<16xf32>,
          tpu.vector_store %arg6[%swap3A_1506, %swap3A_1507], %get3A_1478 {strides = array<i32>} : memref<256x128xf32, #tpu.memory_space<vmem>>, vector<16xf32>,
          %add3A_1509 = arith.constant 15 : i32
          %add3A_1510 = arith.addi %mul3A_252, %add3A_1509 : i32
          %swap3A_1511 = arith.index_cast %add3A_1510 : i32 to index
          %swap3A_1512 = arith.constant 48 : index
          %swap3A_1513 = tpu.vector_load %arg6[%swap3A_1511, %swap3A_1512] {strides = array<i32>} : memref<256x128xf32, #tpu.memory_space<vmem>>, vector<16xf32>,
          tpu.vector_store %arg6[%swap3A_1511, %swap3A_1512], %get3A_1481 {strides = array<i32>} : memref<256x128xf32, #tpu.memory_space<vmem>>, vector<16xf32>,
          %add3A_1514 = arith.constant 15 : i32
          %add3A_1515 = arith.addi %mul3A_252, %add3A_1514 : i32
          %swap3A_1516 = arith.index_cast %add3A_1515 : i32 to index
          %swap3A_1517 = arith.constant 64 : index
          %swap3A_1518 = tpu.vector_load %arg6[%swap3A_1516, %swap3A_1517] {strides = array<i32>} : memref<256x128xf32, #tpu.memory_space<vmem>>, vector<16xf32>,
          tpu.vector_store %arg6[%swap3A_1516, %swap3A_1517], %get3A_1484 {strides = array<i32>} : memref<256x128xf32, #tpu.memory_space<vmem>>, vector<16xf32>,
          %add3A_1519 = arith.constant 15 : i32
          %add3A_1520 = arith.addi %mul3A_252, %add3A_1519 : i32
          %swap3A_1521 = arith.index_cast %add3A_1520 : i32 to index
          %swap3A_1522 = arith.constant 80 : index
          %swap3A_1523 = tpu.vector_load %arg6[%swap3A_1521, %swap3A_1522] {strides = array<i32>} : memref<256x128xf32, #tpu.memory_space<vmem>>, vector<16xf32>,
          tpu.vector_store %arg6[%swap3A_1521, %swap3A_1522], %get3A_1487 {strides = array<i32>} : memref<256x128xf32, #tpu.memory_space<vmem>>, vector<16xf32>,
          %add3A_1524 = arith.constant 15 : i32
          %add3A_1525 = arith.addi %mul3A_252, %add3A_1524 : i32
          %swap3A_1526 = arith.index_cast %add3A_1525 : i32 to index
          %swap3A_1527 = arith.constant 96 : index
          %swap3A_1528 = tpu.vector_load %arg6[%swap3A_1526, %swap3A_1527] {strides = array<i32>} : memref<256x128xf32, #tpu.memory_space<vmem>>, vector<16xf32>,
          tpu.vector_store %arg6[%swap3A_1526, %swap3A_1527], %get3A_1490 {strides = array<i32>} : memref<256x128xf32, #tpu.memory_space<vmem>>, vector<16xf32>,
          %add3A_1529 = arith.constant 15 : i32
          %add3A_1530 = arith.addi %mul3A_252, %add3A_1529 : i32
          %swap3A_1531 = arith.index_cast %add3A_1530 : i32 to index
          %swap3A_1532 = arith.constant 112 : index
          %swap3A_1533 = tpu.vector_load %arg6[%swap3A_1531, %swap3A_1532] {strides = array<i32>} : memref<256x128xf32, #tpu.memory_space<vmem>>, vector<16xf32>,
          tpu.vector_store %arg6[%swap3A_1531, %swap3A_1532], %get3A_1493 {strides = array<i32>} : memref<256x128xf32, #tpu.memory_space<vmem>>, vector<16xf32>,
        }
        %scan3A_230 = arith.constant 16 : i32
        %eq3A_231 = arith.constant 0 : i32
        %eq3A_232 = arith.cmpi eq, %add3A_218, %eq3A_231 : i32
        %convert_element_type3A_233 = arith.extui %eq3A_232 : i1 to i32
        %cond3A_234 = arith.constant 0 : i32
        %cond3A_235 = arith.cmpi ne, %convert_element_type3A_233, %cond3A_234 : i32
        scf.if %cond3A_235 {
          %add3A_246 = vector.broadcast %mul3A_35 : i32 to vector<16xi32>
          %add3A_247 = arith.addi %add3A_246, %iota3A : vector<16xi32>
          %broadcast_in_dim3A = arith.constant 0 : i32
          %broadcast_in_dim3A_248 = vector.broadcast %broadcast_in_dim3A : i32 to vector<16xi32>
          %add3A_249 = arith.constant 0 : i32
          %add3A_250 = vector.broadcast %add3A_249 : i32 to vector<16xi32>
          %add3A_251 = arith.addi %broadcast_in_dim3A_248, %add3A_250 : vector<16xi32>
          %broadcast_in_dim3A_252 = arith.constant 0 : i32
          %broadcast_in_dim3A_253 = vector.broadcast %broadcast_in_dim3A_252 : i32 to vector<16xi32>
          %add3A_254 = arith.constant 16424 : i32
          %add3A_255 = vector.broadcast %add3A_254 : i32 to vector<16xi32>
          %add3A_256 = arith.addi %broadcast_in_dim3A_253, %add3A_255 : vector<16xi32>
          %add3A_257 = arith.addi %add3A_251, %add3A_256 : vector<16xi32>
          %shift_right_arithmetic3A = arith.constant 1 : i32
          %shift_right_arithmetic3A_258 = vector.broadcast %shift_right_arithmetic3A : i32 to vector<16xi32>
          %shift_right_arithmetic3A_259 = arith.shrsi %add3A_257, %shift_right_arithmetic3A_258 : vector<16xi32>
          %gather3A = tpu.vector_load_idx %arg7[%shift_right_arithmetic3A_259] : memref<16440xi32, #tpu.memory_space<vmem>>[vector<16xi32>], vector<16xi32>,
          %gt3A_260 = arith.cmpi sgt, %gather3A, %add3A_247 : vector<16xi32>
          %add3A_261 = arith.constant 1 : i32
          %add3A_262 = vector.broadcast %add3A_261 : i32 to vector<16xi32>
          %add3A_263 = arith.addi %shift_right_arithmetic3A_259, %add3A_262 : vector<16xi32>
          %select_n3A_264 = arith.select %gt3A_260, %add3A_251, %add3A_263 : vector<16xi1>, vector<16xi32>
          %select_n3A_265 = arith.select %gt3A_260, %shift_right_arithmetic3A_259, %add3A_256 : vector<16xi1>, vector<16xi32>
          %add3A_266 = arith.addi %select_n3A_264, %select_n3A_265 : vector<16xi32>
          %shift_right_arithmetic3A_267 = arith.constant 1 : i32
          %shift_right_arithmetic3A_268 = vector.broadcast %shift_right_arithmetic3A_267 : i32 to vector<16xi32>
          %shift_right_arithmetic3A_269 = arith.shrsi %add3A_266, %shift_right_arithmetic3A_268 : vector<16xi32>
          %gather3A_270 = tpu.vector_load_idx %arg7[%shift_right_arithmetic3A_269] : memref<16440xi32, #tpu.memory_space<vmem>>[vector<16xi32>], vector<16xi32>,
          %gt3A_271 = arith.cmpi sgt, %gather3A_270, %add3A_247 : vector<16xi32>
          %add3A_272 = arith.constant 1 : i32
          %add3A_273 = vector.broadcast %add3A_272 : i32 to vector<16xi32>
          %add3A_274 = arith.addi %shift_right_arithmetic3A_269, %add3A_273 : vector<16xi32>
          %select_n3A_275 = arith.select %gt3A_271, %select_n3A_264, %add3A_274 : vector<16xi1>, vector<16xi32>
          %select_n3A_276 = arith.select %gt3A_271, %shift_right_arithmetic3A_269, %select_n3A_265 : vector<16xi1>, vector<16xi32>
          %add3A_277 = arith.addi %select_n3A_275, %select_n3A_276 : vector<16xi32>
          %shift_right_arithmetic3A_278 = arith.constant 1 : i32
          %shift_right_arithmetic3A_279 = vector.broadcast %shift_right_arithmetic3A_278 : i32 to vector<16xi32>
          %shift_right_arithmetic3A_280 = arith.shrsi %add3A_277, %shift_right_arithmetic3A_279 : vector<16xi32>
          %gather3A_281 = tpu.vector_load_idx %arg7[%shift_right_arithmetic3A_280] : memref<16440xi32, #tpu.memory_space<vmem>>[vector<16xi32>], vector<16xi32>,
          %gt3A_282 = arith.cmpi sgt, %gather3A_281, %add3A_247 : vector<16xi32>
          %add3A_283 = arith.constant 1 : i32
          %add3A_284 = vector.broadcast %add3A_283 : i32 to vector<16xi32>
          %add3A_285 = arith.addi %shift_right_arithmetic3A_280, %add3A_284 : vector<16xi32>
          %select_n3A_286 = arith.select %gt3A_282, %select_n3A_275, %add3A_285 : vector<16xi1>, vector<16xi32>
          %select_n3A_287 = arith.select %gt3A_282, %shift_right_arithmetic3A_280, %select_n3A_276 : vector<16xi1>, vector<16xi32>
          %add3A_288 = arith.addi %select_n3A_286, %select_n3A_287 : vector<16xi32>
          %shift_right_arithmetic3A_289 = arith.constant 1 : i32
          %shift_right_arithmetic3A_290 = vector.broadcast %shift_right_arithmetic3A_289 : i32 to vector<16xi32>
          %shift_right_arithmetic3A_291 = arith.shrsi %add3A_288, %shift_right_arithmetic3A_290 : vector<16xi32>
          %gather3A_292 = tpu.vector_load_idx %arg7[%shift_right_arithmetic3A_291] : memref<16440xi32, #tpu.memory_space<vmem>>[vector<16xi32>], vector<16xi32>,
          %gt3A_293 = arith.cmpi sgt, %gather3A_292, %add3A_247 : vector<16xi32>
          %add3A_294 = arith.constant 1 : i32
          %add3A_295 = vector.broadcast %add3A_294 : i32 to vector<16xi32>
          %add3A_296 = arith.addi %shift_right_arithmetic3A_291, %add3A_295 : vector<16xi32>
          %select_n3A_297 = arith.select %gt3A_293, %select_n3A_286, %add3A_296 : vector<16xi1>, vector<16xi32>
          %select_n3A_298 = arith.select %gt3A_293, %shift_right_arithmetic3A_291, %select_n3A_287 : vector<16xi1>, vector<16xi32>
          %add3A_299 = arith.addi %select_n3A_297, %select_n3A_298 : vector<16xi32>
          %shift_right_arithmetic3A_300 = arith.constant 1 : i32
          %shift_right_arithmetic3A_301 = vector.broadcast %shift_right_arithmetic3A_300 : i32 to vector<16xi32>
          %shift_right_arithmetic3A_302 = arith.shrsi %add3A_299, %shift_right_arithmetic3A_301 : vector<16xi32>
          %gather3A_303 = tpu.vector_load_idx %arg7[%shift_right_arithmetic3A_302] : memref<16440xi32, #tpu.memory_space<vmem>>[vector<16xi32>], vector<16xi32>,
          %gt3A_304 = arith.cmpi sgt, %gather3A_303, %add3A_247 : vector<16xi32>
          %add3A_305 = arith.constant 1 : i32
          %add3A_306 = vector.broadcast %add3A_305 : i32 to vector<16xi32>
          %add3A_307 = arith.addi %shift_right_arithmetic3A_302, %add3A_306 : vector<16xi32>
          %select_n3A_308 = arith.select %gt3A_304, %select_n3A_297, %add3A_307 : vector<16xi1>, vector<16xi32>
          %select_n3A_309 = arith.select %gt3A_304, %shift_right_arithmetic3A_302, %select_n3A_298 : vector<16xi1>, vector<16xi32>
          %add3A_310 = arith.addi %select_n3A_308, %select_n3A_309 : vector<16xi32>
          %shift_right_arithmetic3A_311 = arith.constant 1 : i32
          %shift_right_arithmetic3A_312 = vector.broadcast %shift_right_arithmetic3A_311 : i32 to vector<16xi32>
          %shift_right_arithmetic3A_313 = arith.shrsi %add3A_310, %shift_right_arithmetic3A_312 : vector<16xi32>
          %gather3A_314 = tpu.vector_load_idx %arg7[%shift_right_arithmetic3A_313] : memref<16440xi32, #tpu.memory_space<vmem>>[vector<16xi32>], vector<16xi32>,
          %gt3A_315 = arith.cmpi sgt, %gather3A_314, %add3A_247 : vector<16xi32>
          %add3A_316 = arith.constant 1 : i32
          %add3A_317 = vector.broadcast %add3A_316 : i32 to vector<16xi32>
          %add3A_318 = arith.addi %shift_right_arithmetic3A_313, %add3A_317 : vector<16xi32>
          %select_n3A_319 = arith.select %gt3A_315, %select_n3A_308, %add3A_318 : vector<16xi1>, vector<16xi32>
          %select_n3A_320 = arith.select %gt3A_315, %shift_right_arithmetic3A_313, %select_n3A_309 : vector<16xi1>, vector<16xi32>
          %add3A_321 = arith.addi %select_n3A_319, %select_n3A_320 : vector<16xi32>
          %shift_right_arithmetic3A_322 = arith.constant 1 : i32
          %shift_right_arithmetic3A_323 = vector.broadcast %shift_right_arithmetic3A_322 : i32 to vector<16xi32>
          %shift_right_arithmetic3A_324 = arith.shrsi %add3A_321, %shift_right_arithmetic3A_323 : vector<16xi32>
          %gather3A_325 = tpu.vector_load_idx %arg7[%shift_right_arithmetic3A_324] : memref<16440xi32, #tpu.memory_space<vmem>>[vector<16xi32>], vector<16xi32>,
          %gt3A_326 = arith.cmpi sgt, %gather3A_325, %add3A_247 : vector<16xi32>
          %add3A_327 = arith.constant 1 : i32
          %add3A_328 = vector.broadcast %add3A_327 : i32 to vector<16xi32>
          %add3A_329 = arith.addi %shift_right_arithmetic3A_324, %add3A_328 : vector<16xi32>
          %select_n3A_330 = arith.select %gt3A_326, %select_n3A_319, %add3A_329 : vector<16xi1>, vector<16xi32>
          %select_n3A_331 = arith.select %gt3A_326, %shift_right_arithmetic3A_324, %select_n3A_320 : vector<16xi1>, vector<16xi32>
          %add3A_332 = arith.addi %select_n3A_330, %select_n3A_331 : vector<16xi32>
          %shift_right_arithmetic3A_333 = arith.constant 1 : i32
          %shift_right_arithmetic3A_334 = vector.broadcast %shift_right_arithmetic3A_333 : i32 to vector<16xi32>
          %shift_right_arithmetic3A_335 = arith.shrsi %add3A_332, %shift_right_arithmetic3A_334 : vector<16xi32>
          %gather3A_336 = tpu.vector_load_idx %arg7[%shift_right_arithmetic3A_335] : memref<16440xi32, #tpu.memory_space<vmem>>[vector<16xi32>], vector<16xi32>,
          %gt3A_337 = arith.cmpi sgt, %gather3A_336, %add3A_247 : vector<16xi32>
          %add3A_338 = arith.constant 1 : i32
          %add3A_339 = vector.broadcast %add3A_338 : i32 to vector<16xi32>
          %add3A_340 = arith.addi %shift_right_arithmetic3A_335, %add3A_339 : vector<16xi32>
          %select_n3A_341 = arith.select %gt3A_337, %select_n3A_330, %add3A_340 : vector<16xi1>, vector<16xi32>
          %select_n3A_342 = arith.select %gt3A_337, %shift_right_arithmetic3A_335, %select_n3A_331 : vector<16xi1>, vector<16xi32>
          %add3A_343 = arith.addi %select_n3A_341, %select_n3A_342 : vector<16xi32>
          %shift_right_arithmetic3A_344 = arith.constant 1 : i32
          %shift_right_arithmetic3A_345 = vector.broadcast %shift_right_arithmetic3A_344 : i32 to vector<16xi32>
          %shift_right_arithmetic3A_346 = arith.shrsi %add3A_343, %shift_right_arithmetic3A_345 : vector<16xi32>
          %gather3A_347 = tpu.vector_load_idx %arg7[%shift_right_arithmetic3A_346] : memref<16440xi32, #tpu.memory_space<vmem>>[vector<16xi32>], vector<16xi32>,
          %gt3A_348 = arith.cmpi sgt, %gather3A_347, %add3A_247 : vector<16xi32>
          %add3A_349 = arith.constant 1 : i32
          %add3A_350 = vector.broadcast %add3A_349 : i32 to vector<16xi32>
          %add3A_351 = arith.addi %shift_right_arithmetic3A_346, %add3A_350 : vector<16xi32>
          %select_n3A_352 = arith.select %gt3A_348, %select_n3A_341, %add3A_351 : vector<16xi1>, vector<16xi32>
          %select_n3A_353 = arith.select %gt3A_348, %shift_right_arithmetic3A_346, %select_n3A_342 : vector<16xi1>, vector<16xi32>
          %add3A_354 = arith.addi %select_n3A_352, %select_n3A_353 : vector<16xi32>
          %shift_right_arithmetic3A_355 = arith.constant 1 : i32
          %shift_right_arithmetic3A_356 = vector.broadcast %shift_right_arithmetic3A_355 : i32 to vector<16xi32>
          %shift_right_arithmetic3A_357 = arith.shrsi %add3A_354, %shift_right_arithmetic3A_356 : vector<16xi32>
          %gather3A_358 = tpu.vector_load_idx %arg7[%shift_right_arithmetic3A_357] : memref<16440xi32, #tpu.memory_space<vmem>>[vector<16xi32>], vector<16xi32>,
          %gt3A_359 = arith.cmpi sgt, %gather3A_358, %add3A_247 : vector<16xi32>
          %add3A_360 = arith.constant 1 : i32
          %add3A_361 = vector.broadcast %add3A_360 : i32 to vector<16xi32>
          %add3A_362 = arith.addi %shift_right_arithmetic3A_357, %add3A_361 : vector<16xi32>
          %select_n3A_363 = arith.select %gt3A_359, %select_n3A_352, %add3A_362 : vector<16xi1>, vector<16xi32>
          %select_n3A_364 = arith.select %gt3A_359, %shift_right_arithmetic3A_357, %select_n3A_353 : vector<16xi1>, vector<16xi32>
          %add3A_365 = arith.addi %select_n3A_363, %select_n3A_364 : vector<16xi32>
          %shift_right_arithmetic3A_366 = arith.constant 1 : i32
          %shift_right_arithmetic3A_367 = vector.broadcast %shift_right_arithmetic3A_366 : i32 to vector<16xi32>
          %shift_right_arithmetic3A_368 = arith.shrsi %add3A_365, %shift_right_arithmetic3A_367 : vector<16xi32>
          %gather3A_369 = tpu.vector_load_idx %arg7[%shift_right_arithmetic3A_368] : memref<16440xi32, #tpu.memory_space<vmem>>[vector<16xi32>], vector<16xi32>,
          %gt3A_370 = arith.cmpi sgt, %gather3A_369, %add3A_247 : vector<16xi32>
          %add3A_371 = arith.constant 1 : i32
          %add3A_372 = vector.broadcast %add3A_371 : i32 to vector<16xi32>
          %add3A_373 = arith.addi %shift_right_arithmetic3A_368, %add3A_372 : vector<16xi32>
          %select_n3A_374 = arith.select %gt3A_370, %select_n3A_363, %add3A_373 : vector<16xi1>, vector<16xi32>
          %select_n3A_375 = arith.select %gt3A_370, %shift_right_arithmetic3A_368, %select_n3A_364 : vector<16xi1>, vector<16xi32>
          %add3A_376 = arith.addi %select_n3A_374, %select_n3A_375 : vector<16xi32>
          %shift_right_arithmetic3A_377 = arith.constant 1 : i32
          %shift_right_arithmetic3A_378 = vector.broadcast %shift_right_arithmetic3A_377 : i32 to vector<16xi32>
          %shift_right_arithmetic3A_379 = arith.shrsi %add3A_376, %shift_right_arithmetic3A_378 : vector<16xi32>
          %gather3A_380 = tpu.vector_load_idx %arg7[%shift_right_arithmetic3A_379] : memref<16440xi32, #tpu.memory_space<vmem>>[vector<16xi32>], vector<16xi32>,
          %gt3A_381 = arith.cmpi sgt, %gather3A_380, %add3A_247 : vector<16xi32>
          %add3A_382 = arith.constant 1 : i32
          %add3A_383 = vector.broadcast %add3A_382 : i32 to vector<16xi32>
          %add3A_384 = arith.addi %shift_right_arithmetic3A_379, %add3A_383 : vector<16xi32>
          %select_n3A_385 = arith.select %gt3A_381, %select_n3A_374, %add3A_384 : vector<16xi1>, vector<16xi32>
          %select_n3A_386 = arith.select %gt3A_381, %shift_right_arithmetic3A_379, %select_n3A_375 : vector<16xi1>, vector<16xi32>
          %add3A_387 = arith.addi %select_n3A_385, %select_n3A_386 : vector<16xi32>
          %shift_right_arithmetic3A_388 = arith.constant 1 : i32
          %shift_right_arithmetic3A_389 = vector.broadcast %shift_right_arithmetic3A_388 : i32 to vector<16xi32>
          %shift_right_arithmetic3A_390 = arith.shrsi %add3A_387, %shift_right_arithmetic3A_389 : vector<16xi32>
          %gather3A_391 = tpu.vector_load_idx %arg7[%shift_right_arithmetic3A_390] : memref<16440xi32, #tpu.memory_space<vmem>>[vector<16xi32>], vector<16xi32>,
          %gt3A_392 = arith.cmpi sgt, %gather3A_391, %add3A_247 : vector<16xi32>
          %add3A_393 = arith.constant 1 : i32
          %add3A_394 = vector.broadcast %add3A_393 : i32 to vector<16xi32>
          %add3A_395 = arith.addi %shift_right_arithmetic3A_390, %add3A_394 : vector<16xi32>
          %select_n3A_396 = arith.select %gt3A_392, %select_n3A_385, %add3A_395 : vector<16xi1>, vector<16xi32>
          %select_n3A_397 = arith.select %gt3A_392, %shift_right_arithmetic3A_390, %select_n3A_386 : vector<16xi1>, vector<16xi32>
          %add3A_398 = arith.addi %select_n3A_396, %select_n3A_397 : vector<16xi32>
          %shift_right_arithmetic3A_399 = arith.constant 1 : i32
          %shift_right_arithmetic3A_400 = vector.broadcast %shift_right_arithmetic3A_399 : i32 to vector<16xi32>
          %shift_right_arithmetic3A_401 = arith.shrsi %add3A_398, %shift_right_arithmetic3A_400 : vector<16xi32>
          %gather3A_402 = tpu.vector_load_idx %arg7[%shift_right_arithmetic3A_401] : memref<16440xi32, #tpu.memory_space<vmem>>[vector<16xi32>], vector<16xi32>,
          %gt3A_403 = arith.cmpi sgt, %gather3A_402, %add3A_247 : vector<16xi32>
          %add3A_404 = arith.constant 1 : i32
          %add3A_405 = vector.broadcast %add3A_404 : i32 to vector<16xi32>
          %add3A_406 = arith.addi %shift_right_arithmetic3A_401, %add3A_405 : vector<16xi32>
          %select_n3A_407 = arith.select %gt3A_403, %select_n3A_396, %add3A_406 : vector<16xi1>, vector<16xi32>
          %select_n3A_408 = arith.select %gt3A_403, %shift_right_arithmetic3A_401, %select_n3A_397 : vector<16xi1>, vector<16xi32>
          %add3A_409 = arith.addi %select_n3A_407, %select_n3A_408 : vector<16xi32>
          %shift_right_arithmetic3A_410 = arith.constant 1 : i32
          %shift_right_arithmetic3A_411 = vector.broadcast %shift_right_arithmetic3A_410 : i32 to vector<16xi32>
          %shift_right_arithmetic3A_412 = arith.shrsi %add3A_409, %shift_right_arithmetic3A_411 : vector<16xi32>
          %gather3A_413 = tpu.vector_load_idx %arg7[%shift_right_arithmetic3A_412] : memref<16440xi32, #tpu.memory_space<vmem>>[vector<16xi32>], vector<16xi32>,
          %gt3A_414 = arith.cmpi sgt, %gather3A_413, %add3A_247 : vector<16xi32>
          %add3A_415 = arith.constant 1 : i32
          %add3A_416 = vector.broadcast %add3A_415 : i32 to vector<16xi32>
          %add3A_417 = arith.addi %shift_right_arithmetic3A_412, %add3A_416 : vector<16xi32>
          %select_n3A_418 = arith.select %gt3A_414, %select_n3A_407, %add3A_417 : vector<16xi1>, vector<16xi32>
          %select_n3A_419 = arith.select %gt3A_414, %shift_right_arithmetic3A_412, %select_n3A_408 : vector<16xi1>, vector<16xi32>
          %mul3A_420 = arith.constant 512 : i32
          %mul3A_421 = arith.muli %add3A, %mul3A_420 : i32
          %sub3A_422 = vector.broadcast %mul3A_421 : i32 to vector<16xi32>
          %sub3A_423 = arith.subi %select_n3A_418, %sub3A_422 : vector<16xi32>
          %swap3A = arith.constant 0 : index
          %swap3A_424 = tpu.vector_load %arg8[%swap3A] {strides = array<i32>} : memref<32xi32, #tpu.memory_space<vmem>>, vector<16xi32>,
          tpu.vector_store %arg8[%swap3A], %sub3A_423 {strides = array<i32>} : memref<32xi32, #tpu.memory_space<vmem>>, vector<16xi32>,
          %gt3A_425 = arith.constant 0 : i32
          %gt3A_426 = arith.cmpi sgt, %sub3A_92, %gt3A_425 : i32
          %convert_element_type3A_427 = arith.extui %gt3A_426 : i1 to i32
          %cond3A_428 = arith.constant 0 : i32
          %cond3A_429 = arith.cmpi ne, %convert_element_type3A_427, %cond3A_428 : i32
          scf.if %cond3A_429 {
            %get3A_465 = arith.constant 0 : index
            %get3A_466 = tpu.vector_load %arg8[%get3A_465] {strides = array<i32>} : memref<32xi32, #tpu.memory_space<vmem>>, vector<16xi32>,
            %slice3A_467 = vector.extract_strided_slice %get3A_466 {offsets = [0], sizes = [1], strides = [1]} : vector<16xi32> to vector<1xi32>
            %squeeze3A_468 = vector.extract %slice3A_467[0] : i32 from vector<1xi32>
            %mul3A_469 = arith.constant 512 : i32
            %mul3A_470 = arith.muli %add3A, %mul3A_469 : i32
            %add3A_471 = arith.addi %squeeze3A_468, %mul3A_470 : i32
            %jit3A_472 = arith.constant 8 : i32
            %div3A_473 = arith.divsi %add3A_471, %jit3A_472 : i32
            %sign3A_474 = arith.constant 0 : i32
            %sign3A_475 = arith.cmpi sgt, %add3A_471, %sign3A_474 : i32
            %sign3A_476 = arith.extui %sign3A_475 : i1 to i32
            %sign3A_477 = arith.constant 0 : i32
            %sign3A_478 = arith.cmpi slt, %add3A_471, %sign3A_477 : i32
            %sign3A_479 = arith.extui %sign3A_478 : i1 to i32
            %sign3A_480 = arith.subi %sign3A_476, %sign3A_479 : i32
            %sign3A_481 = arith.constant 0 : i32
            %sign3A_482 = arith.cmpi sgt, %jit3A_472, %sign3A_481 : i32
            %sign3A_483 = arith.extui %sign3A_482 : i1 to i32
            %sign3A_484 = arith.constant 0 : i32
            %sign3A_485 = arith.cmpi slt, %jit3A_472, %sign3A_484 : i32
            %sign3A_486 = arith.extui %sign3A_485 : i1 to i32
            %sign3A_487 = arith.subi %sign3A_483, %sign3A_486 : i32
            %ne3A_488 = arith.cmpi ne, %sign3A_480, %sign3A_487 : i32
            %rem3A_489 = arith.remsi %add3A_471, %jit3A_472 : i32
            %ne3A_490 = arith.constant 0 : i32
            %ne3A_491 = arith.cmpi ne, %rem3A_489, %ne3A_490 : i32
            %and3A_492 = arith.andi %ne3A_488, %ne3A_491 : i1
            %sub3A_493 = arith.constant 1 : i32
            %sub3A_494 = arith.subi %div3A_473, %sub3A_493 : i32
            %select_n3A_495 = arith.select %and3A_492, %sub3A_494, %div3A_473 : i32
            %mul3A_496 = arith.constant 8 : i32
            %mul3A_497 = arith.muli %select_n3A_495, %mul3A_496 : i32
            %dma_start3A = arith.constant 0 : i32
            %dma_start3A_498 = tpu.memref_slice %arg2[%mul3A_497, %dma_start3A] : memref<16400x128xf32, #tpu.memory_space<hbm>> -> memref<8x128xf32, #tpu.memory_space<hbm>>
            %dma_start3A_499 = arith.constant 0 : i32
            %dma_start3A_500 = tpu.memref_slice %arg2[%mul3A_497, %dma_start3A_499] : memref<16400x128xf32, #tpu.memory_space<hbm>> -> memref<8x128xf32, #tpu.memory_space<hbm>>
            tpu.enqueue_dma source(%dma_start3A_500 : memref<8x128xf32, #tpu.memory_space<hbm>>) target(%arg9 : memref<8x128xf32, #tpu.memory_space<vmem>>) target_semaphore(%arg10 : memref<!tpu.dma_semaphore, #tpu.memory_space<semaphore_mem>>)
            %dma_wait3A = arith.constant 0 : i32
            %dma_wait3A_501 = tpu.memref_slice %arg2[%mul3A_497, %dma_wait3A] : memref<16400x128xf32, #tpu.memory_space<hbm>> -> memref<8x128xf32, #tpu.memory_space<hbm>>
            %dma_wait3A_502 = arith.constant 0 : i32
            %dma_wait3A_503 = tpu.memref_slice %arg2[%mul3A_497, %dma_wait3A_502] : memref<16400x128xf32, #tpu.memory_space<hbm>> -> memref<8x128xf32, #tpu.memory_space<hbm>>
            tpu.wait_dma2 semaphore(%arg10 : memref<!tpu.dma_semaphore, #tpu.memory_space<semaphore_mem>>) src(%dma_wait3A_503 : memref<8x128xf32, #tpu.memory_space<hbm>>) dst(%arg9 : memref<8x128xf32, #tpu.memory_space<vmem>>)
            %sub3A_504 = arith.subi %add3A_471, %mul3A_497 : i32
            %get3A_505 = arith.index_cast %sub3A_504 : i32 to index
            %get3A_506 = arith.constant 0 : index
            %get3A_507 = tpu.vector_load %arg9[%get3A_505, %get3A_506] {strides = array<i32>} : memref<8x128xf32, #tpu.memory_space<vmem>>, vector<16xf32>,
            %swap3A_508 = arith.constant 0 : i32
            %swap3A_509 = arith.index_cast %swap3A_508 : i32 to index
            %swap3A_510 = arith.constant 0 : index
            %swap3A_511 = tpu.vector_load %arg6[%swap3A_509, %swap3A_510] {strides = array<i32>} : memref<256x128xf32, #tpu.memory_space<vmem>>, vector<16xf32>,
            tpu.vector_store %arg6[%swap3A_509, %swap3A_510], %get3A_507 {strides = array<i32>} : memref<256x128xf32, #tpu.memory_space<vmem>>, vector<16xf32>,
            %get3A_512 = arith.index_cast %sub3A_504 : i32 to index
            %get3A_513 = arith.constant 16 : index
            %get3A_514 = tpu.vector_load %arg9[%get3A_512, %get3A_513] {strides = array<i32>} : memref<8x128xf32, #tpu.memory_space<vmem>>, vector<16xf32>,
            %swap3A_515 = arith.constant 0 : i32
            %swap3A_516 = arith.index_cast %swap3A_515 : i32 to index
            %swap3A_517 = arith.constant 16 : index
            %swap3A_518 = tpu.vector_load %arg6[%swap3A_516, %swap3A_517] {strides = array<i32>} : memref<256x128xf32, #tpu.memory_space<vmem>>, vector<16xf32>,
            tpu.vector_store %arg6[%swap3A_516, %swap3A_517], %get3A_514 {strides = array<i32>} : memref<256x128xf32, #tpu.memory_space<vmem>>, vector<16xf32>,
            %get3A_519 = arith.index_cast %sub3A_504 : i32 to index
            %get3A_520 = arith.constant 32 : index
            %get3A_521 = tpu.vector_load %arg9[%get3A_519, %get3A_520] {strides = array<i32>} : memref<8x128xf32, #tpu.memory_space<vmem>>, vector<16xf32>,
            %swap3A_522 = arith.constant 0 : i32
            %swap3A_523 = arith.index_cast %swap3A_522 : i32 to index
            %swap3A_524 = arith.constant 32 : index
            %swap3A_525 = tpu.vector_load %arg6[%swap3A_523, %swap3A_524] {strides = array<i32>} : memref<256x128xf32, #tpu.memory_space<vmem>>, vector<16xf32>,
            tpu.vector_store %arg6[%swap3A_523, %swap3A_524], %get3A_521 {strides = array<i32>} : memref<256x128xf32, #tpu.memory_space<vmem>>, vector<16xf32>,
            %get3A_526 = arith.index_cast %sub3A_504 : i32 to index
            %get3A_527 = arith.constant 48 : index
            %get3A_528 = tpu.vector_load %arg9[%get3A_526, %get3A_527] {strides = array<i32>} : memref<8x128xf32, #tpu.memory_space<vmem>>, vector<16xf32>,
            %swap3A_529 = arith.constant 0 : i32
            %swap3A_530 = arith.index_cast %swap3A_529 : i32 to index
            %swap3A_531 = arith.constant 48 : index
            %swap3A_532 = tpu.vector_load %arg6[%swap3A_530, %swap3A_531] {strides = array<i32>} : memref<256x128xf32, #tpu.memory_space<vmem>>, vector<16xf32>,
            tpu.vector_store %arg6[%swap3A_530, %swap3A_531], %get3A_528 {strides = array<i32>} : memref<256x128xf32, #tpu.memory_space<vmem>>, vector<16xf32>,
            %get3A_533 = arith.index_cast %sub3A_504 : i32 to index
            %get3A_534 = arith.constant 64 : index
            %get3A_535 = tpu.vector_load %arg9[%get3A_533, %get3A_534] {strides = array<i32>} : memref<8x128xf32, #tpu.memory_space<vmem>>, vector<16xf32>,
            %swap3A_536 = arith.constant 0 : i32
            %swap3A_537 = arith.index_cast %swap3A_536 : i32 to index
            %swap3A_538 = arith.constant 64 : index
            %swap3A_539 = tpu.vector_load %arg6[%swap3A_537, %swap3A_538] {strides = array<i32>} : memref<256x128xf32, #tpu.memory_space<vmem>>, vector<16xf32>,
            tpu.vector_store %arg6[%swap3A_537, %swap3A_538], %get3A_535 {strides = array<i32>} : memref<256x128xf32, #tpu.memory_space<vmem>>, vector<16xf32>,
            %get3A_540 = arith.index_cast %sub3A_504 : i32 to index
            %get3A_541 = arith.constant 80 : index
            %get3A_542 = tpu.vector_load %arg9[%get3A_540, %get3A_541] {strides = array<i32>} : memref<8x128xf32, #tpu.memory_space<vmem>>, vector<16xf32>,
            %swap3A_543 = arith.constant 0 : i32
            %swap3A_544 = arith.index_cast %swap3A_543 : i32 to index
            %swap3A_545 = arith.constant 80 : index
            %swap3A_546 = tpu.vector_load %arg6[%swap3A_544, %swap3A_545] {strides = array<i32>} : memref<256x128xf32, #tpu.memory_space<vmem>>, vector<16xf32>,
            tpu.vector_store %arg6[%swap3A_544, %swap3A_545], %get3A_542 {strides = array<i32>} : memref<256x128xf32, #tpu.memory_space<vmem>>, vector<16xf32>,
            %get3A_547 = arith.index_cast %sub3A_504 : i32 to index
            %get3A_548 = arith.constant 96 : index
            %get3A_549 = tpu.vector_load %arg9[%get3A_547, %get3A_548] {strides = array<i32>} : memref<8x128xf32, #tpu.memory_space<vmem>>, vector<16xf32>,
            %swap3A_550 = arith.constant 0 : i32
            %swap3A_551 = arith.index_cast %swap3A_550 : i32 to index
            %swap3A_552 = arith.constant 96 : index
            %swap3A_553 = tpu.vector_load %arg6[%swap3A_551, %swap3A_552] {strides = array<i32>} : memref<256x128xf32, #tpu.memory_space<vmem>>, vector<16xf32>,
            tpu.vector_store %arg6[%swap3A_551, %swap3A_552], %get3A_549 {strides = array<i32>} : memref<256x128xf32, #tpu.memory_space<vmem>>, vector<16xf32>,
            %get3A_554 = arith.index_cast %sub3A_504 : i32 to index
            %get3A_555 = arith.constant 112 : index
            %get3A_556 = tpu.vector_load %arg9[%get3A_554, %get3A_555] {strides = array<i32>} : memref<8x128xf32, #tpu.memory_space<vmem>>, vector<16xf32>,
            %swap3A_557 = arith.constant 0 : i32
            %swap3A_558 = arith.index_cast %swap3A_557 : i32 to index
            %swap3A_559 = arith.constant 112 : index
            %swap3A_560 = tpu.vector_load %arg6[%swap3A_558, %swap3A_559] {strides = array<i32>} : memref<256x128xf32, #tpu.memory_space<vmem>>, vector<16xf32>,
            tpu.vector_store %arg6[%swap3A_558, %swap3A_559], %get3A_556 {strides = array<i32>} : memref<256x128xf32, #tpu.memory_space<vmem>>, vector<16xf32>,
          } else {
          }
          %gt3A_430 = arith.constant 1 : i32
          %gt3A_431 = arith.cmpi sgt, %sub3A_92, %gt3A_430 : i32
          %convert_element_type3A_432 = arith.extui %gt3A_431 : i1 to i32
          %cond3A_433 = arith.constant 0 : i32
          %cond3A_434 = arith.cmpi ne, %convert_element_type3A_432, %cond3A_433 : i32
          scf.if %cond3A_434 {
            %get3A_465 = arith.constant 1 : index
            %get3A_466 = tpu.vector_load %arg8[%get3A_465] {strides = array<i32>} : memref<32xi32, #tpu.memory_space<vmem>>, vector<16xi32>,
            %slice3A_467 = vector.extract_strided_slice %get3A_466 {offsets = [0], sizes = [1], strides = [1]} : vector<16xi32> to vector<1xi32>
            %squeeze3A_468 = vector.extract %slice3A_467[0] : i32 from vector<1xi32>
            %mul3A_469 = arith.constant 512 : i32
            %mul3A_470 = arith.muli %add3A, %mul3A_469 : i32
            %add3A_471 = arith.addi %squeeze3A_468, %mul3A_470 : i32
            %jit3A_472 = arith.constant 8 : i32
            %div3A_473 = arith.divsi %add3A_471, %jit3A_472 : i32
            %sign3A_474 = arith.constant 0 : i32
            %sign3A_475 = arith.cmpi sgt, %add3A_471, %sign3A_474 : i32
            %sign3A_476 = arith.extui %sign3A_475 : i1 to i32
            %sign3A_477 = arith.constant 0 : i32
            %sign3A_478 = arith.cmpi slt, %add3A_471, %sign3A_477 : i32
            %sign3A_479 = arith.extui %sign3A_478 : i1 to i32
            %sign3A_480 = arith.subi %sign3A_476, %sign3A_479 : i32
            %sign3A_481 = arith.constant 0 : i32
            %sign3A_482 = arith.cmpi sgt, %jit3A_472, %sign3A_481 : i32
            %sign3A_483 = arith.extui %sign3A_482 : i1 to i32
            %sign3A_484 = arith.constant 0 : i32
            %sign3A_485 = arith.cmpi slt, %jit3A_472, %sign3A_484 : i32
            %sign3A_486 = arith.extui %sign3A_485 : i1 to i32
            %sign3A_487 = arith.subi %sign3A_483, %sign3A_486 : i32
            %ne3A_488 = arith.cmpi ne, %sign3A_480, %sign3A_487 : i32
            %rem3A_489 = arith.remsi %add3A_471, %jit3A_472 : i32
            %ne3A_490 = arith.constant 0 : i32
            %ne3A_491 = arith.cmpi ne, %rem3A_489, %ne3A_490 : i32
            %and3A_492 = arith.andi %ne3A_488, %ne3A_491 : i1
            %sub3A_493 = arith.constant 1 : i32
            %sub3A_494 = arith.subi %div3A_473, %sub3A_493 : i32
            %select_n3A_495 = arith.select %and3A_492, %sub3A_494, %div3A_473 : i32
            %mul3A_496 = arith.constant 8 : i32
            %mul3A_497 = arith.muli %select_n3A_495, %mul3A_496 : i32
            %dma_start3A = arith.constant 0 : i32
            %dma_start3A_498 = tpu.memref_slice %arg2[%mul3A_497, %dma_start3A] : memref<16400x128xf32, #tpu.memory_space<hbm>> -> memref<8x128xf32, #tpu.memory_space<hbm>>
            %dma_start3A_499 = arith.constant 0 : i32
            %dma_start3A_500 = tpu.memref_slice %arg2[%mul3A_497, %dma_start3A_499] : memref<16400x128xf32, #tpu.memory_space<hbm>> -> memref<8x128xf32, #tpu.memory_space<hbm>>
            tpu.enqueue_dma source(%dma_start3A_500 : memref<8x128xf32, #tpu.memory_space<hbm>>) target(%arg9 : memref<8x128xf32, #tpu.memory_space<vmem>>) target_semaphore(%arg10 : memref<!tpu.dma_semaphore, #tpu.memory_space<semaphore_mem>>)
            %dma_wait3A = arith.constant 0 : i32
            %dma_wait3A_501 = tpu.memref_slice %arg2[%mul3A_497, %dma_wait3A] : memref<16400x128xf32, #tpu.memory_space<hbm>> -> memref<8x128xf32, #tpu.memory_space<hbm>>
            %dma_wait3A_502 = arith.constant 0 : i32
            %dma_wait3A_503 = tpu.memref_slice %arg2[%mul3A_497, %dma_wait3A_502] : memref<16400x128xf32, #tpu.memory_space<hbm>> -> memref<8x128xf32, #tpu.memory_space<hbm>>
            tpu.wait_dma2 semaphore(%arg10 : memref<!tpu.dma_semaphore, #tpu.memory_space<semaphore_mem>>) src(%dma_wait3A_503 : memref<8x128xf32, #tpu.memory_space<hbm>>) dst(%arg9 : memref<8x128xf32, #tpu.memory_space<vmem>>)
            %sub3A_504 = arith.subi %add3A_471, %mul3A_497 : i32
            %get3A_505 = arith.index_cast %sub3A_504 : i32 to index
            %get3A_506 = arith.constant 0 : index
            %get3A_507 = tpu.vector_load %arg9[%get3A_505, %get3A_506] {strides = array<i32>} : memref<8x128xf32, #tpu.memory_space<vmem>>, vector<16xf32>,
            %swap3A_508 = arith.constant 1 : i32
            %swap3A_509 = arith.index_cast %swap3A_508 : i32 to index
            %swap3A_510 = arith.constant 0 : index
            %swap3A_511 = tpu.vector_load %arg6[%swap3A_509, %swap3A_510] {strides = array<i32>} : memref<256x128xf32, #tpu.memory_space<vmem>>, vector<16xf32>,
            tpu.vector_store %arg6[%swap3A_509, %swap3A_510], %get3A_507 {strides = array<i32>} : memref<256x128xf32, #tpu.memory_space<vmem>>, vector<16xf32>,
            %get3A_512 = arith.index_cast %sub3A_504 : i32 to index
            %get3A_513 = arith.constant 16 : index
            %get3A_514 = tpu.vector_load %arg9[%get3A_512, %get3A_513] {strides = array<i32>} : memref<8x128xf32, #tpu.memory_space<vmem>>, vector<16xf32>,
            %swap3A_515 = arith.constant 1 : i32
            %swap3A_516 = arith.index_cast %swap3A_515 : i32 to index
            %swap3A_517 = arith.constant 16 : index
            %swap3A_518 = tpu.vector_load %arg6[%swap3A_516, %swap3A_517] {strides = array<i32>} : memref<256x128xf32, #tpu.memory_space<vmem>>, vector<16xf32>,
            tpu.vector_store %arg6[%swap3A_516, %swap3A_517], %get3A_514 {strides = array<i32>} : memref<256x128xf32, #tpu.memory_space<vmem>>, vector<16xf32>,
            %get3A_519 = arith.index_cast %sub3A_504 : i32 to index
            %get3A_520 = arith.constant 32 : index
            %get3A_521 = tpu.vector_load %arg9[%get3A_519, %get3A_520] {strides = array<i32>} : memref<8x128xf32, #tpu.memory_space<vmem>>, vector<16xf32>,
            %swap3A_522 = arith.constant 1 : i32
            %swap3A_523 = arith.index_cast %swap3A_522 : i32 to index
            %swap3A_524 = arith.constant 32 : index
            %swap3A_525 = tpu.vector_load %arg6[%swap3A_523, %swap3A_524] {strides = array<i32>} : memref<256x128xf32, #tpu.memory_space<vmem>>, vector<16xf32>,
            tpu.vector_store %arg6[%swap3A_523, %swap3A_524], %get3A_521 {strides = array<i32>} : memref<256x128xf32, #tpu.memory_space<vmem>>, vector<16xf32>,
            %get3A_526 = arith.index_cast %sub3A_504 : i32 to index
            %get3A_527 = arith.constant 48 : index
            %get3A_528 = tpu.vector_load %arg9[%get3A_526, %get3A_527] {strides = array<i32>} : memref<8x128xf32, #tpu.memory_space<vmem>>, vector<16xf32>,
            %swap3A_529 = arith.constant 1 : i32
            %swap3A_530 = arith.index_cast %swap3A_529 : i32 to index
            %swap3A_531 = arith.constant 48 : index
            %swap3A_532 = tpu.vector_load %arg6[%swap3A_530, %swap3A_531] {strides = array<i32>} : memref<256x128xf32, #tpu.memory_space<vmem>>, vector<16xf32>,
            tpu.vector_store %arg6[%swap3A_530, %swap3A_531], %get3A_528 {strides = array<i32>} : memref<256x128xf32, #tpu.memory_space<vmem>>, vector<16xf32>,
            %get3A_533 = arith.index_cast %sub3A_504 : i32 to index
            %get3A_534 = arith.constant 64 : index
            %get3A_535 = tpu.vector_load %arg9[%get3A_533, %get3A_534] {strides = array<i32>} : memref<8x128xf32, #tpu.memory_space<vmem>>, vector<16xf32>,
            %swap3A_536 = arith.constant 1 : i32
            %swap3A_537 = arith.index_cast %swap3A_536 : i32 to index
            %swap3A_538 = arith.constant 64 : index
            %swap3A_539 = tpu.vector_load %arg6[%swap3A_537, %swap3A_538] {strides = array<i32>} : memref<256x128xf32, #tpu.memory_space<vmem>>, vector<16xf32>,
            tpu.vector_store %arg6[%swap3A_537, %swap3A_538], %get3A_535 {strides = array<i32>} : memref<256x128xf32, #tpu.memory_space<vmem>>, vector<16xf32>,
            %get3A_540 = arith.index_cast %sub3A_504 : i32 to index
            %get3A_541 = arith.constant 80 : index
            %get3A_542 = tpu.vector_load %arg9[%get3A_540, %get3A_541] {strides = array<i32>} : memref<8x128xf32, #tpu.memory_space<vmem>>, vector<16xf32>,
            %swap3A_543 = arith.constant 1 : i32
            %swap3A_544 = arith.index_cast %swap3A_543 : i32 to index
            %swap3A_545 = arith.constant 80 : index
            %swap3A_546 = tpu.vector_load %arg6[%swap3A_544, %swap3A_545] {strides = array<i32>} : memref<256x128xf32, #tpu.memory_space<vmem>>, vector<16xf32>,
            tpu.vector_store %arg6[%swap3A_544, %swap3A_545], %get3A_542 {strides = array<i32>} : memref<256x128xf32, #tpu.memory_space<vmem>>, vector<16xf32>,
            %get3A_547 = arith.index_cast %sub3A_504 : i32 to index
            %get3A_548 = arith.constant 96 : index
            %get3A_549 = tpu.vector_load %arg9[%get3A_547, %get3A_548] {strides = array<i32>} : memref<8x128xf32, #tpu.memory_space<vmem>>, vector<16xf32>,
            %swap3A_550 = arith.constant 1 : i32
            %swap3A_551 = arith.index_cast %swap3A_550 : i32 to index
            %swap3A_552 = arith.constant 96 : index
            %swap3A_553 = tpu.vector_load %arg6[%swap3A_551, %swap3A_552] {strides = array<i32>} : memref<256x128xf32, #tpu.memory_space<vmem>>, vector<16xf32>,
            tpu.vector_store %arg6[%swap3A_551, %swap3A_552], %get3A_549 {strides = array<i32>} : memref<256x128xf32, #tpu.memory_space<vmem>>, vector<16xf32>,
            %get3A_554 = arith.index_cast %sub3A_504 : i32 to index
            %get3A_555 = arith.constant 112 : index
            %get3A_556 = tpu.vector_load %arg9[%get3A_554, %get3A_555] {strides = array<i32>} : memref<8x128xf32, #tpu.memory_space<vmem>>, vector<16xf32>,
            %swap3A_557 = arith.constant 1 : i32
            %swap3A_558 = arith.index_cast %swap3A_557 : i32 to index
            %swap3A_559 = arith.constant 112 : index
            %swap3A_560 = tpu.vector_load %arg6[%swap3A_558, %swap3A_559] {strides = array<i32>} : memref<256x128xf32, #tpu.memory_space<vmem>>, vector<16xf32>,
            tpu.vector_store %arg6[%swap3A_558, %swap3A_559], %get3A_556 {strides = array<i32>} : memref<256x128xf32, #tpu.memory_space<vmem>>, vector<16xf32>,
          } else {
          }
          %gt3A_435 = arith.constant 2 : i32
          %gt3A_436 = arith.cmpi sgt, %sub3A_92, %gt3A_435 : i32
          %convert_element_type3A_437 = arith.extui %gt3A_436 : i1 to i32
          %cond3A_438 = arith.constant 0 : i32
          %cond3A_439 = arith.cmpi ne, %convert_element_type3A_437, %cond3A_438 : i32
          scf.if %cond3A_439 {
            %get3A_465 = arith.constant 2 : index
            %get3A_466 = tpu.vector_load %arg8[%get3A_465] {strides = array<i32>} : memref<32xi32, #tpu.memory_space<vmem>>, vector<16xi32>,
            %slice3A_467 = vector.extract_strided_slice %get3A_466 {offsets = [0], sizes = [1], strides = [1]} : vector<16xi32> to vector<1xi32>
            %squeeze3A_468 = vector.extract %slice3A_467[0] : i32 from vector<1xi32>
            %mul3A_469 = arith.constant 512 : i32
            %mul3A_470 = arith.muli %add3A, %mul3A_469 : i32
            %add3A_471 = arith.addi %squeeze3A_468, %mul3A_470 : i32
            %jit3A_472 = arith.constant 8 : i32
            %div3A_473 = arith.divsi %add3A_471, %jit3A_472 : i32
            %sign3A_474 = arith.constant 0 : i32
            %sign3A_475 = arith.cmpi sgt, %add3A_471, %sign3A_474 : i32
            %sign3A_476 = arith.extui %sign3A_475 : i1 to i32
            %sign3A_477 = arith.constant 0 : i32
            %sign3A_478 = arith.cmpi slt, %add3A_471, %sign3A_477 : i32
            %sign3A_479 = arith.extui %sign3A_478 : i1 to i32
            %sign3A_480 = arith.subi %sign3A_476, %sign3A_479 : i32
            %sign3A_481 = arith.constant 0 : i32
            %sign3A_482 = arith.cmpi sgt, %jit3A_472, %sign3A_481 : i32
            %sign3A_483 = arith.extui %sign3A_482 : i1 to i32
            %sign3A_484 = arith.constant 0 : i32
            %sign3A_485 = arith.cmpi slt, %jit3A_472, %sign3A_484 : i32
            %sign3A_486 = arith.extui %sign3A_485 : i1 to i32
            %sign3A_487 = arith.subi %sign3A_483, %sign3A_486 : i32
            %ne3A_488 = arith.cmpi ne, %sign3A_480, %sign3A_487 : i32
            %rem3A_489 = arith.remsi %add3A_471, %jit3A_472 : i32
            %ne3A_490 = arith.constant 0 : i32
            %ne3A_491 = arith.cmpi ne, %rem3A_489, %ne3A_490 : i32
            %and3A_492 = arith.andi %ne3A_488, %ne3A_491 : i1
            %sub3A_493 = arith.constant 1 : i32
            %sub3A_494 = arith.subi %div3A_473, %sub3A_493 : i32
            %select_n3A_495 = arith.select %and3A_492, %sub3A_494, %div3A_473 : i32
            %mul3A_496 = arith.constant 8 : i32
            %mul3A_497 = arith.muli %select_n3A_495, %mul3A_496 : i32
            %dma_start3A = arith.constant 0 : i32
            %dma_start3A_498 = tpu.memref_slice %arg2[%mul3A_497, %dma_start3A] : memref<16400x128xf32, #tpu.memory_space<hbm>> -> memref<8x128xf32, #tpu.memory_space<hbm>>
            %dma_start3A_499 = arith.constant 0 : i32
            %dma_start3A_500 = tpu.memref_slice %arg2[%mul3A_497, %dma_start3A_499] : memref<16400x128xf32, #tpu.memory_space<hbm>> -> memref<8x128xf32, #tpu.memory_space<hbm>>
            tpu.enqueue_dma source(%dma_start3A_500 : memref<8x128xf32, #tpu.memory_space<hbm>>) target(%arg9 : memref<8x128xf32, #tpu.memory_space<vmem>>) target_semaphore(%arg10 : memref<!tpu.dma_semaphore, #tpu.memory_space<semaphore_mem>>)
            %dma_wait3A = arith.constant 0 : i32
            %dma_wait3A_501 = tpu.memref_slice %arg2[%mul3A_497, %dma_wait3A] : memref<16400x128xf32, #tpu.memory_space<hbm>> -> memref<8x128xf32, #tpu.memory_space<hbm>>
            %dma_wait3A_502 = arith.constant 0 : i32
            %dma_wait3A_503 = tpu.memref_slice %arg2[%mul3A_497, %dma_wait3A_502] : memref<16400x128xf32, #tpu.memory_space<hbm>> -> memref<8x128xf32, #tpu.memory_space<hbm>>
            tpu.wait_dma2 semaphore(%arg10 : memref<!tpu.dma_semaphore, #tpu.memory_space<semaphore_mem>>) src(%dma_wait3A_503 : memref<8x128xf32, #tpu.memory_space<hbm>>) dst(%arg9 : memref<8x128xf32, #tpu.memory_space<vmem>>)
            %sub3A_504 = arith.subi %add3A_471, %mul3A_497 : i32
            %get3A_505 = arith.index_cast %sub3A_504 : i32 to index
            %get3A_506 = arith.constant 0 : index
            %get3A_507 = tpu.vector_load %arg9[%get3A_505, %get3A_506] {strides = array<i32>} : memref<8x128xf32, #tpu.memory_space<vmem>>, vector<16xf32>,
            %swap3A_508 = arith.constant 2 : i32
            %swap3A_509 = arith.index_cast %swap3A_508 : i32 to index
            %swap3A_510 = arith.constant 0 : index
            %swap3A_511 = tpu.vector_load %arg6[%swap3A_509, %swap3A_510] {strides = array<i32>} : memref<256x128xf32, #tpu.memory_space<vmem>>, vector<16xf32>,
            tpu.vector_store %arg6[%swap3A_509, %swap3A_510], %get3A_507 {strides = array<i32>} : memref<256x128xf32, #tpu.memory_space<vmem>>, vector<16xf32>,
            %get3A_512 = arith.index_cast %sub3A_504 : i32 to index
            %get3A_513 = arith.constant 16 : index
            %get3A_514 = tpu.vector_load %arg9[%get3A_512, %get3A_513] {strides = array<i32>} : memref<8x128xf32, #tpu.memory_space<vmem>>, vector<16xf32>,
            %swap3A_515 = arith.constant 2 : i32
            %swap3A_516 = arith.index_cast %swap3A_515 : i32 to index
            %swap3A_517 = arith.constant 16 : index
            %swap3A_518 = tpu.vector_load %arg6[%swap3A_516, %swap3A_517] {strides = array<i32>} : memref<256x128xf32, #tpu.memory_space<vmem>>, vector<16xf32>,
            tpu.vector_store %arg6[%swap3A_516, %swap3A_517], %get3A_514 {strides = array<i32>} : memref<256x128xf32, #tpu.memory_space<vmem>>, vector<16xf32>,
            %get3A_519 = arith.index_cast %sub3A_504 : i32 to index
            %get3A_520 = arith.constant 32 : index
            %get3A_521 = tpu.vector_load %arg9[%get3A_519, %get3A_520] {strides = array<i32>} : memref<8x128xf32, #tpu.memory_space<vmem>>, vector<16xf32>,
            %swap3A_522 = arith.constant 2 : i32
            %swap3A_523 = arith.index_cast %swap3A_522 : i32 to index
            %swap3A_524 = arith.constant 32 : index
            %swap3A_525 = tpu.vector_load %arg6[%swap3A_523, %swap3A_524] {strides = array<i32>} : memref<256x128xf32, #tpu.memory_space<vmem>>, vector<16xf32>,
            tpu.vector_store %arg6[%swap3A_523, %swap3A_524], %get3A_521 {strides = array<i32>} : memref<256x128xf32, #tpu.memory_space<vmem>>, vector<16xf32>,
            %get3A_526 = arith.index_cast %sub3A_504 : i32 to index
            %get3A_527 = arith.constant 48 : index
            %get3A_528 = tpu.vector_load %arg9[%get3A_526, %get3A_527] {strides = array<i32>} : memref<8x128xf32, #tpu.memory_space<vmem>>, vector<16xf32>,
            %swap3A_529 = arith.constant 2 : i32
            %swap3A_530 = arith.index_cast %swap3A_529 : i32 to index
            %swap3A_531 = arith.constant 48 : index
            %swap3A_532 = tpu.vector_load %arg6[%swap3A_530, %swap3A_531] {strides = array<i32>} : memref<256x128xf32, #tpu.memory_space<vmem>>, vector<16xf32>,
            tpu.vector_store %arg6[%swap3A_530, %swap3A_531], %get3A_528 {strides = array<i32>} : memref<256x128xf32, #tpu.memory_space<vmem>>, vector<16xf32>,
            %get3A_533 = arith.index_cast %sub3A_504 : i32 to index
            %get3A_534 = arith.constant 64 : index
            %get3A_535 = tpu.vector_load %arg9[%get3A_533, %get3A_534] {strides = array<i32>} : memref<8x128xf32, #tpu.memory_space<vmem>>, vector<16xf32>,
            %swap3A_536 = arith.constant 2 : i32
            %swap3A_537 = arith.index_cast %swap3A_536 : i32 to index
            %swap3A_538 = arith.constant 64 : index
            %swap3A_539 = tpu.vector_load %arg6[%swap3A_537, %swap3A_538] {strides = array<i32>} : memref<256x128xf32, #tpu.memory_space<vmem>>, vector<16xf32>,
            tpu.vector_store %arg6[%swap3A_537, %swap3A_538], %get3A_535 {strides = array<i32>} : memref<256x128xf32, #tpu.memory_space<vmem>>, vector<16xf32>,
            %get3A_540 = arith.index_cast %sub3A_504 : i32 to index
            %get3A_541 = arith.constant 80 : index
            %get3A_542 = tpu.vector_load %arg9[%get3A_540, %get3A_541] {strides = array<i32>} : memref<8x128xf32, #tpu.memory_space<vmem>>, vector<16xf32>,
            %swap3A_543 = arith.constant 2 : i32
            %swap3A_544 = arith.index_cast %swap3A_543 : i32 to index
            %swap3A_545 = arith.constant 80 : index
            %swap3A_546 = tpu.vector_load %arg6[%swap3A_544, %swap3A_545] {strides = array<i32>} : memref<256x128xf32, #tpu.memory_space<vmem>>, vector<16xf32>,
            tpu.vector_store %arg6[%swap3A_544, %swap3A_545], %get3A_542 {strides = array<i32>} : memref<256x128xf32, #tpu.memory_space<vmem>>, vector<16xf32>,
            %get3A_547 = arith.index_cast %sub3A_504 : i32 to index
            %get3A_548 = arith.constant 96 : index
            %get3A_549 = tpu.vector_load %arg9[%get3A_547, %get3A_548] {strides = array<i32>} : memref<8x128xf32, #tpu.memory_space<vmem>>, vector<16xf32>,
            %swap3A_550 = arith.constant 2 : i32
            %swap3A_551 = arith.index_cast %swap3A_550 : i32 to index
            %swap3A_552 = arith.constant 96 : index
            %swap3A_553 = tpu.vector_load %arg6[%swap3A_551, %swap3A_552] {strides = array<i32>} : memref<256x128xf32, #tpu.memory_space<vmem>>, vector<16xf32>,
            tpu.vector_store %arg6[%swap3A_551, %swap3A_552], %get3A_549 {strides = array<i32>} : memref<256x128xf32, #tpu.memory_space<vmem>>, vector<16xf32>,
            %get3A_554 = arith.index_cast %sub3A_504 : i32 to index
            %get3A_555 = arith.constant 112 : index
            %get3A_556 = tpu.vector_load %arg9[%get3A_554, %get3A_555] {strides = array<i32>} : memref<8x128xf32, #tpu.memory_space<vmem>>, vector<16xf32>,
            %swap3A_557 = arith.constant 2 : i32
            %swap3A_558 = arith.index_cast %swap3A_557 : i32 to index
            %swap3A_559 = arith.constant 112 : index
            %swap3A_560 = tpu.vector_load %arg6[%swap3A_558, %swap3A_559] {strides = array<i32>} : memref<256x128xf32, #tpu.memory_space<vmem>>, vector<16xf32>,
            tpu.vector_store %arg6[%swap3A_558, %swap3A_559], %get3A_556 {strides = array<i32>} : memref<256x128xf32, #tpu.memory_space<vmem>>, vector<16xf32>,
          } else {
          }
          %gt3A_440 = arith.constant 3 : i32
          %gt3A_441 = arith.cmpi sgt, %sub3A_92, %gt3A_440 : i32
          %convert_element_type3A_442 = arith.extui %gt3A_441 : i1 to i32
          %cond3A_443 = arith.constant 0 : i32
          %cond3A_444 = arith.cmpi ne, %convert_element_type3A_442, %cond3A_443 : i32
          scf.if %cond3A_444 {
            %get3A_465 = arith.constant 3 : index
            %get3A_466 = tpu.vector_load %arg8[%get3A_465] {strides = array<i32>} : memref<32xi32, #tpu.memory_space<vmem>>, vector<16xi32>,
            %slice3A_467 = vector.extract_strided_slice %get3A_466 {offsets = [0], sizes = [1], strides = [1]} : vector<16xi32> to vector<1xi32>
            %squeeze3A_468 = vector.extract %slice3A_467[0] : i32 from vector<1xi32>
            %mul3A_469 = arith.constant 512 : i32
            %mul3A_470 = arith.muli %add3A, %mul3A_469 : i32
            %add3A_471 = arith.addi %squeeze3A_468, %mul3A_470 : i32
            %jit3A_472 = arith.constant 8 : i32
            %div3A_473 = arith.divsi %add3A_471, %jit3A_472 : i32
            %sign3A_474 = arith.constant 0 : i32
            %sign3A_475 = arith.cmpi sgt, %add3A_471, %sign3A_474 : i32
            %sign3A_476 = arith.extui %sign3A_475 : i1 to i32
            %sign3A_477 = arith.constant 0 : i32
            %sign3A_478 = arith.cmpi slt, %add3A_471, %sign3A_477 : i32
            %sign3A_479 = arith.extui %sign3A_478 : i1 to i32
            %sign3A_480 = arith.subi %sign3A_476, %sign3A_479 : i32
            %sign3A_481 = arith.constant 0 : i32
            %sign3A_482 = arith.cmpi sgt, %jit3A_472, %sign3A_481 : i32
            %sign3A_483 = arith.extui %sign3A_482 : i1 to i32
            %sign3A_484 = arith.constant 0 : i32
            %sign3A_485 = arith.cmpi slt, %jit3A_472, %sign3A_484 : i32
            %sign3A_486 = arith.extui %sign3A_485 : i1 to i32
            %sign3A_487 = arith.subi %sign3A_483, %sign3A_486 : i32
            %ne3A_488 = arith.cmpi ne, %sign3A_480, %sign3A_487 : i32
            %rem3A_489 = arith.remsi %add3A_471, %jit3A_472 : i32
            %ne3A_490 = arith.constant 0 : i32
            %ne3A_491 = arith.cmpi ne, %rem3A_489, %ne3A_490 : i32
            %and3A_492 = arith.andi %ne3A_488, %ne3A_491 : i1
            %sub3A_493 = arith.constant 1 : i32
            %sub3A_494 = arith.subi %div3A_473, %sub3A_493 : i32
            %select_n3A_495 = arith.select %and3A_492, %sub3A_494, %div3A_473 : i32
            %mul3A_496 = arith.constant 8 : i32
            %mul3A_497 = arith.muli %select_n3A_495, %mul3A_496 : i32
            %dma_start3A = arith.constant 0 : i32
            %dma_start3A_498 = tpu.memref_slice %arg2[%mul3A_497, %dma_start3A] : memref<16400x128xf32, #tpu.memory_space<hbm>> -> memref<8x128xf32, #tpu.memory_space<hbm>>
            %dma_start3A_499 = arith.constant 0 : i32
            %dma_start3A_500 = tpu.memref_slice %arg2[%mul3A_497, %dma_start3A_499] : memref<16400x128xf32, #tpu.memory_space<hbm>> -> memref<8x128xf32, #tpu.memory_space<hbm>>
            tpu.enqueue_dma source(%dma_start3A_500 : memref<8x128xf32, #tpu.memory_space<hbm>>) target(%arg9 : memref<8x128xf32, #tpu.memory_space<vmem>>) target_semaphore(%arg10 : memref<!tpu.dma_semaphore, #tpu.memory_space<semaphore_mem>>)
            %dma_wait3A = arith.constant 0 : i32
            %dma_wait3A_501 = tpu.memref_slice %arg2[%mul3A_497, %dma_wait3A] : memref<16400x128xf32, #tpu.memory_space<hbm>> -> memref<8x128xf32, #tpu.memory_space<hbm>>
            %dma_wait3A_502 = arith.constant 0 : i32
            %dma_wait3A_503 = tpu.memref_slice %arg2[%mul3A_497, %dma_wait3A_502] : memref<16400x128xf32, #tpu.memory_space<hbm>> -> memref<8x128xf32, #tpu.memory_space<hbm>>
            tpu.wait_dma2 semaphore(%arg10 : memref<!tpu.dma_semaphore, #tpu.memory_space<semaphore_mem>>) src(%dma_wait3A_503 : memref<8x128xf32, #tpu.memory_space<hbm>>) dst(%arg9 : memref<8x128xf32, #tpu.memory_space<vmem>>)
            %sub3A_504 = arith.subi %add3A_471, %mul3A_497 : i32
            %get3A_505 = arith.index_cast %sub3A_504 : i32 to index
            %get3A_506 = arith.constant 0 : index
            %get3A_507 = tpu.vector_load %arg9[%get3A_505, %get3A_506] {strides = array<i32>} : memref<8x128xf32, #tpu.memory_space<vmem>>, vector<16xf32>,
            %swap3A_508 = arith.constant 3 : i32
            %swap3A_509 = arith.index_cast %swap3A_508 : i32 to index
            %swap3A_510 = arith.constant 0 : index
            %swap3A_511 = tpu.vector_load %arg6[%swap3A_509, %swap3A_510] {strides = array<i32>} : memref<256x128xf32, #tpu.memory_space<vmem>>, vector<16xf32>,
            tpu.vector_store %arg6[%swap3A_509, %swap3A_510], %get3A_507 {strides = array<i32>} : memref<256x128xf32, #tpu.memory_space<vmem>>, vector<16xf32>,
            %get3A_512 = arith.index_cast %sub3A_504 : i32 to index
            %get3A_513 = arith.constant 16 : index
            %get3A_514 = tpu.vector_load %arg9[%get3A_512, %get3A_513] {strides = array<i32>} : memref<8x128xf32, #tpu.memory_space<vmem>>, vector<16xf32>,
            %swap3A_515 = arith.constant 3 : i32
            %swap3A_516 = arith.index_cast %swap3A_515 : i32 to index
            %swap3A_517 = arith.constant 16 : index
            %swap3A_518 = tpu.vector_load %arg6[%swap3A_516, %swap3A_517] {strides = array<i32>} : memref<256x128xf32, #tpu.memory_space<vmem>>, vector<16xf32>,
            tpu.vector_store %arg6[%swap3A_516, %swap3A_517], %get3A_514 {strides = array<i32>} : memref<256x128xf32, #tpu.memory_space<vmem>>, vector<16xf32>,
            %get3A_519 = arith.index_cast %sub3A_504 : i32 to index
            %get3A_520 = arith.constant 32 : index
            %get3A_521 = tpu.vector_load %arg9[%get3A_519, %get3A_520] {strides = array<i32>} : memref<8x128xf32, #tpu.memory_space<vmem>>, vector<16xf32>,
            %swap3A_522 = arith.constant 3 : i32
            %swap3A_523 = arith.index_cast %swap3A_522 : i32 to index
            %swap3A_524 = arith.constant 32 : index
            %swap3A_525 = tpu.vector_load %arg6[%swap3A_523, %swap3A_524] {strides = array<i32>} : memref<256x128xf32, #tpu.memory_space<vmem>>, vector<16xf32>,
            tpu.vector_store %arg6[%swap3A_523, %swap3A_524], %get3A_521 {strides = array<i32>} : memref<256x128xf32, #tpu.memory_space<vmem>>, vector<16xf32>,
            %get3A_526 = arith.index_cast %sub3A_504 : i32 to index
            %get3A_527 = arith.constant 48 : index
            %get3A_528 = tpu.vector_load %arg9[%get3A_526, %get3A_527] {strides = array<i32>} : memref<8x128xf32, #tpu.memory_space<vmem>>, vector<16xf32>,
            %swap3A_529 = arith.constant 3 : i32
            %swap3A_530 = arith.index_cast %swap3A_529 : i32 to index
            %swap3A_531 = arith.constant 48 : index
            %swap3A_532 = tpu.vector_load %arg6[%swap3A_530, %swap3A_531] {strides = array<i32>} : memref<256x128xf32, #tpu.memory_space<vmem>>, vector<16xf32>,
            tpu.vector_store %arg6[%swap3A_530, %swap3A_531], %get3A_528 {strides = array<i32>} : memref<256x128xf32, #tpu.memory_space<vmem>>, vector<16xf32>,
            %get3A_533 = arith.index_cast %sub3A_504 : i32 to index
            %get3A_534 = arith.constant 64 : index
            %get3A_535 = tpu.vector_load %arg9[%get3A_533, %get3A_534] {strides = array<i32>} : memref<8x128xf32, #tpu.memory_space<vmem>>, vector<16xf32>,
            %swap3A_536 = arith.constant 3 : i32
            %swap3A_537 = arith.index_cast %swap3A_536 : i32 to index
            %swap3A_538 = arith.constant 64 : index
            %swap3A_539 = tpu.vector_load %arg6[%swap3A_537, %swap3A_538] {strides = array<i32>} : memref<256x128xf32, #tpu.memory_space<vmem>>, vector<16xf32>,
            tpu.vector_store %arg6[%swap3A_537, %swap3A_538], %get3A_535 {strides = array<i32>} : memref<256x128xf32, #tpu.memory_space<vmem>>, vector<16xf32>,
            %get3A_540 = arith.index_cast %sub3A_504 : i32 to index
            %get3A_541 = arith.constant 80 : index
            %get3A_542 = tpu.vector_load %arg9[%get3A_540, %get3A_541] {strides = array<i32>} : memref<8x128xf32, #tpu.memory_space<vmem>>, vector<16xf32>,
            %swap3A_543 = arith.constant 3 : i32
            %swap3A_544 = arith.index_cast %swap3A_543 : i32 to index
            %swap3A_545 = arith.constant 80 : index
            %swap3A_546 = tpu.vector_load %arg6[%swap3A_544, %swap3A_545] {strides = array<i32>} : memref<256x128xf32, #tpu.memory_space<vmem>>, vector<16xf32>,
            tpu.vector_store %arg6[%swap3A_544, %swap3A_545], %get3A_542 {strides = array<i32>} : memref<256x128xf32, #tpu.memory_space<vmem>>, vector<16xf32>,
            %get3A_547 = arith.index_cast %sub3A_504 : i32 to index
            %get3A_548 = arith.constant 96 : index
            %get3A_549 = tpu.vector_load %arg9[%get3A_547, %get3A_548] {strides = array<i32>} : memref<8x128xf32, #tpu.memory_space<vmem>>, vector<16xf32>,
            %swap3A_550 = arith.constant 3 : i32
            %swap3A_551 = arith.index_cast %swap3A_550 : i32 to index
            %swap3A_552 = arith.constant 96 : index
            %swap3A_553 = tpu.vector_load %arg6[%swap3A_551, %swap3A_552] {strides = array<i32>} : memref<256x128xf32, #tpu.memory_space<vmem>>, vector<16xf32>,
            tpu.vector_store %arg6[%swap3A_551, %swap3A_552], %get3A_549 {strides = array<i32>} : memref<256x128xf32, #tpu.memory_space<vmem>>, vector<16xf32>,
            %get3A_554 = arith.index_cast %sub3A_504 : i32 to index
            %get3A_555 = arith.constant 112 : index
            %get3A_556 = tpu.vector_load %arg9[%get3A_554, %get3A_555] {strides = array<i32>} : memref<8x128xf32, #tpu.memory_space<vmem>>, vector<16xf32>,
            %swap3A_557 = arith.constant 3 : i32
            %swap3A_558 = arith.index_cast %swap3A_557 : i32 to index
            %swap3A_559 = arith.constant 112 : index
            %swap3A_560 = tpu.vector_load %arg6[%swap3A_558, %swap3A_559] {strides = array<i32>} : memref<256x128xf32, #tpu.memory_space<vmem>>, vector<16xf32>,
            tpu.vector_store %arg6[%swap3A_558, %swap3A_559], %get3A_556 {strides = array<i32>} : memref<256x128xf32, #tpu.memory_space<vmem>>, vector<16xf32>,
          } else {
          }
          %gt3A_445 = arith.constant 4 : i32
          %gt3A_446 = arith.cmpi sgt, %sub3A_92, %gt3A_445 : i32
          %convert_element_type3A_447 = arith.extui %gt3A_446 : i1 to i32
          %cond3A_448 = arith.constant 0 : i32
          %cond3A_449 = arith.cmpi ne, %convert_element_type3A_447, %cond3A_448 : i32
          scf.if %cond3A_449 {
            %get3A_465 = arith.constant 4 : index
            %get3A_466 = tpu.vector_load %arg8[%get3A_465] {strides = array<i32>} : memref<32xi32, #tpu.memory_space<vmem>>, vector<16xi32>,
            %slice3A_467 = vector.extract_strided_slice %get3A_466 {offsets = [0], sizes = [1], strides = [1]} : vector<16xi32> to vector<1xi32>
            %squeeze3A_468 = vector.extract %slice3A_467[0] : i32 from vector<1xi32>
            %mul3A_469 = arith.constant 512 : i32
            %mul3A_470 = arith.muli %add3A, %mul3A_469 : i32
            %add3A_471 = arith.addi %squeeze3A_468, %mul3A_470 : i32
            %jit3A_472 = arith.constant 8 : i32
            %div3A_473 = arith.divsi %add3A_471, %jit3A_472 : i32
            %sign3A_474 = arith.constant 0 : i32
            %sign3A_475 = arith.cmpi sgt, %add3A_471, %sign3A_474 : i32
            %sign3A_476 = arith.extui %sign3A_475 : i1 to i32
            %sign3A_477 = arith.constant 0 : i32
            %sign3A_478 = arith.cmpi slt, %add3A_471, %sign3A_477 : i32
            %sign3A_479 = arith.extui %sign3A_478 : i1 to i32
            %sign3A_480 = arith.subi %sign3A_476, %sign3A_479 : i32
            %sign3A_481 = arith.constant 0 : i32
            %sign3A_482 = arith.cmpi sgt, %jit3A_472, %sign3A_481 : i32
            %sign3A_483 = arith.extui %sign3A_482 : i1 to i32
            %sign3A_484 = arith.constant 0 : i32
            %sign3A_485 = arith.cmpi slt, %jit3A_472, %sign3A_484 : i32
            %sign3A_486 = arith.extui %sign3A_485 : i1 to i32
            %sign3A_487 = arith.subi %sign3A_483, %sign3A_486 : i32
            %ne3A_488 = arith.cmpi ne, %sign3A_480, %sign3A_487 : i32
            %rem3A_489 = arith.remsi %add3A_471, %jit3A_472 : i32
            %ne3A_490 = arith.constant 0 : i32
            %ne3A_491 = arith.cmpi ne, %rem3A_489, %ne3A_490 : i32
            %and3A_492 = arith.andi %ne3A_488, %ne3A_491 : i1
            %sub3A_493 = arith.constant 1 : i32
            %sub3A_494 = arith.subi %div3A_473, %sub3A_493 : i32
            %select_n3A_495 = arith.select %and3A_492, %sub3A_494, %div3A_473 : i32
            %mul3A_496 = arith.constant 8 : i32
            %mul3A_497 = arith.muli %select_n3A_495, %mul3A_496 : i32
            %dma_start3A = arith.constant 0 : i32
            %dma_start3A_498 = tpu.memref_slice %arg2[%mul3A_497, %dma_start3A] : memref<16400x128xf32, #tpu.memory_space<hbm>> -> memref<8x128xf32, #tpu.memory_space<hbm>>
            %dma_start3A_499 = arith.constant 0 : i32
            %dma_start3A_500 = tpu.memref_slice %arg2[%mul3A_497, %dma_start3A_499] : memref<16400x128xf32, #tpu.memory_space<hbm>> -> memref<8x128xf32, #tpu.memory_space<hbm>>
            tpu.enqueue_dma source(%dma_start3A_500 : memref<8x128xf32, #tpu.memory_space<hbm>>) target(%arg9 : memref<8x128xf32, #tpu.memory_space<vmem>>) target_semaphore(%arg10 : memref<!tpu.dma_semaphore, #tpu.memory_space<semaphore_mem>>)
            %dma_wait3A = arith.constant 0 : i32
            %dma_wait3A_501 = tpu.memref_slice %arg2[%mul3A_497, %dma_wait3A] : memref<16400x128xf32, #tpu.memory_space<hbm>> -> memref<8x128xf32, #tpu.memory_space<hbm>>
            %dma_wait3A_502 = arith.constant 0 : i32
            %dma_wait3A_503 = tpu.memref_slice %arg2[%mul3A_497, %dma_wait3A_502] : memref<16400x128xf32, #tpu.memory_space<hbm>> -> memref<8x128xf32, #tpu.memory_space<hbm>>
            tpu.wait_dma2 semaphore(%arg10 : memref<!tpu.dma_semaphore, #tpu.memory_space<semaphore_mem>>) src(%dma_wait3A_503 : memref<8x128xf32, #tpu.memory_space<hbm>>) dst(%arg9 : memref<8x128xf32, #tpu.memory_space<vmem>>)
            %sub3A_504 = arith.subi %add3A_471, %mul3A_497 : i32
            %get3A_505 = arith.index_cast %sub3A_504 : i32 to index
            %get3A_506 = arith.constant 0 : index
            %get3A_507 = tpu.vector_load %arg9[%get3A_505, %get3A_506] {strides = array<i32>} : memref<8x128xf32, #tpu.memory_space<vmem>>, vector<16xf32>,
            %swap3A_508 = arith.constant 4 : i32
            %swap3A_509 = arith.index_cast %swap3A_508 : i32 to index
            %swap3A_510 = arith.constant 0 : index
            %swap3A_511 = tpu.vector_load %arg6[%swap3A_509, %swap3A_510] {strides = array<i32>} : memref<256x128xf32, #tpu.memory_space<vmem>>, vector<16xf32>,
            tpu.vector_store %arg6[%swap3A_509, %swap3A_510], %get3A_507 {strides = array<i32>} : memref<256x128xf32, #tpu.memory_space<vmem>>, vector<16xf32>,
            %get3A_512 = arith.index_cast %sub3A_504 : i32 to index
            %get3A_513 = arith.constant 16 : index
            %get3A_514 = tpu.vector_load %arg9[%get3A_512, %get3A_513] {strides = array<i32>} : memref<8x128xf32, #tpu.memory_space<vmem>>, vector<16xf32>,
            %swap3A_515 = arith.constant 4 : i32
            %swap3A_516 = arith.index_cast %swap3A_515 : i32 to index
            %swap3A_517 = arith.constant 16 : index
            %swap3A_518 = tpu.vector_load %arg6[%swap3A_516, %swap3A_517] {strides = array<i32>} : memref<256x128xf32, #tpu.memory_space<vmem>>, vector<16xf32>,
            tpu.vector_store %arg6[%swap3A_516, %swap3A_517], %get3A_514 {strides = array<i32>} : memref<256x128xf32, #tpu.memory_space<vmem>>, vector<16xf32>,
            %get3A_519 = arith.index_cast %sub3A_504 : i32 to index
            %get3A_520 = arith.constant 32 : index
            %get3A_521 = tpu.vector_load %arg9[%get3A_519, %get3A_520] {strides = array<i32>} : memref<8x128xf32, #tpu.memory_space<vmem>>, vector<16xf32>,
            %swap3A_522 = arith.constant 4 : i32
            %swap3A_523 = arith.index_cast %swap3A_522 : i32 to index
            %swap3A_524 = arith.constant 32 : index
            %swap3A_525 = tpu.vector_load %arg6[%swap3A_523, %swap3A_524] {strides = array<i32>} : memref<256x128xf32, #tpu.memory_space<vmem>>, vector<16xf32>,
            tpu.vector_store %arg6[%swap3A_523, %swap3A_524], %get3A_521 {strides = array<i32>} : memref<256x128xf32, #tpu.memory_space<vmem>>, vector<16xf32>,
            %get3A_526 = arith.index_cast %sub3A_504 : i32 to index
            %get3A_527 = arith.constant 48 : index
            %get3A_528 = tpu.vector_load %arg9[%get3A_526, %get3A_527] {strides = array<i32>} : memref<8x128xf32, #tpu.memory_space<vmem>>, vector<16xf32>,
            %swap3A_529 = arith.constant 4 : i32
            %swap3A_530 = arith.index_cast %swap3A_529 : i32 to index
            %swap3A_531 = arith.constant 48 : index
            %swap3A_532 = tpu.vector_load %arg6[%swap3A_530, %swap3A_531] {strides = array<i32>} : memref<256x128xf32, #tpu.memory_space<vmem>>, vector<16xf32>,
            tpu.vector_store %arg6[%swap3A_530, %swap3A_531], %get3A_528 {strides = array<i32>} : memref<256x128xf32, #tpu.memory_space<vmem>>, vector<16xf32>,
            %get3A_533 = arith.index_cast %sub3A_504 : i32 to index
            %get3A_534 = arith.constant 64 : index
            %get3A_535 = tpu.vector_load %arg9[%get3A_533, %get3A_534] {strides = array<i32>} : memref<8x128xf32, #tpu.memory_space<vmem>>, vector<16xf32>,
            %swap3A_536 = arith.constant 4 : i32
            %swap3A_537 = arith.index_cast %swap3A_536 : i32 to index
            %swap3A_538 = arith.constant 64 : index
            %swap3A_539 = tpu.vector_load %arg6[%swap3A_537, %swap3A_538] {strides = array<i32>} : memref<256x128xf32, #tpu.memory_space<vmem>>, vector<16xf32>,
            tpu.vector_store %arg6[%swap3A_537, %swap3A_538], %get3A_535 {strides = array<i32>} : memref<256x128xf32, #tpu.memory_space<vmem>>, vector<16xf32>,
            %get3A_540 = arith.index_cast %sub3A_504 : i32 to index
            %get3A_541 = arith.constant 80 : index
            %get3A_542 = tpu.vector_load %arg9[%get3A_540, %get3A_541] {strides = array<i32>} : memref<8x128xf32, #tpu.memory_space<vmem>>, vector<16xf32>,
            %swap3A_543 = arith.constant 4 : i32
            %swap3A_544 = arith.index_cast %swap3A_543 : i32 to index
            %swap3A_545 = arith.constant 80 : index
            %swap3A_546 = tpu.vector_load %arg6[%swap3A_544, %swap3A_545] {strides = array<i32>} : memref<256x128xf32, #tpu.memory_space<vmem>>, vector<16xf32>,
            tpu.vector_store %arg6[%swap3A_544, %swap3A_545], %get3A_542 {strides = array<i32>} : memref<256x128xf32, #tpu.memory_space<vmem>>, vector<16xf32>,
            %get3A_547 = arith.index_cast %sub3A_504 : i32 to index
            %get3A_548 = arith.constant 96 : index
            %get3A_549 = tpu.vector_load %arg9[%get3A_547, %get3A_548] {strides = array<i32>} : memref<8x128xf32, #tpu.memory_space<vmem>>, vector<16xf32>,
            %swap3A_550 = arith.constant 4 : i32
            %swap3A_551 = arith.index_cast %swap3A_550 : i32 to index
            %swap3A_552 = arith.constant 96 : index
            %swap3A_553 = tpu.vector_load %arg6[%swap3A_551, %swap3A_552] {strides = array<i32>} : memref<256x128xf32, #tpu.memory_space<vmem>>, vector<16xf32>,
            tpu.vector_store %arg6[%swap3A_551, %swap3A_552], %get3A_549 {strides = array<i32>} : memref<256x128xf32, #tpu.memory_space<vmem>>, vector<16xf32>,
            %get3A_554 = arith.index_cast %sub3A_504 : i32 to index
            %get3A_555 = arith.constant 112 : index
            %get3A_556 = tpu.vector_load %arg9[%get3A_554, %get3A_555] {strides = array<i32>} : memref<8x128xf32, #tpu.memory_space<vmem>>, vector<16xf32>,
            %swap3A_557 = arith.constant 4 : i32
            %swap3A_558 = arith.index_cast %swap3A_557 : i32 to index
            %swap3A_559 = arith.constant 112 : index
            %swap3A_560 = tpu.vector_load %arg6[%swap3A_558, %swap3A_559] {strides = array<i32>} : memref<256x128xf32, #tpu.memory_space<vmem>>, vector<16xf32>,
            tpu.vector_store %arg6[%swap3A_558, %swap3A_559], %get3A_556 {strides = array<i32>} : memref<256x128xf32, #tpu.memory_space<vmem>>, vector<16xf32>,
          } else {
          }
          %gt3A_450 = arith.constant 5 : i32
          %gt3A_451 = arith.cmpi sgt, %sub3A_92, %gt3A_450 : i32
          %convert_element_type3A_452 = arith.extui %gt3A_451 : i1 to i32
          %cond3A_453 = arith.constant 0 : i32
          %cond3A_454 = arith.cmpi ne, %convert_element_type3A_452, %cond3A_453 : i32
          scf.if %cond3A_454 {
            %get3A_465 = arith.constant 5 : index
            %get3A_466 = tpu.vector_load %arg8[%get3A_465] {strides = array<i32>} : memref<32xi32, #tpu.memory_space<vmem>>, vector<16xi32>,
            %slice3A_467 = vector.extract_strided_slice %get3A_466 {offsets = [0], sizes = [1], strides = [1]} : vector<16xi32> to vector<1xi32>
            %squeeze3A_468 = vector.extract %slice3A_467[0] : i32 from vector<1xi32>
            %mul3A_469 = arith.constant 512 : i32
            %mul3A_470 = arith.muli %add3A, %mul3A_469 : i32
            %add3A_471 = arith.addi %squeeze3A_468, %mul3A_470 : i32
            %jit3A_472 = arith.constant 8 : i32
            %div3A_473 = arith.divsi %add3A_471, %jit3A_472 : i32
            %sign3A_474 = arith.constant 0 : i32
            %sign3A_475 = arith.cmpi sgt, %add3A_471, %sign3A_474 : i32
            %sign3A_476 = arith.extui %sign3A_475 : i1 to i32
            %sign3A_477 = arith.constant 0 : i32
            %sign3A_478 = arith.cmpi slt, %add3A_471, %sign3A_477 : i32
            %sign3A_479 = arith.extui %sign3A_478 : i1 to i32
            %sign3A_480 = arith.subi %sign3A_476, %sign3A_479 : i32
            %sign3A_481 = arith.constant 0 : i32
            %sign3A_482 = arith.cmpi sgt, %jit3A_472, %sign3A_481 : i32
            %sign3A_483 = arith.extui %sign3A_482 : i1 to i32
            %sign3A_484 = arith.constant 0 : i32
            %sign3A_485 = arith.cmpi slt, %jit3A_472, %sign3A_484 : i32
            %sign3A_486 = arith.extui %sign3A_485 : i1 to i32
            %sign3A_487 = arith.subi %sign3A_483, %sign3A_486 : i32
            %ne3A_488 = arith.cmpi ne, %sign3A_480, %sign3A_487 : i32
            %rem3A_489 = arith.remsi %add3A_471, %jit3A_472 : i32
            %ne3A_490 = arith.constant 0 : i32
            %ne3A_491 = arith.cmpi ne, %rem3A_489, %ne3A_490 : i32
            %and3A_492 = arith.andi %ne3A_488, %ne3A_491 : i1
            %sub3A_493 = arith.constant 1 : i32
            %sub3A_494 = arith.subi %div3A_473, %sub3A_493 : i32
            %select_n3A_495 = arith.select %and3A_492, %sub3A_494, %div3A_473 : i32
            %mul3A_496 = arith.constant 8 : i32
            %mul3A_497 = arith.muli %select_n3A_495, %mul3A_496 : i32
            %dma_start3A = arith.constant 0 : i32
            %dma_start3A_498 = tpu.memref_slice %arg2[%mul3A_497, %dma_start3A] : memref<16400x128xf32, #tpu.memory_space<hbm>> -> memref<8x128xf32, #tpu.memory_space<hbm>>
            %dma_start3A_499 = arith.constant 0 : i32
            %dma_start3A_500 = tpu.memref_slice %arg2[%mul3A_497, %dma_start3A_499] : memref<16400x128xf32, #tpu.memory_space<hbm>> -> memref<8x128xf32, #tpu.memory_space<hbm>>
            tpu.enqueue_dma source(%dma_start3A_500 : memref<8x128xf32, #tpu.memory_space<hbm>>) target(%arg9 : memref<8x128xf32, #tpu.memory_space<vmem>>) target_semaphore(%arg10 : memref<!tpu.dma_semaphore, #tpu.memory_space<semaphore_mem>>)
            %dma_wait3A = arith.constant 0 : i32
            %dma_wait3A_501 = tpu.memref_slice %arg2[%mul3A_497, %dma_wait3A] : memref<16400x128xf32, #tpu.memory_space<hbm>> -> memref<8x128xf32, #tpu.memory_space<hbm>>
            %dma_wait3A_502 = arith.constant 0 : i32
            %dma_wait3A_503 = tpu.memref_slice %arg2[%mul3A_497, %dma_wait3A_502] : memref<16400x128xf32, #tpu.memory_space<hbm>> -> memref<8x128xf32, #tpu.memory_space<hbm>>
            tpu.wait_dma2 semaphore(%arg10 : memref<!tpu.dma_semaphore, #tpu.memory_space<semaphore_mem>>) src(%dma_wait3A_503 : memref<8x128xf32, #tpu.memory_space<hbm>>) dst(%arg9 : memref<8x128xf32, #tpu.memory_space<vmem>>)
            %sub3A_504 = arith.subi %add3A_471, %mul3A_497 : i32
            %get3A_505 = arith.index_cast %sub3A_504 : i32 to index
            %get3A_506 = arith.constant 0 : index
            %get3A_507 = tpu.vector_load %arg9[%get3A_505, %get3A_506] {strides = array<i32>} : memref<8x128xf32, #tpu.memory_space<vmem>>, vector<16xf32>,
            %swap3A_508 = arith.constant 5 : i32
            %swap3A_509 = arith.index_cast %swap3A_508 : i32 to index
            %swap3A_510 = arith.constant 0 : index
            %swap3A_511 = tpu.vector_load %arg6[%swap3A_509, %swap3A_510] {strides = array<i32>} : memref<256x128xf32, #tpu.memory_space<vmem>>, vector<16xf32>,
            tpu.vector_store %arg6[%swap3A_509, %swap3A_510], %get3A_507 {strides = array<i32>} : memref<256x128xf32, #tpu.memory_space<vmem>>, vector<16xf32>,
            %get3A_512 = arith.index_cast %sub3A_504 : i32 to index
            %get3A_513 = arith.constant 16 : index
            %get3A_514 = tpu.vector_load %arg9[%get3A_512, %get3A_513] {strides = array<i32>} : memref<8x128xf32, #tpu.memory_space<vmem>>, vector<16xf32>,
            %swap3A_515 = arith.constant 5 : i32
            %swap3A_516 = arith.index_cast %swap3A_515 : i32 to index
            %swap3A_517 = arith.constant 16 : index
            %swap3A_518 = tpu.vector_load %arg6[%swap3A_516, %swap3A_517] {strides = array<i32>} : memref<256x128xf32, #tpu.memory_space<vmem>>, vector<16xf32>,
            tpu.vector_store %arg6[%swap3A_516, %swap3A_517], %get3A_514 {strides = array<i32>} : memref<256x128xf32, #tpu.memory_space<vmem>>, vector<16xf32>,
            %get3A_519 = arith.index_cast %sub3A_504 : i32 to index
            %get3A_520 = arith.constant 32 : index
            %get3A_521 = tpu.vector_load %arg9[%get3A_519, %get3A_520] {strides = array<i32>} : memref<8x128xf32, #tpu.memory_space<vmem>>, vector<16xf32>,
            %swap3A_522 = arith.constant 5 : i32
            %swap3A_523 = arith.index_cast %swap3A_522 : i32 to index
            %swap3A_524 = arith.constant 32 : index
            %swap3A_525 = tpu.vector_load %arg6[%swap3A_523, %swap3A_524] {strides = array<i32>} : memref<256x128xf32, #tpu.memory_space<vmem>>, vector<16xf32>,
            tpu.vector_store %arg6[%swap3A_523, %swap3A_524], %get3A_521 {strides = array<i32>} : memref<256x128xf32, #tpu.memory_space<vmem>>, vector<16xf32>,
            %get3A_526 = arith.index_cast %sub3A_504 : i32 to index
            %get3A_527 = arith.constant 48 : index
            %get3A_528 = tpu.vector_load %arg9[%get3A_526, %get3A_527] {strides = array<i32>} : memref<8x128xf32, #tpu.memory_space<vmem>>, vector<16xf32>,
            %swap3A_529 = arith.constant 5 : i32
            %swap3A_530 = arith.index_cast %swap3A_529 : i32 to index
            %swap3A_531 = arith.constant 48 : index
            %swap3A_532 = tpu.vector_load %arg6[%swap3A_530, %swap3A_531] {strides = array<i32>} : memref<256x128xf32, #tpu.memory_space<vmem>>, vector<16xf32>,
            tpu.vector_store %arg6[%swap3A_530, %swap3A_531], %get3A_528 {strides = array<i32>} : memref<256x128xf32, #tpu.memory_space<vmem>>, vector<16xf32>,
            %get3A_533 = arith.index_cast %sub3A_504 : i32 to index
            %get3A_534 = arith.constant 64 : index
            %get3A_535 = tpu.vector_load %arg9[%get3A_533, %get3A_534] {strides = array<i32>} : memref<8x128xf32, #tpu.memory_space<vmem>>, vector<16xf32>,
            %swap3A_536 = arith.constant 5 : i32
            %swap3A_537 = arith.index_cast %swap3A_536 : i32 to index
            %swap3A_538 = arith.constant 64 : index
            %swap3A_539 = tpu.vector_load %arg6[%swap3A_537, %swap3A_538] {strides = array<i32>} : memref<256x128xf32, #tpu.memory_space<vmem>>, vector<16xf32>,
            tpu.vector_store %arg6[%swap3A_537, %swap3A_538], %get3A_535 {strides = array<i32>} : memref<256x128xf32, #tpu.memory_space<vmem>>, vector<16xf32>,
            %get3A_540 = arith.index_cast %sub3A_504 : i32 to index
            %get3A_541 = arith.constant 80 : index
            %get3A_542 = tpu.vector_load %arg9[%get3A_540, %get3A_541] {strides = array<i32>} : memref<8x128xf32, #tpu.memory_space<vmem>>, vector<16xf32>,
            %swap3A_543 = arith.constant 5 : i32
            %swap3A_544 = arith.index_cast %swap3A_543 : i32 to index
            %swap3A_545 = arith.constant 80 : index
            %swap3A_546 = tpu.vector_load %arg6[%swap3A_544, %swap3A_545] {strides = array<i32>} : memref<256x128xf32, #tpu.memory_space<vmem>>, vector<16xf32>,
            tpu.vector_store %arg6[%swap3A_544, %swap3A_545], %get3A_542 {strides = array<i32>} : memref<256x128xf32, #tpu.memory_space<vmem>>, vector<16xf32>,
            %get3A_547 = arith.index_cast %sub3A_504 : i32 to index
            %get3A_548 = arith.constant 96 : index
            %get3A_549 = tpu.vector_load %arg9[%get3A_547, %get3A_548] {strides = array<i32>} : memref<8x128xf32, #tpu.memory_space<vmem>>, vector<16xf32>,
            %swap3A_550 = arith.constant 5 : i32
            %swap3A_551 = arith.index_cast %swap3A_550 : i32 to index
            %swap3A_552 = arith.constant 96 : index
            %swap3A_553 = tpu.vector_load %arg6[%swap3A_551, %swap3A_552] {strides = array<i32>} : memref<256x128xf32, #tpu.memory_space<vmem>>, vector<16xf32>,
            tpu.vector_store %arg6[%swap3A_551, %swap3A_552], %get3A_549 {strides = array<i32>} : memref<256x128xf32, #tpu.memory_space<vmem>>, vector<16xf32>,
            %get3A_554 = arith.index_cast %sub3A_504 : i32 to index
            %get3A_555 = arith.constant 112 : index
            %get3A_556 = tpu.vector_load %arg9[%get3A_554, %get3A_555] {strides = array<i32>} : memref<8x128xf32, #tpu.memory_space<vmem>>, vector<16xf32>,
            %swap3A_557 = arith.constant 5 : i32
            %swap3A_558 = arith.index_cast %swap3A_557 : i32 to index
            %swap3A_559 = arith.constant 112 : index
            %swap3A_560 = tpu.vector_load %arg6[%swap3A_558, %swap3A_559] {strides = array<i32>} : memref<256x128xf32, #tpu.memory_space<vmem>>, vector<16xf32>,
            tpu.vector_store %arg6[%swap3A_558, %swap3A_559], %get3A_556 {strides = array<i32>} : memref<256x128xf32, #tpu.memory_space<vmem>>, vector<16xf32>,
          } else {
          }
          %gt3A_455 = arith.constant 6 : i32
          %gt3A_456 = arith.cmpi sgt, %sub3A_92, %gt3A_455 : i32
          %convert_element_type3A_457 = arith.extui %gt3A_456 : i1 to i32
          %cond3A_458 = arith.constant 0 : i32
          %cond3A_459 = arith.cmpi ne, %convert_element_type3A_457, %cond3A_458 : i32
          scf.if %cond3A_459 {
            %get3A_465 = arith.constant 6 : index
            %get3A_466 = tpu.vector_load %arg8[%get3A_465] {strides = array<i32>} : memref<32xi32, #tpu.memory_space<vmem>>, vector<16xi32>,
            %slice3A_467 = vector.extract_strided_slice %get3A_466 {offsets = [0], sizes = [1], strides = [1]} : vector<16xi32> to vector<1xi32>
            %squeeze3A_468 = vector.extract %slice3A_467[0] : i32 from vector<1xi32>
            %mul3A_469 = arith.constant 512 : i32
            %mul3A_470 = arith.muli %add3A, %mul3A_469 : i32
            %add3A_471 = arith.addi %squeeze3A_468, %mul3A_470 : i32
            %jit3A_472 = arith.constant 8 : i32
            %div3A_473 = arith.divsi %add3A_471, %jit3A_472 : i32
            %sign3A_474 = arith.constant 0 : i32
            %sign3A_475 = arith.cmpi sgt, %add3A_471, %sign3A_474 : i32
            %sign3A_476 = arith.extui %sign3A_475 : i1 to i32
            %sign3A_477 = arith.constant 0 : i32
            %sign3A_478 = arith.cmpi slt, %add3A_471, %sign3A_477 : i32
            %sign3A_479 = arith.extui %sign3A_478 : i1 to i32
            %sign3A_480 = arith.subi %sign3A_476, %sign3A_479 : i32
            %sign3A_481 = arith.constant 0 : i32
            %sign3A_482 = arith.cmpi sgt, %jit3A_472, %sign3A_481 : i32
            %sign3A_483 = arith.extui %sign3A_482 : i1 to i32
            %sign3A_484 = arith.constant 0 : i32
            %sign3A_485 = arith.cmpi slt, %jit3A_472, %sign3A_484 : i32
            %sign3A_486 = arith.extui %sign3A_485 : i1 to i32
            %sign3A_487 = arith.subi %sign3A_483, %sign3A_486 : i32
            %ne3A_488 = arith.cmpi ne, %sign3A_480, %sign3A_487 : i32
            %rem3A_489 = arith.remsi %add3A_471, %jit3A_472 : i32
            %ne3A_490 = arith.constant 0 : i32
            %ne3A_491 = arith.cmpi ne, %rem3A_489, %ne3A_490 : i32
            %and3A_492 = arith.andi %ne3A_488, %ne3A_491 : i1
            %sub3A_493 = arith.constant 1 : i32
            %sub3A_494 = arith.subi %div3A_473, %sub3A_493 : i32
            %select_n3A_495 = arith.select %and3A_492, %sub3A_494, %div3A_473 : i32
            %mul3A_496 = arith.constant 8 : i32
            %mul3A_497 = arith.muli %select_n3A_495, %mul3A_496 : i32
            %dma_start3A = arith.constant 0 : i32
            %dma_start3A_498 = tpu.memref_slice %arg2[%mul3A_497, %dma_start3A] : memref<16400x128xf32, #tpu.memory_space<hbm>> -> memref<8x128xf32, #tpu.memory_space<hbm>>
            %dma_start3A_499 = arith.constant 0 : i32
            %dma_start3A_500 = tpu.memref_slice %arg2[%mul3A_497, %dma_start3A_499] : memref<16400x128xf32, #tpu.memory_space<hbm>> -> memref<8x128xf32, #tpu.memory_space<hbm>>
            tpu.enqueue_dma source(%dma_start3A_500 : memref<8x128xf32, #tpu.memory_space<hbm>>) target(%arg9 : memref<8x128xf32, #tpu.memory_space<vmem>>) target_semaphore(%arg10 : memref<!tpu.dma_semaphore, #tpu.memory_space<semaphore_mem>>)
            %dma_wait3A = arith.constant 0 : i32
            %dma_wait3A_501 = tpu.memref_slice %arg2[%mul3A_497, %dma_wait3A] : memref<16400x128xf32, #tpu.memory_space<hbm>> -> memref<8x128xf32, #tpu.memory_space<hbm>>
            %dma_wait3A_502 = arith.constant 0 : i32
            %dma_wait3A_503 = tpu.memref_slice %arg2[%mul3A_497, %dma_wait3A_502] : memref<16400x128xf32, #tpu.memory_space<hbm>> -> memref<8x128xf32, #tpu.memory_space<hbm>>
            tpu.wait_dma2 semaphore(%arg10 : memref<!tpu.dma_semaphore, #tpu.memory_space<semaphore_mem>>) src(%dma_wait3A_503 : memref<8x128xf32, #tpu.memory_space<hbm>>) dst(%arg9 : memref<8x128xf32, #tpu.memory_space<vmem>>)
            %sub3A_504 = arith.subi %add3A_471, %mul3A_497 : i32
            %get3A_505 = arith.index_cast %sub3A_504 : i32 to index
            %get3A_506 = arith.constant 0 : index
            %get3A_507 = tpu.vector_load %arg9[%get3A_505, %get3A_506] {strides = array<i32>} : memref<8x128xf32, #tpu.memory_space<vmem>>, vector<16xf32>,
            %swap3A_508 = arith.constant 6 : i32
            %swap3A_509 = arith.index_cast %swap3A_508 : i32 to index
            %swap3A_510 = arith.constant 0 : index
            %swap3A_511 = tpu.vector_load %arg6[%swap3A_509, %swap3A_510] {strides = array<i32>} : memref<256x128xf32, #tpu.memory_space<vmem>>, vector<16xf32>,
            tpu.vector_store %arg6[%swap3A_509, %swap3A_510], %get3A_507 {strides = array<i32>} : memref<256x128xf32, #tpu.memory_space<vmem>>, vector<16xf32>,
            %get3A_512 = arith.index_cast %sub3A_504 : i32 to index
            %get3A_513 = arith.constant 16 : index
            %get3A_514 = tpu.vector_load %arg9[%get3A_512, %get3A_513] {strides = array<i32>} : memref<8x128xf32, #tpu.memory_space<vmem>>, vector<16xf32>,
            %swap3A_515 = arith.constant 6 : i32
            %swap3A_516 = arith.index_cast %swap3A_515 : i32 to index
            %swap3A_517 = arith.constant 16 : index
            %swap3A_518 = tpu.vector_load %arg6[%swap3A_516, %swap3A_517] {strides = array<i32>} : memref<256x128xf32, #tpu.memory_space<vmem>>, vector<16xf32>,
            tpu.vector_store %arg6[%swap3A_516, %swap3A_517], %get3A_514 {strides = array<i32>} : memref<256x128xf32, #tpu.memory_space<vmem>>, vector<16xf32>,
            %get3A_519 = arith.index_cast %sub3A_504 : i32 to index
            %get3A_520 = arith.constant 32 : index
            %get3A_521 = tpu.vector_load %arg9[%get3A_519, %get3A_520] {strides = array<i32>} : memref<8x128xf32, #tpu.memory_space<vmem>>, vector<16xf32>,
            %swap3A_522 = arith.constant 6 : i32
            %swap3A_523 = arith.index_cast %swap3A_522 : i32 to index
            %swap3A_524 = arith.constant 32 : index
            %swap3A_525 = tpu.vector_load %arg6[%swap3A_523, %swap3A_524] {strides = array<i32>} : memref<256x128xf32, #tpu.memory_space<vmem>>, vector<16xf32>,
            tpu.vector_store %arg6[%swap3A_523, %swap3A_524], %get3A_521 {strides = array<i32>} : memref<256x128xf32, #tpu.memory_space<vmem>>, vector<16xf32>,
            %get3A_526 = arith.index_cast %sub3A_504 : i32 to index
            %get3A_527 = arith.constant 48 : index
            %get3A_528 = tpu.vector_load %arg9[%get3A_526, %get3A_527] {strides = array<i32>} : memref<8x128xf32, #tpu.memory_space<vmem>>, vector<16xf32>,
            %swap3A_529 = arith.constant 6 : i32
            %swap3A_530 = arith.index_cast %swap3A_529 : i32 to index
            %swap3A_531 = arith.constant 48 : index
            %swap3A_532 = tpu.vector_load %arg6[%swap3A_530, %swap3A_531] {strides = array<i32>} : memref<256x128xf32, #tpu.memory_space<vmem>>, vector<16xf32>,
            tpu.vector_store %arg6[%swap3A_530, %swap3A_531], %get3A_528 {strides = array<i32>} : memref<256x128xf32, #tpu.memory_space<vmem>>, vector<16xf32>,
            %get3A_533 = arith.index_cast %sub3A_504 : i32 to index
            %get3A_534 = arith.constant 64 : index
            %get3A_535 = tpu.vector_load %arg9[%get3A_533, %get3A_534] {strides = array<i32>} : memref<8x128xf32, #tpu.memory_space<vmem>>, vector<16xf32>,
            %swap3A_536 = arith.constant 6 : i32
            %swap3A_537 = arith.index_cast %swap3A_536 : i32 to index
            %swap3A_538 = arith.constant 64 : index
            %swap3A_539 = tpu.vector_load %arg6[%swap3A_537, %swap3A_538] {strides = array<i32>} : memref<256x128xf32, #tpu.memory_space<vmem>>, vector<16xf32>,
            tpu.vector_store %arg6[%swap3A_537, %swap3A_538], %get3A_535 {strides = array<i32>} : memref<256x128xf32, #tpu.memory_space<vmem>>, vector<16xf32>,
            %get3A_540 = arith.index_cast %sub3A_504 : i32 to index
            %get3A_541 = arith.constant 80 : index
            %get3A_542 = tpu.vector_load %arg9[%get3A_540, %get3A_541] {strides = array<i32>} : memref<8x128xf32, #tpu.memory_space<vmem>>, vector<16xf32>,
            %swap3A_543 = arith.constant 6 : i32
            %swap3A_544 = arith.index_cast %swap3A_543 : i32 to index
            %swap3A_545 = arith.constant 80 : index
            %swap3A_546 = tpu.vector_load %arg6[%swap3A_544, %swap3A_545] {strides = array<i32>} : memref<256x128xf32, #tpu.memory_space<vmem>>, vector<16xf32>,
            tpu.vector_store %arg6[%swap3A_544, %swap3A_545], %get3A_542 {strides = array<i32>} : memref<256x128xf32, #tpu.memory_space<vmem>>, vector<16xf32>,
            %get3A_547 = arith.index_cast %sub3A_504 : i32 to index
            %get3A_548 = arith.constant 96 : index
            %get3A_549 = tpu.vector_load %arg9[%get3A_547, %get3A_548] {strides = array<i32>} : memref<8x128xf32, #tpu.memory_space<vmem>>, vector<16xf32>,
            %swap3A_550 = arith.constant 6 : i32
            %swap3A_551 = arith.index_cast %swap3A_550 : i32 to index
            %swap3A_552 = arith.constant 96 : index
            %swap3A_553 = tpu.vector_load %arg6[%swap3A_551, %swap3A_552] {strides = array<i32>} : memref<256x128xf32, #tpu.memory_space<vmem>>, vector<16xf32>,
            tpu.vector_store %arg6[%swap3A_551, %swap3A_552], %get3A_549 {strides = array<i32>} : memref<256x128xf32, #tpu.memory_space<vmem>>, vector<16xf32>,
            %get3A_554 = arith.index_cast %sub3A_504 : i32 to index
            %get3A_555 = arith.constant 112 : index
            %get3A_556 = tpu.vector_load %arg9[%get3A_554, %get3A_555] {strides = array<i32>} : memref<8x128xf32, #tpu.memory_space<vmem>>, vector<16xf32>,
            %swap3A_557 = arith.constant 6 : i32
            %swap3A_558 = arith.index_cast %swap3A_557 : i32 to index
            %swap3A_559 = arith.constant 112 : index
            %swap3A_560 = tpu.vector_load %arg6[%swap3A_558, %swap3A_559] {strides = array<i32>} : memref<256x128xf32, #tpu.memory_space<vmem>>, vector<16xf32>,
            tpu.vector_store %arg6[%swap3A_558, %swap3A_559], %get3A_556 {strides = array<i32>} : memref<256x128xf32, #tpu.memory_space<vmem>>, vector<16xf32>,
          } else {
          }
          %gt3A_460 = arith.constant 7 : i32
          %gt3A_461 = arith.cmpi sgt, %sub3A_92, %gt3A_460 : i32
          %convert_element_type3A_462 = arith.extui %gt3A_461 : i1 to i32
          %cond3A_463 = arith.constant 0 : i32
          %cond3A_464 = arith.cmpi ne, %convert_element_type3A_462, %cond3A_463 : i32
          scf.if %cond3A_464 {
            %get3A_465 = arith.constant 7 : index
            %get3A_466 = tpu.vector_load %arg8[%get3A_465] {strides = array<i32>} : memref<32xi32, #tpu.memory_space<vmem>>, vector<16xi32>,
            %slice3A_467 = vector.extract_strided_slice %get3A_466 {offsets = [0], sizes = [1], strides = [1]} : vector<16xi32> to vector<1xi32>
            %squeeze3A_468 = vector.extract %slice3A_467[0] : i32 from vector<1xi32>
            %mul3A_469 = arith.constant 512 : i32
            %mul3A_470 = arith.muli %add3A, %mul3A_469 : i32
            %add3A_471 = arith.addi %squeeze3A_468, %mul3A_470 : i32
            %jit3A_472 = arith.constant 8 : i32
            %div3A_473 = arith.divsi %add3A_471, %jit3A_472 : i32
            %sign3A_474 = arith.constant 0 : i32
            %sign3A_475 = arith.cmpi sgt, %add3A_471, %sign3A_474 : i32
            %sign3A_476 = arith.extui %sign3A_475 : i1 to i32
            %sign3A_477 = arith.constant 0 : i32
            %sign3A_478 = arith.cmpi slt, %add3A_471, %sign3A_477 : i32
            %sign3A_479 = arith.extui %sign3A_478 : i1 to i32
            %sign3A_480 = arith.subi %sign3A_476, %sign3A_479 : i32
            %sign3A_481 = arith.constant 0 : i32
            %sign3A_482 = arith.cmpi sgt, %jit3A_472, %sign3A_481 : i32
            %sign3A_483 = arith.extui %sign3A_482 : i1 to i32
            %sign3A_484 = arith.constant 0 : i32
            %sign3A_485 = arith.cmpi slt, %jit3A_472, %sign3A_484 : i32
            %sign3A_486 = arith.extui %sign3A_485 : i1 to i32
            %sign3A_487 = arith.subi %sign3A_483, %sign3A_486 : i32
            %ne3A_488 = arith.cmpi ne, %sign3A_480, %sign3A_487 : i32
            %rem3A_489 = arith.remsi %add3A_471, %jit3A_472 : i32
            %ne3A_490 = arith.constant 0 : i32
            %ne3A_491 = arith.cmpi ne, %rem3A_489, %ne3A_490 : i32
            %and3A_492 = arith.andi %ne3A_488, %ne3A_491 : i1
            %sub3A_493 = arith.constant 1 : i32
            %sub3A_494 = arith.subi %div3A_473, %sub3A_493 : i32
            %select_n3A_495 = arith.select %and3A_492, %sub3A_494, %div3A_473 : i32
            %mul3A_496 = arith.constant 8 : i32
            %mul3A_497 = arith.muli %select_n3A_495, %mul3A_496 : i32
            %dma_start3A = arith.constant 0 : i32
            %dma_start3A_498 = tpu.memref_slice %arg2[%mul3A_497, %dma_start3A] : memref<16400x128xf32, #tpu.memory_space<hbm>> -> memref<8x128xf32, #tpu.memory_space<hbm>>
            %dma_start3A_499 = arith.constant 0 : i32
            %dma_start3A_500 = tpu.memref_slice %arg2[%mul3A_497, %dma_start3A_499] : memref<16400x128xf32, #tpu.memory_space<hbm>> -> memref<8x128xf32, #tpu.memory_space<hbm>>
            tpu.enqueue_dma source(%dma_start3A_500 : memref<8x128xf32, #tpu.memory_space<hbm>>) target(%arg9 : memref<8x128xf32, #tpu.memory_space<vmem>>) target_semaphore(%arg10 : memref<!tpu.dma_semaphore, #tpu.memory_space<semaphore_mem>>)
            %dma_wait3A = arith.constant 0 : i32
            %dma_wait3A_501 = tpu.memref_slice %arg2[%mul3A_497, %dma_wait3A] : memref<16400x128xf32, #tpu.memory_space<hbm>> -> memref<8x128xf32, #tpu.memory_space<hbm>>
            %dma_wait3A_502 = arith.constant 0 : i32
            %dma_wait3A_503 = tpu.memref_slice %arg2[%mul3A_497, %dma_wait3A_502] : memref<16400x128xf32, #tpu.memory_space<hbm>> -> memref<8x128xf32, #tpu.memory_space<hbm>>
            tpu.wait_dma2 semaphore(%arg10 : memref<!tpu.dma_semaphore, #tpu.memory_space<semaphore_mem>>) src(%dma_wait3A_503 : memref<8x128xf32, #tpu.memory_space<hbm>>) dst(%arg9 : memref<8x128xf32, #tpu.memory_space<vmem>>)
            %sub3A_504 = arith.subi %add3A_471, %mul3A_497 : i32
            %get3A_505 = arith.index_cast %sub3A_504 : i32 to index
            %get3A_506 = arith.constant 0 : index
            %get3A_507 = tpu.vector_load %arg9[%get3A_505, %get3A_506] {strides = array<i32>} : memref<8x128xf32, #tpu.memory_space<vmem>>, vector<16xf32>,
            %swap3A_508 = arith.constant 7 : i32
            %swap3A_509 = arith.index_cast %swap3A_508 : i32 to index
            %swap3A_510 = arith.constant 0 : index
            %swap3A_511 = tpu.vector_load %arg6[%swap3A_509, %swap3A_510] {strides = array<i32>} : memref<256x128xf32, #tpu.memory_space<vmem>>, vector<16xf32>,
            tpu.vector_store %arg6[%swap3A_509, %swap3A_510], %get3A_507 {strides = array<i32>} : memref<256x128xf32, #tpu.memory_space<vmem>>, vector<16xf32>,
            %get3A_512 = arith.index_cast %sub3A_504 : i32 to index
            %get3A_513 = arith.constant 16 : index
            %get3A_514 = tpu.vector_load %arg9[%get3A_512, %get3A_513] {strides = array<i32>} : memref<8x128xf32, #tpu.memory_space<vmem>>, vector<16xf32>,
            %swap3A_515 = arith.constant 7 : i32
            %swap3A_516 = arith.index_cast %swap3A_515 : i32 to index
            %swap3A_517 = arith.constant 16 : index
            %swap3A_518 = tpu.vector_load %arg6[%swap3A_516, %swap3A_517] {strides = array<i32>} : memref<256x128xf32, #tpu.memory_space<vmem>>, vector<16xf32>,
            tpu.vector_store %arg6[%swap3A_516, %swap3A_517], %get3A_514 {strides = array<i32>} : memref<256x128xf32, #tpu.memory_space<vmem>>, vector<16xf32>,
            %get3A_519 = arith.index_cast %sub3A_504 : i32 to index
            %get3A_520 = arith.constant 32 : index
            %get3A_521 = tpu.vector_load %arg9[%get3A_519, %get3A_520] {strides = array<i32>} : memref<8x128xf32, #tpu.memory_space<vmem>>, vector<16xf32>,
            %swap3A_522 = arith.constant 7 : i32
            %swap3A_523 = arith.index_cast %swap3A_522 : i32 to index
            %swap3A_524 = arith.constant 32 : index
            %swap3A_525 = tpu.vector_load %arg6[%swap3A_523, %swap3A_524] {strides = array<i32>} : memref<256x128xf32, #tpu.memory_space<vmem>>, vector<16xf32>,
            tpu.vector_store %arg6[%swap3A_523, %swap3A_524], %get3A_521 {strides = array<i32>} : memref<256x128xf32, #tpu.memory_space<vmem>>, vector<16xf32>,
            %get3A_526 = arith.index_cast %sub3A_504 : i32 to index
            %get3A_527 = arith.constant 48 : index
            %get3A_528 = tpu.vector_load %arg9[%get3A_526, %get3A_527] {strides = array<i32>} : memref<8x128xf32, #tpu.memory_space<vmem>>, vector<16xf32>,
            %swap3A_529 = arith.constant 7 : i32
            %swap3A_530 = arith.index_cast %swap3A_529 : i32 to index
            %swap3A_531 = arith.constant 48 : index
            %swap3A_532 = tpu.vector_load %arg6[%swap3A_530, %swap3A_531] {strides = array<i32>} : memref<256x128xf32, #tpu.memory_space<vmem>>, vector<16xf32>,
            tpu.vector_store %arg6[%swap3A_530, %swap3A_531], %get3A_528 {strides = array<i32>} : memref<256x128xf32, #tpu.memory_space<vmem>>, vector<16xf32>,
            %get3A_533 = arith.index_cast %sub3A_504 : i32 to index
            %get3A_534 = arith.constant 64 : index
            %get3A_535 = tpu.vector_load %arg9[%get3A_533, %get3A_534] {strides = array<i32>} : memref<8x128xf32, #tpu.memory_space<vmem>>, vector<16xf32>,
            %swap3A_536 = arith.constant 7 : i32
            %swap3A_537 = arith.index_cast %swap3A_536 : i32 to index
            %swap3A_538 = arith.constant 64 : index
            %swap3A_539 = tpu.vector_load %arg6[%swap3A_537, %swap3A_538] {strides = array<i32>} : memref<256x128xf32, #tpu.memory_space<vmem>>, vector<16xf32>,
            tpu.vector_store %arg6[%swap3A_537, %swap3A_538], %get3A_535 {strides = array<i32>} : memref<256x128xf32, #tpu.memory_space<vmem>>, vector<16xf32>,
            %get3A_540 = arith.index_cast %sub3A_504 : i32 to index
            %get3A_541 = arith.constant 80 : index
            %get3A_542 = tpu.vector_load %arg9[%get3A_540, %get3A_541] {strides = array<i32>} : memref<8x128xf32, #tpu.memory_space<vmem>>, vector<16xf32>,
            %swap3A_543 = arith.constant 7 : i32
            %swap3A_544 = arith.index_cast %swap3A_543 : i32 to index
            %swap3A_545 = arith.constant 80 : index
            %swap3A_546 = tpu.vector_load %arg6[%swap3A_544, %swap3A_545] {strides = array<i32>} : memref<256x128xf32, #tpu.memory_space<vmem>>, vector<16xf32>,
            tpu.vector_store %arg6[%swap3A_544, %swap3A_545], %get3A_542 {strides = array<i32>} : memref<256x128xf32, #tpu.memory_space<vmem>>, vector<16xf32>,
            %get3A_547 = arith.index_cast %sub3A_504 : i32 to index
            %get3A_548 = arith.constant 96 : index
            %get3A_549 = tpu.vector_load %arg9[%get3A_547, %get3A_548] {strides = array<i32>} : memref<8x128xf32, #tpu.memory_space<vmem>>, vector<16xf32>,
            %swap3A_550 = arith.constant 7 : i32
            %swap3A_551 = arith.index_cast %swap3A_550 : i32 to index
            %swap3A_552 = arith.constant 96 : index
            %swap3A_553 = tpu.vector_load %arg6[%swap3A_551, %swap3A_552] {strides = array<i32>} : memref<256x128xf32, #tpu.memory_space<vmem>>, vector<16xf32>,
            tpu.vector_store %arg6[%swap3A_551, %swap3A_552], %get3A_549 {strides = array<i32>} : memref<256x128xf32, #tpu.memory_space<vmem>>, vector<16xf32>,
            %get3A_554 = arith.index_cast %sub3A_504 : i32 to index
            %get3A_555 = arith.constant 112 : index
            %get3A_556 = tpu.vector_load %arg9[%get3A_554, %get3A_555] {strides = array<i32>} : memref<8x128xf32, #tpu.memory_space<vmem>>, vector<16xf32>,
            %swap3A_557 = arith.constant 7 : i32
            %swap3A_558 = arith.index_cast %swap3A_557 : i32 to index
            %swap3A_559 = arith.constant 112 : index
            %swap3A_560 = tpu.vector_load %arg6[%swap3A_558, %swap3A_559] {strides = array<i32>} : memref<256x128xf32, #tpu.memory_space<vmem>>, vector<16xf32>,
            tpu.vector_store %arg6[%swap3A_558, %swap3A_559], %get3A_556 {strides = array<i32>} : memref<256x128xf32, #tpu.memory_space<vmem>>, vector<16xf32>,
          } else {
          }
        } else {
        }
        %add3A_236 = arith.constant 256 : i32
        %add3A_237 = arith.addi %add3A_221, %add3A_236 : i32
        %le3A = arith.cmpi sle, %add3A_237, %select_n3A_91 : i32
        %convert_element_type3A_238 = arith.extui %le3A : i1 to i32
        %cond3A_239 = arith.constant 0 : i32
        %cond3A_240 = arith.cmpi ne, %convert_element_type3A_238, %cond3A_239 : i32
        scf.if %cond3A_240 {
          %dma_start3A = arith.constant 0 : i32
          %dma_start3A_246 = tpu.memref_slice %arg4[%add3A_221, %dma_start3A] : memref<180224x128xf32, #tpu.memory_space<hbm>> -> memref<256x128xf32, #tpu.memory_space<hbm>>
          %dma_start3A_247 = arith.constant 0 : i32
          %dma_start3A_248 = tpu.memref_slice %arg4[%add3A_221, %dma_start3A_247] : memref<180224x128xf32, #tpu.memory_space<hbm>> -> memref<256x128xf32, #tpu.memory_space<hbm>>
          tpu.enqueue_dma source(%arg6 : memref<256x128xf32, #tpu.memory_space<vmem>>) target(%dma_start3A_248 : memref<256x128xf32, #tpu.memory_space<hbm>>) target_semaphore(%arg10 : memref<!tpu.dma_semaphore, #tpu.memory_space<semaphore_mem>>)
          %dma_wait3A = arith.constant 0 : i32
          %dma_wait3A_249 = tpu.memref_slice %arg4[%add3A_221, %dma_wait3A] : memref<180224x128xf32, #tpu.memory_space<hbm>> -> memref<256x128xf32, #tpu.memory_space<hbm>>
          %dma_wait3A_250 = arith.constant 0 : i32
          %dma_wait3A_251 = tpu.memref_slice %arg4[%add3A_221, %dma_wait3A_250] : memref<180224x128xf32, #tpu.memory_space<hbm>> -> memref<256x128xf32, #tpu.memory_space<hbm>>
          tpu.wait_dma2 semaphore(%arg10 : memref<!tpu.dma_semaphore, #tpu.memory_space<semaphore_mem>>) src(%arg6 : memref<256x128xf32, #tpu.memory_space<vmem>>) dst(%dma_wait3A_251 : memref<256x128xf32, #tpu.memory_space<hbm>>)
        } else {
        }
        %add3A_241 = arith.constant 256 : i32
        %add3A_242 = arith.addi %add3A_221, %add3A_241 : i32
        %gt3A = arith.cmpi sgt, %add3A_242, %select_n3A_91 : i32
        %convert_element_type3A_243 = arith.extui %gt3A : i1 to i32
        %cond3A_244 = arith.constant 0 : i32
        %cond3A_245 = arith.cmpi ne, %convert_element_type3A_243, %cond3A_244 : i32
        scf.if %cond3A_245 {
          %sub3A_246 = arith.subi %select_n3A_91, %add3A_221 : i32
          %and3A_247 = arith.constant 128 : i32
          %and3A_248 = arith.andi %sub3A_246, %and3A_247 : i32
          %ne3A_249 = arith.constant 0 : i32
          %ne3A_250 = arith.cmpi ne, %and3A_248, %ne3A_249 : i32
          %convert_element_type3A_251 = arith.extui %ne3A_250 : i1 to i32
          %cond3A_252 = arith.constant 0 : i32
          %cond3A_253 = arith.constant 0 : i32
          %cond3A_254 = arith.cmpi ne, %convert_element_type3A_251, %cond3A_253 : i32
          scf.if %cond3A_254 {
            %add3A_304 = arith.addi %add3A_221, %cond3A_252 : i32
            %dma_start3A = arith.constant 0 : i32
            %dma_start3A_305 = tpu.memref_slice %arg6[%cond3A_252, %dma_start3A] : memref<256x128xf32, #tpu.memory_space<vmem>> -> memref<128x128xf32, #tpu.memory_space<vmem>>
            %dma_start3A_306 = arith.constant 0 : i32
            %dma_start3A_307 = tpu.memref_slice %arg4[%add3A_304, %dma_start3A_306] : memref<180224x128xf32, #tpu.memory_space<hbm>> -> memref<128x128xf32, #tpu.memory_space<hbm>>
            %dma_start3A_308 = arith.constant 0 : i32
            %dma_start3A_309 = tpu.memref_slice %arg4[%add3A_304, %dma_start3A_308] : memref<180224x128xf32, #tpu.memory_space<hbm>> -> memref<128x128xf32, #tpu.memory_space<hbm>>
            %dma_start3A_310 = arith.constant 0 : i32
            %dma_start3A_311 = tpu.memref_slice %arg6[%cond3A_252, %dma_start3A_310] : memref<256x128xf32, #tpu.memory_space<vmem>> -> memref<128x128xf32, #tpu.memory_space<vmem>>
            tpu.enqueue_dma source(%dma_start3A_311 : memref<128x128xf32, #tpu.memory_space<vmem>>) target(%dma_start3A_309 : memref<128x128xf32, #tpu.memory_space<hbm>>) target_semaphore(%arg10 : memref<!tpu.dma_semaphore, #tpu.memory_space<semaphore_mem>>)
            %dma_wait3A = arith.constant 0 : i32
            %dma_wait3A_312 = tpu.memref_slice %arg6[%cond3A_252, %dma_wait3A] : memref<256x128xf32, #tpu.memory_space<vmem>> -> memref<128x128xf32, #tpu.memory_space<vmem>>
            %dma_wait3A_313 = arith.constant 0 : i32
            %dma_wait3A_314 = tpu.memref_slice %arg4[%add3A_304, %dma_wait3A_313] : memref<180224x128xf32, #tpu.memory_space<hbm>> -> memref<128x128xf32, #tpu.memory_space<hbm>>
            %dma_wait3A_315 = arith.constant 0 : i32
            %dma_wait3A_316 = tpu.memref_slice %arg4[%add3A_304, %dma_wait3A_315] : memref<180224x128xf32, #tpu.memory_space<hbm>> -> memref<128x128xf32, #tpu.memory_space<hbm>>
            %dma_wait3A_317 = arith.constant 0 : i32
            %dma_wait3A_318 = tpu.memref_slice %arg6[%cond3A_252, %dma_wait3A_317] : memref<256x128xf32, #tpu.memory_space<vmem>> -> memref<128x128xf32, #tpu.memory_space<vmem>>
            tpu.wait_dma2 semaphore(%arg10 : memref<!tpu.dma_semaphore, #tpu.memory_space<semaphore_mem>>) src(%dma_wait3A_318 : memref<128x128xf32, #tpu.memory_space<vmem>>) dst(%dma_wait3A_316 : memref<128x128xf32, #tpu.memory_space<hbm>>)
          } else {
          }
          %jit3A_255 = arith.constant 128 : i32
          %jit3A_256 = arith.constant 0 : i32
          %select_n3A_257 = arith.select %ne3A_250, %jit3A_255, %jit3A_256 : i32
          %add3A_258 = arith.constant 0 : i32
          %add3A_259 = arith.addi %add3A_258, %select_n3A_257 : i32
          %and3A_260 = arith.constant 64 : i32
          %and3A_261 = arith.andi %sub3A_246, %and3A_260 : i32
          %ne3A_262 = arith.constant 0 : i32
          %ne3A_263 = arith.cmpi ne, %and3A_261, %ne3A_262 : i32
          %convert_element_type3A_264 = arith.extui %ne3A_263 : i1 to i32
          %cond3A_265 = arith.constant 0 : i32
          %cond3A_266 = arith.cmpi ne, %convert_element_type3A_264, %cond3A_265 : i32
          scf.if %cond3A_266 {
            %add3A_304 = arith.addi %add3A_221, %add3A_259 : i32
            %dma_start3A = arith.constant 0 : i32
            %dma_start3A_305 = tpu.memref_slice %arg6[%add3A_259, %dma_start3A] : memref<256x128xf32, #tpu.memory_space<vmem>> -> memref<64x128xf32, #tpu.memory_space<vmem>>
            %dma_start3A_306 = arith.constant 0 : i32
            %dma_start3A_307 = tpu.memref_slice %arg4[%add3A_304, %dma_start3A_306] : memref<180224x128xf32, #tpu.memory_space<hbm>> -> memref<64x128xf32, #tpu.memory_space<hbm>>
            %dma_start3A_308 = arith.constant 0 : i32
            %dma_start3A_309 = tpu.memref_slice %arg4[%add3A_304, %dma_start3A_308] : memref<180224x128xf32, #tpu.memory_space<hbm>> -> memref<64x128xf32, #tpu.memory_space<hbm>>
            %dma_start3A_310 = arith.constant 0 : i32
            %dma_start3A_311 = tpu.memref_slice %arg6[%add3A_259, %dma_start3A_310] : memref<256x128xf32, #tpu.memory_space<vmem>> -> memref<64x128xf32, #tpu.memory_space<vmem>>
            tpu.enqueue_dma source(%dma_start3A_311 : memref<64x128xf32, #tpu.memory_space<vmem>>) target(%dma_start3A_309 : memref<64x128xf32, #tpu.memory_space<hbm>>) target_semaphore(%arg10 : memref<!tpu.dma_semaphore, #tpu.memory_space<semaphore_mem>>)
            %dma_wait3A = arith.constant 0 : i32
            %dma_wait3A_312 = tpu.memref_slice %arg6[%add3A_259, %dma_wait3A] : memref<256x128xf32, #tpu.memory_space<vmem>> -> memref<64x128xf32, #tpu.memory_space<vmem>>
            %dma_wait3A_313 = arith.constant 0 : i32
            %dma_wait3A_314 = tpu.memref_slice %arg4[%add3A_304, %dma_wait3A_313] : memref<180224x128xf32, #tpu.memory_space<hbm>> -> memref<64x128xf32, #tpu.memory_space<hbm>>
            %dma_wait3A_315 = arith.constant 0 : i32
            %dma_wait3A_316 = tpu.memref_slice %arg4[%add3A_304, %dma_wait3A_315] : memref<180224x128xf32, #tpu.memory_space<hbm>> -> memref<64x128xf32, #tpu.memory_space<hbm>>
            %dma_wait3A_317 = arith.constant 0 : i32
            %dma_wait3A_318 = tpu.memref_slice %arg6[%add3A_259, %dma_wait3A_317] : memref<256x128xf32, #tpu.memory_space<vmem>> -> memref<64x128xf32, #tpu.memory_space<vmem>>
            tpu.wait_dma2 semaphore(%arg10 : memref<!tpu.dma_semaphore, #tpu.memory_space<semaphore_mem>>) src(%dma_wait3A_318 : memref<64x128xf32, #tpu.memory_space<vmem>>) dst(%dma_wait3A_316 : memref<64x128xf32, #tpu.memory_space<hbm>>)
          } else {
          }
          %jit3A_267 = arith.constant 64 : i32
          %jit3A_268 = arith.constant 0 : i32
          %select_n3A_269 = arith.select %ne3A_263, %jit3A_267, %jit3A_268 : i32
          %add3A_270 = arith.addi %add3A_259, %select_n3A_269 : i32
          %and3A_271 = arith.constant 32 : i32
          %and3A_272 = arith.andi %sub3A_246, %and3A_271 : i32
          %ne3A_273 = arith.constant 0 : i32
          %ne3A_274 = arith.cmpi ne, %and3A_272, %ne3A_273 : i32
          %convert_element_type3A_275 = arith.extui %ne3A_274 : i1 to i32
          %cond3A_276 = arith.constant 0 : i32
          %cond3A_277 = arith.cmpi ne, %convert_element_type3A_275, %cond3A_276 : i32
          scf.if %cond3A_277 {
            %add3A_304 = arith.addi %add3A_221, %add3A_270 : i32
            %dma_start3A = arith.constant 0 : i32
            %dma_start3A_305 = tpu.memref_slice %arg6[%add3A_270, %dma_start3A] : memref<256x128xf32, #tpu.memory_space<vmem>> -> memref<32x128xf32, #tpu.memory_space<vmem>>
            %dma_start3A_306 = arith.constant 0 : i32
            %dma_start3A_307 = tpu.memref_slice %arg4[%add3A_304, %dma_start3A_306] : memref<180224x128xf32, #tpu.memory_space<hbm>> -> memref<32x128xf32, #tpu.memory_space<hbm>>
            %dma_start3A_308 = arith.constant 0 : i32
            %dma_start3A_309 = tpu.memref_slice %arg4[%add3A_304, %dma_start3A_308] : memref<180224x128xf32, #tpu.memory_space<hbm>> -> memref<32x128xf32, #tpu.memory_space<hbm>>
            %dma_start3A_310 = arith.constant 0 : i32
            %dma_start3A_311 = tpu.memref_slice %arg6[%add3A_270, %dma_start3A_310] : memref<256x128xf32, #tpu.memory_space<vmem>> -> memref<32x128xf32, #tpu.memory_space<vmem>>
            tpu.enqueue_dma source(%dma_start3A_311 : memref<32x128xf32, #tpu.memory_space<vmem>>) target(%dma_start3A_309 : memref<32x128xf32, #tpu.memory_space<hbm>>) target_semaphore(%arg10 : memref<!tpu.dma_semaphore, #tpu.memory_space<semaphore_mem>>)
            %dma_wait3A = arith.constant 0 : i32
            %dma_wait3A_312 = tpu.memref_slice %arg6[%add3A_270, %dma_wait3A] : memref<256x128xf32, #tpu.memory_space<vmem>> -> memref<32x128xf32, #tpu.memory_space<vmem>>
            %dma_wait3A_313 = arith.constant 0 : i32
            %dma_wait3A_314 = tpu.memref_slice %arg4[%add3A_304, %dma_wait3A_313] : memref<180224x128xf32, #tpu.memory_space<hbm>> -> memref<32x128xf32, #tpu.memory_space<hbm>>
            %dma_wait3A_315 = arith.constant 0 : i32
            %dma_wait3A_316 = tpu.memref_slice %arg4[%add3A_304, %dma_wait3A_315] : memref<180224x128xf32, #tpu.memory_space<hbm>> -> memref<32x128xf32, #tpu.memory_space<hbm>>
            %dma_wait3A_317 = arith.constant 0 : i32
            %dma_wait3A_318 = tpu.memref_slice %arg6[%add3A_270, %dma_wait3A_317] : memref<256x128xf32, #tpu.memory_space<vmem>> -> memref<32x128xf32, #tpu.memory_space<vmem>>
            tpu.wait_dma2 semaphore(%arg10 : memref<!tpu.dma_semaphore, #tpu.memory_space<semaphore_mem>>) src(%dma_wait3A_318 : memref<32x128xf32, #tpu.memory_space<vmem>>) dst(%dma_wait3A_316 : memref<32x128xf32, #tpu.memory_space<hbm>>)
          } else {
          }
          %jit3A_278 = arith.constant 32 : i32
          %jit3A_279 = arith.constant 0 : i32
          %select_n3A_280 = arith.select %ne3A_274, %jit3A_278, %jit3A_279 : i32
          %add3A_281 = arith.addi %add3A_270, %select_n3A_280 : i32
          %and3A_282 = arith.constant 16 : i32
          %and3A_283 = arith.andi %sub3A_246, %and3A_282 : i32
          %ne3A_284 = arith.constant 0 : i32
          %ne3A_285 = arith.cmpi ne, %and3A_283, %ne3A_284 : i32
          %convert_element_type3A_286 = arith.extui %ne3A_285 : i1 to i32
          %cond3A_287 = arith.constant 0 : i32
          %cond3A_288 = arith.cmpi ne, %convert_element_type3A_286, %cond3A_287 : i32
          scf.if %cond3A_288 {
            %add3A_304 = arith.addi %add3A_221, %add3A_281 : i32
            %dma_start3A = arith.constant 0 : i32
            %dma_start3A_305 = tpu.memref_slice %arg6[%add3A_281, %dma_start3A] : memref<256x128xf32, #tpu.memory_space<vmem>> -> memref<16x128xf32, #tpu.memory_space<vmem>>
            %dma_start3A_306 = arith.constant 0 : i32
            %dma_start3A_307 = tpu.memref_slice %arg4[%add3A_304, %dma_start3A_306] : memref<180224x128xf32, #tpu.memory_space<hbm>> -> memref<16x128xf32, #tpu.memory_space<hbm>>
            %dma_start3A_308 = arith.constant 0 : i32
            %dma_start3A_309 = tpu.memref_slice %arg4[%add3A_304, %dma_start3A_308] : memref<180224x128xf32, #tpu.memory_space<hbm>> -> memref<16x128xf32, #tpu.memory_space<hbm>>
            %dma_start3A_310 = arith.constant 0 : i32
            %dma_start3A_311 = tpu.memref_slice %arg6[%add3A_281, %dma_start3A_310] : memref<256x128xf32, #tpu.memory_space<vmem>> -> memref<16x128xf32, #tpu.memory_space<vmem>>
            tpu.enqueue_dma source(%dma_start3A_311 : memref<16x128xf32, #tpu.memory_space<vmem>>) target(%dma_start3A_309 : memref<16x128xf32, #tpu.memory_space<hbm>>) target_semaphore(%arg10 : memref<!tpu.dma_semaphore, #tpu.memory_space<semaphore_mem>>)
            %dma_wait3A = arith.constant 0 : i32
            %dma_wait3A_312 = tpu.memref_slice %arg6[%add3A_281, %dma_wait3A] : memref<256x128xf32, #tpu.memory_space<vmem>> -> memref<16x128xf32, #tpu.memory_space<vmem>>
            %dma_wait3A_313 = arith.constant 0 : i32
            %dma_wait3A_314 = tpu.memref_slice %arg4[%add3A_304, %dma_wait3A_313] : memref<180224x128xf32, #tpu.memory_space<hbm>> -> memref<16x128xf32, #tpu.memory_space<hbm>>
            %dma_wait3A_315 = arith.constant 0 : i32
            %dma_wait3A_316 = tpu.memref_slice %arg4[%add3A_304, %dma_wait3A_315] : memref<180224x128xf32, #tpu.memory_space<hbm>> -> memref<16x128xf32, #tpu.memory_space<hbm>>
            %dma_wait3A_317 = arith.constant 0 : i32
            %dma_wait3A_318 = tpu.memref_slice %arg6[%add3A_281, %dma_wait3A_317] : memref<256x128xf32, #tpu.memory_space<vmem>> -> memref<16x128xf32, #tpu.memory_space<vmem>>
            tpu.wait_dma2 semaphore(%arg10 : memref<!tpu.dma_semaphore, #tpu.memory_space<semaphore_mem>>) src(%dma_wait3A_318 : memref<16x128xf32, #tpu.memory_space<vmem>>) dst(%dma_wait3A_316 : memref<16x128xf32, #tpu.memory_space<hbm>>)
          } else {
          }
          %jit3A_289 = arith.constant 16 : i32
          %jit3A_290 = arith.constant 0 : i32
          %select_n3A_291 = arith.select %ne3A_285, %jit3A_289, %jit3A_290 : i32
          %add3A_292 = arith.addi %add3A_281, %select_n3A_291 : i32
          %and3A_293 = arith.constant 8 : i32
          %and3A_294 = arith.andi %sub3A_246, %and3A_293 : i32
          %ne3A_295 = arith.constant 0 : i32
          %ne3A_296 = arith.cmpi ne, %and3A_294, %ne3A_295 : i32
          %convert_element_type3A_297 = arith.extui %ne3A_296 : i1 to i32
          %cond3A_298 = arith.constant 0 : i32
          %cond3A_299 = arith.cmpi ne, %convert_element_type3A_297, %cond3A_298 : i32
          scf.if %cond3A_299 {
            %add3A_304 = arith.addi %add3A_221, %add3A_292 : i32
            %dma_start3A = arith.constant 0 : i32
            %dma_start3A_305 = tpu.memref_slice %arg6[%add3A_292, %dma_start3A] : memref<256x128xf32, #tpu.memory_space<vmem>> -> memref<8x128xf32, #tpu.memory_space<vmem>>
            %dma_start3A_306 = arith.constant 0 : i32
            %dma_start3A_307 = tpu.memref_slice %arg4[%add3A_304, %dma_start3A_306] : memref<180224x128xf32, #tpu.memory_space<hbm>> -> memref<8x128xf32, #tpu.memory_space<hbm>>
            %dma_start3A_308 = arith.constant 0 : i32
            %dma_start3A_309 = tpu.memref_slice %arg4[%add3A_304, %dma_start3A_308] : memref<180224x128xf32, #tpu.memory_space<hbm>> -> memref<8x128xf32, #tpu.memory_space<hbm>>
            %dma_start3A_310 = arith.constant 0 : i32
            %dma_start3A_311 = tpu.memref_slice %arg6[%add3A_292, %dma_start3A_310] : memref<256x128xf32, #tpu.memory_space<vmem>> -> memref<8x128xf32, #tpu.memory_space<vmem>>
            tpu.enqueue_dma source(%dma_start3A_311 : memref<8x128xf32, #tpu.memory_space<vmem>>) target(%dma_start3A_309 : memref<8x128xf32, #tpu.memory_space<hbm>>) target_semaphore(%arg10 : memref<!tpu.dma_semaphore, #tpu.memory_space<semaphore_mem>>)
            %dma_wait3A = arith.constant 0 : i32
            %dma_wait3A_312 = tpu.memref_slice %arg6[%add3A_292, %dma_wait3A] : memref<256x128xf32, #tpu.memory_space<vmem>> -> memref<8x128xf32, #tpu.memory_space<vmem>>
            %dma_wait3A_313 = arith.constant 0 : i32
            %dma_wait3A_314 = tpu.memref_slice %arg4[%add3A_304, %dma_wait3A_313] : memref<180224x128xf32, #tpu.memory_space<hbm>> -> memref<8x128xf32, #tpu.memory_space<hbm>>
            %dma_wait3A_315 = arith.constant 0 : i32
            %dma_wait3A_316 = tpu.memref_slice %arg4[%add3A_304, %dma_wait3A_315] : memref<180224x128xf32, #tpu.memory_space<hbm>> -> memref<8x128xf32, #tpu.memory_space<hbm>>
            %dma_wait3A_317 = arith.constant 0 : i32
            %dma_wait3A_318 = tpu.memref_slice %arg6[%add3A_292, %dma_wait3A_317] : memref<256x128xf32, #tpu.memory_space<vmem>> -> memref<8x128xf32, #tpu.memory_space<vmem>>
            tpu.wait_dma2 semaphore(%arg10 : memref<!tpu.dma_semaphore, #tpu.memory_space<semaphore_mem>>) src(%dma_wait3A_318 : memref<8x128xf32, #tpu.memory_space<vmem>>) dst(%dma_wait3A_316 : memref<8x128xf32, #tpu.memory_space<hbm>>)
          } else {
          }
          %jit3A_300 = arith.constant 8 : i32
          %jit3A_301 = arith.constant 0 : i32
          %select_n3A_302 = arith.select %ne3A_296, %jit3A_300, %jit3A_301 : i32
          %add3A_303 = arith.addi %add3A_292, %select_n3A_302 : i32
        } else {
        }
      } else {
      }
    }
    %scan3A_96 = arith.constant 23 : i32
    %get3A_97 = arith.constant 16391 : index
    %get3A_98 = tpu.vector_load %arg7[%get3A_97] {strides = array<i32>} : memref<16440xi32, #tpu.memory_space<vmem>>, vector<16xi32>,
    %slice3A_99 = vector.extract_strided_slice %get3A_98 {offsets = [0], sizes = [1], strides = [1]} : vector<16xi32> to vector<1xi32>
    %squeeze3A_100 = vector.extract %slice3A_99[0] : i32 from vector<1xi32>
    %add3A_101 = arith.constant 7 : i32
    %add3A_102 = arith.addi %squeeze3A_100, %add3A_101 : i32
    %jit3A_103 = arith.constant 8 : i32
    %div3A_104 = arith.divsi %add3A_102, %jit3A_103 : i32
    %sign3A_105 = arith.constant 0 : i32
    %sign3A_106 = arith.cmpi sgt, %add3A_102, %sign3A_105 : i32
    %sign3A_107 = arith.extui %sign3A_106 : i1 to i32
    %sign3A_108 = arith.constant 0 : i32
    %sign3A_109 = arith.cmpi slt, %add3A_102, %sign3A_108 : i32
    %sign3A_110 = arith.extui %sign3A_109 : i1 to i32
    %sign3A_111 = arith.subi %sign3A_107, %sign3A_110 : i32
    %sign3A_112 = arith.constant 0 : i32
    %sign3A_113 = arith.cmpi sgt, %jit3A_103, %sign3A_112 : i32
    %sign3A_114 = arith.extui %sign3A_113 : i1 to i32
    %sign3A_115 = arith.constant 0 : i32
    %sign3A_116 = arith.cmpi slt, %jit3A_103, %sign3A_115 : i32
    %sign3A_117 = arith.extui %sign3A_116 : i1 to i32
    %sign3A_118 = arith.subi %sign3A_114, %sign3A_117 : i32
    %ne3A_119 = arith.cmpi ne, %sign3A_111, %sign3A_118 : i32
    %rem3A_120 = arith.remsi %add3A_102, %jit3A_103 : i32
    %ne3A_121 = arith.constant 0 : i32
    %ne3A_122 = arith.cmpi ne, %rem3A_120, %ne3A_121 : i32
    %and3A_123 = arith.andi %ne3A_119, %ne3A_122 : i1
    %sub3A_124 = arith.constant 1 : i32
    %sub3A_125 = arith.subi %div3A_104, %sub3A_124 : i32
    %select_n3A_126 = arith.select %and3A_123, %sub3A_125, %div3A_104 : i32
    %mul3A_127 = arith.constant 8 : i32
    %mul3A_128 = arith.muli %select_n3A_126, %mul3A_127 : i32
    %sub3A_129 = arith.constant 180224 : i32
    %sub3A_130 = arith.subi %sub3A_129, %mul3A_128 : i32
    %jit3A_131 = arith.constant 8 : i32
    %div3A_132 = arith.divsi %sub3A_130, %jit3A_131 : i32
    %sign3A_133 = arith.constant 0 : i32
    %sign3A_134 = arith.cmpi sgt, %sub3A_130, %sign3A_133 : i32
    %sign3A_135 = arith.extui %sign3A_134 : i1 to i32
    %sign3A_136 = arith.constant 0 : i32
    %sign3A_137 = arith.cmpi slt, %sub3A_130, %sign3A_136 : i32
    %sign3A_138 = arith.extui %sign3A_137 : i1 to i32
    %sign3A_139 = arith.subi %sign3A_135, %sign3A_138 : i32
    %sign3A_140 = arith.constant 0 : i32
    %sign3A_141 = arith.cmpi sgt, %jit3A_131, %sign3A_140 : i32
    %sign3A_142 = arith.extui %sign3A_141 : i1 to i32
    %sign3A_143 = arith.constant 0 : i32
    %sign3A_144 = arith.cmpi slt, %jit3A_131, %sign3A_143 : i32
    %sign3A_145 = arith.extui %sign3A_144 : i1 to i32
    %sign3A_146 = arith.subi %sign3A_142, %sign3A_145 : i32
    %ne3A_147 = arith.cmpi ne, %sign3A_139, %sign3A_146 : i32
    %rem3A_148 = arith.remsi %sub3A_130, %jit3A_131 : i32
    %ne3A_149 = arith.constant 0 : i32
    %ne3A_150 = arith.cmpi ne, %rem3A_148, %ne3A_149 : i32
    %and3A_151 = arith.andi %ne3A_147, %ne3A_150 : i1
    %sub3A_152 = arith.constant 1 : i32
    %sub3A_153 = arith.subi %div3A_132, %sub3A_152 : i32
    %select_n3A_154 = arith.select %and3A_151, %sub3A_153, %div3A_132 : i32
    %mul3A_155 = arith.muli %add3A, %select_n3A_154 : i32
    %jit3A_156 = arith.constant 32 : i32
    %div3A_157 = arith.divsi %mul3A_155, %jit3A_156 : i32
    %sign3A_158 = arith.constant 0 : i32
    %sign3A_159 = arith.cmpi sgt, %mul3A_155, %sign3A_158 : i32
    %sign3A_160 = arith.extui %sign3A_159 : i1 to i32
    %sign3A_161 = arith.constant 0 : i32
    %sign3A_162 = arith.cmpi slt, %mul3A_155, %sign3A_161 : i32
    %sign3A_163 = arith.extui %sign3A_162 : i1 to i32
    %sign3A_164 = arith.subi %sign3A_160, %sign3A_163 : i32
    %sign3A_165 = arith.constant 0 : i32
    %sign3A_166 = arith.cmpi sgt, %jit3A_156, %sign3A_165 : i32
    %sign3A_167 = arith.extui %sign3A_166 : i1 to i32
    %sign3A_168 = arith.constant 0 : i32
    %sign3A_169 = arith.cmpi slt, %jit3A_156, %sign3A_168 : i32
    %sign3A_170 = arith.extui %sign3A_169 : i1 to i32
    %sign3A_171 = arith.subi %sign3A_167, %sign3A_170 : i32
    %ne3A_172 = arith.cmpi ne, %sign3A_164, %sign3A_171 : i32
    %rem3A_173 = arith.remsi %mul3A_155, %jit3A_156 : i32
    %ne3A_174 = arith.constant 0 : i32
    %ne3A_175 = arith.cmpi ne, %rem3A_173, %ne3A_174 : i32
    %and3A_176 = arith.andi %ne3A_172, %ne3A_175 : i1
    %sub3A_177 = arith.constant 1 : i32
    %sub3A_178 = arith.subi %div3A_157, %sub3A_177 : i32
    %select_n3A_179 = arith.select %and3A_176, %sub3A_178, %div3A_157 : i32
    %mul3A_180 = arith.constant 8 : i32
    %mul3A_181 = arith.muli %select_n3A_179, %mul3A_180 : i32
    %add3A_182 = arith.addi %mul3A_128, %mul3A_181 : i32
    %add3A_183 = arith.constant 1 : i32
    %add3A_184 = arith.addi %add3A, %add3A_183 : i32
    %mul3A_185 = arith.muli %add3A_184, %select_n3A_154 : i32
    %jit3A_186 = arith.constant 32 : i32
    %div3A_187 = arith.divsi %mul3A_185, %jit3A_186 : i32
    %sign3A_188 = arith.constant 0 : i32
    %sign3A_189 = arith.cmpi sgt, %mul3A_185, %sign3A_188 : i32
    %sign3A_190 = arith.extui %sign3A_189 : i1 to i32
    %sign3A_191 = arith.constant 0 : i32
    %sign3A_192 = arith.cmpi slt, %mul3A_185, %sign3A_191 : i32
    %sign3A_193 = arith.extui %sign3A_192 : i1 to i32
    %sign3A_194 = arith.subi %sign3A_190, %sign3A_193 : i32
    %sign3A_195 = arith.constant 0 : i32
    %sign3A_196 = arith.cmpi sgt, %jit3A_186, %sign3A_195 : i32
    %sign3A_197 = arith.extui %sign3A_196 : i1 to i32
    %sign3A_198 = arith.constant 0 : i32
    %sign3A_199 = arith.cmpi slt, %jit3A_186, %sign3A_198 : i32
    %sign3A_200 = arith.extui %sign3A_199 : i1 to i32
    %sign3A_201 = arith.subi %sign3A_197, %sign3A_200 : i32
    %ne3A_202 = arith.cmpi ne, %sign3A_194, %sign3A_201 : i32
    %rem3A_203 = arith.remsi %mul3A_185, %jit3A_186 : i32
    %ne3A_204 = arith.constant 0 : i32
    %ne3A_205 = arith.cmpi ne, %rem3A_203, %ne3A_204 : i32
    %and3A_206 = arith.andi %ne3A_202, %ne3A_205 : i1
    %sub3A_207 = arith.constant 1 : i32
    %sub3A_208 = arith.subi %div3A_187, %sub3A_207 : i32
    %select_n3A_209 = arith.select %and3A_206, %sub3A_208, %div3A_187 : i32
    %mul3A_210 = arith.constant 8 : i32
    %mul3A_211 = arith.muli %select_n3A_209, %mul3A_210 : i32
    %add3A_212 = arith.addi %mul3A_128, %mul3A_211 : i32
    %lt3A = arith.cmpi slt, %add3A_182, %add3A_212 : i32
    %convert_element_type3A = arith.extui %lt3A : i1 to i32
    %cond3A = arith.constant 0 : i32
    %cond3A_213 = arith.cmpi ne, %convert_element_type3A, %cond3A : i32
    scf.if %cond3A_213 {
      %broadcast_in_dim3A = arith.constant 0.000000e+00 : f32
      %broadcast_in_dim3A_214 = vector.broadcast %broadcast_in_dim3A : f32 to vector<16xf32>
      %scan3A_215 = arith.constant 0 : i32
      %scan3A_216 = arith.constant 256 : i32
      %scan3A_217 = arith.addi %scan3A_215, %scan3A_216 : i32
      %scan3A_218 = arith.constant 1 : i32
      scf.for %scan3A_225 = %scan3A_215 to %scan3A_217 step %scan3A_218  : i32 {
        %mul3A_226 = arith.constant 1 : i32
        %mul3A_227 = arith.muli %scan3A_225, %mul3A_226 : i32
        %add3A_228 = arith.constant 0 : i32
        %add3A_229 = arith.addi %add3A_228, %mul3A_227 : i32
        %swap3A = arith.index_cast %add3A_229 : i32 to index
        %swap3A_230 = arith.constant 0 : index
        %swap3A_231 = tpu.vector_load %arg6[%swap3A, %swap3A_230] {strides = array<i32>} : memref<256x128xf32, #tpu.memory_space<vmem>>, vector<16xf32>,
        tpu.vector_store %arg6[%swap3A, %swap3A_230], %broadcast_in_dim3A_214 {strides = array<i32>} : memref<256x128xf32, #tpu.memory_space<vmem>>, vector<16xf32>,
        %swap3A_232 = arith.index_cast %add3A_229 : i32 to index
        %swap3A_233 = arith.constant 16 : index
        %swap3A_234 = tpu.vector_load %arg6[%swap3A_232, %swap3A_233] {strides = array<i32>} : memref<256x128xf32, #tpu.memory_space<vmem>>, vector<16xf32>,
        tpu.vector_store %arg6[%swap3A_232, %swap3A_233], %broadcast_in_dim3A_214 {strides = array<i32>} : memref<256x128xf32, #tpu.memory_space<vmem>>, vector<16xf32>,
        %swap3A_235 = arith.index_cast %add3A_229 : i32 to index
        %swap3A_236 = arith.constant 32 : index
        %swap3A_237 = tpu.vector_load %arg6[%swap3A_235, %swap3A_236] {strides = array<i32>} : memref<256x128xf32, #tpu.memory_space<vmem>>, vector<16xf32>,
        tpu.vector_store %arg6[%swap3A_235, %swap3A_236], %broadcast_in_dim3A_214 {strides = array<i32>} : memref<256x128xf32, #tpu.memory_space<vmem>>, vector<16xf32>,
        %swap3A_238 = arith.index_cast %add3A_229 : i32 to index
        %swap3A_239 = arith.constant 48 : index
        %swap3A_240 = tpu.vector_load %arg6[%swap3A_238, %swap3A_239] {strides = array<i32>} : memref<256x128xf32, #tpu.memory_space<vmem>>, vector<16xf32>,
        tpu.vector_store %arg6[%swap3A_238, %swap3A_239], %broadcast_in_dim3A_214 {strides = array<i32>} : memref<256x128xf32, #tpu.memory_space<vmem>>, vector<16xf32>,
        %swap3A_241 = arith.index_cast %add3A_229 : i32 to index
        %swap3A_242 = arith.constant 64 : index
        %swap3A_243 = tpu.vector_load %arg6[%swap3A_241, %swap3A_242] {strides = array<i32>} : memref<256x128xf32, #tpu.memory_space<vmem>>, vector<16xf32>,
        tpu.vector_store %arg6[%swap3A_241, %swap3A_242], %broadcast_in_dim3A_214 {strides = array<i32>} : memref<256x128xf32, #tpu.memory_space<vmem>>, vector<16xf32>,
        %swap3A_244 = arith.index_cast %add3A_229 : i32 to index
        %swap3A_245 = arith.constant 80 : index
        %swap3A_246 = tpu.vector_load %arg6[%swap3A_244, %swap3A_245] {strides = array<i32>} : memref<256x128xf32, #tpu.memory_space<vmem>>, vector<16xf32>,
        tpu.vector_store %arg6[%swap3A_244, %swap3A_245], %broadcast_in_dim3A_214 {strides = array<i32>} : memref<256x128xf32, #tpu.memory_space<vmem>>, vector<16xf32>,
        %swap3A_247 = arith.index_cast %add3A_229 : i32 to index
        %swap3A_248 = arith.constant 96 : index
        %swap3A_249 = tpu.vector_load %arg6[%swap3A_247, %swap3A_248] {strides = array<i32>} : memref<256x128xf32, #tpu.memory_space<vmem>>, vector<16xf32>,
        tpu.vector_store %arg6[%swap3A_247, %swap3A_248], %broadcast_in_dim3A_214 {strides = array<i32>} : memref<256x128xf32, #tpu.memory_space<vmem>>, vector<16xf32>,
        %swap3A_250 = arith.index_cast %add3A_229 : i32 to index
        %swap3A_251 = arith.constant 112 : index
        %swap3A_252 = tpu.vector_load %arg6[%swap3A_250, %swap3A_251] {strides = array<i32>} : memref<256x128xf32, #tpu.memory_space<vmem>>, vector<16xf32>,
        tpu.vector_store %arg6[%swap3A_250, %swap3A_251], %broadcast_in_dim3A_214 {strides = array<i32>} : memref<256x128xf32, #tpu.memory_space<vmem>>, vector<16xf32>,
      }
      %scan3A_219 = arith.constant 256 : i32
      %scan3A_220 = arith.constant 0 : i32
      %scan3A_221 = arith.constant 23 : i32
      %scan3A_222 = arith.addi %scan3A_220, %scan3A_221 : i32
      %scan3A_223 = arith.constant 1 : i32
      scf.for %scan3A_225 = %scan3A_220 to %scan3A_222 step %scan3A_223  : i32 {
        %mul3A_226 = arith.constant 1 : i32
        %mul3A_227 = arith.muli %scan3A_225, %mul3A_226 : i32
        %add3A_228 = arith.constant 0 : i32
        %add3A_229 = arith.addi %add3A_228, %mul3A_227 : i32
        %mul3A_230 = arith.constant 256 : i32
        %mul3A_231 = arith.muli %add3A_229, %mul3A_230 : i32
        %add3A_232 = arith.addi %add3A_182, %mul3A_231 : i32
        %lt3A_233 = arith.cmpi slt, %add3A_232, %add3A_212 : i32
        %convert_element_type3A_234 = arith.extui %lt3A_233 : i1 to i32
        %cond3A_235 = arith.constant 0 : i32
        %cond3A_236 = arith.cmpi ne, %convert_element_type3A_234, %cond3A_235 : i32
        scf.if %cond3A_236 {
          %add3A_237 = arith.constant 256 : i32
          %add3A_238 = arith.addi %add3A_232, %add3A_237 : i32
          %le3A = arith.cmpi sle, %add3A_238, %add3A_212 : i32
          %convert_element_type3A_239 = arith.extui %le3A : i1 to i32
          %cond3A_240 = arith.constant 0 : i32
          %cond3A_241 = arith.cmpi ne, %convert_element_type3A_239, %cond3A_240 : i32
          scf.if %cond3A_241 {
            %dma_start3A = arith.constant 0 : i32
            %dma_start3A_247 = tpu.memref_slice %arg4[%add3A_232, %dma_start3A] : memref<180224x128xf32, #tpu.memory_space<hbm>> -> memref<256x128xf32, #tpu.memory_space<hbm>>
            %dma_start3A_248 = arith.constant 0 : i32
            %dma_start3A_249 = tpu.memref_slice %arg4[%add3A_232, %dma_start3A_248] : memref<180224x128xf32, #tpu.memory_space<hbm>> -> memref<256x128xf32, #tpu.memory_space<hbm>>
            tpu.enqueue_dma source(%arg6 : memref<256x128xf32, #tpu.memory_space<vmem>>) target(%dma_start3A_249 : memref<256x128xf32, #tpu.memory_space<hbm>>) target_semaphore(%arg10 : memref<!tpu.dma_semaphore, #tpu.memory_space<semaphore_mem>>)
            %dma_wait3A = arith.constant 0 : i32
            %dma_wait3A_250 = tpu.memref_slice %arg4[%add3A_232, %dma_wait3A] : memref<180224x128xf32, #tpu.memory_space<hbm>> -> memref<256x128xf32, #tpu.memory_space<hbm>>
            %dma_wait3A_251 = arith.constant 0 : i32
            %dma_wait3A_252 = tpu.memref_slice %arg4[%add3A_232, %dma_wait3A_251] : memref<180224x128xf32, #tpu.memory_space<hbm>> -> memref<256x128xf32, #tpu.memory_space<hbm>>
            tpu.wait_dma2 semaphore(%arg10 : memref<!tpu.dma_semaphore, #tpu.memory_space<semaphore_mem>>) src(%arg6 : memref<256x128xf32, #tpu.memory_space<vmem>>) dst(%dma_wait3A_252 : memref<256x128xf32, #tpu.memory_space<hbm>>)
          } else {
          }
          %add3A_242 = arith.constant 256 : i32
          %add3A_243 = arith.addi %add3A_232, %add3A_242 : i32
          %gt3A = arith.cmpi sgt, %add3A_243, %add3A_212 : i32
          %convert_element_type3A_244 = arith.extui %gt3A : i1 to i32
          %cond3A_245 = arith.constant 0 : i32
          %cond3A_246 = arith.cmpi ne, %convert_element_type3A_244, %cond3A_245 : i32
          scf.if %cond3A_246 {
            %sub3A_247 = arith.subi %add3A_212, %add3A_232 : i32
            %and3A_248 = arith.constant 128 : i32
            %and3A_249 = arith.andi %sub3A_247, %and3A_248 : i32
            %ne3A_250 = arith.constant 0 : i32
            %ne3A_251 = arith.cmpi ne, %and3A_249, %ne3A_250 : i32
            %convert_element_type3A_252 = arith.extui %ne3A_251 : i1 to i32
            %cond3A_253 = arith.constant 0 : i32
            %cond3A_254 = arith.constant 0 : i32
            %cond3A_255 = arith.cmpi ne, %convert_element_type3A_252, %cond3A_254 : i32
            scf.if %cond3A_255 {
              %add3A_305 = arith.addi %add3A_232, %cond3A_253 : i32
              %dma_start3A = arith.constant 0 : i32
              %dma_start3A_306 = tpu.memref_slice %arg6[%cond3A_253, %dma_start3A] : memref<256x128xf32, #tpu.memory_space<vmem>> -> memref<128x128xf32, #tpu.memory_space<vmem>>
              %dma_start3A_307 = arith.constant 0 : i32
              %dma_start3A_308 = tpu.memref_slice %arg4[%add3A_305, %dma_start3A_307] : memref<180224x128xf32, #tpu.memory_space<hbm>> -> memref<128x128xf32, #tpu.memory_space<hbm>>
              %dma_start3A_309 = arith.constant 0 : i32
              %dma_start3A_310 = tpu.memref_slice %arg4[%add3A_305, %dma_start3A_309] : memref<180224x128xf32, #tpu.memory_space<hbm>> -> memref<128x128xf32, #tpu.memory_space<hbm>>
              %dma_start3A_311 = arith.constant 0 : i32
              %dma_start3A_312 = tpu.memref_slice %arg6[%cond3A_253, %dma_start3A_311] : memref<256x128xf32, #tpu.memory_space<vmem>> -> memref<128x128xf32, #tpu.memory_space<vmem>>
              tpu.enqueue_dma source(%dma_start3A_312 : memref<128x128xf32, #tpu.memory_space<vmem>>) target(%dma_start3A_310 : memref<128x128xf32, #tpu.memory_space<hbm>>) target_semaphore(%arg10 : memref<!tpu.dma_semaphore, #tpu.memory_space<semaphore_mem>>)
              %dma_wait3A = arith.constant 0 : i32
              %dma_wait3A_313 = tpu.memref_slice %arg6[%cond3A_253, %dma_wait3A] : memref<256x128xf32, #tpu.memory_space<vmem>> -> memref<128x128xf32, #tpu.memory_space<vmem>>
              %dma_wait3A_314 = arith.constant 0 : i32
              %dma_wait3A_315 = tpu.memref_slice %arg4[%add3A_305, %dma_wait3A_314] : memref<180224x128xf32, #tpu.memory_space<hbm>> -> memref<128x128xf32, #tpu.memory_space<hbm>>
              %dma_wait3A_316 = arith.constant 0 : i32
              %dma_wait3A_317 = tpu.memref_slice %arg4[%add3A_305, %dma_wait3A_316] : memref<180224x128xf32, #tpu.memory_space<hbm>> -> memref<128x128xf32, #tpu.memory_space<hbm>>
              %dma_wait3A_318 = arith.constant 0 : i32
              %dma_wait3A_319 = tpu.memref_slice %arg6[%cond3A_253, %dma_wait3A_318] : memref<256x128xf32, #tpu.memory_space<vmem>> -> memref<128x128xf32, #tpu.memory_space<vmem>>
              tpu.wait_dma2 semaphore(%arg10 : memref<!tpu.dma_semaphore, #tpu.memory_space<semaphore_mem>>) src(%dma_wait3A_319 : memref<128x128xf32, #tpu.memory_space<vmem>>) dst(%dma_wait3A_317 : memref<128x128xf32, #tpu.memory_space<hbm>>)
            } else {
            }
            %jit3A_256 = arith.constant 128 : i32
            %jit3A_257 = arith.constant 0 : i32
            %select_n3A_258 = arith.select %ne3A_251, %jit3A_256, %jit3A_257 : i32
            %add3A_259 = arith.constant 0 : i32
            %add3A_260 = arith.addi %add3A_259, %select_n3A_258 : i32
            %and3A_261 = arith.constant 64 : i32
            %and3A_262 = arith.andi %sub3A_247, %and3A_261 : i32
            %ne3A_263 = arith.constant 0 : i32
            %ne3A_264 = arith.cmpi ne, %and3A_262, %ne3A_263 : i32
            %convert_element_type3A_265 = arith.extui %ne3A_264 : i1 to i32
            %cond3A_266 = arith.constant 0 : i32
            %cond3A_267 = arith.cmpi ne, %convert_element_type3A_265, %cond3A_266 : i32
            scf.if %cond3A_267 {
              %add3A_305 = arith.addi %add3A_232, %add3A_260 : i32
              %dma_start3A = arith.constant 0 : i32
              %dma_start3A_306 = tpu.memref_slice %arg6[%add3A_260, %dma_start3A] : memref<256x128xf32, #tpu.memory_space<vmem>> -> memref<64x128xf32, #tpu.memory_space<vmem>>
              %dma_start3A_307 = arith.constant 0 : i32
              %dma_start3A_308 = tpu.memref_slice %arg4[%add3A_305, %dma_start3A_307] : memref<180224x128xf32, #tpu.memory_space<hbm>> -> memref<64x128xf32, #tpu.memory_space<hbm>>
              %dma_start3A_309 = arith.constant 0 : i32
              %dma_start3A_310 = tpu.memref_slice %arg4[%add3A_305, %dma_start3A_309] : memref<180224x128xf32, #tpu.memory_space<hbm>> -> memref<64x128xf32, #tpu.memory_space<hbm>>
              %dma_start3A_311 = arith.constant 0 : i32
              %dma_start3A_312 = tpu.memref_slice %arg6[%add3A_260, %dma_start3A_311] : memref<256x128xf32, #tpu.memory_space<vmem>> -> memref<64x128xf32, #tpu.memory_space<vmem>>
              tpu.enqueue_dma source(%dma_start3A_312 : memref<64x128xf32, #tpu.memory_space<vmem>>) target(%dma_start3A_310 : memref<64x128xf32, #tpu.memory_space<hbm>>) target_semaphore(%arg10 : memref<!tpu.dma_semaphore, #tpu.memory_space<semaphore_mem>>)
              %dma_wait3A = arith.constant 0 : i32
              %dma_wait3A_313 = tpu.memref_slice %arg6[%add3A_260, %dma_wait3A] : memref<256x128xf32, #tpu.memory_space<vmem>> -> memref<64x128xf32, #tpu.memory_space<vmem>>
              %dma_wait3A_314 = arith.constant 0 : i32
              %dma_wait3A_315 = tpu.memref_slice %arg4[%add3A_305, %dma_wait3A_314] : memref<180224x128xf32, #tpu.memory_space<hbm>> -> memref<64x128xf32, #tpu.memory_space<hbm>>
              %dma_wait3A_316 = arith.constant 0 : i32
              %dma_wait3A_317 = tpu.memref_slice %arg4[%add3A_305, %dma_wait3A_316] : memref<180224x128xf32, #tpu.memory_space<hbm>> -> memref<64x128xf32, #tpu.memory_space<hbm>>
              %dma_wait3A_318 = arith.constant 0 : i32
              %dma_wait3A_319 = tpu.memref_slice %arg6[%add3A_260, %dma_wait3A_318] : memref<256x128xf32, #tpu.memory_space<vmem>> -> memref<64x128xf32, #tpu.memory_space<vmem>>
              tpu.wait_dma2 semaphore(%arg10 : memref<!tpu.dma_semaphore, #tpu.memory_space<semaphore_mem>>) src(%dma_wait3A_319 : memref<64x128xf32, #tpu.memory_space<vmem>>) dst(%dma_wait3A_317 : memref<64x128xf32, #tpu.memory_space<hbm>>)
            } else {
            }
            %jit3A_268 = arith.constant 64 : i32
            %jit3A_269 = arith.constant 0 : i32
            %select_n3A_270 = arith.select %ne3A_264, %jit3A_268, %jit3A_269 : i32
            %add3A_271 = arith.addi %add3A_260, %select_n3A_270 : i32
            %and3A_272 = arith.constant 32 : i32
            %and3A_273 = arith.andi %sub3A_247, %and3A_272 : i32
            %ne3A_274 = arith.constant 0 : i32
            %ne3A_275 = arith.cmpi ne, %and3A_273, %ne3A_274 : i32
            %convert_element_type3A_276 = arith.extui %ne3A_275 : i1 to i32
            %cond3A_277 = arith.constant 0 : i32
            %cond3A_278 = arith.cmpi ne, %convert_element_type3A_276, %cond3A_277 : i32
            scf.if %cond3A_278 {
              %add3A_305 = arith.addi %add3A_232, %add3A_271 : i32
              %dma_start3A = arith.constant 0 : i32
              %dma_start3A_306 = tpu.memref_slice %arg6[%add3A_271, %dma_start3A] : memref<256x128xf32, #tpu.memory_space<vmem>> -> memref<32x128xf32, #tpu.memory_space<vmem>>
              %dma_start3A_307 = arith.constant 0 : i32
              %dma_start3A_308 = tpu.memref_slice %arg4[%add3A_305, %dma_start3A_307] : memref<180224x128xf32, #tpu.memory_space<hbm>> -> memref<32x128xf32, #tpu.memory_space<hbm>>
              %dma_start3A_309 = arith.constant 0 : i32
              %dma_start3A_310 = tpu.memref_slice %arg4[%add3A_305, %dma_start3A_309] : memref<180224x128xf32, #tpu.memory_space<hbm>> -> memref<32x128xf32, #tpu.memory_space<hbm>>
              %dma_start3A_311 = arith.constant 0 : i32
              %dma_start3A_312 = tpu.memref_slice %arg6[%add3A_271, %dma_start3A_311] : memref<256x128xf32, #tpu.memory_space<vmem>> -> memref<32x128xf32, #tpu.memory_space<vmem>>
              tpu.enqueue_dma source(%dma_start3A_312 : memref<32x128xf32, #tpu.memory_space<vmem>>) target(%dma_start3A_310 : memref<32x128xf32, #tpu.memory_space<hbm>>) target_semaphore(%arg10 : memref<!tpu.dma_semaphore, #tpu.memory_space<semaphore_mem>>)
              %dma_wait3A = arith.constant 0 : i32
              %dma_wait3A_313 = tpu.memref_slice %arg6[%add3A_271, %dma_wait3A] : memref<256x128xf32, #tpu.memory_space<vmem>> -> memref<32x128xf32, #tpu.memory_space<vmem>>
              %dma_wait3A_314 = arith.constant 0 : i32
              %dma_wait3A_315 = tpu.memref_slice %arg4[%add3A_305, %dma_wait3A_314] : memref<180224x128xf32, #tpu.memory_space<hbm>> -> memref<32x128xf32, #tpu.memory_space<hbm>>
              %dma_wait3A_316 = arith.constant 0 : i32
              %dma_wait3A_317 = tpu.memref_slice %arg4[%add3A_305, %dma_wait3A_316] : memref<180224x128xf32, #tpu.memory_space<hbm>> -> memref<32x128xf32, #tpu.memory_space<hbm>>
              %dma_wait3A_318 = arith.constant 0 : i32
              %dma_wait3A_319 = tpu.memref_slice %arg6[%add3A_271, %dma_wait3A_318] : memref<256x128xf32, #tpu.memory_space<vmem>> -> memref<32x128xf32, #tpu.memory_space<vmem>>
              tpu.wait_dma2 semaphore(%arg10 : memref<!tpu.dma_semaphore, #tpu.memory_space<semaphore_mem>>) src(%dma_wait3A_319 : memref<32x128xf32, #tpu.memory_space<vmem>>) dst(%dma_wait3A_317 : memref<32x128xf32, #tpu.memory_space<hbm>>)
            } else {
            }
            %jit3A_279 = arith.constant 32 : i32
            %jit3A_280 = arith.constant 0 : i32
            %select_n3A_281 = arith.select %ne3A_275, %jit3A_279, %jit3A_280 : i32
            %add3A_282 = arith.addi %add3A_271, %select_n3A_281 : i32
            %and3A_283 = arith.constant 16 : i32
            %and3A_284 = arith.andi %sub3A_247, %and3A_283 : i32
            %ne3A_285 = arith.constant 0 : i32
            %ne3A_286 = arith.cmpi ne, %and3A_284, %ne3A_285 : i32
            %convert_element_type3A_287 = arith.extui %ne3A_286 : i1 to i32
            %cond3A_288 = arith.constant 0 : i32
            %cond3A_289 = arith.cmpi ne, %convert_element_type3A_287, %cond3A_288 : i32
            scf.if %cond3A_289 {
              %add3A_305 = arith.addi %add3A_232, %add3A_282 : i32
              %dma_start3A = arith.constant 0 : i32
              %dma_start3A_306 = tpu.memref_slice %arg6[%add3A_282, %dma_start3A] : memref<256x128xf32, #tpu.memory_space<vmem>> -> memref<16x128xf32, #tpu.memory_space<vmem>>
              %dma_start3A_307 = arith.constant 0 : i32
              %dma_start3A_308 = tpu.memref_slice %arg4[%add3A_305, %dma_start3A_307] : memref<180224x128xf32, #tpu.memory_space<hbm>> -> memref<16x128xf32, #tpu.memory_space<hbm>>
              %dma_start3A_309 = arith.constant 0 : i32
              %dma_start3A_310 = tpu.memref_slice %arg4[%add3A_305, %dma_start3A_309] : memref<180224x128xf32, #tpu.memory_space<hbm>> -> memref<16x128xf32, #tpu.memory_space<hbm>>
              %dma_start3A_311 = arith.constant 0 : i32
              %dma_start3A_312 = tpu.memref_slice %arg6[%add3A_282, %dma_start3A_311] : memref<256x128xf32, #tpu.memory_space<vmem>> -> memref<16x128xf32, #tpu.memory_space<vmem>>
              tpu.enqueue_dma source(%dma_start3A_312 : memref<16x128xf32, #tpu.memory_space<vmem>>) target(%dma_start3A_310 : memref<16x128xf32, #tpu.memory_space<hbm>>) target_semaphore(%arg10 : memref<!tpu.dma_semaphore, #tpu.memory_space<semaphore_mem>>)
              %dma_wait3A = arith.constant 0 : i32
              %dma_wait3A_313 = tpu.memref_slice %arg6[%add3A_282, %dma_wait3A] : memref<256x128xf32, #tpu.memory_space<vmem>> -> memref<16x128xf32, #tpu.memory_space<vmem>>
              %dma_wait3A_314 = arith.constant 0 : i32
              %dma_wait3A_315 = tpu.memref_slice %arg4[%add3A_305, %dma_wait3A_314] : memref<180224x128xf32, #tpu.memory_space<hbm>> -> memref<16x128xf32, #tpu.memory_space<hbm>>
              %dma_wait3A_316 = arith.constant 0 : i32
              %dma_wait3A_317 = tpu.memref_slice %arg4[%add3A_305, %dma_wait3A_316] : memref<180224x128xf32, #tpu.memory_space<hbm>> -> memref<16x128xf32, #tpu.memory_space<hbm>>
              %dma_wait3A_318 = arith.constant 0 : i32
              %dma_wait3A_319 = tpu.memref_slice %arg6[%add3A_282, %dma_wait3A_318] : memref<256x128xf32, #tpu.memory_space<vmem>> -> memref<16x128xf32, #tpu.memory_space<vmem>>
              tpu.wait_dma2 semaphore(%arg10 : memref<!tpu.dma_semaphore, #tpu.memory_space<semaphore_mem>>) src(%dma_wait3A_319 : memref<16x128xf32, #tpu.memory_space<vmem>>) dst(%dma_wait3A_317 : memref<16x128xf32, #tpu.memory_space<hbm>>)
            } else {
            }
            %jit3A_290 = arith.constant 16 : i32
            %jit3A_291 = arith.constant 0 : i32
            %select_n3A_292 = arith.select %ne3A_286, %jit3A_290, %jit3A_291 : i32
            %add3A_293 = arith.addi %add3A_282, %select_n3A_292 : i32
            %and3A_294 = arith.constant 8 : i32
            %and3A_295 = arith.andi %sub3A_247, %and3A_294 : i32
            %ne3A_296 = arith.constant 0 : i32
            %ne3A_297 = arith.cmpi ne, %and3A_295, %ne3A_296 : i32
            %convert_element_type3A_298 = arith.extui %ne3A_297 : i1 to i32
            %cond3A_299 = arith.constant 0 : i32
            %cond3A_300 = arith.cmpi ne, %convert_element_type3A_298, %cond3A_299 : i32
            scf.if %cond3A_300 {
              %add3A_305 = arith.addi %add3A_232, %add3A_293 : i32
              %dma_start3A = arith.constant 0 : i32
              %dma_start3A_306 = tpu.memref_slice %arg6[%add3A_293, %dma_start3A] : memref<256x128xf32, #tpu.memory_space<vmem>> -> memref<8x128xf32, #tpu.memory_space<vmem>>
              %dma_start3A_307 = arith.constant 0 : i32
              %dma_start3A_308 = tpu.memref_slice %arg4[%add3A_305, %dma_start3A_307] : memref<180224x128xf32, #tpu.memory_space<hbm>> -> memref<8x128xf32, #tpu.memory_space<hbm>>
              %dma_start3A_309 = arith.constant 0 : i32
              %dma_start3A_310 = tpu.memref_slice %arg4[%add3A_305, %dma_start3A_309] : memref<180224x128xf32, #tpu.memory_space<hbm>> -> memref<8x128xf32, #tpu.memory_space<hbm>>
              %dma_start3A_311 = arith.constant 0 : i32
              %dma_start3A_312 = tpu.memref_slice %arg6[%add3A_293, %dma_start3A_311] : memref<256x128xf32, #tpu.memory_space<vmem>> -> memref<8x128xf32, #tpu.memory_space<vmem>>
              tpu.enqueue_dma source(%dma_start3A_312 : memref<8x128xf32, #tpu.memory_space<vmem>>) target(%dma_start3A_310 : memref<8x128xf32, #tpu.memory_space<hbm>>) target_semaphore(%arg10 : memref<!tpu.dma_semaphore, #tpu.memory_space<semaphore_mem>>)
              %dma_wait3A = arith.constant 0 : i32
              %dma_wait3A_313 = tpu.memref_slice %arg6[%add3A_293, %dma_wait3A] : memref<256x128xf32, #tpu.memory_space<vmem>> -> memref<8x128xf32, #tpu.memory_space<vmem>>
              %dma_wait3A_314 = arith.constant 0 : i32
              %dma_wait3A_315 = tpu.memref_slice %arg4[%add3A_305, %dma_wait3A_314] : memref<180224x128xf32, #tpu.memory_space<hbm>> -> memref<8x128xf32, #tpu.memory_space<hbm>>
              %dma_wait3A_316 = arith.constant 0 : i32
              %dma_wait3A_317 = tpu.memref_slice %arg4[%add3A_305, %dma_wait3A_316] : memref<180224x128xf32, #tpu.memory_space<hbm>> -> memref<8x128xf32, #tpu.memory_space<hbm>>
              %dma_wait3A_318 = arith.constant 0 : i32
              %dma_wait3A_319 = tpu.memref_slice %arg6[%add3A_293, %dma_wait3A_318] : memref<256x128xf32, #tpu.memory_space<vmem>> -> memref<8x128xf32, #tpu.memory_space<vmem>>
              tpu.wait_dma2 semaphore(%arg10 : memref<!tpu.dma_semaphore, #tpu.memory_space<semaphore_mem>>) src(%dma_wait3A_319 : memref<8x128xf32, #tpu.memory_space<vmem>>) dst(%dma_wait3A_317 : memref<8x128xf32, #tpu.memory_space<hbm>>)
            } else {
            }
            %jit3A_301 = arith.constant 8 : i32
            %jit3A_302 = arith.constant 0 : i32
            %select_n3A_303 = arith.select %ne3A_297, %jit3A_301, %jit3A_302 : i32
            %add3A_304 = arith.addi %add3A_293, %select_n3A_303 : i32
          } else {
          }
        } else {
        }
      }
      %scan3A_224 = arith.constant 23 : i32
    } else {
    }
    return
  }
}

#map = affine_map<(d0, d1) -> (0)>
#map1 = affine_map<(d0, d1) -> (0, 0)>
module attributes {stable_mosaic.version = 14 : i64} {
  func.func @k(%arg0: i32, %arg1: i32, %arg2: memref<16384xi32, #tpu.memory_space<hbm>>, %arg3: memref<16384xi32, #tpu.memory_space<hbm>>, %arg4: memref<180224x128xf32, #tpu.memory_space<hbm>>, %arg5: memref<16384x128xf32, #tpu.memory_space<hbm>>, %arg6: memref<712x128xf32, #tpu.memory_space<vmem>>, %arg7: memref<64x128xf32, #tpu.memory_space<vmem>>, %arg8: memref<528xi32, #tpu.memory_space<vmem>>, %arg9: memref<528xi32, #tpu.memory_space<vmem>>, %arg10: memref<!tpu.dma_semaphore, #tpu.memory_space<semaphore_mem>>) attributes {dimension_semantics = [#tpu.dimension_semantics<core_parallel>, #tpu.dimension_semantics<subcore_parallel>], iteration_bounds = array<i64: 2, 16>, scalar_prefetch = 0 : i64, scratch_operands = 5 : i64, tpu.core_type = #tpu.core_type<sc_vector_subcore>, window_params = [{transform_indices = #map}, {transform_indices = #map}, {transform_indices = #map1}, {transform_indices = #map1}]} {
    %mul3A = arith.constant 2 : i32
    %mul3A_0 = arith.muli %arg1, %mul3A : i32
    %add3A = arith.addi %mul3A_0, %arg0 : i32
    %mul3A_1 = arith.constant 512 : i32
    %mul3A_2 = arith.muli %add3A, %mul3A_1 : i32
    "tpu.region"() ({
      %run_scoped3A = tpu.sem_alloc : memref<!tpu.dma_semaphore, #tpu.memory_space<semaphore_mem>>
      %dma_start3A = arith.constant 0 : i32
      %dma_start3A_9 = tpu.memref_slice %arg8[%dma_start3A] : memref<528xi32, #tpu.memory_space<vmem>> -> memref<512xi32, #tpu.memory_space<vmem>>
      %dma_start3A_10 = tpu.memref_slice %arg2[%mul3A_2] : memref<16384xi32, #tpu.memory_space<hbm>> -> memref<512xi32, #tpu.memory_space<hbm>>
      %dma_start3A_11 = arith.constant 0 : i32
      %dma_start3A_12 = tpu.memref_slice %arg8[%dma_start3A_11] : memref<528xi32, #tpu.memory_space<vmem>> -> memref<512xi32, #tpu.memory_space<vmem>>
      %dma_start3A_13 = tpu.memref_slice %arg2[%mul3A_2] : memref<16384xi32, #tpu.memory_space<hbm>> -> memref<512xi32, #tpu.memory_space<hbm>>
      tpu.enqueue_dma source(%dma_start3A_13 : memref<512xi32, #tpu.memory_space<hbm>>) target(%dma_start3A_12 : memref<512xi32, #tpu.memory_space<vmem>>) target_semaphore(%run_scoped3A : memref<!tpu.dma_semaphore, #tpu.memory_space<semaphore_mem>>)
      %dma_wait3A = arith.constant 0 : i32
      %dma_wait3A_14 = tpu.memref_slice %arg8[%dma_wait3A] : memref<528xi32, #tpu.memory_space<vmem>> -> memref<512xi32, #tpu.memory_space<vmem>>
      %dma_wait3A_15 = tpu.memref_slice %arg2[%mul3A_2] : memref<16384xi32, #tpu.memory_space<hbm>> -> memref<512xi32, #tpu.memory_space<hbm>>
      %dma_wait3A_16 = arith.constant 0 : i32
      %dma_wait3A_17 = tpu.memref_slice %arg8[%dma_wait3A_16] : memref<528xi32, #tpu.memory_space<vmem>> -> memref<512xi32, #tpu.memory_space<vmem>>
      %dma_wait3A_18 = tpu.memref_slice %arg2[%mul3A_2] : memref<16384xi32, #tpu.memory_space<hbm>> -> memref<512xi32, #tpu.memory_space<hbm>>
      tpu.wait_dma2 semaphore(%run_scoped3A : memref<!tpu.dma_semaphore, #tpu.memory_space<semaphore_mem>>) src(%dma_wait3A_18 : memref<512xi32, #tpu.memory_space<hbm>>) dst(%dma_wait3A_17 : memref<512xi32, #tpu.memory_space<vmem>>)
      tpu.yield
    }) : () -> ()
    %mul3A_3 = arith.constant 512 : i32
    %mul3A_4 = arith.muli %add3A, %mul3A_3 : i32
    "tpu.region"() ({
      %run_scoped3A = tpu.sem_alloc : memref<!tpu.dma_semaphore, #tpu.memory_space<semaphore_mem>>
      %dma_start3A = arith.constant 0 : i32
      %dma_start3A_9 = tpu.memref_slice %arg9[%dma_start3A] : memref<528xi32, #tpu.memory_space<vmem>> -> memref<512xi32, #tpu.memory_space<vmem>>
      %dma_start3A_10 = tpu.memref_slice %arg3[%mul3A_4] : memref<16384xi32, #tpu.memory_space<hbm>> -> memref<512xi32, #tpu.memory_space<hbm>>
      %dma_start3A_11 = arith.constant 0 : i32
      %dma_start3A_12 = tpu.memref_slice %arg9[%dma_start3A_11] : memref<528xi32, #tpu.memory_space<vmem>> -> memref<512xi32, #tpu.memory_space<vmem>>
      %dma_start3A_13 = tpu.memref_slice %arg3[%mul3A_4] : memref<16384xi32, #tpu.memory_space<hbm>> -> memref<512xi32, #tpu.memory_space<hbm>>
      tpu.enqueue_dma source(%dma_start3A_13 : memref<512xi32, #tpu.memory_space<hbm>>) target(%dma_start3A_12 : memref<512xi32, #tpu.memory_space<vmem>>) target_semaphore(%run_scoped3A : memref<!tpu.dma_semaphore, #tpu.memory_space<semaphore_mem>>)
      %dma_wait3A = arith.constant 0 : i32
      %dma_wait3A_14 = tpu.memref_slice %arg9[%dma_wait3A] : memref<528xi32, #tpu.memory_space<vmem>> -> memref<512xi32, #tpu.memory_space<vmem>>
      %dma_wait3A_15 = tpu.memref_slice %arg3[%mul3A_4] : memref<16384xi32, #tpu.memory_space<hbm>> -> memref<512xi32, #tpu.memory_space<hbm>>
      %dma_wait3A_16 = arith.constant 0 : i32
      %dma_wait3A_17 = tpu.memref_slice %arg9[%dma_wait3A_16] : memref<528xi32, #tpu.memory_space<vmem>> -> memref<512xi32, #tpu.memory_space<vmem>>
      %dma_wait3A_18 = tpu.memref_slice %arg3[%mul3A_4] : memref<16384xi32, #tpu.memory_space<hbm>> -> memref<512xi32, #tpu.memory_space<hbm>>
      tpu.wait_dma2 semaphore(%run_scoped3A : memref<!tpu.dma_semaphore, #tpu.memory_space<semaphore_mem>>) src(%dma_wait3A_18 : memref<512xi32, #tpu.memory_space<hbm>>) dst(%dma_wait3A_17 : memref<512xi32, #tpu.memory_space<vmem>>)
      tpu.yield
    }) : () -> ()
    %scan3A = arith.constant 0 : i32
    %scan3A_5 = arith.constant 8 : i32
    %scan3A_6 = arith.addi %scan3A, %scan3A_5 : i32
    %scan3A_7 = arith.constant 1 : i32
    scf.for %scan3A_9 = %scan3A to %scan3A_6 step %scan3A_7  : i32 {
      %mul3A_10 = arith.constant 1 : i32
      %mul3A_11 = arith.muli %scan3A_9, %mul3A_10 : i32
      %add3A_12 = arith.constant 0 : i32
      %add3A_13 = arith.addi %add3A_12, %mul3A_11 : i32
      %mul3A_14 = arith.constant 64 : i32
      %mul3A_15 = arith.muli %add3A_13, %mul3A_14 : i32
      %get3A = arith.index_cast %mul3A_15 : i32 to index
      %get3A_16 = tpu.vector_load %arg8[%get3A] {strides = array<i32>} : memref<528xi32, #tpu.memory_space<vmem>>, vector<16xi32>,
      %slice3A = vector.extract_strided_slice %get3A_16 {offsets = [0], sizes = [1], strides = [1]} : vector<16xi32> to vector<1xi32>
      %squeeze3A = vector.extract %slice3A[0] : i32 from vector<1xi32>
      %jit3A = arith.constant 8 : i32
      %div3A = arith.divsi %squeeze3A, %jit3A : i32
      %sign3A = arith.constant 0 : i32
      %sign3A_17 = arith.cmpi sgt, %squeeze3A, %sign3A : i32
      %sign3A_18 = arith.extui %sign3A_17 : i1 to i32
      %sign3A_19 = arith.constant 0 : i32
      %sign3A_20 = arith.cmpi slt, %squeeze3A, %sign3A_19 : i32
      %sign3A_21 = arith.extui %sign3A_20 : i1 to i32
      %sign3A_22 = arith.subi %sign3A_18, %sign3A_21 : i32
      %sign3A_23 = arith.constant 0 : i32
      %sign3A_24 = arith.cmpi sgt, %jit3A, %sign3A_23 : i32
      %sign3A_25 = arith.extui %sign3A_24 : i1 to i32
      %sign3A_26 = arith.constant 0 : i32
      %sign3A_27 = arith.cmpi slt, %jit3A, %sign3A_26 : i32
      %sign3A_28 = arith.extui %sign3A_27 : i1 to i32
      %sign3A_29 = arith.subi %sign3A_25, %sign3A_28 : i32
      %ne3A = arith.cmpi ne, %sign3A_22, %sign3A_29 : i32
      %rem3A = arith.remsi %squeeze3A, %jit3A : i32
      %ne3A_30 = arith.constant 0 : i32
      %ne3A_31 = arith.cmpi ne, %rem3A, %ne3A_30 : i32
      %and3A = arith.andi %ne3A, %ne3A_31 : i1
      %sub3A = arith.constant 1 : i32
      %sub3A_32 = arith.subi %div3A, %sub3A : i32
      %select_n3A = arith.select %and3A, %sub3A_32, %div3A : i32
      %mul3A_33 = arith.constant 8 : i32
      %mul3A_34 = arith.muli %select_n3A, %mul3A_33 : i32
      %min3A = arith.constant 179512 : i32
      %min3A_35 = arith.minsi %mul3A_34, %min3A : i32
      %dma_start3A = arith.constant 0 : i32
      %dma_start3A_36 = tpu.memref_slice %arg4[%min3A_35, %dma_start3A] : memref<180224x128xf32, #tpu.memory_space<hbm>> -> memref<712x128xf32, #tpu.memory_space<hbm>>
      %dma_start3A_37 = arith.constant 0 : i32
      %dma_start3A_38 = tpu.memref_slice %arg4[%min3A_35, %dma_start3A_37] : memref<180224x128xf32, #tpu.memory_space<hbm>> -> memref<712x128xf32, #tpu.memory_space<hbm>>
      tpu.enqueue_dma source(%dma_start3A_38 : memref<712x128xf32, #tpu.memory_space<hbm>>) target(%arg6 : memref<712x128xf32, #tpu.memory_space<vmem>>) target_semaphore(%arg10 : memref<!tpu.dma_semaphore, #tpu.memory_space<semaphore_mem>>)
      %dma_wait3A = arith.constant 0 : i32
      %dma_wait3A_39 = tpu.memref_slice %arg4[%min3A_35, %dma_wait3A] : memref<180224x128xf32, #tpu.memory_space<hbm>> -> memref<712x128xf32, #tpu.memory_space<hbm>>
      %dma_wait3A_40 = arith.constant 0 : i32
      %dma_wait3A_41 = tpu.memref_slice %arg4[%min3A_35, %dma_wait3A_40] : memref<180224x128xf32, #tpu.memory_space<hbm>> -> memref<712x128xf32, #tpu.memory_space<hbm>>
      tpu.wait_dma2 semaphore(%arg10 : memref<!tpu.dma_semaphore, #tpu.memory_space<semaphore_mem>>) src(%dma_wait3A_41 : memref<712x128xf32, #tpu.memory_space<hbm>>) dst(%arg6 : memref<712x128xf32, #tpu.memory_space<vmem>>)
      %scan3A_42 = arith.constant 0 : i32
      %scan3A_43 = arith.constant 64 : i32
      %scan3A_44 = arith.addi %scan3A_42, %scan3A_43 : i32
      %scan3A_45 = arith.constant 1 : i32
      scf.for %scan3A_58 = %scan3A_42 to %scan3A_44 step %scan3A_45  : i32 {
        %mul3A_59 = arith.constant 1 : i32
        %mul3A_60 = arith.muli %scan3A_58, %mul3A_59 : i32
        %add3A_61 = arith.constant 0 : i32
        %add3A_62 = arith.addi %add3A_61, %mul3A_60 : i32
        %add3A_63 = arith.addi %mul3A_15, %add3A_62 : i32
        %get3A_64 = arith.index_cast %add3A_63 : i32 to index
        %get3A_65 = tpu.vector_load %arg8[%get3A_64] {strides = array<i32>} : memref<528xi32, #tpu.memory_space<vmem>>, vector<16xi32>,
        %slice3A_66 = vector.extract_strided_slice %get3A_65 {offsets = [0], sizes = [1], strides = [1]} : vector<16xi32> to vector<1xi32>
        %squeeze3A_67 = vector.extract %slice3A_66[0] : i32 from vector<1xi32>
        %sub3A_68 = arith.subi %squeeze3A_67, %min3A_35 : i32
        %add3A_69 = arith.addi %mul3A_15, %add3A_62 : i32
        %get3A_70 = arith.index_cast %add3A_69 : i32 to index
        %get3A_71 = tpu.vector_load %arg9[%get3A_70] {strides = array<i32>} : memref<528xi32, #tpu.memory_space<vmem>>, vector<16xi32>,
        %slice3A_72 = vector.extract_strided_slice %get3A_71 {offsets = [0], sizes = [1], strides = [1]} : vector<16xi32> to vector<1xi32>
        %squeeze3A_73 = vector.extract %slice3A_72[0] : i32 from vector<1xi32>
        %sub3A_74 = arith.subi %squeeze3A_73, %squeeze3A_67 : i32
        %broadcast_in_dim3A = arith.constant 0.000000e+00 : f32
        %broadcast_in_dim3A_75 = vector.broadcast %broadcast_in_dim3A : f32 to vector<16xf32>
        %broadcast_in_dim3A_76 = arith.constant 0.000000e+00 : f32
        %broadcast_in_dim3A_77 = vector.broadcast %broadcast_in_dim3A_76 : f32 to vector<16xf32>
        %broadcast_in_dim3A_78 = arith.constant 0.000000e+00 : f32
        %broadcast_in_dim3A_79 = vector.broadcast %broadcast_in_dim3A_78 : f32 to vector<16xf32>
        %broadcast_in_dim3A_80 = arith.constant 0.000000e+00 : f32
        %broadcast_in_dim3A_81 = vector.broadcast %broadcast_in_dim3A_80 : f32 to vector<16xf32>
        %broadcast_in_dim3A_82 = arith.constant 0.000000e+00 : f32
        %broadcast_in_dim3A_83 = vector.broadcast %broadcast_in_dim3A_82 : f32 to vector<16xf32>
        %broadcast_in_dim3A_84 = arith.constant 0.000000e+00 : f32
        %broadcast_in_dim3A_85 = vector.broadcast %broadcast_in_dim3A_84 : f32 to vector<16xf32>
        %broadcast_in_dim3A_86 = arith.constant 0.000000e+00 : f32
        %broadcast_in_dim3A_87 = vector.broadcast %broadcast_in_dim3A_86 : f32 to vector<16xf32>
        %broadcast_in_dim3A_88 = arith.constant 0.000000e+00 : f32
        %broadcast_in_dim3A_89 = vector.broadcast %broadcast_in_dim3A_88 : f32 to vector<16xf32>
        %gt3A = arith.constant 0 : i32
        %gt3A_90 = arith.cmpi sgt, %sub3A_74, %gt3A : i32
        %convert_element_type3A = arith.extui %gt3A_90 : i1 to i32
        %convert_element_type3A_91 = arith.sitofp %convert_element_type3A : i32 to f32
        %add3A_92 = arith.constant 0 : i32
        %add3A_93 = arith.addi %sub3A_68, %add3A_92 : i32
        %get3A_94 = arith.index_cast %add3A_93 : i32 to index
        %get3A_95 = arith.constant 0 : index
        %get3A_96 = tpu.vector_load %arg6[%get3A_94, %get3A_95] {strides = array<i32>} : memref<712x128xf32, #tpu.memory_space<vmem>>, vector<16xf32>,
        %mul3A_97 = vector.broadcast %convert_element_type3A_91 : f32 to vector<16xf32>
        %mul3A_98 = arith.mulf %get3A_96, %mul3A_97 : vector<16xf32>
        %add3A_99 = arith.addf %broadcast_in_dim3A_75, %mul3A_98 : vector<16xf32>
        %add3A_100 = arith.constant 0 : i32
        %add3A_101 = arith.addi %sub3A_68, %add3A_100 : i32
        %get3A_102 = arith.index_cast %add3A_101 : i32 to index
        %get3A_103 = arith.constant 16 : index
        %get3A_104 = tpu.vector_load %arg6[%get3A_102, %get3A_103] {strides = array<i32>} : memref<712x128xf32, #tpu.memory_space<vmem>>, vector<16xf32>,
        %mul3A_105 = vector.broadcast %convert_element_type3A_91 : f32 to vector<16xf32>
        %mul3A_106 = arith.mulf %get3A_104, %mul3A_105 : vector<16xf32>
        %add3A_107 = arith.addf %broadcast_in_dim3A_77, %mul3A_106 : vector<16xf32>
        %add3A_108 = arith.constant 0 : i32
        %add3A_109 = arith.addi %sub3A_68, %add3A_108 : i32
        %get3A_110 = arith.index_cast %add3A_109 : i32 to index
        %get3A_111 = arith.constant 32 : index
        %get3A_112 = tpu.vector_load %arg6[%get3A_110, %get3A_111] {strides = array<i32>} : memref<712x128xf32, #tpu.memory_space<vmem>>, vector<16xf32>,
        %mul3A_113 = vector.broadcast %convert_element_type3A_91 : f32 to vector<16xf32>
        %mul3A_114 = arith.mulf %get3A_112, %mul3A_113 : vector<16xf32>
        %add3A_115 = arith.addf %broadcast_in_dim3A_79, %mul3A_114 : vector<16xf32>
        %add3A_116 = arith.constant 0 : i32
        %add3A_117 = arith.addi %sub3A_68, %add3A_116 : i32
        %get3A_118 = arith.index_cast %add3A_117 : i32 to index
        %get3A_119 = arith.constant 48 : index
        %get3A_120 = tpu.vector_load %arg6[%get3A_118, %get3A_119] {strides = array<i32>} : memref<712x128xf32, #tpu.memory_space<vmem>>, vector<16xf32>,
        %mul3A_121 = vector.broadcast %convert_element_type3A_91 : f32 to vector<16xf32>
        %mul3A_122 = arith.mulf %get3A_120, %mul3A_121 : vector<16xf32>
        %add3A_123 = arith.addf %broadcast_in_dim3A_81, %mul3A_122 : vector<16xf32>
        %add3A_124 = arith.constant 0 : i32
        %add3A_125 = arith.addi %sub3A_68, %add3A_124 : i32
        %get3A_126 = arith.index_cast %add3A_125 : i32 to index
        %get3A_127 = arith.constant 64 : index
        %get3A_128 = tpu.vector_load %arg6[%get3A_126, %get3A_127] {strides = array<i32>} : memref<712x128xf32, #tpu.memory_space<vmem>>, vector<16xf32>,
        %mul3A_129 = vector.broadcast %convert_element_type3A_91 : f32 to vector<16xf32>
        %mul3A_130 = arith.mulf %get3A_128, %mul3A_129 : vector<16xf32>
        %add3A_131 = arith.addf %broadcast_in_dim3A_83, %mul3A_130 : vector<16xf32>
        %add3A_132 = arith.constant 0 : i32
        %add3A_133 = arith.addi %sub3A_68, %add3A_132 : i32
        %get3A_134 = arith.index_cast %add3A_133 : i32 to index
        %get3A_135 = arith.constant 80 : index
        %get3A_136 = tpu.vector_load %arg6[%get3A_134, %get3A_135] {strides = array<i32>} : memref<712x128xf32, #tpu.memory_space<vmem>>, vector<16xf32>,
        %mul3A_137 = vector.broadcast %convert_element_type3A_91 : f32 to vector<16xf32>
        %mul3A_138 = arith.mulf %get3A_136, %mul3A_137 : vector<16xf32>
        %add3A_139 = arith.addf %broadcast_in_dim3A_85, %mul3A_138 : vector<16xf32>
        %add3A_140 = arith.constant 0 : i32
        %add3A_141 = arith.addi %sub3A_68, %add3A_140 : i32
        %get3A_142 = arith.index_cast %add3A_141 : i32 to index
        %get3A_143 = arith.constant 96 : index
        %get3A_144 = tpu.vector_load %arg6[%get3A_142, %get3A_143] {strides = array<i32>} : memref<712x128xf32, #tpu.memory_space<vmem>>, vector<16xf32>,
        %mul3A_145 = vector.broadcast %convert_element_type3A_91 : f32 to vector<16xf32>
        %mul3A_146 = arith.mulf %get3A_144, %mul3A_145 : vector<16xf32>
        %add3A_147 = arith.addf %broadcast_in_dim3A_87, %mul3A_146 : vector<16xf32>
        %add3A_148 = arith.constant 0 : i32
        %add3A_149 = arith.addi %sub3A_68, %add3A_148 : i32
        %get3A_150 = arith.index_cast %add3A_149 : i32 to index
        %get3A_151 = arith.constant 112 : index
        %get3A_152 = tpu.vector_load %arg6[%get3A_150, %get3A_151] {strides = array<i32>} : memref<712x128xf32, #tpu.memory_space<vmem>>, vector<16xf32>,
        %mul3A_153 = vector.broadcast %convert_element_type3A_91 : f32 to vector<16xf32>
        %mul3A_154 = arith.mulf %get3A_152, %mul3A_153 : vector<16xf32>
        %add3A_155 = arith.addf %broadcast_in_dim3A_89, %mul3A_154 : vector<16xf32>
        %gt3A_156 = arith.constant 1 : i32
        %gt3A_157 = arith.cmpi sgt, %sub3A_74, %gt3A_156 : i32
        %convert_element_type3A_158 = arith.extui %gt3A_157 : i1 to i32
        %convert_element_type3A_159 = arith.sitofp %convert_element_type3A_158 : i32 to f32
        %add3A_160 = arith.constant 1 : i32
        %add3A_161 = arith.addi %sub3A_68, %add3A_160 : i32
        %get3A_162 = arith.index_cast %add3A_161 : i32 to index
        %get3A_163 = arith.constant 0 : index
        %get3A_164 = tpu.vector_load %arg6[%get3A_162, %get3A_163] {strides = array<i32>} : memref<712x128xf32, #tpu.memory_space<vmem>>, vector<16xf32>,
        %mul3A_165 = vector.broadcast %convert_element_type3A_159 : f32 to vector<16xf32>
        %mul3A_166 = arith.mulf %get3A_164, %mul3A_165 : vector<16xf32>
        %add3A_167 = arith.addf %add3A_99, %mul3A_166 : vector<16xf32>
        %add3A_168 = arith.constant 1 : i32
        %add3A_169 = arith.addi %sub3A_68, %add3A_168 : i32
        %get3A_170 = arith.index_cast %add3A_169 : i32 to index
        %get3A_171 = arith.constant 16 : index
        %get3A_172 = tpu.vector_load %arg6[%get3A_170, %get3A_171] {strides = array<i32>} : memref<712x128xf32, #tpu.memory_space<vmem>>, vector<16xf32>,
        %mul3A_173 = vector.broadcast %convert_element_type3A_159 : f32 to vector<16xf32>
        %mul3A_174 = arith.mulf %get3A_172, %mul3A_173 : vector<16xf32>
        %add3A_175 = arith.addf %add3A_107, %mul3A_174 : vector<16xf32>
        %add3A_176 = arith.constant 1 : i32
        %add3A_177 = arith.addi %sub3A_68, %add3A_176 : i32
        %get3A_178 = arith.index_cast %add3A_177 : i32 to index
        %get3A_179 = arith.constant 32 : index
        %get3A_180 = tpu.vector_load %arg6[%get3A_178, %get3A_179] {strides = array<i32>} : memref<712x128xf32, #tpu.memory_space<vmem>>, vector<16xf32>,
        %mul3A_181 = vector.broadcast %convert_element_type3A_159 : f32 to vector<16xf32>
        %mul3A_182 = arith.mulf %get3A_180, %mul3A_181 : vector<16xf32>
        %add3A_183 = arith.addf %add3A_115, %mul3A_182 : vector<16xf32>
        %add3A_184 = arith.constant 1 : i32
        %add3A_185 = arith.addi %sub3A_68, %add3A_184 : i32
        %get3A_186 = arith.index_cast %add3A_185 : i32 to index
        %get3A_187 = arith.constant 48 : index
        %get3A_188 = tpu.vector_load %arg6[%get3A_186, %get3A_187] {strides = array<i32>} : memref<712x128xf32, #tpu.memory_space<vmem>>, vector<16xf32>,
        %mul3A_189 = vector.broadcast %convert_element_type3A_159 : f32 to vector<16xf32>
        %mul3A_190 = arith.mulf %get3A_188, %mul3A_189 : vector<16xf32>
        %add3A_191 = arith.addf %add3A_123, %mul3A_190 : vector<16xf32>
        %add3A_192 = arith.constant 1 : i32
        %add3A_193 = arith.addi %sub3A_68, %add3A_192 : i32
        %get3A_194 = arith.index_cast %add3A_193 : i32 to index
        %get3A_195 = arith.constant 64 : index
        %get3A_196 = tpu.vector_load %arg6[%get3A_194, %get3A_195] {strides = array<i32>} : memref<712x128xf32, #tpu.memory_space<vmem>>, vector<16xf32>,
        %mul3A_197 = vector.broadcast %convert_element_type3A_159 : f32 to vector<16xf32>
        %mul3A_198 = arith.mulf %get3A_196, %mul3A_197 : vector<16xf32>
        %add3A_199 = arith.addf %add3A_131, %mul3A_198 : vector<16xf32>
        %add3A_200 = arith.constant 1 : i32
        %add3A_201 = arith.addi %sub3A_68, %add3A_200 : i32
        %get3A_202 = arith.index_cast %add3A_201 : i32 to index
        %get3A_203 = arith.constant 80 : index
        %get3A_204 = tpu.vector_load %arg6[%get3A_202, %get3A_203] {strides = array<i32>} : memref<712x128xf32, #tpu.memory_space<vmem>>, vector<16xf32>,
        %mul3A_205 = vector.broadcast %convert_element_type3A_159 : f32 to vector<16xf32>
        %mul3A_206 = arith.mulf %get3A_204, %mul3A_205 : vector<16xf32>
        %add3A_207 = arith.addf %add3A_139, %mul3A_206 : vector<16xf32>
        %add3A_208 = arith.constant 1 : i32
        %add3A_209 = arith.addi %sub3A_68, %add3A_208 : i32
        %get3A_210 = arith.index_cast %add3A_209 : i32 to index
        %get3A_211 = arith.constant 96 : index
        %get3A_212 = tpu.vector_load %arg6[%get3A_210, %get3A_211] {strides = array<i32>} : memref<712x128xf32, #tpu.memory_space<vmem>>, vector<16xf32>,
        %mul3A_213 = vector.broadcast %convert_element_type3A_159 : f32 to vector<16xf32>
        %mul3A_214 = arith.mulf %get3A_212, %mul3A_213 : vector<16xf32>
        %add3A_215 = arith.addf %add3A_147, %mul3A_214 : vector<16xf32>
        %add3A_216 = arith.constant 1 : i32
        %add3A_217 = arith.addi %sub3A_68, %add3A_216 : i32
        %get3A_218 = arith.index_cast %add3A_217 : i32 to index
        %get3A_219 = arith.constant 112 : index
        %get3A_220 = tpu.vector_load %arg6[%get3A_218, %get3A_219] {strides = array<i32>} : memref<712x128xf32, #tpu.memory_space<vmem>>, vector<16xf32>,
        %mul3A_221 = vector.broadcast %convert_element_type3A_159 : f32 to vector<16xf32>
        %mul3A_222 = arith.mulf %get3A_220, %mul3A_221 : vector<16xf32>
        %add3A_223 = arith.addf %add3A_155, %mul3A_222 : vector<16xf32>
        %gt3A_224 = arith.constant 2 : i32
        %gt3A_225 = arith.cmpi sgt, %sub3A_74, %gt3A_224 : i32
        %convert_element_type3A_226 = arith.extui %gt3A_225 : i1 to i32
        %convert_element_type3A_227 = arith.sitofp %convert_element_type3A_226 : i32 to f32
        %add3A_228 = arith.constant 2 : i32
        %add3A_229 = arith.addi %sub3A_68, %add3A_228 : i32
        %get3A_230 = arith.index_cast %add3A_229 : i32 to index
        %get3A_231 = arith.constant 0 : index
        %get3A_232 = tpu.vector_load %arg6[%get3A_230, %get3A_231] {strides = array<i32>} : memref<712x128xf32, #tpu.memory_space<vmem>>, vector<16xf32>,
        %mul3A_233 = vector.broadcast %convert_element_type3A_227 : f32 to vector<16xf32>
        %mul3A_234 = arith.mulf %get3A_232, %mul3A_233 : vector<16xf32>
        %add3A_235 = arith.addf %add3A_167, %mul3A_234 : vector<16xf32>
        %add3A_236 = arith.constant 2 : i32
        %add3A_237 = arith.addi %sub3A_68, %add3A_236 : i32
        %get3A_238 = arith.index_cast %add3A_237 : i32 to index
        %get3A_239 = arith.constant 16 : index
        %get3A_240 = tpu.vector_load %arg6[%get3A_238, %get3A_239] {strides = array<i32>} : memref<712x128xf32, #tpu.memory_space<vmem>>, vector<16xf32>,
        %mul3A_241 = vector.broadcast %convert_element_type3A_227 : f32 to vector<16xf32>
        %mul3A_242 = arith.mulf %get3A_240, %mul3A_241 : vector<16xf32>
        %add3A_243 = arith.addf %add3A_175, %mul3A_242 : vector<16xf32>
        %add3A_244 = arith.constant 2 : i32
        %add3A_245 = arith.addi %sub3A_68, %add3A_244 : i32
        %get3A_246 = arith.index_cast %add3A_245 : i32 to index
        %get3A_247 = arith.constant 32 : index
        %get3A_248 = tpu.vector_load %arg6[%get3A_246, %get3A_247] {strides = array<i32>} : memref<712x128xf32, #tpu.memory_space<vmem>>, vector<16xf32>,
        %mul3A_249 = vector.broadcast %convert_element_type3A_227 : f32 to vector<16xf32>
        %mul3A_250 = arith.mulf %get3A_248, %mul3A_249 : vector<16xf32>
        %add3A_251 = arith.addf %add3A_183, %mul3A_250 : vector<16xf32>
        %add3A_252 = arith.constant 2 : i32
        %add3A_253 = arith.addi %sub3A_68, %add3A_252 : i32
        %get3A_254 = arith.index_cast %add3A_253 : i32 to index
        %get3A_255 = arith.constant 48 : index
        %get3A_256 = tpu.vector_load %arg6[%get3A_254, %get3A_255] {strides = array<i32>} : memref<712x128xf32, #tpu.memory_space<vmem>>, vector<16xf32>,
        %mul3A_257 = vector.broadcast %convert_element_type3A_227 : f32 to vector<16xf32>
        %mul3A_258 = arith.mulf %get3A_256, %mul3A_257 : vector<16xf32>
        %add3A_259 = arith.addf %add3A_191, %mul3A_258 : vector<16xf32>
        %add3A_260 = arith.constant 2 : i32
        %add3A_261 = arith.addi %sub3A_68, %add3A_260 : i32
        %get3A_262 = arith.index_cast %add3A_261 : i32 to index
        %get3A_263 = arith.constant 64 : index
        %get3A_264 = tpu.vector_load %arg6[%get3A_262, %get3A_263] {strides = array<i32>} : memref<712x128xf32, #tpu.memory_space<vmem>>, vector<16xf32>,
        %mul3A_265 = vector.broadcast %convert_element_type3A_227 : f32 to vector<16xf32>
        %mul3A_266 = arith.mulf %get3A_264, %mul3A_265 : vector<16xf32>
        %add3A_267 = arith.addf %add3A_199, %mul3A_266 : vector<16xf32>
        %add3A_268 = arith.constant 2 : i32
        %add3A_269 = arith.addi %sub3A_68, %add3A_268 : i32
        %get3A_270 = arith.index_cast %add3A_269 : i32 to index
        %get3A_271 = arith.constant 80 : index
        %get3A_272 = tpu.vector_load %arg6[%get3A_270, %get3A_271] {strides = array<i32>} : memref<712x128xf32, #tpu.memory_space<vmem>>, vector<16xf32>,
        %mul3A_273 = vector.broadcast %convert_element_type3A_227 : f32 to vector<16xf32>
        %mul3A_274 = arith.mulf %get3A_272, %mul3A_273 : vector<16xf32>
        %add3A_275 = arith.addf %add3A_207, %mul3A_274 : vector<16xf32>
        %add3A_276 = arith.constant 2 : i32
        %add3A_277 = arith.addi %sub3A_68, %add3A_276 : i32
        %get3A_278 = arith.index_cast %add3A_277 : i32 to index
        %get3A_279 = arith.constant 96 : index
        %get3A_280 = tpu.vector_load %arg6[%get3A_278, %get3A_279] {strides = array<i32>} : memref<712x128xf32, #tpu.memory_space<vmem>>, vector<16xf32>,
        %mul3A_281 = vector.broadcast %convert_element_type3A_227 : f32 to vector<16xf32>
        %mul3A_282 = arith.mulf %get3A_280, %mul3A_281 : vector<16xf32>
        %add3A_283 = arith.addf %add3A_215, %mul3A_282 : vector<16xf32>
        %add3A_284 = arith.constant 2 : i32
        %add3A_285 = arith.addi %sub3A_68, %add3A_284 : i32
        %get3A_286 = arith.index_cast %add3A_285 : i32 to index
        %get3A_287 = arith.constant 112 : index
        %get3A_288 = tpu.vector_load %arg6[%get3A_286, %get3A_287] {strides = array<i32>} : memref<712x128xf32, #tpu.memory_space<vmem>>, vector<16xf32>,
        %mul3A_289 = vector.broadcast %convert_element_type3A_227 : f32 to vector<16xf32>
        %mul3A_290 = arith.mulf %get3A_288, %mul3A_289 : vector<16xf32>
        %add3A_291 = arith.addf %add3A_223, %mul3A_290 : vector<16xf32>
        %gt3A_292 = arith.constant 3 : i32
        %gt3A_293 = arith.cmpi sgt, %sub3A_74, %gt3A_292 : i32
        %convert_element_type3A_294 = arith.extui %gt3A_293 : i1 to i32
        %convert_element_type3A_295 = arith.sitofp %convert_element_type3A_294 : i32 to f32
        %add3A_296 = arith.constant 3 : i32
        %add3A_297 = arith.addi %sub3A_68, %add3A_296 : i32
        %get3A_298 = arith.index_cast %add3A_297 : i32 to index
        %get3A_299 = arith.constant 0 : index
        %get3A_300 = tpu.vector_load %arg6[%get3A_298, %get3A_299] {strides = array<i32>} : memref<712x128xf32, #tpu.memory_space<vmem>>, vector<16xf32>,
        %mul3A_301 = vector.broadcast %convert_element_type3A_295 : f32 to vector<16xf32>
        %mul3A_302 = arith.mulf %get3A_300, %mul3A_301 : vector<16xf32>
        %add3A_303 = arith.addf %add3A_235, %mul3A_302 : vector<16xf32>
        %add3A_304 = arith.constant 3 : i32
        %add3A_305 = arith.addi %sub3A_68, %add3A_304 : i32
        %get3A_306 = arith.index_cast %add3A_305 : i32 to index
        %get3A_307 = arith.constant 16 : index
        %get3A_308 = tpu.vector_load %arg6[%get3A_306, %get3A_307] {strides = array<i32>} : memref<712x128xf32, #tpu.memory_space<vmem>>, vector<16xf32>,
        %mul3A_309 = vector.broadcast %convert_element_type3A_295 : f32 to vector<16xf32>
        %mul3A_310 = arith.mulf %get3A_308, %mul3A_309 : vector<16xf32>
        %add3A_311 = arith.addf %add3A_243, %mul3A_310 : vector<16xf32>
        %add3A_312 = arith.constant 3 : i32
        %add3A_313 = arith.addi %sub3A_68, %add3A_312 : i32
        %get3A_314 = arith.index_cast %add3A_313 : i32 to index
        %get3A_315 = arith.constant 32 : index
        %get3A_316 = tpu.vector_load %arg6[%get3A_314, %get3A_315] {strides = array<i32>} : memref<712x128xf32, #tpu.memory_space<vmem>>, vector<16xf32>,
        %mul3A_317 = vector.broadcast %convert_element_type3A_295 : f32 to vector<16xf32>
        %mul3A_318 = arith.mulf %get3A_316, %mul3A_317 : vector<16xf32>
        %add3A_319 = arith.addf %add3A_251, %mul3A_318 : vector<16xf32>
        %add3A_320 = arith.constant 3 : i32
        %add3A_321 = arith.addi %sub3A_68, %add3A_320 : i32
        %get3A_322 = arith.index_cast %add3A_321 : i32 to index
        %get3A_323 = arith.constant 48 : index
        %get3A_324 = tpu.vector_load %arg6[%get3A_322, %get3A_323] {strides = array<i32>} : memref<712x128xf32, #tpu.memory_space<vmem>>, vector<16xf32>,
        %mul3A_325 = vector.broadcast %convert_element_type3A_295 : f32 to vector<16xf32>
        %mul3A_326 = arith.mulf %get3A_324, %mul3A_325 : vector<16xf32>
        %add3A_327 = arith.addf %add3A_259, %mul3A_326 : vector<16xf32>
        %add3A_328 = arith.constant 3 : i32
        %add3A_329 = arith.addi %sub3A_68, %add3A_328 : i32
        %get3A_330 = arith.index_cast %add3A_329 : i32 to index
        %get3A_331 = arith.constant 64 : index
        %get3A_332 = tpu.vector_load %arg6[%get3A_330, %get3A_331] {strides = array<i32>} : memref<712x128xf32, #tpu.memory_space<vmem>>, vector<16xf32>,
        %mul3A_333 = vector.broadcast %convert_element_type3A_295 : f32 to vector<16xf32>
        %mul3A_334 = arith.mulf %get3A_332, %mul3A_333 : vector<16xf32>
        %add3A_335 = arith.addf %add3A_267, %mul3A_334 : vector<16xf32>
        %add3A_336 = arith.constant 3 : i32
        %add3A_337 = arith.addi %sub3A_68, %add3A_336 : i32
        %get3A_338 = arith.index_cast %add3A_337 : i32 to index
        %get3A_339 = arith.constant 80 : index
        %get3A_340 = tpu.vector_load %arg6[%get3A_338, %get3A_339] {strides = array<i32>} : memref<712x128xf32, #tpu.memory_space<vmem>>, vector<16xf32>,
        %mul3A_341 = vector.broadcast %convert_element_type3A_295 : f32 to vector<16xf32>
        %mul3A_342 = arith.mulf %get3A_340, %mul3A_341 : vector<16xf32>
        %add3A_343 = arith.addf %add3A_275, %mul3A_342 : vector<16xf32>
        %add3A_344 = arith.constant 3 : i32
        %add3A_345 = arith.addi %sub3A_68, %add3A_344 : i32
        %get3A_346 = arith.index_cast %add3A_345 : i32 to index
        %get3A_347 = arith.constant 96 : index
        %get3A_348 = tpu.vector_load %arg6[%get3A_346, %get3A_347] {strides = array<i32>} : memref<712x128xf32, #tpu.memory_space<vmem>>, vector<16xf32>,
        %mul3A_349 = vector.broadcast %convert_element_type3A_295 : f32 to vector<16xf32>
        %mul3A_350 = arith.mulf %get3A_348, %mul3A_349 : vector<16xf32>
        %add3A_351 = arith.addf %add3A_283, %mul3A_350 : vector<16xf32>
        %add3A_352 = arith.constant 3 : i32
        %add3A_353 = arith.addi %sub3A_68, %add3A_352 : i32
        %get3A_354 = arith.index_cast %add3A_353 : i32 to index
        %get3A_355 = arith.constant 112 : index
        %get3A_356 = tpu.vector_load %arg6[%get3A_354, %get3A_355] {strides = array<i32>} : memref<712x128xf32, #tpu.memory_space<vmem>>, vector<16xf32>,
        %mul3A_357 = vector.broadcast %convert_element_type3A_295 : f32 to vector<16xf32>
        %mul3A_358 = arith.mulf %get3A_356, %mul3A_357 : vector<16xf32>
        %add3A_359 = arith.addf %add3A_291, %mul3A_358 : vector<16xf32>
        %gt3A_360 = arith.constant 4 : i32
        %gt3A_361 = arith.cmpi sgt, %sub3A_74, %gt3A_360 : i32
        %convert_element_type3A_362 = arith.extui %gt3A_361 : i1 to i32
        %convert_element_type3A_363 = arith.sitofp %convert_element_type3A_362 : i32 to f32
        %add3A_364 = arith.constant 4 : i32
        %add3A_365 = arith.addi %sub3A_68, %add3A_364 : i32
        %get3A_366 = arith.index_cast %add3A_365 : i32 to index
        %get3A_367 = arith.constant 0 : index
        %get3A_368 = tpu.vector_load %arg6[%get3A_366, %get3A_367] {strides = array<i32>} : memref<712x128xf32, #tpu.memory_space<vmem>>, vector<16xf32>,
        %mul3A_369 = vector.broadcast %convert_element_type3A_363 : f32 to vector<16xf32>
        %mul3A_370 = arith.mulf %get3A_368, %mul3A_369 : vector<16xf32>
        %add3A_371 = arith.addf %add3A_303, %mul3A_370 : vector<16xf32>
        %add3A_372 = arith.constant 4 : i32
        %add3A_373 = arith.addi %sub3A_68, %add3A_372 : i32
        %get3A_374 = arith.index_cast %add3A_373 : i32 to index
        %get3A_375 = arith.constant 16 : index
        %get3A_376 = tpu.vector_load %arg6[%get3A_374, %get3A_375] {strides = array<i32>} : memref<712x128xf32, #tpu.memory_space<vmem>>, vector<16xf32>,
        %mul3A_377 = vector.broadcast %convert_element_type3A_363 : f32 to vector<16xf32>
        %mul3A_378 = arith.mulf %get3A_376, %mul3A_377 : vector<16xf32>
        %add3A_379 = arith.addf %add3A_311, %mul3A_378 : vector<16xf32>
        %add3A_380 = arith.constant 4 : i32
        %add3A_381 = arith.addi %sub3A_68, %add3A_380 : i32
        %get3A_382 = arith.index_cast %add3A_381 : i32 to index
        %get3A_383 = arith.constant 32 : index
        %get3A_384 = tpu.vector_load %arg6[%get3A_382, %get3A_383] {strides = array<i32>} : memref<712x128xf32, #tpu.memory_space<vmem>>, vector<16xf32>,
        %mul3A_385 = vector.broadcast %convert_element_type3A_363 : f32 to vector<16xf32>
        %mul3A_386 = arith.mulf %get3A_384, %mul3A_385 : vector<16xf32>
        %add3A_387 = arith.addf %add3A_319, %mul3A_386 : vector<16xf32>
        %add3A_388 = arith.constant 4 : i32
        %add3A_389 = arith.addi %sub3A_68, %add3A_388 : i32
        %get3A_390 = arith.index_cast %add3A_389 : i32 to index
        %get3A_391 = arith.constant 48 : index
        %get3A_392 = tpu.vector_load %arg6[%get3A_390, %get3A_391] {strides = array<i32>} : memref<712x128xf32, #tpu.memory_space<vmem>>, vector<16xf32>,
        %mul3A_393 = vector.broadcast %convert_element_type3A_363 : f32 to vector<16xf32>
        %mul3A_394 = arith.mulf %get3A_392, %mul3A_393 : vector<16xf32>
        %add3A_395 = arith.addf %add3A_327, %mul3A_394 : vector<16xf32>
        %add3A_396 = arith.constant 4 : i32
        %add3A_397 = arith.addi %sub3A_68, %add3A_396 : i32
        %get3A_398 = arith.index_cast %add3A_397 : i32 to index
        %get3A_399 = arith.constant 64 : index
        %get3A_400 = tpu.vector_load %arg6[%get3A_398, %get3A_399] {strides = array<i32>} : memref<712x128xf32, #tpu.memory_space<vmem>>, vector<16xf32>,
        %mul3A_401 = vector.broadcast %convert_element_type3A_363 : f32 to vector<16xf32>
        %mul3A_402 = arith.mulf %get3A_400, %mul3A_401 : vector<16xf32>
        %add3A_403 = arith.addf %add3A_335, %mul3A_402 : vector<16xf32>
        %add3A_404 = arith.constant 4 : i32
        %add3A_405 = arith.addi %sub3A_68, %add3A_404 : i32
        %get3A_406 = arith.index_cast %add3A_405 : i32 to index
        %get3A_407 = arith.constant 80 : index
        %get3A_408 = tpu.vector_load %arg6[%get3A_406, %get3A_407] {strides = array<i32>} : memref<712x128xf32, #tpu.memory_space<vmem>>, vector<16xf32>,
        %mul3A_409 = vector.broadcast %convert_element_type3A_363 : f32 to vector<16xf32>
        %mul3A_410 = arith.mulf %get3A_408, %mul3A_409 : vector<16xf32>
        %add3A_411 = arith.addf %add3A_343, %mul3A_410 : vector<16xf32>
        %add3A_412 = arith.constant 4 : i32
        %add3A_413 = arith.addi %sub3A_68, %add3A_412 : i32
        %get3A_414 = arith.index_cast %add3A_413 : i32 to index
        %get3A_415 = arith.constant 96 : index
        %get3A_416 = tpu.vector_load %arg6[%get3A_414, %get3A_415] {strides = array<i32>} : memref<712x128xf32, #tpu.memory_space<vmem>>, vector<16xf32>,
        %mul3A_417 = vector.broadcast %convert_element_type3A_363 : f32 to vector<16xf32>
        %mul3A_418 = arith.mulf %get3A_416, %mul3A_417 : vector<16xf32>
        %add3A_419 = arith.addf %add3A_351, %mul3A_418 : vector<16xf32>
        %add3A_420 = arith.constant 4 : i32
        %add3A_421 = arith.addi %sub3A_68, %add3A_420 : i32
        %get3A_422 = arith.index_cast %add3A_421 : i32 to index
        %get3A_423 = arith.constant 112 : index
        %get3A_424 = tpu.vector_load %arg6[%get3A_422, %get3A_423] {strides = array<i32>} : memref<712x128xf32, #tpu.memory_space<vmem>>, vector<16xf32>,
        %mul3A_425 = vector.broadcast %convert_element_type3A_363 : f32 to vector<16xf32>
        %mul3A_426 = arith.mulf %get3A_424, %mul3A_425 : vector<16xf32>
        %add3A_427 = arith.addf %add3A_359, %mul3A_426 : vector<16xf32>
        %gt3A_428 = arith.constant 5 : i32
        %gt3A_429 = arith.cmpi sgt, %sub3A_74, %gt3A_428 : i32
        %convert_element_type3A_430 = arith.extui %gt3A_429 : i1 to i32
        %convert_element_type3A_431 = arith.sitofp %convert_element_type3A_430 : i32 to f32
        %add3A_432 = arith.constant 5 : i32
        %add3A_433 = arith.addi %sub3A_68, %add3A_432 : i32
        %get3A_434 = arith.index_cast %add3A_433 : i32 to index
        %get3A_435 = arith.constant 0 : index
        %get3A_436 = tpu.vector_load %arg6[%get3A_434, %get3A_435] {strides = array<i32>} : memref<712x128xf32, #tpu.memory_space<vmem>>, vector<16xf32>,
        %mul3A_437 = vector.broadcast %convert_element_type3A_431 : f32 to vector<16xf32>
        %mul3A_438 = arith.mulf %get3A_436, %mul3A_437 : vector<16xf32>
        %add3A_439 = arith.addf %add3A_371, %mul3A_438 : vector<16xf32>
        %add3A_440 = arith.constant 5 : i32
        %add3A_441 = arith.addi %sub3A_68, %add3A_440 : i32
        %get3A_442 = arith.index_cast %add3A_441 : i32 to index
        %get3A_443 = arith.constant 16 : index
        %get3A_444 = tpu.vector_load %arg6[%get3A_442, %get3A_443] {strides = array<i32>} : memref<712x128xf32, #tpu.memory_space<vmem>>, vector<16xf32>,
        %mul3A_445 = vector.broadcast %convert_element_type3A_431 : f32 to vector<16xf32>
        %mul3A_446 = arith.mulf %get3A_444, %mul3A_445 : vector<16xf32>
        %add3A_447 = arith.addf %add3A_379, %mul3A_446 : vector<16xf32>
        %add3A_448 = arith.constant 5 : i32
        %add3A_449 = arith.addi %sub3A_68, %add3A_448 : i32
        %get3A_450 = arith.index_cast %add3A_449 : i32 to index
        %get3A_451 = arith.constant 32 : index
        %get3A_452 = tpu.vector_load %arg6[%get3A_450, %get3A_451] {strides = array<i32>} : memref<712x128xf32, #tpu.memory_space<vmem>>, vector<16xf32>,
        %mul3A_453 = vector.broadcast %convert_element_type3A_431 : f32 to vector<16xf32>
        %mul3A_454 = arith.mulf %get3A_452, %mul3A_453 : vector<16xf32>
        %add3A_455 = arith.addf %add3A_387, %mul3A_454 : vector<16xf32>
        %add3A_456 = arith.constant 5 : i32
        %add3A_457 = arith.addi %sub3A_68, %add3A_456 : i32
        %get3A_458 = arith.index_cast %add3A_457 : i32 to index
        %get3A_459 = arith.constant 48 : index
        %get3A_460 = tpu.vector_load %arg6[%get3A_458, %get3A_459] {strides = array<i32>} : memref<712x128xf32, #tpu.memory_space<vmem>>, vector<16xf32>,
        %mul3A_461 = vector.broadcast %convert_element_type3A_431 : f32 to vector<16xf32>
        %mul3A_462 = arith.mulf %get3A_460, %mul3A_461 : vector<16xf32>
        %add3A_463 = arith.addf %add3A_395, %mul3A_462 : vector<16xf32>
        %add3A_464 = arith.constant 5 : i32
        %add3A_465 = arith.addi %sub3A_68, %add3A_464 : i32
        %get3A_466 = arith.index_cast %add3A_465 : i32 to index
        %get3A_467 = arith.constant 64 : index
        %get3A_468 = tpu.vector_load %arg6[%get3A_466, %get3A_467] {strides = array<i32>} : memref<712x128xf32, #tpu.memory_space<vmem>>, vector<16xf32>,
        %mul3A_469 = vector.broadcast %convert_element_type3A_431 : f32 to vector<16xf32>
        %mul3A_470 = arith.mulf %get3A_468, %mul3A_469 : vector<16xf32>
        %add3A_471 = arith.addf %add3A_403, %mul3A_470 : vector<16xf32>
        %add3A_472 = arith.constant 5 : i32
        %add3A_473 = arith.addi %sub3A_68, %add3A_472 : i32
        %get3A_474 = arith.index_cast %add3A_473 : i32 to index
        %get3A_475 = arith.constant 80 : index
        %get3A_476 = tpu.vector_load %arg6[%get3A_474, %get3A_475] {strides = array<i32>} : memref<712x128xf32, #tpu.memory_space<vmem>>, vector<16xf32>,
        %mul3A_477 = vector.broadcast %convert_element_type3A_431 : f32 to vector<16xf32>
        %mul3A_478 = arith.mulf %get3A_476, %mul3A_477 : vector<16xf32>
        %add3A_479 = arith.addf %add3A_411, %mul3A_478 : vector<16xf32>
        %add3A_480 = arith.constant 5 : i32
        %add3A_481 = arith.addi %sub3A_68, %add3A_480 : i32
        %get3A_482 = arith.index_cast %add3A_481 : i32 to index
        %get3A_483 = arith.constant 96 : index
        %get3A_484 = tpu.vector_load %arg6[%get3A_482, %get3A_483] {strides = array<i32>} : memref<712x128xf32, #tpu.memory_space<vmem>>, vector<16xf32>,
        %mul3A_485 = vector.broadcast %convert_element_type3A_431 : f32 to vector<16xf32>
        %mul3A_486 = arith.mulf %get3A_484, %mul3A_485 : vector<16xf32>
        %add3A_487 = arith.addf %add3A_419, %mul3A_486 : vector<16xf32>
        %add3A_488 = arith.constant 5 : i32
        %add3A_489 = arith.addi %sub3A_68, %add3A_488 : i32
        %get3A_490 = arith.index_cast %add3A_489 : i32 to index
        %get3A_491 = arith.constant 112 : index
        %get3A_492 = tpu.vector_load %arg6[%get3A_490, %get3A_491] {strides = array<i32>} : memref<712x128xf32, #tpu.memory_space<vmem>>, vector<16xf32>,
        %mul3A_493 = vector.broadcast %convert_element_type3A_431 : f32 to vector<16xf32>
        %mul3A_494 = arith.mulf %get3A_492, %mul3A_493 : vector<16xf32>
        %add3A_495 = arith.addf %add3A_427, %mul3A_494 : vector<16xf32>
        %gt3A_496 = arith.constant 6 : i32
        %gt3A_497 = arith.cmpi sgt, %sub3A_74, %gt3A_496 : i32
        %convert_element_type3A_498 = arith.extui %gt3A_497 : i1 to i32
        %convert_element_type3A_499 = arith.sitofp %convert_element_type3A_498 : i32 to f32
        %add3A_500 = arith.constant 6 : i32
        %add3A_501 = arith.addi %sub3A_68, %add3A_500 : i32
        %get3A_502 = arith.index_cast %add3A_501 : i32 to index
        %get3A_503 = arith.constant 0 : index
        %get3A_504 = tpu.vector_load %arg6[%get3A_502, %get3A_503] {strides = array<i32>} : memref<712x128xf32, #tpu.memory_space<vmem>>, vector<16xf32>,
        %mul3A_505 = vector.broadcast %convert_element_type3A_499 : f32 to vector<16xf32>
        %mul3A_506 = arith.mulf %get3A_504, %mul3A_505 : vector<16xf32>
        %add3A_507 = arith.addf %add3A_439, %mul3A_506 : vector<16xf32>
        %add3A_508 = arith.constant 6 : i32
        %add3A_509 = arith.addi %sub3A_68, %add3A_508 : i32
        %get3A_510 = arith.index_cast %add3A_509 : i32 to index
        %get3A_511 = arith.constant 16 : index
        %get3A_512 = tpu.vector_load %arg6[%get3A_510, %get3A_511] {strides = array<i32>} : memref<712x128xf32, #tpu.memory_space<vmem>>, vector<16xf32>,
        %mul3A_513 = vector.broadcast %convert_element_type3A_499 : f32 to vector<16xf32>
        %mul3A_514 = arith.mulf %get3A_512, %mul3A_513 : vector<16xf32>
        %add3A_515 = arith.addf %add3A_447, %mul3A_514 : vector<16xf32>
        %add3A_516 = arith.constant 6 : i32
        %add3A_517 = arith.addi %sub3A_68, %add3A_516 : i32
        %get3A_518 = arith.index_cast %add3A_517 : i32 to index
        %get3A_519 = arith.constant 32 : index
        %get3A_520 = tpu.vector_load %arg6[%get3A_518, %get3A_519] {strides = array<i32>} : memref<712x128xf32, #tpu.memory_space<vmem>>, vector<16xf32>,
        %mul3A_521 = vector.broadcast %convert_element_type3A_499 : f32 to vector<16xf32>
        %mul3A_522 = arith.mulf %get3A_520, %mul3A_521 : vector<16xf32>
        %add3A_523 = arith.addf %add3A_455, %mul3A_522 : vector<16xf32>
        %add3A_524 = arith.constant 6 : i32
        %add3A_525 = arith.addi %sub3A_68, %add3A_524 : i32
        %get3A_526 = arith.index_cast %add3A_525 : i32 to index
        %get3A_527 = arith.constant 48 : index
        %get3A_528 = tpu.vector_load %arg6[%get3A_526, %get3A_527] {strides = array<i32>} : memref<712x128xf32, #tpu.memory_space<vmem>>, vector<16xf32>,
        %mul3A_529 = vector.broadcast %convert_element_type3A_499 : f32 to vector<16xf32>
        %mul3A_530 = arith.mulf %get3A_528, %mul3A_529 : vector<16xf32>
        %add3A_531 = arith.addf %add3A_463, %mul3A_530 : vector<16xf32>
        %add3A_532 = arith.constant 6 : i32
        %add3A_533 = arith.addi %sub3A_68, %add3A_532 : i32
        %get3A_534 = arith.index_cast %add3A_533 : i32 to index
        %get3A_535 = arith.constant 64 : index
        %get3A_536 = tpu.vector_load %arg6[%get3A_534, %get3A_535] {strides = array<i32>} : memref<712x128xf32, #tpu.memory_space<vmem>>, vector<16xf32>,
        %mul3A_537 = vector.broadcast %convert_element_type3A_499 : f32 to vector<16xf32>
        %mul3A_538 = arith.mulf %get3A_536, %mul3A_537 : vector<16xf32>
        %add3A_539 = arith.addf %add3A_471, %mul3A_538 : vector<16xf32>
        %add3A_540 = arith.constant 6 : i32
        %add3A_541 = arith.addi %sub3A_68, %add3A_540 : i32
        %get3A_542 = arith.index_cast %add3A_541 : i32 to index
        %get3A_543 = arith.constant 80 : index
        %get3A_544 = tpu.vector_load %arg6[%get3A_542, %get3A_543] {strides = array<i32>} : memref<712x128xf32, #tpu.memory_space<vmem>>, vector<16xf32>,
        %mul3A_545 = vector.broadcast %convert_element_type3A_499 : f32 to vector<16xf32>
        %mul3A_546 = arith.mulf %get3A_544, %mul3A_545 : vector<16xf32>
        %add3A_547 = arith.addf %add3A_479, %mul3A_546 : vector<16xf32>
        %add3A_548 = arith.constant 6 : i32
        %add3A_549 = arith.addi %sub3A_68, %add3A_548 : i32
        %get3A_550 = arith.index_cast %add3A_549 : i32 to index
        %get3A_551 = arith.constant 96 : index
        %get3A_552 = tpu.vector_load %arg6[%get3A_550, %get3A_551] {strides = array<i32>} : memref<712x128xf32, #tpu.memory_space<vmem>>, vector<16xf32>,
        %mul3A_553 = vector.broadcast %convert_element_type3A_499 : f32 to vector<16xf32>
        %mul3A_554 = arith.mulf %get3A_552, %mul3A_553 : vector<16xf32>
        %add3A_555 = arith.addf %add3A_487, %mul3A_554 : vector<16xf32>
        %add3A_556 = arith.constant 6 : i32
        %add3A_557 = arith.addi %sub3A_68, %add3A_556 : i32
        %get3A_558 = arith.index_cast %add3A_557 : i32 to index
        %get3A_559 = arith.constant 112 : index
        %get3A_560 = tpu.vector_load %arg6[%get3A_558, %get3A_559] {strides = array<i32>} : memref<712x128xf32, #tpu.memory_space<vmem>>, vector<16xf32>,
        %mul3A_561 = vector.broadcast %convert_element_type3A_499 : f32 to vector<16xf32>
        %mul3A_562 = arith.mulf %get3A_560, %mul3A_561 : vector<16xf32>
        %add3A_563 = arith.addf %add3A_495, %mul3A_562 : vector<16xf32>
        %gt3A_564 = arith.constant 7 : i32
        %gt3A_565 = arith.cmpi sgt, %sub3A_74, %gt3A_564 : i32
        %convert_element_type3A_566 = arith.extui %gt3A_565 : i1 to i32
        %convert_element_type3A_567 = arith.sitofp %convert_element_type3A_566 : i32 to f32
        %add3A_568 = arith.constant 7 : i32
        %add3A_569 = arith.addi %sub3A_68, %add3A_568 : i32
        %get3A_570 = arith.index_cast %add3A_569 : i32 to index
        %get3A_571 = arith.constant 0 : index
        %get3A_572 = tpu.vector_load %arg6[%get3A_570, %get3A_571] {strides = array<i32>} : memref<712x128xf32, #tpu.memory_space<vmem>>, vector<16xf32>,
        %mul3A_573 = vector.broadcast %convert_element_type3A_567 : f32 to vector<16xf32>
        %mul3A_574 = arith.mulf %get3A_572, %mul3A_573 : vector<16xf32>
        %add3A_575 = arith.addf %add3A_507, %mul3A_574 : vector<16xf32>
        %add3A_576 = arith.constant 7 : i32
        %add3A_577 = arith.addi %sub3A_68, %add3A_576 : i32
        %get3A_578 = arith.index_cast %add3A_577 : i32 to index
        %get3A_579 = arith.constant 16 : index
        %get3A_580 = tpu.vector_load %arg6[%get3A_578, %get3A_579] {strides = array<i32>} : memref<712x128xf32, #tpu.memory_space<vmem>>, vector<16xf32>,
        %mul3A_581 = vector.broadcast %convert_element_type3A_567 : f32 to vector<16xf32>
        %mul3A_582 = arith.mulf %get3A_580, %mul3A_581 : vector<16xf32>
        %add3A_583 = arith.addf %add3A_515, %mul3A_582 : vector<16xf32>
        %add3A_584 = arith.constant 7 : i32
        %add3A_585 = arith.addi %sub3A_68, %add3A_584 : i32
        %get3A_586 = arith.index_cast %add3A_585 : i32 to index
        %get3A_587 = arith.constant 32 : index
        %get3A_588 = tpu.vector_load %arg6[%get3A_586, %get3A_587] {strides = array<i32>} : memref<712x128xf32, #tpu.memory_space<vmem>>, vector<16xf32>,
        %mul3A_589 = vector.broadcast %convert_element_type3A_567 : f32 to vector<16xf32>
        %mul3A_590 = arith.mulf %get3A_588, %mul3A_589 : vector<16xf32>
        %add3A_591 = arith.addf %add3A_523, %mul3A_590 : vector<16xf32>
        %add3A_592 = arith.constant 7 : i32
        %add3A_593 = arith.addi %sub3A_68, %add3A_592 : i32
        %get3A_594 = arith.index_cast %add3A_593 : i32 to index
        %get3A_595 = arith.constant 48 : index
        %get3A_596 = tpu.vector_load %arg6[%get3A_594, %get3A_595] {strides = array<i32>} : memref<712x128xf32, #tpu.memory_space<vmem>>, vector<16xf32>,
        %mul3A_597 = vector.broadcast %convert_element_type3A_567 : f32 to vector<16xf32>
        %mul3A_598 = arith.mulf %get3A_596, %mul3A_597 : vector<16xf32>
        %add3A_599 = arith.addf %add3A_531, %mul3A_598 : vector<16xf32>
        %add3A_600 = arith.constant 7 : i32
        %add3A_601 = arith.addi %sub3A_68, %add3A_600 : i32
        %get3A_602 = arith.index_cast %add3A_601 : i32 to index
        %get3A_603 = arith.constant 64 : index
        %get3A_604 = tpu.vector_load %arg6[%get3A_602, %get3A_603] {strides = array<i32>} : memref<712x128xf32, #tpu.memory_space<vmem>>, vector<16xf32>,
        %mul3A_605 = vector.broadcast %convert_element_type3A_567 : f32 to vector<16xf32>
        %mul3A_606 = arith.mulf %get3A_604, %mul3A_605 : vector<16xf32>
        %add3A_607 = arith.addf %add3A_539, %mul3A_606 : vector<16xf32>
        %add3A_608 = arith.constant 7 : i32
        %add3A_609 = arith.addi %sub3A_68, %add3A_608 : i32
        %get3A_610 = arith.index_cast %add3A_609 : i32 to index
        %get3A_611 = arith.constant 80 : index
        %get3A_612 = tpu.vector_load %arg6[%get3A_610, %get3A_611] {strides = array<i32>} : memref<712x128xf32, #tpu.memory_space<vmem>>, vector<16xf32>,
        %mul3A_613 = vector.broadcast %convert_element_type3A_567 : f32 to vector<16xf32>
        %mul3A_614 = arith.mulf %get3A_612, %mul3A_613 : vector<16xf32>
        %add3A_615 = arith.addf %add3A_547, %mul3A_614 : vector<16xf32>
        %add3A_616 = arith.constant 7 : i32
        %add3A_617 = arith.addi %sub3A_68, %add3A_616 : i32
        %get3A_618 = arith.index_cast %add3A_617 : i32 to index
        %get3A_619 = arith.constant 96 : index
        %get3A_620 = tpu.vector_load %arg6[%get3A_618, %get3A_619] {strides = array<i32>} : memref<712x128xf32, #tpu.memory_space<vmem>>, vector<16xf32>,
        %mul3A_621 = vector.broadcast %convert_element_type3A_567 : f32 to vector<16xf32>
        %mul3A_622 = arith.mulf %get3A_620, %mul3A_621 : vector<16xf32>
        %add3A_623 = arith.addf %add3A_555, %mul3A_622 : vector<16xf32>
        %add3A_624 = arith.constant 7 : i32
        %add3A_625 = arith.addi %sub3A_68, %add3A_624 : i32
        %get3A_626 = arith.index_cast %add3A_625 : i32 to index
        %get3A_627 = arith.constant 112 : index
        %get3A_628 = tpu.vector_load %arg6[%get3A_626, %get3A_627] {strides = array<i32>} : memref<712x128xf32, #tpu.memory_space<vmem>>, vector<16xf32>,
        %mul3A_629 = vector.broadcast %convert_element_type3A_567 : f32 to vector<16xf32>
        %mul3A_630 = arith.mulf %get3A_628, %mul3A_629 : vector<16xf32>
        %add3A_631 = arith.addf %add3A_563, %mul3A_630 : vector<16xf32>
        %gt3A_632 = arith.constant 8 : i32
        %gt3A_633 = arith.cmpi sgt, %sub3A_74, %gt3A_632 : i32
        %convert_element_type3A_634 = arith.extui %gt3A_633 : i1 to i32
        %convert_element_type3A_635 = arith.sitofp %convert_element_type3A_634 : i32 to f32
        %add3A_636 = arith.constant 8 : i32
        %add3A_637 = arith.addi %sub3A_68, %add3A_636 : i32
        %get3A_638 = arith.index_cast %add3A_637 : i32 to index
        %get3A_639 = arith.constant 0 : index
        %get3A_640 = tpu.vector_load %arg6[%get3A_638, %get3A_639] {strides = array<i32>} : memref<712x128xf32, #tpu.memory_space<vmem>>, vector<16xf32>,
        %mul3A_641 = vector.broadcast %convert_element_type3A_635 : f32 to vector<16xf32>
        %mul3A_642 = arith.mulf %get3A_640, %mul3A_641 : vector<16xf32>
        %add3A_643 = arith.addf %add3A_575, %mul3A_642 : vector<16xf32>
        %add3A_644 = arith.constant 8 : i32
        %add3A_645 = arith.addi %sub3A_68, %add3A_644 : i32
        %get3A_646 = arith.index_cast %add3A_645 : i32 to index
        %get3A_647 = arith.constant 16 : index
        %get3A_648 = tpu.vector_load %arg6[%get3A_646, %get3A_647] {strides = array<i32>} : memref<712x128xf32, #tpu.memory_space<vmem>>, vector<16xf32>,
        %mul3A_649 = vector.broadcast %convert_element_type3A_635 : f32 to vector<16xf32>
        %mul3A_650 = arith.mulf %get3A_648, %mul3A_649 : vector<16xf32>
        %add3A_651 = arith.addf %add3A_583, %mul3A_650 : vector<16xf32>
        %add3A_652 = arith.constant 8 : i32
        %add3A_653 = arith.addi %sub3A_68, %add3A_652 : i32
        %get3A_654 = arith.index_cast %add3A_653 : i32 to index
        %get3A_655 = arith.constant 32 : index
        %get3A_656 = tpu.vector_load %arg6[%get3A_654, %get3A_655] {strides = array<i32>} : memref<712x128xf32, #tpu.memory_space<vmem>>, vector<16xf32>,
        %mul3A_657 = vector.broadcast %convert_element_type3A_635 : f32 to vector<16xf32>
        %mul3A_658 = arith.mulf %get3A_656, %mul3A_657 : vector<16xf32>
        %add3A_659 = arith.addf %add3A_591, %mul3A_658 : vector<16xf32>
        %add3A_660 = arith.constant 8 : i32
        %add3A_661 = arith.addi %sub3A_68, %add3A_660 : i32
        %get3A_662 = arith.index_cast %add3A_661 : i32 to index
        %get3A_663 = arith.constant 48 : index
        %get3A_664 = tpu.vector_load %arg6[%get3A_662, %get3A_663] {strides = array<i32>} : memref<712x128xf32, #tpu.memory_space<vmem>>, vector<16xf32>,
        %mul3A_665 = vector.broadcast %convert_element_type3A_635 : f32 to vector<16xf32>
        %mul3A_666 = arith.mulf %get3A_664, %mul3A_665 : vector<16xf32>
        %add3A_667 = arith.addf %add3A_599, %mul3A_666 : vector<16xf32>
        %add3A_668 = arith.constant 8 : i32
        %add3A_669 = arith.addi %sub3A_68, %add3A_668 : i32
        %get3A_670 = arith.index_cast %add3A_669 : i32 to index
        %get3A_671 = arith.constant 64 : index
        %get3A_672 = tpu.vector_load %arg6[%get3A_670, %get3A_671] {strides = array<i32>} : memref<712x128xf32, #tpu.memory_space<vmem>>, vector<16xf32>,
        %mul3A_673 = vector.broadcast %convert_element_type3A_635 : f32 to vector<16xf32>
        %mul3A_674 = arith.mulf %get3A_672, %mul3A_673 : vector<16xf32>
        %add3A_675 = arith.addf %add3A_607, %mul3A_674 : vector<16xf32>
        %add3A_676 = arith.constant 8 : i32
        %add3A_677 = arith.addi %sub3A_68, %add3A_676 : i32
        %get3A_678 = arith.index_cast %add3A_677 : i32 to index
        %get3A_679 = arith.constant 80 : index
        %get3A_680 = tpu.vector_load %arg6[%get3A_678, %get3A_679] {strides = array<i32>} : memref<712x128xf32, #tpu.memory_space<vmem>>, vector<16xf32>,
        %mul3A_681 = vector.broadcast %convert_element_type3A_635 : f32 to vector<16xf32>
        %mul3A_682 = arith.mulf %get3A_680, %mul3A_681 : vector<16xf32>
        %add3A_683 = arith.addf %add3A_615, %mul3A_682 : vector<16xf32>
        %add3A_684 = arith.constant 8 : i32
        %add3A_685 = arith.addi %sub3A_68, %add3A_684 : i32
        %get3A_686 = arith.index_cast %add3A_685 : i32 to index
        %get3A_687 = arith.constant 96 : index
        %get3A_688 = tpu.vector_load %arg6[%get3A_686, %get3A_687] {strides = array<i32>} : memref<712x128xf32, #tpu.memory_space<vmem>>, vector<16xf32>,
        %mul3A_689 = vector.broadcast %convert_element_type3A_635 : f32 to vector<16xf32>
        %mul3A_690 = arith.mulf %get3A_688, %mul3A_689 : vector<16xf32>
        %add3A_691 = arith.addf %add3A_623, %mul3A_690 : vector<16xf32>
        %add3A_692 = arith.constant 8 : i32
        %add3A_693 = arith.addi %sub3A_68, %add3A_692 : i32
        %get3A_694 = arith.index_cast %add3A_693 : i32 to index
        %get3A_695 = arith.constant 112 : index
        %get3A_696 = tpu.vector_load %arg6[%get3A_694, %get3A_695] {strides = array<i32>} : memref<712x128xf32, #tpu.memory_space<vmem>>, vector<16xf32>,
        %mul3A_697 = vector.broadcast %convert_element_type3A_635 : f32 to vector<16xf32>
        %mul3A_698 = arith.mulf %get3A_696, %mul3A_697 : vector<16xf32>
        %add3A_699 = arith.addf %add3A_631, %mul3A_698 : vector<16xf32>
        %gt3A_700 = arith.constant 9 : i32
        %gt3A_701 = arith.cmpi sgt, %sub3A_74, %gt3A_700 : i32
        %convert_element_type3A_702 = arith.extui %gt3A_701 : i1 to i32
        %convert_element_type3A_703 = arith.sitofp %convert_element_type3A_702 : i32 to f32
        %add3A_704 = arith.constant 9 : i32
        %add3A_705 = arith.addi %sub3A_68, %add3A_704 : i32
        %get3A_706 = arith.index_cast %add3A_705 : i32 to index
        %get3A_707 = arith.constant 0 : index
        %get3A_708 = tpu.vector_load %arg6[%get3A_706, %get3A_707] {strides = array<i32>} : memref<712x128xf32, #tpu.memory_space<vmem>>, vector<16xf32>,
        %mul3A_709 = vector.broadcast %convert_element_type3A_703 : f32 to vector<16xf32>
        %mul3A_710 = arith.mulf %get3A_708, %mul3A_709 : vector<16xf32>
        %add3A_711 = arith.addf %add3A_643, %mul3A_710 : vector<16xf32>
        %add3A_712 = arith.constant 9 : i32
        %add3A_713 = arith.addi %sub3A_68, %add3A_712 : i32
        %get3A_714 = arith.index_cast %add3A_713 : i32 to index
        %get3A_715 = arith.constant 16 : index
        %get3A_716 = tpu.vector_load %arg6[%get3A_714, %get3A_715] {strides = array<i32>} : memref<712x128xf32, #tpu.memory_space<vmem>>, vector<16xf32>,
        %mul3A_717 = vector.broadcast %convert_element_type3A_703 : f32 to vector<16xf32>
        %mul3A_718 = arith.mulf %get3A_716, %mul3A_717 : vector<16xf32>
        %add3A_719 = arith.addf %add3A_651, %mul3A_718 : vector<16xf32>
        %add3A_720 = arith.constant 9 : i32
        %add3A_721 = arith.addi %sub3A_68, %add3A_720 : i32
        %get3A_722 = arith.index_cast %add3A_721 : i32 to index
        %get3A_723 = arith.constant 32 : index
        %get3A_724 = tpu.vector_load %arg6[%get3A_722, %get3A_723] {strides = array<i32>} : memref<712x128xf32, #tpu.memory_space<vmem>>, vector<16xf32>,
        %mul3A_725 = vector.broadcast %convert_element_type3A_703 : f32 to vector<16xf32>
        %mul3A_726 = arith.mulf %get3A_724, %mul3A_725 : vector<16xf32>
        %add3A_727 = arith.addf %add3A_659, %mul3A_726 : vector<16xf32>
        %add3A_728 = arith.constant 9 : i32
        %add3A_729 = arith.addi %sub3A_68, %add3A_728 : i32
        %get3A_730 = arith.index_cast %add3A_729 : i32 to index
        %get3A_731 = arith.constant 48 : index
        %get3A_732 = tpu.vector_load %arg6[%get3A_730, %get3A_731] {strides = array<i32>} : memref<712x128xf32, #tpu.memory_space<vmem>>, vector<16xf32>,
        %mul3A_733 = vector.broadcast %convert_element_type3A_703 : f32 to vector<16xf32>
        %mul3A_734 = arith.mulf %get3A_732, %mul3A_733 : vector<16xf32>
        %add3A_735 = arith.addf %add3A_667, %mul3A_734 : vector<16xf32>
        %add3A_736 = arith.constant 9 : i32
        %add3A_737 = arith.addi %sub3A_68, %add3A_736 : i32
        %get3A_738 = arith.index_cast %add3A_737 : i32 to index
        %get3A_739 = arith.constant 64 : index
        %get3A_740 = tpu.vector_load %arg6[%get3A_738, %get3A_739] {strides = array<i32>} : memref<712x128xf32, #tpu.memory_space<vmem>>, vector<16xf32>,
        %mul3A_741 = vector.broadcast %convert_element_type3A_703 : f32 to vector<16xf32>
        %mul3A_742 = arith.mulf %get3A_740, %mul3A_741 : vector<16xf32>
        %add3A_743 = arith.addf %add3A_675, %mul3A_742 : vector<16xf32>
        %add3A_744 = arith.constant 9 : i32
        %add3A_745 = arith.addi %sub3A_68, %add3A_744 : i32
        %get3A_746 = arith.index_cast %add3A_745 : i32 to index
        %get3A_747 = arith.constant 80 : index
        %get3A_748 = tpu.vector_load %arg6[%get3A_746, %get3A_747] {strides = array<i32>} : memref<712x128xf32, #tpu.memory_space<vmem>>, vector<16xf32>,
        %mul3A_749 = vector.broadcast %convert_element_type3A_703 : f32 to vector<16xf32>
        %mul3A_750 = arith.mulf %get3A_748, %mul3A_749 : vector<16xf32>
        %add3A_751 = arith.addf %add3A_683, %mul3A_750 : vector<16xf32>
        %add3A_752 = arith.constant 9 : i32
        %add3A_753 = arith.addi %sub3A_68, %add3A_752 : i32
        %get3A_754 = arith.index_cast %add3A_753 : i32 to index
        %get3A_755 = arith.constant 96 : index
        %get3A_756 = tpu.vector_load %arg6[%get3A_754, %get3A_755] {strides = array<i32>} : memref<712x128xf32, #tpu.memory_space<vmem>>, vector<16xf32>,
        %mul3A_757 = vector.broadcast %convert_element_type3A_703 : f32 to vector<16xf32>
        %mul3A_758 = arith.mulf %get3A_756, %mul3A_757 : vector<16xf32>
        %add3A_759 = arith.addf %add3A_691, %mul3A_758 : vector<16xf32>
        %add3A_760 = arith.constant 9 : i32
        %add3A_761 = arith.addi %sub3A_68, %add3A_760 : i32
        %get3A_762 = arith.index_cast %add3A_761 : i32 to index
        %get3A_763 = arith.constant 112 : index
        %get3A_764 = tpu.vector_load %arg6[%get3A_762, %get3A_763] {strides = array<i32>} : memref<712x128xf32, #tpu.memory_space<vmem>>, vector<16xf32>,
        %mul3A_765 = vector.broadcast %convert_element_type3A_703 : f32 to vector<16xf32>
        %mul3A_766 = arith.mulf %get3A_764, %mul3A_765 : vector<16xf32>
        %add3A_767 = arith.addf %add3A_699, %mul3A_766 : vector<16xf32>
        %gt3A_768 = arith.constant 10 : i32
        %gt3A_769 = arith.cmpi sgt, %sub3A_74, %gt3A_768 : i32
        %convert_element_type3A_770 = arith.extui %gt3A_769 : i1 to i32
        %convert_element_type3A_771 = arith.sitofp %convert_element_type3A_770 : i32 to f32
        %add3A_772 = arith.constant 10 : i32
        %add3A_773 = arith.addi %sub3A_68, %add3A_772 : i32
        %get3A_774 = arith.index_cast %add3A_773 : i32 to index
        %get3A_775 = arith.constant 0 : index
        %get3A_776 = tpu.vector_load %arg6[%get3A_774, %get3A_775] {strides = array<i32>} : memref<712x128xf32, #tpu.memory_space<vmem>>, vector<16xf32>,
        %mul3A_777 = vector.broadcast %convert_element_type3A_771 : f32 to vector<16xf32>
        %mul3A_778 = arith.mulf %get3A_776, %mul3A_777 : vector<16xf32>
        %add3A_779 = arith.addf %add3A_711, %mul3A_778 : vector<16xf32>
        %add3A_780 = arith.constant 10 : i32
        %add3A_781 = arith.addi %sub3A_68, %add3A_780 : i32
        %get3A_782 = arith.index_cast %add3A_781 : i32 to index
        %get3A_783 = arith.constant 16 : index
        %get3A_784 = tpu.vector_load %arg6[%get3A_782, %get3A_783] {strides = array<i32>} : memref<712x128xf32, #tpu.memory_space<vmem>>, vector<16xf32>,
        %mul3A_785 = vector.broadcast %convert_element_type3A_771 : f32 to vector<16xf32>
        %mul3A_786 = arith.mulf %get3A_784, %mul3A_785 : vector<16xf32>
        %add3A_787 = arith.addf %add3A_719, %mul3A_786 : vector<16xf32>
        %add3A_788 = arith.constant 10 : i32
        %add3A_789 = arith.addi %sub3A_68, %add3A_788 : i32
        %get3A_790 = arith.index_cast %add3A_789 : i32 to index
        %get3A_791 = arith.constant 32 : index
        %get3A_792 = tpu.vector_load %arg6[%get3A_790, %get3A_791] {strides = array<i32>} : memref<712x128xf32, #tpu.memory_space<vmem>>, vector<16xf32>,
        %mul3A_793 = vector.broadcast %convert_element_type3A_771 : f32 to vector<16xf32>
        %mul3A_794 = arith.mulf %get3A_792, %mul3A_793 : vector<16xf32>
        %add3A_795 = arith.addf %add3A_727, %mul3A_794 : vector<16xf32>
        %add3A_796 = arith.constant 10 : i32
        %add3A_797 = arith.addi %sub3A_68, %add3A_796 : i32
        %get3A_798 = arith.index_cast %add3A_797 : i32 to index
        %get3A_799 = arith.constant 48 : index
        %get3A_800 = tpu.vector_load %arg6[%get3A_798, %get3A_799] {strides = array<i32>} : memref<712x128xf32, #tpu.memory_space<vmem>>, vector<16xf32>,
        %mul3A_801 = vector.broadcast %convert_element_type3A_771 : f32 to vector<16xf32>
        %mul3A_802 = arith.mulf %get3A_800, %mul3A_801 : vector<16xf32>
        %add3A_803 = arith.addf %add3A_735, %mul3A_802 : vector<16xf32>
        %add3A_804 = arith.constant 10 : i32
        %add3A_805 = arith.addi %sub3A_68, %add3A_804 : i32
        %get3A_806 = arith.index_cast %add3A_805 : i32 to index
        %get3A_807 = arith.constant 64 : index
        %get3A_808 = tpu.vector_load %arg6[%get3A_806, %get3A_807] {strides = array<i32>} : memref<712x128xf32, #tpu.memory_space<vmem>>, vector<16xf32>,
        %mul3A_809 = vector.broadcast %convert_element_type3A_771 : f32 to vector<16xf32>
        %mul3A_810 = arith.mulf %get3A_808, %mul3A_809 : vector<16xf32>
        %add3A_811 = arith.addf %add3A_743, %mul3A_810 : vector<16xf32>
        %add3A_812 = arith.constant 10 : i32
        %add3A_813 = arith.addi %sub3A_68, %add3A_812 : i32
        %get3A_814 = arith.index_cast %add3A_813 : i32 to index
        %get3A_815 = arith.constant 80 : index
        %get3A_816 = tpu.vector_load %arg6[%get3A_814, %get3A_815] {strides = array<i32>} : memref<712x128xf32, #tpu.memory_space<vmem>>, vector<16xf32>,
        %mul3A_817 = vector.broadcast %convert_element_type3A_771 : f32 to vector<16xf32>
        %mul3A_818 = arith.mulf %get3A_816, %mul3A_817 : vector<16xf32>
        %add3A_819 = arith.addf %add3A_751, %mul3A_818 : vector<16xf32>
        %add3A_820 = arith.constant 10 : i32
        %add3A_821 = arith.addi %sub3A_68, %add3A_820 : i32
        %get3A_822 = arith.index_cast %add3A_821 : i32 to index
        %get3A_823 = arith.constant 96 : index
        %get3A_824 = tpu.vector_load %arg6[%get3A_822, %get3A_823] {strides = array<i32>} : memref<712x128xf32, #tpu.memory_space<vmem>>, vector<16xf32>,
        %mul3A_825 = vector.broadcast %convert_element_type3A_771 : f32 to vector<16xf32>
        %mul3A_826 = arith.mulf %get3A_824, %mul3A_825 : vector<16xf32>
        %add3A_827 = arith.addf %add3A_759, %mul3A_826 : vector<16xf32>
        %add3A_828 = arith.constant 10 : i32
        %add3A_829 = arith.addi %sub3A_68, %add3A_828 : i32
        %get3A_830 = arith.index_cast %add3A_829 : i32 to index
        %get3A_831 = arith.constant 112 : index
        %get3A_832 = tpu.vector_load %arg6[%get3A_830, %get3A_831] {strides = array<i32>} : memref<712x128xf32, #tpu.memory_space<vmem>>, vector<16xf32>,
        %mul3A_833 = vector.broadcast %convert_element_type3A_771 : f32 to vector<16xf32>
        %mul3A_834 = arith.mulf %get3A_832, %mul3A_833 : vector<16xf32>
        %add3A_835 = arith.addf %add3A_767, %mul3A_834 : vector<16xf32>
        %eq3A = arith.constant 1 : i32
        %eq3A_836 = arith.cmpi eq, %sub3A_74, %eq3A : i32
        %jit3A_837 = arith.constant 1.000000e+00 : f32
        %jit3A_838 = arith.constant 0.000000e+00 : f32
        %select_n3A_839 = arith.select %eq3A_836, %jit3A_837, %jit3A_838 : f32
        %eq3A_840 = arith.constant 2 : i32
        %eq3A_841 = arith.cmpi eq, %sub3A_74, %eq3A_840 : i32
        %jit3A_842 = arith.constant 5.000000e-01 : f32
        %select_n3A_843 = arith.select %eq3A_841, %jit3A_842, %select_n3A_839 : f32
        %eq3A_844 = arith.constant 3 : i32
        %eq3A_845 = arith.cmpi eq, %sub3A_74, %eq3A_844 : i32
        %jit3A_846 = arith.constant 0.333333343 : f32
        %select_n3A_847 = arith.select %eq3A_845, %jit3A_846, %select_n3A_843 : f32
        %eq3A_848 = arith.constant 4 : i32
        %eq3A_849 = arith.cmpi eq, %sub3A_74, %eq3A_848 : i32
        %jit3A_850 = arith.constant 2.500000e-01 : f32
        %select_n3A_851 = arith.select %eq3A_849, %jit3A_850, %select_n3A_847 : f32
        %eq3A_852 = arith.constant 5 : i32
        %eq3A_853 = arith.cmpi eq, %sub3A_74, %eq3A_852 : i32
        %jit3A_854 = arith.constant 2.000000e-01 : f32
        %select_n3A_855 = arith.select %eq3A_853, %jit3A_854, %select_n3A_851 : f32
        %eq3A_856 = arith.constant 6 : i32
        %eq3A_857 = arith.cmpi eq, %sub3A_74, %eq3A_856 : i32
        %jit3A_858 = arith.constant 0.166666672 : f32
        %select_n3A_859 = arith.select %eq3A_857, %jit3A_858, %select_n3A_855 : f32
        %eq3A_860 = arith.constant 7 : i32
        %eq3A_861 = arith.cmpi eq, %sub3A_74, %eq3A_860 : i32
        %jit3A_862 = arith.constant 0.142857149 : f32
        %select_n3A_863 = arith.select %eq3A_861, %jit3A_862, %select_n3A_859 : f32
        %eq3A_864 = arith.constant 8 : i32
        %eq3A_865 = arith.cmpi eq, %sub3A_74, %eq3A_864 : i32
        %jit3A_866 = arith.constant 1.250000e-01 : f32
        %select_n3A_867 = arith.select %eq3A_865, %jit3A_866, %select_n3A_863 : f32
        %eq3A_868 = arith.constant 9 : i32
        %eq3A_869 = arith.cmpi eq, %sub3A_74, %eq3A_868 : i32
        %jit3A_870 = arith.constant 0.111111112 : f32
        %select_n3A_871 = arith.select %eq3A_869, %jit3A_870, %select_n3A_867 : f32
        %eq3A_872 = arith.constant 10 : i32
        %eq3A_873 = arith.cmpi eq, %sub3A_74, %eq3A_872 : i32
        %jit3A_874 = arith.constant 1.000000e-01 : f32
        %select_n3A_875 = arith.select %eq3A_873, %jit3A_874, %select_n3A_871 : f32
        %eq3A_876 = arith.constant 11 : i32
        %eq3A_877 = arith.cmpi eq, %sub3A_74, %eq3A_876 : i32
        %jit3A_878 = arith.constant 0.0909090936 : f32
        %select_n3A_879 = arith.select %eq3A_877, %jit3A_878, %select_n3A_875 : f32
        %mul3A_880 = vector.broadcast %select_n3A_879 : f32 to vector<16xf32>
        %mul3A_881 = arith.mulf %add3A_779, %mul3A_880 : vector<16xf32>
        %swap3A = arith.index_cast %add3A_62 : i32 to index
        %swap3A_882 = arith.constant 0 : index
        %swap3A_883 = tpu.vector_load %arg7[%swap3A, %swap3A_882] {strides = array<i32>} : memref<64x128xf32, #tpu.memory_space<vmem>>, vector<16xf32>,
        tpu.vector_store %arg7[%swap3A, %swap3A_882], %mul3A_881 {strides = array<i32>} : memref<64x128xf32, #tpu.memory_space<vmem>>, vector<16xf32>,
        %mul3A_884 = vector.broadcast %select_n3A_879 : f32 to vector<16xf32>
        %mul3A_885 = arith.mulf %add3A_787, %mul3A_884 : vector<16xf32>
        %swap3A_886 = arith.index_cast %add3A_62 : i32 to index
        %swap3A_887 = arith.constant 16 : index
        %swap3A_888 = tpu.vector_load %arg7[%swap3A_886, %swap3A_887] {strides = array<i32>} : memref<64x128xf32, #tpu.memory_space<vmem>>, vector<16xf32>,
        tpu.vector_store %arg7[%swap3A_886, %swap3A_887], %mul3A_885 {strides = array<i32>} : memref<64x128xf32, #tpu.memory_space<vmem>>, vector<16xf32>,
        %mul3A_889 = vector.broadcast %select_n3A_879 : f32 to vector<16xf32>
        %mul3A_890 = arith.mulf %add3A_795, %mul3A_889 : vector<16xf32>
        %swap3A_891 = arith.index_cast %add3A_62 : i32 to index
        %swap3A_892 = arith.constant 32 : index
        %swap3A_893 = tpu.vector_load %arg7[%swap3A_891, %swap3A_892] {strides = array<i32>} : memref<64x128xf32, #tpu.memory_space<vmem>>, vector<16xf32>,
        tpu.vector_store %arg7[%swap3A_891, %swap3A_892], %mul3A_890 {strides = array<i32>} : memref<64x128xf32, #tpu.memory_space<vmem>>, vector<16xf32>,
        %mul3A_894 = vector.broadcast %select_n3A_879 : f32 to vector<16xf32>
        %mul3A_895 = arith.mulf %add3A_803, %mul3A_894 : vector<16xf32>
        %swap3A_896 = arith.index_cast %add3A_62 : i32 to index
        %swap3A_897 = arith.constant 48 : index
        %swap3A_898 = tpu.vector_load %arg7[%swap3A_896, %swap3A_897] {strides = array<i32>} : memref<64x128xf32, #tpu.memory_space<vmem>>, vector<16xf32>,
        tpu.vector_store %arg7[%swap3A_896, %swap3A_897], %mul3A_895 {strides = array<i32>} : memref<64x128xf32, #tpu.memory_space<vmem>>, vector<16xf32>,
        %mul3A_899 = vector.broadcast %select_n3A_879 : f32 to vector<16xf32>
        %mul3A_900 = arith.mulf %add3A_811, %mul3A_899 : vector<16xf32>
        %swap3A_901 = arith.index_cast %add3A_62 : i32 to index
        %swap3A_902 = arith.constant 64 : index
        %swap3A_903 = tpu.vector_load %arg7[%swap3A_901, %swap3A_902] {strides = array<i32>} : memref<64x128xf32, #tpu.memory_space<vmem>>, vector<16xf32>,
        tpu.vector_store %arg7[%swap3A_901, %swap3A_902], %mul3A_900 {strides = array<i32>} : memref<64x128xf32, #tpu.memory_space<vmem>>, vector<16xf32>,
        %mul3A_904 = vector.broadcast %select_n3A_879 : f32 to vector<16xf32>
        %mul3A_905 = arith.mulf %add3A_819, %mul3A_904 : vector<16xf32>
        %swap3A_906 = arith.index_cast %add3A_62 : i32 to index
        %swap3A_907 = arith.constant 80 : index
        %swap3A_908 = tpu.vector_load %arg7[%swap3A_906, %swap3A_907] {strides = array<i32>} : memref<64x128xf32, #tpu.memory_space<vmem>>, vector<16xf32>,
        tpu.vector_store %arg7[%swap3A_906, %swap3A_907], %mul3A_905 {strides = array<i32>} : memref<64x128xf32, #tpu.memory_space<vmem>>, vector<16xf32>,
        %mul3A_909 = vector.broadcast %select_n3A_879 : f32 to vector<16xf32>
        %mul3A_910 = arith.mulf %add3A_827, %mul3A_909 : vector<16xf32>
        %swap3A_911 = arith.index_cast %add3A_62 : i32 to index
        %swap3A_912 = arith.constant 96 : index
        %swap3A_913 = tpu.vector_load %arg7[%swap3A_911, %swap3A_912] {strides = array<i32>} : memref<64x128xf32, #tpu.memory_space<vmem>>, vector<16xf32>,
        tpu.vector_store %arg7[%swap3A_911, %swap3A_912], %mul3A_910 {strides = array<i32>} : memref<64x128xf32, #tpu.memory_space<vmem>>, vector<16xf32>,
        %mul3A_914 = vector.broadcast %select_n3A_879 : f32 to vector<16xf32>
        %mul3A_915 = arith.mulf %add3A_835, %mul3A_914 : vector<16xf32>
        %swap3A_916 = arith.index_cast %add3A_62 : i32 to index
        %swap3A_917 = arith.constant 112 : index
        %swap3A_918 = tpu.vector_load %arg7[%swap3A_916, %swap3A_917] {strides = array<i32>} : memref<64x128xf32, #tpu.memory_space<vmem>>, vector<16xf32>,
        tpu.vector_store %arg7[%swap3A_916, %swap3A_917], %mul3A_915 {strides = array<i32>} : memref<64x128xf32, #tpu.memory_space<vmem>>, vector<16xf32>,
      }
      %scan3A_46 = arith.constant 64 : i32
      %mul3A_47 = arith.constant 512 : i32
      %mul3A_48 = arith.muli %add3A, %mul3A_47 : i32
      %add3A_49 = arith.addi %mul3A_48, %mul3A_15 : i32
      %dma_start3A_50 = arith.constant 0 : i32
      %dma_start3A_51 = tpu.memref_slice %arg5[%add3A_49, %dma_start3A_50] : memref<16384x128xf32, #tpu.memory_space<hbm>> -> memref<64x128xf32, #tpu.memory_space<hbm>>
      %dma_start3A_52 = arith.constant 0 : i32
      %dma_start3A_53 = tpu.memref_slice %arg5[%add3A_49, %dma_start3A_52] : memref<16384x128xf32, #tpu.memory_space<hbm>> -> memref<64x128xf32, #tpu.memory_space<hbm>>
      tpu.enqueue_dma source(%arg7 : memref<64x128xf32, #tpu.memory_space<vmem>>) target(%dma_start3A_53 : memref<64x128xf32, #tpu.memory_space<hbm>>) target_semaphore(%arg10 : memref<!tpu.dma_semaphore, #tpu.memory_space<semaphore_mem>>)
      %dma_wait3A_54 = arith.constant 0 : i32
      %dma_wait3A_55 = tpu.memref_slice %arg5[%add3A_49, %dma_wait3A_54] : memref<16384x128xf32, #tpu.memory_space<hbm>> -> memref<64x128xf32, #tpu.memory_space<hbm>>
      %dma_wait3A_56 = arith.constant 0 : i32
      %dma_wait3A_57 = tpu.memref_slice %arg5[%add3A_49, %dma_wait3A_56] : memref<16384x128xf32, #tpu.memory_space<hbm>> -> memref<64x128xf32, #tpu.memory_space<hbm>>
      tpu.wait_dma2 semaphore(%arg10 : memref<!tpu.dma_semaphore, #tpu.memory_space<semaphore_mem>>) src(%arg7 : memref<64x128xf32, #tpu.memory_space<vmem>>) dst(%dma_wait3A_57 : memref<64x128xf32, #tpu.memory_space<hbm>>)
    }
    %scan3A_8 = arith.constant 8 : i32
    return
  }
}

module attributes {stable_mosaic.version = 14 : i64} {
  func.func @body(%arg0: i32, %arg1: memref<512x128xf32, #tpu.memory_space<vmem>>, %arg2: memref<128x128xf32, #tpu.memory_space<vmem>>, %arg3: memref<512x128xf32, #tpu.memory_space<vmem>>) attributes {dimension_semantics = [#tpu.dimension_semantics<arbitrary>], iteration_bounds = array<i64: 32>, scalar_prefetch = 0 : i64, scratch_operands = 0 : i64, tpu.core_type = #tpu.core_type<tc>, window_params = [{transform_indices = @transform_0, window_bounds = array<i64: 512, 128>}, {pipeline_mode = #tpu.pipeline_mode<synchronous>, transform_indices = @transform_1, window_bounds = array<i64: 128, 128>}, {transform_indices = @transform_2, window_bounds = array<i64: 512, 128>}]} {
    %get3A = arith.constant 0 : index
    %get3A_0 = arith.constant 0 : index
    %get3A_1 = vector.load %arg1[%get3A, %get3A_0] : memref<512x128xf32, #tpu.memory_space<vmem>>, vector<512x128xf32>
    %get3A_2 = arith.constant 0 : index
    %get3A_3 = arith.constant 0 : index
    %get3A_4 = vector.load %arg2[%get3A_2, %get3A_3] : memref<128x128xf32, #tpu.memory_space<vmem>>, vector<128x128xf32>
    %dot_general3A = arith.constant dense<0.000000e+00> : vector<512x128xf32>
    %dot_general3A_5 = tpu.matmul %get3A_1, %get3A_4, %dot_general3A {dimension_numbers = #tpu.dot_dimension_numbers<[1], [0], [0], [1], [0, 0, 1, 1], [], []>, transpose_lhs_hint = false} : vector<512x128xf32>, vector<128x128xf32>, vector<512x128xf32> -> vector<512x128xf32>
    %swap3A = arith.constant 0 : index
    %swap3A_6 = arith.constant 0 : index
    %swap3A_7 = vector.load %arg3[%swap3A, %swap3A_6] : memref<512x128xf32, #tpu.memory_space<vmem>>, vector<512x128xf32>
    tpu.vector_store %arg3[%swap3A, %swap3A_6], %dot_general3A_5 {strides = array<i32>} : memref<512x128xf32, #tpu.memory_space<vmem>>, vector<512x128xf32>,
    return
  }
  func.func @transform_0(%arg0: i32) -> (i32, i32) {
    %c0_i32 = arith.constant 0 : i32
    %c0_i32_0 = arith.constant 0 : i32
    return %arg0, %c0_i32 : i32, i32
  }
  func.func @transform_1(%arg0: i32) -> (i32, i32) {
    %c0_i32 = arith.constant 0 : i32
    %c0_i32_0 = arith.constant 0 : i32
    %c0_i32_1 = arith.constant 0 : i32
    return %c0_i32, %c0_i32_0 : i32, i32
  }
  func.func @transform_2(%arg0: i32) -> (i32, i32) {
    %c0_i32 = arith.constant 0 : i32
    %c0_i32_0 = arith.constant 0 : i32
    return %arg0, %c0_i32 : i32, i32
  }
}

module attributes {stable_mosaic.version = 14 : i64} {
  func.func @body(%arg0: i32, %arg1: memref<2048x128xf32, #tpu.memory_space<vmem>>, %arg2: memref<128x128xf32, #tpu.memory_space<vmem>>, %arg3: memref<1x128xf32, #tpu.memory_space<vmem>>, %arg4: memref<2048x128xf32, #tpu.memory_space<vmem>>, %arg5: memref<2048x128xf32, #tpu.memory_space<vmem>>) attributes {dimension_semantics = [#tpu.dimension_semantics<arbitrary>], iteration_bounds = array<i64: 88>, scalar_prefetch = 0 : i64, scratch_operands = 0 : i64, tpu.core_type = #tpu.core_type<tc>, window_params = [{transform_indices = @transform_0, window_bounds = array<i64: 2048, 128>}, {pipeline_mode = #tpu.pipeline_mode<synchronous>, transform_indices = @transform_1, window_bounds = array<i64: 128, 128>}, {pipeline_mode = #tpu.pipeline_mode<synchronous>, transform_indices = @transform_2, window_bounds = array<i64: 1, 128>}, {transform_indices = @transform_3, window_bounds = array<i64: 2048, 128>}, {transform_indices = @transform_4, window_bounds = array<i64: 2048, 128>}]} {
    %get3A = arith.constant 0 : index
    %get3A_0 = arith.constant 0 : index
    %get3A_1 = vector.load %arg1[%get3A, %get3A_0] : memref<2048x128xf32, #tpu.memory_space<vmem>>, vector<2048x128xf32>
    %get3A_2 = arith.constant 0 : index
    %get3A_3 = arith.constant 0 : index
    %get3A_4 = vector.load %arg2[%get3A_2, %get3A_3] : memref<128x128xf32, #tpu.memory_space<vmem>>, vector<128x128xf32>
    %dot_general3A = arith.constant dense<0.000000e+00> : vector<2048x128xf32>
    %dot_general3A_5 = tpu.matmul %get3A_1, %get3A_4, %dot_general3A {dimension_numbers = #tpu.dot_dimension_numbers<[1], [0], [0], [1], [0, 0, 1, 1], [], []>, transpose_lhs_hint = false} : vector<2048x128xf32>, vector<128x128xf32>, vector<2048x128xf32> -> vector<2048x128xf32>
    %get3A_6 = arith.constant 0 : index
    %get3A_7 = arith.constant 0 : index
    %get3A_8 = vector.load %arg4[%get3A_6, %get3A_7] : memref<2048x128xf32, #tpu.memory_space<vmem>>, vector<2048x128xf32>
    %add3A = arith.addf %dot_general3A_5, %get3A_8 : vector<2048x128xf32>
    %get3A_9 = arith.constant 0 : index
    %get3A_10 = arith.constant 0 : index
    %get3A_11 = vector.load %arg3[%get3A_9, %get3A_10] : memref<1x128xf32, #tpu.memory_space<vmem>>, vector<1x128xf32>
    %add3A_12 = vector.broadcast %get3A_11 : vector<1x128xf32> to vector<2048x128xf32>
    %add3A_13 = arith.addf %add3A, %add3A_12 : vector<2048x128xf32>
    %max3A = arith.constant 0.000000e+00 : f32
    %max3A_14 = vector.broadcast %max3A : f32 to vector<2048x128xf32>
    %max3A_15 = arith.maximumf %add3A_13, %max3A_14 : vector<2048x128xf32>
    %swap3A = arith.constant 0 : index
    %swap3A_16 = arith.constant 0 : index
    %swap3A_17 = vector.load %arg5[%swap3A, %swap3A_16] : memref<2048x128xf32, #tpu.memory_space<vmem>>, vector<2048x128xf32>
    tpu.vector_store %arg5[%swap3A, %swap3A_16], %max3A_15 {strides = array<i32>} : memref<2048x128xf32, #tpu.memory_space<vmem>>, vector<2048x128xf32>,
    return
  }
  func.func @transform_0(%arg0: i32) -> (i32, i32) {
    %c0_i32 = arith.constant 0 : i32
    %c0_i32_0 = arith.constant 0 : i32
    return %arg0, %c0_i32 : i32, i32
  }
  func.func @transform_1(%arg0: i32) -> (i32, i32) {
    %c0_i32 = arith.constant 0 : i32
    %c0_i32_0 = arith.constant 0 : i32
    %c0_i32_1 = arith.constant 0 : i32
    return %c0_i32, %c0_i32_0 : i32, i32
  }
  func.func @transform_2(%arg0: i32) -> (i32, i32) {
    %c0_i32 = arith.constant 0 : i32
    %c0_i32_0 = arith.constant 0 : i32
    %c0_i32_1 = arith.constant 0 : i32
    return %c0_i32, %c0_i32_0 : i32, i32
  }
  func.func @transform_3(%arg0: i32) -> (i32, i32) {
    %c0_i32 = arith.constant 0 : i32
    %c0_i32_0 = arith.constant 0 : i32
    return %arg0, %c0_i32 : i32, i32
  }
  func.func @transform_4(%arg0: i32) -> (i32, i32) {
    %c0_i32 = arith.constant 0 : i32
    %c0_i32_0 = arith.constant 0 : i32
    return %arg0, %c0_i32 : i32, i32
  }
}

</mosaic_0001>

<sc_bundles>
// kernel: kernel.6.cloned.1.call-start
scs
__scs_entry_jumppad:
0x0: {  	(pc) =	sbr.rel $0x88, $3  }
0x1: {  	(tag) =	ssettag $0x0;
	lr =	simm.s32 $0x1  }
0x2: {  	[smem:$0x3F9C] =	sst lr;
	_ =	strace $0xD0000000  }
0x3: {  	_ = 	snop  }
0x4: {  	_ = 	snop  }
0x5: {  	_ = 	snop  }
0x6: {  	_ = 	snop  }
0x7: {  	_ = 	snop  }
__scs_overlays_trampoline_lowered:
0x8: {  	[smem:$0x3FAB] =	sst s0  }
0x9: {  	[smem:$0x3FAC] =	sst s1  }
0xa: {  	[smem:$0x3FAD] =	sst s2  }
0xb: {  	[smem:$0x3FAE] =	sst s3  }
0xc: {  	[smem:$0x3FAF] =	sst s4  }
0xd: {  	[smem:$0x3FB0] =	sst s5  }
0xe: {  	[smem:$0x3FB1] =	sst s6  }
0xf: {  	[smem:$0x3FB2] =	sst s7  }
0x10: {  	[smem:$0x3FB3] =	sst s8  }
0x11: {  	[smem:$0x3FB4] =	sst s9;
	s0 =	simm.s32 @!p0 $0x0  }
0x12: {  	s1 =	sld [smem:$0x3F9A];
	s0 =	simm.s32 @p0 $0x1  }
0x13: {  	[smem:$0x3FB5] =	sst s0;
	s0 =	simm.s32 @!p1 $0x0  }
0x14: {  	s2 =	sld [smem:$0x3F99];
	s0 =	simm.s32 @p1 $0x1  }
0x15: {  	[smem:$0x3FB6] =	sst s0;
	s0 =	simm.s32 @!p2 $0x0  }
0x16: {  	s3 =	sld [smem:$0x3FDB];
	s0 =	simm.s32 @p2 $0x1  }
0x17: {  	s4 =	simm.s32 $0x1BF5;
	[smem:$0x3FB8] =	sst s0  }
0x18: {  	s0 =	sld [smem:$0x3F9B];
	_ =	swait.ge [sflag:s4], $0x0  }
0x19: {  	s7 =	sld [smem:$0x3F9C]  }
0x1a: {  	s8 =	sadd.s32 $0xFFFFE003, lr  }
0x1b: {  	s9 =	sadd.s32 $0xFFFFFEF7, lr;
	s5 =	simm.s32 $0xFFFFFFFF;
	p2 =	slt.u32 s8, $0xFFFFF086  }
0x1c: {  	p1 =	slt.u32 s9, $0xF7A;
	s5 =	simm.s32 @!p2 $0x0  }
0x1d: {  	s5 =	simm.s32 @p1 $0x1;
	p0 =	seq.s32 s7, s2  }
0x1e: {  	s7 =	smul.u32 @!p0 $0xF7A, s2;
	p2 =	seq.s32 @!p0 s5, $0x0  }
0x1f: {  	s9 =	smul.u32 $0xF7A, s1;
	s8 =	simm.s32 @!p0 $0x1BF5;
	p2 =	por !p2, p0  }
0x20: {  	[sflag:s8] =	ssyncset.s32 @!p0 $0xFFFFF086;
	s6 =	sadd.s32 @!p0 s3, s7;
	s7 =	simm.s32 @!p0 $0x108  }
0x21: {  	s3 =	sadd.s32 s3, s9;
	s6 =	sadd.s32 @!p0 $0x88, s6;
	s7 =	simm.s32 @p2 $0x1082  }
0x22: {  	[simem:s7], [sflag:s8] =	dma.local @!p0 [hbm:s6], $0xF7A  }
0x23: {  	s9 =	sor.u32 $0xD0000000, s2;
	s6 =	simm.s32 $0x108;
	_ =	swait.ge @!p0 [sflag:s8], $0x0  }
0x24: {  	s3 =	sadd.s32 $0x88, s3;
	s6 =	simm.s32 @!p1 $0x1082;
	[sflag:s4] =	ssyncset.s32 $0xFFFFF086  }
0x25: {  	[simem:s6], [sflag:s4] =	dma.local [hbm:s3], $0xF7A  }
0x26: {  	[smem:$0x3F9C] =	sst s1;
	(tag) =	ssettag s2;
	_ =	strace s9  }
0x27: {  	s1 =	sld [smem:$0x3FAC]  }
0x28: {  	s2 =	sld [smem:$0x3FAD]  }
0x29: {  	s4 =	sld [smem:$0x3FAF]  }
0x2a: {  	p0 =	seq.s32 s5, $0x0;
	s5 =	sld [smem:$0x3FB0]  }
0x2b: {  	s6 =	sld [smem:$0x3FB1]  }
0x2c: {  	s7 =	sld [smem:$0x3FB2]  }
0x2d: {  	s3 =	simm.s32 $0x108;
	s8 =	sld [smem:$0x3FB3]  }
0x2e: {  	s3 =	simm.s32 @!p0 $0x1082;
	s9 =	sld [smem:$0x3FB4]  }
0x2f: {  	lr =	sadd.s32 s0, s3;
	s0 =	sld [smem:$0x3FAB]  }
0x30: {  	s3 =	sld [smem:$0x3FAE]  }
0x31: {  	[smem:$0x3FB7] =	sst s10  }
0x32: {  	s10 =	sld [smem:$0x3FB5];
	_ =	sdelay $0x3  }
0x33: {  	p0 =	seq.s32 s10, $0x1;
	s10 =	sld [smem:$0x3FB7];
	_ =	sdelay $0x3  }
0x34: {  	[smem:$0x3FB7] =	sst s10  }
0x35: {  	s10 =	sld [smem:$0x3FB6];
	_ =	sdelay $0x3  }
0x36: {  	p1 =	seq.s32 s10, $0x1;
	s10 =	sld [smem:$0x3FB7];
	_ =	sdelay $0x3  }
0x37: {  	[smem:$0x3FB7] =	sst s10  }
0x38: {  	s10 =	sld [smem:$0x3FB8]  }
0x39: {  	_ = 	snop;
	(pc) =	sbr.ind lr, $3  }
0x3a: {  	_ = 	snop  }
0x3b: {  	_ = 	snop  }
0x3c: {  	p2 =	seq.s32 s10, $0x1;
	s10 =	sld [smem:$0x3FB7]  }
0x3d: {  	_ =	shalt  }
0x3e: {  	_ =	shalt  }
0x3f: {  	_ =	shalt  }
0x40: {  	_ =	shalt  }
0x41: {  	_ =	shalt  }
0x42: {  	_ =	shalt  }
0x43: {  	_ =	shalt  }
0x44: {  	_ =	shalt  }
0x45: {  	_ =	shalt  }
0x46: {  	_ =	shalt  }
0x47: {  	_ =	shalt  }
0x48: {  	_ =	shalt  }
0x49: {  	_ =	shalt  }
0x4a: {  	_ =	shalt  }
0x4b: {  	_ =	shalt  }
0x4c: {  	_ =	shalt  }
0x4d: {  	_ =	shalt  }
0x4e: {  	_ =	shalt  }
0x4f: {  	_ =	shalt  }
0x50: {  	_ =	shalt  }
0x51: {  	_ =	shalt  }
0x52: {  	_ =	shalt  }
0x53: {  	_ =	shalt  }
0x54: {  	_ =	shalt  }
0x55: {  	_ =	shalt  }
0x56: {  	_ =	shalt  }
0x57: {  	_ =	shalt  }
0x58: {  	_ =	shalt  }
0x59: {  	_ =	shalt  }
0x5a: {  	_ =	shalt  }
0x5b: {  	_ =	shalt  }
0x5c: {  	_ =	shalt  }
0x5d: {  	_ =	shalt  }
0x5e: {  	_ =	shalt  }
0x5f: {  	_ =	shalt  }
0x60: {  	_ =	shalt  }
0x61: {  	_ =	shalt  }
0x62: {  	_ =	shalt  }
0x63: {  	_ =	shalt  }
0x64: {  	_ =	shalt  }
0x65: {  	_ =	shalt  }
0x66: {  	_ =	shalt  }
0x67: {  	_ =	shalt  }
0x68: {  	_ =	shalt  }
0x69: {  	_ =	shalt  }
0x6a: {  	_ =	shalt  }
0x6b: {  	_ =	shalt  }
0x6c: {  	_ =	shalt  }
0x6d: {  	_ =	shalt  }
0x6e: {  	_ =	shalt  }
0x6f: {  	_ =	shalt  }
0x70: {  	_ =	shalt  }
0x71: {  	_ =	shalt  }
0x72: {  	_ =	shalt  }
0x73: {  	_ =	shalt  }
0x74: {  	_ =	shalt  }
0x75: {  	_ =	shalt  }
0x76: {  	_ =	shalt  }
0x77: {  	_ =	shalt  }
0x78: {  	_ =	shalt  }
0x79: {  	_ =	shalt  }
0x7a: {  	_ =	shalt  }
0x7b: {  	_ =	shalt  }
0x7c: {  	_ =	shalt  }
0x7d: {  	_ =	shalt  }
0x7e: {  	_ =	shalt  }
0x7f: {  	_ =	shalt  }
0x80: {  	_ =	shalt  }
0x81: {  	_ =	shalt  }
0x82: {  	_ =	shalt  }
0x83: {  	_ =	shalt  }
0x84: {  	_ =	shalt  }
0x85: {  	_ =	shalt  }
0x86: {  	_ =	shalt  }
0x87: {  	_ =	shalt  }
.Lfunc_end0:
.L_simem_size_0:
called_computation_lowered:
.L_overlay_start_0:
0x88: {  	s2 =	sld [smem:$0x3FD9]  }
0x89: {  	s3 =	sld [smem:$0x3FFE];
	_ =	sdelay $0x1  }
0x8a: {  	s1 =	srdreg.scid  }
0x8b: {  	s0 =	sand.u32 $0x1, s1  }
0x8c: {  	s17 =	sshll.u32 s0, $0xA;
	s2 =	sadd.s32 s3, s2  }
0x8d: {  	s2 =	sadd.s32 s2, s17  }
0x8e: {  	[smem:$0x3FC3] =	sst s2  }
0x8f: {  	_ = 	snop  }
0x90: {  	s2 =	sld [smem:$0x3FC8]  }
0x91: {  	s18 =	sld [smem:$0x3FD0];
	(tm) =	ssettm $0x1  }
0x92: {  	s4 =	sld [smem:$0x3FFB];
	_ =	sdelay $0x3  }
0x93: {  	_ =	strace s4  }
0x94: {  	s4 =	sld [smem:$0x3FFC];
	_ =	sdelay $0x3  }
0x95: {  	_ =	strace s4  }
0x96: {  	s4 =	sld [smem:$0x3FFD];
	_ =	sdelay $0x3  }
0x97: {  	_ =	strace s4  }
0x98: {  	_ =	strace $0x8FFFFFFF  }
0x99: {  	s19 =	sld [smem:$0x3FDB];
	_ =	sdelay $0x1  }
0x9a: {  	s5 =	simm.s32 $_scs_section_size  }
0x9b: {  	s6 =	simm.s32 $_size__tile_overlayer_lowered;
	s7 =	simm.s32 $_tile_overlayer_lowered  }
0x9c: {  	s22 =	simm.s32 $0x1BFF;
	s21 =	sshll.u32 s7, $0x1;
	s4 =	sadd.s32 s5, s19  }
0x9d: {  	s8 =	simm.s32 $0x0;
	s20 =	sshll.u32 s6, $0x1;
	s6 =	sadd.s32 s21, s4  }
0x9e: {  	[timem:s8], [sflag:s22] =	dma.local [hbm:s6], s20  }
0x9f: {  	_ =	swait.ge [sflag:s22], s20  }
0xa0: {  	s5 =	ssub.s32 $0x0, s20;
	[sflag:s22] =	ssyncset.done $0x0  }
0xa1: {  	[sflag:s22] =	ssyncadd.s32 s5;
	_ =	sdelay $0x1  }
0xa2: {  	s23 =	simm.s32 $0x1B8B  }
0xa3: {  	_ =	swait.ge [sflag:s23], $0x1  }
0xa4: {  	[sflag:s23] =	ssyncset.done $0x0  }
0xa5: {  	s25 =	simm.s32 $0x1B8E;
	s24 =	sld [smem:$0x3FFE];
	[sflag:s23] =	ssyncadd.s32 $0xFFFFFFFF  }
0xa6: {  	s26 =	simm.s32 $execute0_lowered;
	[smem:$0x3FD2] =	sst s25  }
0xa7: {  	s6 =	sshll.u32 s26, $0x1;
	_ =	strace $0x80000046;
	[dreg:$0x1] =	wrdreg $0xFFFFFFFF  }
0xa8: {  	s28 =	simm.s32 $_size_execute0_lowered;
	s4 =	sadd.s32 s4, s6;
	[dreg:$0x0] =	wrdreg $0x0  }
0xa9: {  	s6 =	sshll.u32 s28, $0x1;
	[dreg:$0x2] =	wrdreg s4  }
0xaa: {  	[dreg:$0x3] =	wrdreg s6  }
0xab: {  	[dreg:$0x4] =	wrdreg $0xC0  }
0xac: {  	_ =	task [dreg:s8], $0x5FFFF  }
0xad: {  	[dreg:$0x1] =	wrdreg $0xFFFFFFFF  }
0xae: {  	[dreg:$0x0] =	wrdreg $0x60  }
0xaf: {  	[dreg:$0x2] =	wrdreg s24  }
0xb0: {  	[dreg:$0x3] =	wrdreg s2  }
0xb1: {  	[dreg:$0x4] =	wrdreg s18  }
0xb2: {  	[dreg:$0x5] =	wrdreg $0x9  }
0xb3: {  	_ =	task.clear_ibuf [dreg:s8], $0x6FFFF;
	_ =	strace $0x90000046  }
0xb4: {  	s29 =	simm.s32 $0x9;
	_ =	strace $0x80000048  }
0xb5: {  	_ =	swait.ge [sflag:s29], $0x1  }
0xb6: {  	[sflag:s29] =	ssyncadd.s32 $0xFFFFFFFF  }
0xb7: {  	_ =	strace $0x90000048  }
0xb8: {  	_ =	sfence  }
0xb9: {  	s30 =	sld [smem:$0x0];
	_ =	sdelay $0x2  }
0xba: {  	s31 =	sshll.u32 s1, $0xD;
	s1 =	sshrl.u32 s1, $0x2  }
0xbb: {  	s3 =	sand.u32 $0x4000, s31;
	s1 =	sadd.s32 s1, s30  }
0xbc: {  	s0 =	sor.u32 s3, s0;
	s1 =	sshll.u32 s1, $0x11  }
0xbd: {  	s0 =	sor.u32 s1, s0  }
0xbe: {  	s0 =	sadd.s32 $0x8F2B, s0  }
0xbf: {  	[sflag:s0] =	ssyncadd.remote.s32 $0x1  }
0xc0: {  	_ =	sfence.sel $0xFFFF  }
0xc1: {  	[dreg:$0x0] =	wrdreg $0xFFFFFFFF;
	(pc) =	sbr.abs _section_cstart, $3  }
0xc2: {  	[dreg:$0x1] =	wrdreg $0xFFFFFFFF  }
0xc3: {  	_ =	task.clear_ibuf [dreg:s8], $0x2FFFF;
	_ =	strace $0x9FFFFFFF  }
0xc4: {  	(tm) =	ssettm $0x7FFFFFFF  }
0xc5: {  	_ =	shalt  }
tec
execute0_lowered:
.L_overlay_start_1:
0x0: {  	(tag) =	ssettag $0x1  }
0x1: {  	s6 =	rddreg [dreg:$0x0];
	s1 =	srdreg.scid  }
0x2: {  	s2 =	rddreg [dreg:$0x1];
	s0 =	stileid.u32  }
0x3: {  	s3 =	rddreg [dreg:$0x2];
	s10 =	simm.s32 $0x1;
	s7 =	sand.u32 $0x1, s1  }
0x4: {  	s11 =	simm.s32 $0x16400;
	s4 =	sshll.u32 s0, $0xA;
	s5 =	sshll.u32 s7, $0x9  }
0x5: {  	s12 =	simm.s32 $0x0;
	s1 =	rddreg [dreg:$0x3];
	s4 =	sor.u32 s5, s4  }
0x6: {  	s7 =	ssub.s32 $0x2, s7;
	s5 =	simm.s32 $0x0;
	s8 =	sshrl.u32 s4, $0x3  }
0x7: {  	s31 =	sshrl.u32 s7, $0x1;
	[smem:$0x7FF] =	sst s5;
	s8 =	sadd.s32 s8, s6  }
0x8: {  	s9 =	ssub.s32 s7, s31;
	_ =	strace $0x80000047;
	s6 =	sadd.s32 $0xC00, s8  }
0x9: {  	s7 =	sadd.s32 $0x400, s8;
	s8 =	smax.u32 s9, $0x1;
	s9 =	simm.s32 $0x2  }
.LBB2_1:
0xa: {  	s13 =	simm.s32 $0x18400  }
0xb: {  	[tilespmem:s13], [sflag:$0x2] =	stream.linear.gather [hbm4b:s6+s5], $0x200, $0x38;
	[tilespmem:$0x18900] =	vst v63  }
0xc: {  	_ =	swait.ge [sflag:s9], $0x200  }
0xd: {  	[sflag:s9] =	ssyncset.done $0x0  }
0xe: {  	s14 =	simm.s32 $0x18680;
	[sflag:s9] =	ssyncadd.s32 $0xFFFFFE00  }
0xf: {  	[tilespmem:s14], [sflag:$0x2] =	stream.linear.gather [hbm4b:s7+s5], $0x200, $0x38;
	[tilespmem:$0x18900] =	vst v63  }
0x10: {  	_ =	swait.ge [sflag:s9], $0x200  }
0x11: {  	[sflag:s9] =	ssyncset.done $0x0  }
0x12: {  	s15 =	simm.s32 $0x0;
	[sflag:s9] =	ssyncadd.s32 $0xFFFFFE00  }
.LBB2_2:
0x13: {  	s16 =	sshll.u32 s15, $0x6  }
0x14: {  	v0 =	vld [tilespmem:s16+$0x18400];
	_ =	sdelay $0x4  }
0x15: {  	(v2sf) =	vpush v0, $0x0;
	_ =	sdelay $0xe  }
0x16: {  	s17 =	spop (v2sf)  }
0x17: {  	s18 =	sand.u32 $0x7, s17  }
0x18: {  	s19 =	sshra.s32 s17, $0x1F;
	p0 =	slt.s32 s17, $0x1;
	p1 =	sne.s32 s18, $0x0  }
0x19: {  	s29 =	sshrl.u32 s19, $0x1D;
	p0 =	por !p0, !p1  }
0x1a: {  	s18 =	simm.s32 $0x1;
	s17 =	sadd.s32 s29, s17;
	p0 =	por !p0, !p0  }
0x1b: {  	s17 =	sshrl.u32 s17, $0x3;
	s18 =	simm.s32 @!p0 $0x0  }
0x1c: {  	s17 =	ssub.s32 s17, s18  }
0x1d: {  	s17 =	sshll.u32 s17, $0x3  }
0x1e: {  	p0 =	slt.s32 s17, $0x2BD38  }
0x1f: {  	s17 =	simm.s32 @!p0 $0x2BD38  }
0x20: {  	s30 =	sshll.u32 s17, $0x4  }
0x21: {  	s18 =	simm.s32 $0x0;
	s31 =	sadd.s32 s2, s30  }
0x22: {  	v0 =	vmov s13;
	[tilespmem:s18], [sflag:$0x1] =	stream.linear.gather [hbm4b:s31+s18], $0x16400, $0x38;
	[tilespmem:$0x18900] =	vst v63  }
0x23: {  	_ =	swait.ge [sflag:s10], $0x16400  }
0x24: {  	[sflag:s10] =	ssyncset.done $0x0  }
0x25: {  	v1 =	vmov s14;
	s19 =	simm.s32 $0x16440;
	[sflag:s10] =	ssyncadd.s32 $0xFFFE9C00  }
.LBB2_3:
0x26: {  	s20 =	sshra.s32 s18, $0x2  }
0x27: {  	v2 =	vld.idx.msk [tilespmem:v0+s20+$0x0 ss:$0x1], $0xffff;
	_ =	sdelay $0x4  }
0x28: {  	(v2sf) =	vpush v2, $0x0;
	_ =	sdelay $0xe  }
0x29: {  	s21 =	spop (v2sf)  }
0x2a: {  	s22 =	ssub.s32 s21, s17  }
0x2b: {  	s22 =	sshll.u32 s22, $0x9  }
0x2c: {  	v2 =	vld.idx.msk [tilespmem:v1+s20+$0x0 ss:$0x1], $0xffff;
	s30 =	sshra.s32 s22, $0x2  }
0x2d: {  	v3 =	vld [tilespmem:s30+$0x0]  }
0x2e: {  	v4 =	vld [tilespmem:s30+$0x10]  }
0x2f: {  	v5 =	vld [tilespmem:s30+$0x20]  }
0x30: {  	v6 =	vld [tilespmem:s30+$0x30]  }
0x31: {  	v7 =	vld [tilespmem:s30+$0x40]  }
0x32: {  	v8 =	vld [tilespmem:s30+$0x50]  }
0x33: {  	v9 =	vld [tilespmem:s30+$0x60]  }
0x34: {  	v10 =	vld [tilespmem:s30+$0x70]  }
0x35: {  	v11 =	vld [tilespmem:s30+$0x80]  }
0x36: {  	v12 =	vld [tilespmem:s30+$0x90]  }
0x37: {  	v13 =	vld [tilespmem:s30+$0xA0]  }
0x38: {  	v14 =	vld [tilespmem:s30+$0xB0]  }
0x39: {  	v15 =	vld [tilespmem:s30+$0xC0]  }
0x3a: {  	(v2sf) =	vpush v2, $0x0;
	v2 =	vld [tilespmem:s30+$0xD0]  }
0x3b: {  	v16 =	vld [tilespmem:s30+$0xE0]  }
0x3c: {  	v17 =	vld [tilespmem:s30+$0xF0]  }
0x3d: {  	v18 =	vld [tilespmem:s30+$0x100]  }
0x3e: {  	v19 =	vld [tilespmem:s30+$0x110]  }
0x3f: {  	v20 =	vld [tilespmem:s30+$0x120]  }
0x40: {  	v21 =	vld [tilespmem:s30+$0x130]  }
0x41: {  	v22 =	vld [tilespmem:s30+$0x140]  }
0x42: {  	v23 =	vld [tilespmem:s30+$0x150]  }
0x43: {  	v24 =	vld [tilespmem:s30+$0x160]  }
0x44: {  	v25 =	vld [tilespmem:s30+$0x170]  }
0x45: {  	v26 =	vld [tilespmem:s30+$0x180]  }
0x46: {  	v27 =	vld [tilespmem:s30+$0x190]  }
0x47: {  	v28 =	vld [tilespmem:s30+$0x1A0]  }
0x48: {  	v29 =	vld [tilespmem:s30+$0x1B0]  }
0x49: {  	v30 =	vld [tilespmem:s30+$0x1C0]  }
0x4a: {  	v31 =	vld [tilespmem:s30+$0x1D0];
	s31 =	spop (v2sf)  }
0x4b: {  	v32 =	vld [tilespmem:s30+$0x1E0];
	s21 =	ssub.s32 s31, s21  }
0x4c: {  	s22 =	simm.f32 $1.000000000e+00;
	v33 =	vld [tilespmem:s30+$0x1F0];
	p0 =	sgt.s32 s21, $0x0  }
0x4d: {  	v34 =	vld [tilespmem:s30+$0x200];
	s22 =	simm.s32 @!p0 $0x0  }
0x4e: {  	v35 =	vld [tilespmem:s30+$0x210];
	v3 =	vmul.f32 s22, v3;
	v4 =	vmul.f32 s22, v4  }
0x4f: {  	v36 =	vld [tilespmem:s30+$0x220];
	v5 =	vmul.f32 s22, v5;
	v6 =	vmul.f32 s22, v6  }
0x50: {  	s23 =	simm.f32 $1.000000000e+00;
	v37 =	vld [tilespmem:s30+$0x230];
	p0 =	sgt.s32 s21, $0x1;
	v7 =	vmul.f32 s22, v7;
	v8 =	vmul.f32 s22, v8  }
0x51: {  	v38 =	vld [tilespmem:s30+$0x240];
	s23 =	simm.s32 @!p0 $0x0;
	v9 =	vmul.f32 s22, v9;
	v10 =	vmul.f32 s22, v10  }
0x52: {  	v39 =	vld [tilespmem:s30+$0x250];
	v11 =	vmul.f32 s23, v11;
	v12 =	vmul.f32 s23, v12  }
0x53: {  	v43 =	vld [tilespmem:s30+$0x300];
	v53 =	vmul.f32 s23, v13;
	v54 =	vmul.f32 s23, v14  }
0x54: {  	v50 =	vld [tilespmem:s30+$0x340];
	p0 =	sgt.s32 s21, $0x2;
	s22 =	simm.f32 $1.000000000e+00;
	v55 =	vmul.f32 s23, v15;
	v2 =	vmul.f32 s23, v2  }
0x55: {  	v13 =	vld [tilespmem:s30+$0x260];
	v56 =	vmul.f32 s23, v16;
	s22 =	simm.s32 @!p0 $0x0;
	v57 =	vmul.f32 s23, v17  }
0x56: {  	v14 =	vld [tilespmem:s30+$0x270];
	v3 =	vadd.f32 $0.0e+00, v3;
	v4 =	vadd.f32 $0.0e+00, v4;
	v58 =	vmul.f32 s22, v18  }
0x57: {  	v15 =	vld [tilespmem:s30+$0x280];
	v5 =	vadd.f32 $0.0e+00, v5;
	v59 =	vmul.f32 s22, v19;
	v60 =	vmul.f32 s22, v20  }
0x58: {  	v16 =	vld [tilespmem:s30+$0x2A0];
	p0 =	sgt.s32 s21, $0x3;
	s23 =	simm.f32 $1.000000000e+00;
	v6 =	vadd.f32 $0.0e+00, v6;
	v61 =	vmul.f32 s22, v21;
	v62 =	vmul.f32 s22, v22  }
0x59: {  	v17 =	vld [tilespmem:s30+$0x2D0];
	v7 =	vadd.f32 $0.0e+00, v7;
	v63 =	vmul.f32 s22, v23;
	v40 =	vmul.f32 s22, v24;
	s23 =	simm.s32 @!p0 $0x0  }
0x5a: {  	v8 =	vadd.f32 $0.0e+00, v8;
	v18 =	vld [tilespmem:s30+$0x2B0];
	v41 =	vmul.f32 s22, v25;
	v42 =	vmul.f32 s23, v26  }
0x5b: {  	v9 =	vadd.f32 $0.0e+00, v9;
	v20 =	vld [tilespmem:s30+$0x2C0];
	v44 =	vmul.f32 s23, v27;
	v45 =	vmul.f32 s23, v28  }
0x5c: {  	v10 =	vadd.f32 $0.0e+00, v10;
	v19 =	vld [tilespmem:s30+$0x2E0];
	v46 =	vmul.f32 s23, v29;
	v47 =	vmul.f32 s23, v30  }
0x5d: {  	v22 =	vld [tilespmem:s30+$0x2F0];
	v48 =	vmul.f32 s23, v31;
	v3 =	vadd.f32 v11, v3;
	v4 =	vadd.f32 v12, v4  }
0x5e: {  	v21 =	vld [tilespmem:s30+$0x310];
	p0 =	sgt.s32 s21, $0x4;
	s22 =	simm.f32 $1.000000000e+00;
	v49 =	vmul.f32 s23, v32;
	v5 =	vadd.f32 v53, v5;
	v6 =	vadd.f32 v54, v6  }
0x5f: {  	v23 =	vld [tilespmem:s30+$0x320];
	v51 =	vmul.f32 s23, v33;
	s22 =	simm.s32 @!p0 $0x0;
	v7 =	vadd.f32 v55, v7;
	v2 =	vadd.f32 v2, v8  }
0x60: {  	v25 =	vld [tilespmem:s30+$0x350];
	v9 =	vadd.f32 v56, v9;
	v8 =	vadd.f32 v57, v10;
	v52 =	vmul.f32 s22, v34  }
0x61: {  	v26 =	vld [tilespmem:s30+$0x330];
	v53 =	vmul.f32 s22, v35;
	v54 =	vmul.f32 s22, v36;
	v3 =	vadd.f32 v58, v3  }
0x62: {  	v27 =	vld [tilespmem:s30+$0x360];
	v55 =	vmul.f32 s22, v37;
	v4 =	vadd.f32 v59, v4;
	v5 =	vadd.f32 v60, v5  }
0x63: {  	v30 =	vld [tilespmem:s30+$0x370];
	p0 =	sgt.s32 s21, $0x5;
	s23 =	simm.f32 $1.000000000e+00;
	v56 =	vmul.f32 s22, v38;
	v6 =	vadd.f32 v61, v6;
	v7 =	vadd.f32 v62, v7  }
0x64: {  	v29 =	vld [tilespmem:s30+$0x390];
	s23 =	simm.s32 @!p0 $0x0;
	v2 =	vadd.f32 v63, v2;
	v58 =	vmul.f32 s22, v39;
	v59 =	vmul.f32 s22, v13  }
0x65: {  	v32 =	vld [tilespmem:s30+$0x4B0];
	v9 =	vadd.f32 v40, v9;
	v61 =	vmul.f32 s22, v14;
	v62 =	vmul.f32 s23, v15  }
0x66: {  	v12 =	vld [tilespmem:s30+$0x290];
	v8 =	vadd.f32 v41, v8;
	v33 =	vmul.f32 s23, v16;
	v39 =	vmul.f32 s23, v17  }
0x67: {  	v57 =	vld [tilespmem:s30+$0x380];
	v35 =	vmul.f32 s23, v18;
	v3 =	vadd.f32 v42, v3;
	v4 =	vadd.f32 v44, v4  }
0x68: {  	v34 =	vld [tilespmem:s30+$0x3C0];
	p0 =	sgt.s32 s21, $0x6;
	s22 =	simm.f32 $1.000000000e+00;
	v37 =	vmul.f32 s23, v20;
	v5 =	vadd.f32 v45, v5;
	v6 =	vadd.f32 v46, v6  }
0x69: {  	v36 =	vld [tilespmem:s30+$0x3D0];
	v40 =	vmul.f32 s23, v19;
	s22 =	simm.s32 @!p0 $0x0;
	v7 =	vadd.f32 v47, v7;
	v2 =	vadd.f32 v48, v2  }
0x6a: {  	v38 =	vld [tilespmem:s30+$0x3E0];
	v9 =	vadd.f32 v49, v9;
	v42 =	vmul.f32 s23, v22;
	v43 =	vmul.f32 s22, v43  }
0x6b: {  	v60 =	vld [tilespmem:s30+$0x3A0];
	v8 =	vadd.f32 v51, v8;
	v45 =	vmul.f32 s22, v21;
	v47 =	vmul.f32 s22, v23  }
0x6c: {  	v63 =	vld [tilespmem:s30+$0x3B0];
	v49 =	vmul.f32 s22, v26;
	v50 =	vmul.f32 s22, v50;
	v3 =	vadd.f32 v52, v3  }
0x6d: {  	v41 =	vld [tilespmem:s30+$0x3F0];
	v31 =	vmul.f32 s23, v12;
	v4 =	vadd.f32 v53, v4;
	v5 =	vadd.f32 v54, v5  }
0x6e: {  	p0 =	sgt.s32 s21, $0x7;
	v44 =	vld [tilespmem:s30+$0x400];
	s23 =	simm.f32 $1.000000000e+00;
	v6 =	vadd.f32 v55, v6;
	v7 =	vadd.f32 v56, v7;
	v52 =	vmul.f32 s22, v25  }
0x6f: {  	v46 =	vld [tilespmem:s30+$0x410];
	v2 =	vadd.f32 v58, v2;
	v53 =	vmul.f32 s22, v27;
	v55 =	vmul.f32 s22, v30;
	s23 =	simm.s32 @!p0 $0x0  }
0x70: {  	v48 =	vld [tilespmem:s30+$0x420];
	v9 =	vadd.f32 v59, v9;
	v57 =	vmul.f32 s23, v57;
	v59 =	vmul.f32 s23, v29  }
0x71: {  	v51 =	vld [tilespmem:s30+$0x430];
	v8 =	vadd.f32 v61, v8;
	v13 =	vmul.f32 s23, v60;
	v61 =	vmul.f32 s23, v63  }
0x72: {  	v54 =	vld [tilespmem:s30+$0x440];
	v26 =	vmul.f32 s23, v36;
	v3 =	vadd.f32 v62, v3;
	v4 =	vadd.f32 v31, v4  }
0x73: {  	v56 =	vld [tilespmem:s30+$0x450];
	v28 =	vmul.f32 s23, v38;
	v5 =	vadd.f32 v33, v5;
	v6 =	vadd.f32 v35, v6  }
0x74: {  	s24 =	simm.f32 $1.000000000e+00;
	v58 =	vld [tilespmem:s30+$0x460];
	p0 =	sgt.s32 s21, $0x8;
	v30 =	vmul.f32 s23, v41;
	v7 =	vadd.f32 v37, v7;
	v2 =	vadd.f32 v39, v2  }
0x75: {  	v27 =	vld [tilespmem:s30+$0x490];
	s24 =	simm.s32 @!p0 $0x0;
	v9 =	vadd.f32 v40, v9;
	v8 =	vadd.f32 v42, v8;
	v62 =	vmul.f32 s23, v34  }
0x76: {  	v60 =	vld [tilespmem:s30+$0x470];
	v31 =	vmul.f32 s24, v44;
	v3 =	vadd.f32 v43, v3;
	v4 =	vadd.f32 v45, v4  }
0x77: {  	v63 =	vld [tilespmem:s30+$0x480];
	v33 =	vmul.f32 s24, v46;
	v5 =	vadd.f32 v47, v5;
	v6 =	vadd.f32 v49, v6  }
0x78: {  	v29 =	vld [tilespmem:s30+$0x4A0];
	p0 =	sgt.s32 s21, $0x9;
	s23 =	simm.f32 $1.000000000e+00;
	v34 =	vmul.f32 s24, v48;
	v7 =	vadd.f32 v50, v7;
	v2 =	vadd.f32 v52, v2  }
0x79: {  	v35 =	vld [tilespmem:s30+$0x4C0];
	v36 =	vmul.f32 s24, v51;
	s23 =	simm.s32 @!p0 $0x0;
	v9 =	vadd.f32 v53, v9;
	v8 =	vadd.f32 v55, v8  }
0x7a: {  	v37 =	vld [tilespmem:s30+$0x4D0];
	v15 =	vmul.f32 s23, v32;
	v38 =	vmul.f32 s24, v54;
	v3 =	vadd.f32 v57, v3  }
0x7b: {  	v39 =	vld [tilespmem:s30+$0x4E0];
	v40 =	vmul.f32 s24, v56;
	v4 =	vadd.f32 v59, v4;
	v5 =	vadd.f32 v13, v5  }
0x7c: {  	p1 =	seq.s32 s21, $0x1;
	s22 =	simm.f32 $1.000000000e+00;
	v42 =	vld [tilespmem:s30+$0x4F0];
	v41 =	vmul.f32 s24, v58;
	v6 =	vadd.f32 v61, v6;
	v7 =	vadd.f32 v62, v7  }
0x7d: {  	s22 =	simm.s32 @!p1 $0x0;
	p1 =	seq.s32 s21, $0x2;
	v44 =	vld [tilespmem:s30+$0x500];
	v45 =	vmul.f32 s23, v27;
	v2 =	vadd.f32 v26, v2;
	v9 =	vadd.f32 v28, v9  }
0x7e: {  	s22 =	simm.s32 @p1 $0x3F000000;
	p0 =	seq.s32 s21, $0x3;
	v46 =	vld [tilespmem:s30+$0x510];
	v8 =	vadd.f32 v30, v8;
	v43 =	vmul.f32 s24, v60;
	v16 =	vmul.f32 s23, v63  }
0x7f: {  	v51 =	vld [tilespmem:s30+$0x540];
	s22 =	simm.s32 @p0 $0x3EAAAAAB;
	p0 =	seq.s32 s21, $0x4;
	v12 =	vmul.f32 s23, v29;
	v18 =	vmul.f32 s23, v35;
	v3 =	vadd.f32 v31, v3  }
0x80: {  	p1 =	sgt.s32 s21, $0xA;
	v47 =	vld [tilespmem:s30+$0x520];
	s22 =	simm.s32 @p0 $0x3E800000;
	p0 =	seq.s32 s21, $0x5;
	v48 =	vmul.f32 s23, v37;
	v4 =	vadd.f32 v33, v4;
	v5 =	vadd.f32 v34, v5  }
0x81: {  	v50 =	vld [tilespmem:s30+$0x530];
	s22 =	simm.s32 @p0 $0x3E4CCCCD;
	p0 =	seq.s32 s21, $0x6;
	s24 =	simm.f32 $1.000000000e+00;
	v49 =	vmul.f32 s23, v39;
	v6 =	vadd.f32 v36, v6;
	v7 =	vadd.f32 v38, v7  }
0x82: {  	v53 =	vld [tilespmem:s30+$0x550];
	s22 =	simm.s32 @p0 $0x3E2AAAAB;
	p0 =	seq.s32 s21, $0x7;
	v20 =	vmul.f32 s23, v42;
	s24 =	simm.s32 @!p1 $0x0;
	v2 =	vadd.f32 v40, v2;
	v9 =	vadd.f32 v41, v9  }
0x83: {  	v8 =	vadd.f32 v43, v8;
	s22 =	simm.s32 @p0 $0x3E124925;
	p0 =	seq.s32 s21, $0x8;
	v52 =	vmul.f32 s24, v44;
	v54 =	vmul.f32 s24, v46  }
0x84: {  	v10 =	vmul.f32 s24, v51;
	s22 =	simm.s32 @p0 $0x3E000000;
	p0 =	seq.s32 s21, $0x9;
	v3 =	vadd.f32 v16, v3;
	v4 =	vadd.f32 v45, v4  }
0x85: {  	v56 =	vld [tilespmem:s30+$0x570];
	v57 =	vmul.f32 s24, v47;
	v5 =	vadd.f32 v12, v5;
	v6 =	vadd.f32 v15, v6;
	s22 =	simm.s32 @p0 $0x3DE38E39;
	p0 =	seq.s32 s21, $0xA  }
0x86: {  	v55 =	vld [tilespmem:s30+$0x560];
	v58 =	vmul.f32 s24, v50;
	v7 =	vadd.f32 v18, v7;
	s22 =	simm.s32 @p0 $0x3DCCCCCD;
	p0 =	seq.s32 s21, $0xB;
	v3 =	vadd.f32 v52, v3  }
0x87: {  	v59 =	vmul.f32 s24, v53;
	v2 =	vadd.f32 v48, v2;
	v4 =	vadd.f32 v54, v4;
	s22 =	simm.s32 @p0 $0x3DBA2E8C  }
0x88: {  	v9 =	vadd.f32 v49, v9;
	v5 =	vadd.f32 v57, v5;
	v3 =	vmul.f32 s22, v3  }
0x89: {  	v8 =	vadd.f32 v20, v8;
	v6 =	vadd.f32 v58, v6;
	v4 =	vmul.f32 s22, v4  }
0x8a: {  	v60 =	vmul.f32 s24, v56;
	v2 =	vadd.f32 v59, v2;
	v5 =	vmul.f32 s22, v5;
	[tilespmem:s19+$0xFFFFFFC0] =	vst v3  }
0x8b: {  	v7 =	vadd.f32 v10, v7;
	v61 =	vmul.f32 s22, v6;
	v3 =	vmul.f32 s24, v55;
	[tilespmem:s19+$0xFFFFFFD0] =	vst v4  }
0x8c: {  	v63 =	vadd.f32 v60, v8;
	p0 =	sne.s32 s18, $0xFC;
	v2 =	vmul.f32 s22, v2;
	[tilespmem:s19+$0xFFFFFFE0] =	vst v5  }
.Ltmp0:
0x8d: {  	v62 =	vmul.f32 s22, v7;
	[tilespmem:s19+$0xFFFFFFF0] =	vst v61;
	v3 =	vadd.f32 v3, v9;
	(pc) =	sbr.rel @p0 .LBB2_3-.Ltmp0, $4  }
0x8e: {  	[tilespmem:s19+$0x10] =	vst v2;
	v2 =	vmul.f32 s22, v63  }
0x8f: {  	[tilespmem:s19+$0x0] =	vst v62;
	v3 =	vmul.f32 s22, v3  }
0x90: {  	[tilespmem:s19+$0x30] =	vst v2  }
0x91: {  	s18 =	sadd.s32 $0x4, s18;
	[tilespmem:s19+$0x20] =	vst v3;
	s19 =	sadd.s32 $0x80, s19  }
0x92: {  	s16 =	sadd.s32 s4, s16;
	s15 =	sadd.s32 $0x1, s15  }
0x93: {  	s16 =	sshll.u32 s16, $0x4;
	p0 =	sne.s32 s15, $0x8  }
.Ltmp1:
0x94: {  	s16 =	sadd.s32 s3, s16;
	(pc) =	sbr.rel @p0 .LBB2_2-.Ltmp1, $4  }
0x95: {  	[hbm4b:s16+s5] =	stream.linear.scatter [tilespmem:s11], [sflag:$0x1], $0x2000, $0x38;
	[tilespmem:$0x18900] =	vst v63  }
0x96: {  	_ =	swait.ge [sflag:s10], $0x2000  }
0x97: {  	[sflag:s10] =	ssyncset.done $0x0  }
0x98: {  	s14 =	sadd.s32 $0x40, s14;
	s13 =	sadd.s32 $0x40, s13;
	[sflag:s10] =	ssyncadd.s32 $0xFFFFE000  }
0x99: {  	s12 =	sadd.s32 $0x1, s12  }
0x9a: {  	p0 =	sne.s32 s12, s8  }
.Ltmp2:
0x9b: {  	_ = 	snop;
	(pc) =	sbr.rel @p0 .LBB2_1-.Ltmp2, $1  }
0x9c: {  	_ =	sdelay $0x3  }
0x9d: {  	_ =	sfence.sel $0x180000  }
0x9e: {  	[bflag:$0x0] =	sbarrier.arrive $0xFFFF  }
0x9f: {  	p0 =	sne.s32 s0, $0x0;
	_ =	strace $0x90000047  }
0xa0: {  	s0 =	sadd.s32 @!p0 $0x100000, s1;
	[bflag:$0x2] =	sbarrier.arrive $0xFFFF  }
0xa1: {  	[sflag:s0] =	ssyncadd.tile.s32 @!p0 $0x1;
	_ =	shalt  }
.Lfunc_end2:
_tile_overlayer_lowered:
.L_overlay_start_2:
0xa2: {  	(tag) =	ssettag $0x2  }
0xa3: {  	s0 =	rddreg [dreg:$0x0];
	s2 =	stileid.u32  }
0xa4: {  	s1 =	rddreg [dreg:$0x1];
	p0 =	sne.s32 s2, $0x0  }
0xa5: {  	s3 =	rddreg [dreg:$0x2];
	[bflag:$0x3] =	sbarrier.arrive $0xFFFF;
	s2 =	simm.s32 @!p0 $0x1C02  }
0xa6: {  	[timem:s3], [sflag:s2] =	dma.local @!p0 [hbm:s0], s1  }
0xa7: {  	s0 =	simm.s32 @!p0 $0x2  }
0xa8: {  	_ =	swait.ge @!p0 [sflag:s0], s1  }
0xa9: {  	s1 =	ssub.s32 @!p0 $0x0, s1;
	[sflag:s0] =	ssyncset.done @!p0 $0x0  }
0xaa: {  	[sflag:s0] =	ssyncadd.s32 @!p0 s1  }
0xab: {  	[bflag:$0x3] =	sbarrier.arrive $0xFFFF  }
0xac: {  	_ =	shalt  }

// kernel: kernel.9.cloned.1.call-start
scs
__scs_entry_jumppad:
0x0: {  	(pc) =	sbr.rel $0x88, $3  }
0x1: {  	(tag) =	ssettag $0x0;
	lr =	simm.s32 $0x1  }
0x2: {  	[smem:$0x3F9C] =	sst lr;
	_ =	strace $0xD0000000  }
0x3: {  	_ = 	snop  }
0x4: {  	_ = 	snop  }
0x5: {  	_ = 	snop  }
0x6: {  	_ = 	snop  }
0x7: {  	_ = 	snop  }
__scs_overlays_trampoline_lowered:
0x8: {  	[smem:$0x3FAB] =	sst s0  }
0x9: {  	[smem:$0x3FAC] =	sst s1  }
0xa: {  	[smem:$0x3FAD] =	sst s2  }
0xb: {  	[smem:$0x3FAE] =	sst s3  }
0xc: {  	[smem:$0x3FAF] =	sst s4  }
0xd: {  	[smem:$0x3FB0] =	sst s5  }
0xe: {  	[smem:$0x3FB1] =	sst s6  }
0xf: {  	[smem:$0x3FB2] =	sst s7  }
0x10: {  	[smem:$0x3FB3] =	sst s8  }
0x11: {  	[smem:$0x3FB4] =	sst s9;
	s0 =	simm.s32 @!p0 $0x0  }
0x12: {  	s1 =	sld [smem:$0x3F9A];
	s0 =	simm.s32 @p0 $0x1  }
0x13: {  	[smem:$0x3FB5] =	sst s0;
	s0 =	simm.s32 @!p1 $0x0  }
0x14: {  	s2 =	sld [smem:$0x3F99];
	s0 =	simm.s32 @p1 $0x1  }
0x15: {  	[smem:$0x3FB6] =	sst s0;
	s0 =	simm.s32 @!p2 $0x0  }
0x16: {  	s3 =	sld [smem:$0x3FDB];
	s0 =	simm.s32 @p2 $0x1  }
0x17: {  	s4 =	simm.s32 $0x1BF5;
	[smem:$0x3FB8] =	sst s0  }
0x18: {  	s0 =	sld [smem:$0x3F9B];
	_ =	swait.ge [sflag:s4], $0x0  }
0x19: {  	s7 =	sld [smem:$0x3F9C]  }
0x1a: {  	s8 =	sadd.s32 $0xFFFFE003, lr  }
0x1b: {  	s9 =	sadd.s32 $0xFFFFFEF7, lr;
	s5 =	simm.s32 $0xFFFFFFFF;
	p2 =	slt.u32 s8, $0xFFFFF086  }
0x1c: {  	p1 =	slt.u32 s9, $0xF7A;
	s5 =	simm.s32 @!p2 $0x0  }
0x1d: {  	s5 =	simm.s32 @p1 $0x1;
	p0 =	seq.s32 s7, s2  }
0x1e: {  	s7 =	smul.u32 @!p0 $0xF7A, s2;
	p2 =	seq.s32 @!p0 s5, $0x0  }
0x1f: {  	s9 =	smul.u32 $0xF7A, s1;
	s8 =	simm.s32 @!p0 $0x1BF5;
	p2 =	por !p2, p0  }
0x20: {  	[sflag:s8] =	ssyncset.s32 @!p0 $0xFFFFF086;
	s6 =	sadd.s32 @!p0 s3, s7;
	s7 =	simm.s32 @!p0 $0x108  }
0x21: {  	s3 =	sadd.s32 s3, s9;
	s6 =	sadd.s32 @!p0 $0x88, s6;
	s7 =	simm.s32 @p2 $0x1082  }
0x22: {  	[simem:s7], [sflag:s8] =	dma.local @!p0 [hbm:s6], $0xF7A  }
0x23: {  	s9 =	sor.u32 $0xD0000000, s2;
	s6 =	simm.s32 $0x108;
	_ =	swait.ge @!p0 [sflag:s8], $0x0  }
0x24: {  	s3 =	sadd.s32 $0x88, s3;
	s6 =	simm.s32 @!p1 $0x1082;
	[sflag:s4] =	ssyncset.s32 $0xFFFFF086  }
0x25: {  	[simem:s6], [sflag:s4] =	dma.local [hbm:s3], $0xF7A  }
0x26: {  	[smem:$0x3F9C] =	sst s1;
	(tag) =	ssettag s2;
	_ =	strace s9  }
0x27: {  	s1 =	sld [smem:$0x3FAC]  }
0x28: {  	s2 =	sld [smem:$0x3FAD]  }
0x29: {  	s4 =	sld [smem:$0x3FAF]  }
0x2a: {  	p0 =	seq.s32 s5, $0x0;
	s5 =	sld [smem:$0x3FB0]  }
0x2b: {  	s6 =	sld [smem:$0x3FB1]  }
0x2c: {  	s7 =	sld [smem:$0x3FB2]  }
0x2d: {  	s3 =	simm.s32 $0x108;
	s8 =	sld [smem:$0x3FB3]  }
0x2e: {  	s3 =	simm.s32 @!p0 $0x1082;
	s9 =	sld [smem:$0x3FB4]  }
0x2f: {  	lr =	sadd.s32 s0, s3;
	s0 =	sld [smem:$0x3FAB]  }
0x30: {  	s3 =	sld [smem:$0x3FAE]  }
0x31: {  	[smem:$0x3FB7] =	sst s10  }
0x32: {  	s10 =	sld [smem:$0x3FB5];
	_ =	sdelay $0x3  }
0x33: {  	p0 =	seq.s32 s10, $0x1;
	s10 =	sld [smem:$0x3FB7];
	_ =	sdelay $0x3  }
0x34: {  	[smem:$0x3FB7] =	sst s10  }
0x35: {  	s10 =	sld [smem:$0x3FB6];
	_ =	sdelay $0x3  }
0x36: {  	p1 =	seq.s32 s10, $0x1;
	s10 =	sld [smem:$0x3FB7];
	_ =	sdelay $0x3  }
0x37: {  	[smem:$0x3FB7] =	sst s10  }
0x38: {  	s10 =	sld [smem:$0x3FB8]  }
0x39: {  	_ = 	snop;
	(pc) =	sbr.ind lr, $3  }
0x3a: {  	_ = 	snop  }
0x3b: {  	_ = 	snop  }
0x3c: {  	p2 =	seq.s32 s10, $0x1;
	s10 =	sld [smem:$0x3FB7]  }
0x3d: {  	_ =	shalt  }
0x3e: {  	_ =	shalt  }
0x3f: {  	_ =	shalt  }
0x40: {  	_ =	shalt  }
0x41: {  	_ =	shalt  }
0x42: {  	_ =	shalt  }
0x43: {  	_ =	shalt  }
0x44: {  	_ =	shalt  }
0x45: {  	_ =	shalt  }
0x46: {  	_ =	shalt  }
0x47: {  	_ =	shalt  }
0x48: {  	_ =	shalt  }
0x49: {  	_ =	shalt  }
0x4a: {  	_ =	shalt  }
0x4b: {  	_ =	shalt  }
0x4c: {  	_ =	shalt  }
0x4d: {  	_ =	shalt  }
0x4e: {  	_ =	shalt  }
0x4f: {  	_ =	shalt  }
0x50: {  	_ =	shalt  }
0x51: {  	_ =	shalt  }
0x52: {  	_ =	shalt  }
0x53: {  	_ =	shalt  }
0x54: {  	_ =	shalt  }
0x55: {  	_ =	shalt  }
0x56: {  	_ =	shalt  }
0x57: {  	_ =	shalt  }
0x58: {  	_ =	shalt  }
0x59: {  	_ =	shalt  }
0x5a: {  	_ =	shalt  }
0x5b: {  	_ =	shalt  }
0x5c: {  	_ =	shalt  }
0x5d: {  	_ =	shalt  }
0x5e: {  	_ =	shalt  }
0x5f: {  	_ =	shalt  }
0x60: {  	_ =	shalt  }
0x61: {  	_ =	shalt  }
0x62: {  	_ =	shalt  }
0x63: {  	_ =	shalt  }
0x64: {  	_ =	shalt  }
0x65: {  	_ =	shalt  }
0x66: {  	_ =	shalt  }
0x67: {  	_ =	shalt  }
0x68: {  	_ =	shalt  }
0x69: {  	_ =	shalt  }
0x6a: {  	_ =	shalt  }
0x6b: {  	_ =	shalt  }
0x6c: {  	_ =	shalt  }
0x6d: {  	_ =	shalt  }
0x6e: {  	_ =	shalt  }
0x6f: {  	_ =	shalt  }
0x70: {  	_ =	shalt  }
0x71: {  	_ =	shalt  }
0x72: {  	_ =	shalt  }
0x73: {  	_ =	shalt  }
0x74: {  	_ =	shalt  }
0x75: {  	_ =	shalt  }
0x76: {  	_ =	shalt  }
0x77: {  	_ =	shalt  }
0x78: {  	_ =	shalt  }
0x79: {  	_ =	shalt  }
0x7a: {  	_ =	shalt  }
0x7b: {  	_ =	shalt  }
0x7c: {  	_ =	shalt  }
0x7d: {  	_ =	shalt  }
0x7e: {  	_ =	shalt  }
0x7f: {  	_ =	shalt  }
0x80: {  	_ =	shalt  }
0x81: {  	_ =	shalt  }
0x82: {  	_ =	shalt  }
0x83: {  	_ =	shalt  }
0x84: {  	_ =	shalt  }
0x85: {  	_ =	shalt  }
0x86: {  	_ =	shalt  }
0x87: {  	_ =	shalt  }
.Lfunc_end0:
.L_simem_size_0:
called_computation.1_lowered:
.L_overlay_start_0:
0x88: {  	s2 =	sld [smem:$0x3FD9]  }
0x89: {  	s3 =	sld [smem:$0x3FFE];
	_ =	sdelay $0x1  }
0x8a: {  	s1 =	srdreg.scid  }
0x8b: {  	s0 =	sand.u32 $0x1, s1  }
0x8c: {  	s17 =	sshll.u32 s0, $0xA;
	s2 =	sadd.s32 s3, s2  }
0x8d: {  	s2 =	sadd.s32 s2, s17  }
0x8e: {  	[smem:$0x3FC3] =	sst s2  }
0x8f: {  	_ = 	snop  }
0x90: {  	s2 =	sld [smem:$0x3FD0];
	(tm) =	ssettm $0x1  }
0x91: {  	s18 =	sld [smem:$0x3FFB];
	_ =	sdelay $0x3  }
0x92: {  	_ =	strace s18  }
0x93: {  	s3 =	sld [smem:$0x3FFC];
	_ =	sdelay $0x3  }
0x94: {  	_ =	strace s3  }
0x95: {  	s3 =	sld [smem:$0x3FFD];
	_ =	sdelay $0x3  }
0x96: {  	_ =	strace s3  }
0x97: {  	_ =	strace $0x8FFFFFFF  }
0x98: {  	s19 =	sld [smem:$0x3FDB];
	_ =	sdelay $0x1  }
0x99: {  	s4 =	simm.s32 $_scs_section_size  }
0x9a: {  	s5 =	simm.s32 $_size__tile_overlayer_lowered;
	s6 =	simm.s32 $_tile_overlayer_lowered  }
0x9b: {  	s22 =	simm.s32 $0x1BFF;
	s21 =	sshll.u32 s6, $0x1;
	s3 =	sadd.s32 s4, s19  }
0x9c: {  	s7 =	simm.s32 $0x0;
	s20 =	sshll.u32 s5, $0x1;
	s5 =	sadd.s32 s21, s3  }
0x9d: {  	[timem:s7], [sflag:s22] =	dma.local [hbm:s5], s20  }
0x9e: {  	_ =	swait.ge [sflag:s22], s20  }
0x9f: {  	s4 =	ssub.s32 $0x0, s20;
	[sflag:s22] =	ssyncset.done $0x0  }
0xa0: {  	[sflag:s22] =	ssyncadd.s32 s4;
	_ =	sdelay $0x1  }
0xa1: {  	s23 =	simm.s32 $0x1B8B  }
0xa2: {  	_ =	swait.ge [sflag:s23], $0x1  }
0xa3: {  	[sflag:s23] =	ssyncset.done $0x0  }
0xa4: {  	s25 =	simm.s32 $0x1B8E;
	s24 =	sld [smem:$0x3FFE];
	[sflag:s23] =	ssyncadd.s32 $0xFFFFFFFF  }
0xa5: {  	s26 =	simm.s32 $execute0_lowered;
	[smem:$0x3FD2] =	sst s25  }
0xa6: {  	s5 =	sshll.u32 s26, $0x1;
	_ =	strace $0x80000049;
	[dreg:$0x1] =	wrdreg $0xFFFFFFFF  }
0xa7: {  	s28 =	simm.s32 $_size_execute0_lowered;
	s3 =	sadd.s32 s3, s5;
	[dreg:$0x0] =	wrdreg $0x0  }
0xa8: {  	s5 =	sshll.u32 s28, $0x1;
	[dreg:$0x2] =	wrdreg s3  }
0xa9: {  	[dreg:$0x3] =	wrdreg s5  }
0xaa: {  	[dreg:$0x4] =	wrdreg $0xC0  }
0xab: {  	_ =	task [dreg:s7], $0x5FFFF  }
0xac: {  	[dreg:$0x1] =	wrdreg $0xFFFFFFFF  }
0xad: {  	[dreg:$0x0] =	wrdreg $0x60  }
0xae: {  	[dreg:$0x2] =	wrdreg s2  }
0xaf: {  	[dreg:$0x3] =	wrdreg s24  }
0xb0: {  	[dreg:$0x4] =	wrdreg $0x9  }
0xb1: {  	_ =	task.clear_ibuf [dreg:s7], $0x5FFFF;
	_ =	strace $0x90000049  }
0xb2: {  	s29 =	simm.s32 $0x9;
	_ =	strace $0x8000004B  }
0xb3: {  	_ =	swait.ge [sflag:s29], $0x1  }
0xb4: {  	[sflag:s29] =	ssyncadd.s32 $0xFFFFFFFF  }
0xb5: {  	_ =	strace $0x9000004B  }
0xb6: {  	_ =	sfence  }
0xb7: {  	s30 =	sld [smem:$0x0];
	_ =	sdelay $0x2  }
0xb8: {  	s31 =	sshll.u32 s1, $0xD;
	s1 =	sshrl.u32 s1, $0x2  }
0xb9: {  	s3 =	sand.u32 $0x4000, s31;
	s1 =	sadd.s32 s1, s30  }
0xba: {  	s0 =	sor.u32 s3, s0;
	s1 =	sshll.u32 s1, $0x11  }
0xbb: {  	s0 =	sor.u32 s1, s0  }
0xbc: {  	s0 =	sadd.s32 $0x8F2B, s0  }
0xbd: {  	[sflag:s0] =	ssyncadd.remote.s32 $0x1  }
0xbe: {  	_ =	sfence.sel $0xFFFF  }
0xbf: {  	[dreg:$0x0] =	wrdreg $0xFFFFFFFF;
	(pc) =	sbr.abs _section_cstart, $3  }
0xc0: {  	[dreg:$0x1] =	wrdreg $0xFFFFFFFF  }
0xc1: {  	_ =	task.clear_ibuf [dreg:s7], $0x2FFFF;
	_ =	strace $0x9FFFFFFF  }
0xc2: {  	(tm) =	ssettm $0x7FFFFFFF  }
0xc3: {  	_ =	shalt  }
tec
execute0_lowered:
.L_overlay_start_1:
0x0: {  	(tag) =	ssettag $0x1  }
0x1: {  	s1 =	srdreg.scid;
	s0 =	stileid.u32  }
0x2: {  	s7 =	sand.u32 $0x1, s1;
	s29 =	sshll.u32 s0, $0x1  }
0x3: {  	s3 =	sor.u32 s7, s29  }
0x4: {  	s5 =	sshll.u32 s3, $0x9  }
0x5: {  	s9 =	sadd.s32 $0x228, s5  }
0x6: {  	s2 =	rddreg [dreg:$0x0];
	v0 =	vmov s9  }
0x7: {  	s8 =	rddreg [dreg:$0x1];
	s4 =	simm.s32 $0x0;
	v1 =	vadd.s32 $0xFFFFFFFF, v0  }
0x8: {  	s12 =	simm.s32 $0x2;
	s13 =	simm.s32 $0x18800;
	s14 =	simm.s32 $0x1;
	v1 =	vadd.s32 s5, v1  }
0x9: {  	s15 =	simm.s32 $0x1C900;
	s16 =	simm.s32 $0x10800;
	s1 =	rddreg [dreg:$0x2];
	v2 =	vadd.s32 $0x1, v1  }
.Ltmp0:
0xa: {  	s17 =	simm.s32 $0x0;
	[smem:$0x7FF] =	sst s4;
	v2 =	vshrl.u32 v2, $0x1;
	(pc) =	sbr.rel .LBB2_1-.Ltmp0, $4  }
0xb: {  	s6 =	sadd.s32 $0x1400, s8;
	_ =	strace $0x8000004A;
	s10 =	ssub.s32 $0x2, s7  }
0xc: {  	s7 =	sadd.s32 $0x1E00, s8;
	s30 =	sshrl.u32 s10, $0x1;
	s31 =	sshll.u32 s3, $0xD  }
0xd: {  	v4 =	vlaneseq.u32;
	p0 =	seq.s32 s3, $0x1F;
	s11 =	ssub.s32 s10, s30;
	s9 =	sadd.s32 $0x1, s3  }
0xe: {  	v5 =	vimm.f32 $0.0e+00;
	s8 =	sadd.s32 s2, s31;
	s11 =	smax.u32 s11, $0x1;
	s10 =	sshll.u32 s9, $0x9;
	v1 =	vmov s5;
	v3 =	vor.u32 $0x1, v2  }
.LBB2_18:
0xf: {  	s17 =	sadd.s32 $0x1, s17  }
0x10: {  	p1 =	sne.s32 s17, s11  }
.Ltmp1:
0x11: {  	_ = 	snop;
	(pc) =	sbr.rel @!p1 .LBB2_19-.Ltmp1, $1  }
0x12: {  	_ =	sdelay $0x3  }
.LBB2_1:
0x13: {  	[tilespmem:s4], [sflag:$0x2] =	stream.linear.gather [hbm4b:s8+s4], $0x10800, $0x38;
	[tilespmem:$0x1CD00] =	vst v63  }
0x14: {  	_ =	swait.ge [sflag:s12], $0x10800  }
0x15: {  	[sflag:s12] =	ssyncset.done $0x0  }
0x16: {  	[sflag:s12] =	ssyncadd.s32 $0xFFFEF800  }
0x17: {  	[tilespmem:s13], [sflag:$0x2] =	stream.linear.gather [hbm4b:s6+s4], $0x4028, $0x38;
	[tilespmem:$0x1CD00] =	vst v63  }
0x18: {  	_ =	swait.ge [sflag:s12], $0x4028  }
0x19: {  	[sflag:s12] =	ssyncset.done $0x0  }
0x1a: {  	[sflag:s12] =	ssyncadd.s32 $0xFFFFBFD8  }
0x1b: {  	v6 =	vld [tilespmem:s5+$0x18807]  }
0x1c: {  	v7 =	vld [tilespmem:s10+$0x18807];
	_ =	sdelay $0x3  }
0x1d: {  	(v2sf) =	vpush v6, $0x0  }
0x1e: {  	(v2sf) =	vpush v7, $0x0;
	_ =	sdelay $0xd  }
0x1f: {  	s20 =	spop (v2sf)  }
0x20: {  	s23 =	simm.s32 $0x1;
	s18 =	spop (v2sf)  }
0x21: {  	s19 =	sshra.s32 s20, $0x1F;
	s21 =	sand.u32 $0x7, s20;
	p1 =	slt.s32 s20, $0x1  }
0x22: {  	s22 =	sadd.s32 $0x7, s18;
	p2 =	sne.s32 s21, $0x0;
	s19 =	sshrl.u32 s19, $0x1D  }
0x23: {  	s24 =	sand.u32 $0x7, s18;
	p5 =	slt.s32 s18, $0x1;
	s26 =	sshra.s32 s18, $0x1F  }
0x24: {  	s29 =	sand.u32 $0x7, s22;
	p1 =	por !p1, !p2;
	p4 =	slt.s32 s22, $0x1  }
0x25: {  	s30 =	sshra.s32 s22, $0x1F;
	p6 =	sne.s32 s24, $0x0;
	s31 =	sadd.s32 s19, s20  }
0x26: {  	s21 =	sshrl.u32 s26, $0x1D;
	p3 =	sne.s32 s29, $0x0;
	s25 =	sshrl.u32 s30, $0x1D  }
0x27: {  	p1 =	por !p1, !p1;
	s18 =	sadd.s32 s21, s18;
	s21 =	simm.s32 $0x1  }
0x28: {  	s28 =	sshrl.u32 s31, $0x3;
	s30 =	sand.u32 $0xFFFFFFF8, s31;
	p2 =	por !p4, !p3  }
0x29: {  	s19 =	sadd.s32 s25, s22;
	s22 =	simm.s32 $0x1;
	s18 =	sshrl.u32 s18, $0x3  }
0x2a: {  	s25 =	simm.s32 $0xFFFFFFFF;
	p2 =	por !p2, !p2;
	s19 =	sshrl.u32 s19, $0x3  }
0x2b: {  	s22 =	simm.s32 @!p1 $0x0;
	s23 =	simm.s32 @!p2 $0x0;
	p2 =	por !p5, !p6  }
.Ltmp2:
0x2c: {  	s25 =	simm.s32 @!p1 $0x0;
	p2 =	por !p2, !p2;
	(pc) =	sbr.rel .LBB2_2-.Ltmp2, $4  }
0x2d: {  	s29 =	ssub.s32 s28, s22;
	s31 =	sshll.u32 s25, $0x3;
	s21 =	simm.s32 @!p2 $0x0  }
0x2e: {  	s19 =	ssub.s32 s19, s23;
	s21 =	ssub.s32 s18, s21;
	s18 =	sshll.u32 s29, $0x3  }
0x2f: {  	s22 =	simm.s32 $0x0;
	s21 =	smov.u32 @p0 s19;
	s20 =	ssub.s32 s20, s18  }
0x30: {  	v6 =	vadd.s32 s18, v4;
	s19 =	sshll.u32 s21, $0x3;
	s21 =	sadd.s32 s31, s30;
	p1 =	seq.s32 s20, $0x7  }
.LBB2_9:
0x31: {  	s24 =	ssub.s32 s19, s23  }
0x32: {  	s25 =	sand.u32 $0x80, s24  }
0x33: {  	p2 =	seq.s32 s25, $0x0  }
0x34: {  	s26 =	sshll.u32 @!p2 s23, $0x4  }
0x35: {  	s28 =	simm.s32 @!p2 $0x0;
	s29 =	simm.s32 @!p2 $0x10800;
	s26 =	sadd.s32 @!p2 s7, s26  }
0x36: {  	[hbm4b:s26+s28] =	stream.linear.scatter @!p2 [tilespmem:s29], [sflag:$0x1], $0x4000, $0x38;
	[tilespmem:$0x1CD00] =	vst v63  }
0x37: {  	s31 =	sand.u32 $0x40, s24;
	s26 =	simm.s32 @!p2 $0x1  }
0x38: {  	p3 =	seq.s32 s31, $0x0;
	_ =	swait.ge @!p2 [sflag:s26], $0x4000  }
0x39: {  	s28 =	sadd.s32 @!p3 s23, s25;
	s25 =	sshll.u32 @!p3 s25, $0x7;
	[sflag:s26] =	ssyncset.done @!p2 $0x0  }
0x3a: {  	s29 =	sand.u32 $0x20, s24;
	[sflag:s26] =	ssyncadd.s32 @!p2 $0xFFFFC000;
	s26 =	sshll.u32 @!p3 s28, $0x4  }
0x3b: {  	s25 =	sadd.s32 @!p3 $0x10800, s25;
	s28 =	simm.s32 @!p3 $0x0;
	s26 =	sadd.s32 @!p3 s7, s26  }
0x3c: {  	[hbm4b:s26+s28] =	stream.linear.scatter @!p3 [tilespmem:s25], [sflag:$0x1], $0x2000, $0x38;
	[tilespmem:$0x1CD00] =	vst v63  }
0x3d: {  	p2 =	seq.s32 s29, $0x0;
	s26 =	simm.s32 @!p3 $0x1  }
0x3e: {  	s25 =	sand.u32 @!p2 $0xC0, s24;
	_ =	swait.ge @!p3 [sflag:s26], $0x2000  }
0x3f: {  	s30 =	sand.u32 $0x10, s24;
	s28 =	sadd.s32 @!p2 s23, s25;
	[sflag:s26] =	ssyncset.done @!p3 $0x0  }
0x40: {  	s25 =	sshll.u32 @!p2 s25, $0x7;
	[sflag:s26] =	ssyncadd.s32 @!p3 $0xFFFFE000;
	s26 =	sshll.u32 @!p2 s28, $0x4  }
0x41: {  	s25 =	sor.u32 @!p2 $0x10800, s25;
	s28 =	simm.s32 @!p2 $0x0;
	s26 =	sadd.s32 @!p2 s7, s26  }
0x42: {  	[hbm4b:s26+s28] =	stream.linear.scatter @!p2 [tilespmem:s25], [sflag:$0x1], $0x1000, $0x38;
	[tilespmem:$0x1CD00] =	vst v63  }
0x43: {  	p3 =	seq.s32 s30, $0x0;
	s26 =	simm.s32 @!p2 $0x1  }
0x44: {  	s31 =	sand.u32 $0x8, s24;
	s25 =	sand.u32 @!p3 $0xE0, s24;
	_ =	swait.ge @!p2 [sflag:s26], $0x1000  }
0x45: {  	s28 =	sadd.s32 @!p3 s23, s25;
	s25 =	sshll.u32 @!p3 s25, $0x7;
	[sflag:s26] =	ssyncset.done @!p2 $0x0  }
0x46: {  	s25 =	sor.u32 @!p3 $0x10800, s25;
	[sflag:s26] =	ssyncadd.s32 @!p2 $0xFFFFF000;
	s26 =	sshll.u32 @!p3 s28, $0x4  }
0x47: {  	s28 =	simm.s32 @!p3 $0x0;
	p2 =	seq.s32 s31, $0x0;
	s26 =	sadd.s32 @!p3 s7, s26  }
0x48: {  	[hbm4b:s26+s28] =	stream.linear.scatter @!p3 [tilespmem:s25], [sflag:$0x1], $0x800, $0x38;
	[tilespmem:$0x1CD00] =	vst v63  }
0x49: {  	s24 =	sand.u32 @!p2 $0xF0, s24;
	s26 =	simm.s32 @!p3 $0x1  }
0x4a: {  	s23 =	sadd.s32 @!p2 s23, s24;
	s24 =	sshll.u32 @!p2 s24, $0x7;
	_ =	swait.ge @!p3 [sflag:s26], $0x800  }
0x4b: {  	s25 =	simm.s32 @!p2 $0x0;
	s23 =	sshll.u32 @!p2 s23, $0x4;
	[sflag:s26] =	ssyncset.done @!p3 $0x0  }
0x4c: {  	s24 =	sadd.s32 @!p2 $0x10800, s24;
	s23 =	sadd.s32 @!p2 s7, s23;
	[sflag:s26] =	ssyncadd.s32 @!p3 $0xFFFFF800  }
0x4d: {  	[hbm4b:s23+s25] =	stream.linear.scatter @!p2 [tilespmem:s24], [sflag:$0x1], $0x400, $0x38;
	[tilespmem:$0x1CD00] =	vst v63  }
0x4e: {  	s23 =	simm.s32 @!p2 $0x1  }
0x4f: {  	_ =	swait.ge @!p2 [sflag:s23], $0x400  }
0x50: {  	[sflag:s23] =	ssyncset.done @!p2 $0x0  }
0x51: {  	[sflag:s23] =	ssyncadd.s32 @!p2 $0xFFFFFC00  }
.LBB2_10:
0x52: {  	s22 =	sadd.s32 $0x1, s22  }
0x53: {  	p2 =	sne.s32 s22, $0x17  }
.Ltmp3:
0x54: {  	_ = 	snop;
	(pc) =	sbr.rel @!p2 .LBB2_11-.Ltmp3, $2  }
0x55: {  	_ =	sdelay $0x2  }
0x56: {  	s21 =	sadd.s32 $0x100, s21  }
.LBB2_2:
0x57: {  	s23 =	sshll.u32 s22, $0x8  }
0x58: {  	s23 =	sadd.s32 s18, s23  }
0x59: {  	p2 =	sle.s32 s19, s23  }
.Ltmp4:
0x5a: {  	_ = 	snop;
	(pc) =	sbr.rel @p2 .LBB2_10-.Ltmp4, $1  }
0x5b: {  	_ =	sdelay $0x3  }
0x5c: {  	s24 =	simm.s32 $0x0;
	s25 =	simm.s32 $0x10C00  }
.LBB2_4:
0x5d: {  	v7 =	vld.idx.msk [tilespmem:v2+s13+$0x0], $0xffff;
	_ =	sdelay $0x2  }
0x5e: {  	s26 =	sadd.s32 s24, s21  }
0x5f: {  	v8 =	vadd.s32 s26, v4  }
0x60: {  	vm0 =	vgt.s32 v7, v8  }
0x61: {  	v7 =	vsel vm0, v1, v3;
	v9 =	vsel vm0, v2, v0  }
0x62: {  	v10 =	vadd.s32 v9, v7  }
0x63: {  	v10 =	vshra.s32 v10, $0x1;
	_ =	sdelay $0x4  }
0x64: {  	v11 =	vld.idx.msk [tilespmem:v10+s13+$0x0], $0xffff;
	_ =	sdelay $0x4  }
0x65: {  	v45 =	vadd.s32 $0x1, v10;
	vm7 =	vgt.s32 v11, v8  }
0x66: {  	v7 =	vsel vm7, v7, v45;
	v9 =	vsel vm7, v10, v9  }
0x67: {  	v10 =	vadd.s32 v9, v7  }
0x68: {  	v10 =	vshra.s32 v10, $0x1;
	_ =	sdelay $0x4  }
0x69: {  	v46 =	vld.idx.msk [tilespmem:v10+s13+$0x0], $0xffff;
	_ =	sdelay $0x4  }
0x6a: {  	v47 =	vadd.s32 $0x1, v10;
	vm8 =	vgt.s32 v46, v8  }
0x6b: {  	v7 =	vsel vm8, v7, v47;
	v9 =	vsel vm8, v10, v9  }
0x6c: {  	v10 =	vadd.s32 v9, v7  }
0x6d: {  	v10 =	vshra.s32 v10, $0x1;
	_ =	sdelay $0x4  }
0x6e: {  	v48 =	vld.idx.msk [tilespmem:v10+s13+$0x0], $0xffff;
	_ =	sdelay $0x4  }
0x6f: {  	v49 =	vadd.s32 $0x1, v10;
	vm9 =	vgt.s32 v48, v8  }
0x70: {  	v7 =	vsel vm9, v7, v49;
	v9 =	vsel vm9, v10, v9  }
0x71: {  	v10 =	vadd.s32 v9, v7  }
0x72: {  	v10 =	vshra.s32 v10, $0x1;
	_ =	sdelay $0x4  }
0x73: {  	v50 =	vld.idx.msk [tilespmem:v10+s13+$0x0], $0xffff;
	_ =	sdelay $0x4  }
0x74: {  	v51 =	vadd.s32 $0x1, v10;
	vm10 =	vgt.s32 v50, v8  }
0x75: {  	v7 =	vsel vm10, v7, v51;
	v9 =	vsel vm10, v10, v9  }
0x76: {  	v10 =	vadd.s32 v9, v7  }
0x77: {  	v10 =	vshra.s32 v10, $0x1;
	_ =	sdelay $0x4  }
0x78: {  	v52 =	vld.idx.msk [tilespmem:v10+s13+$0x0], $0xffff;
	_ =	sdelay $0x4  }
0x79: {  	v53 =	vadd.s32 $0x1, v10;
	vm11 =	vgt.s32 v52, v8  }
0x7a: {  	v7 =	vsel vm11, v7, v53;
	v9 =	vsel vm11, v10, v9  }
0x7b: {  	v10 =	vadd.s32 v9, v7  }
0x7c: {  	v10 =	vshra.s32 v10, $0x1;
	_ =	sdelay $0x4  }
0x7d: {  	v54 =	vld.idx.msk [tilespmem:v10+s13+$0x0], $0xffff;
	_ =	sdelay $0x4  }
0x7e: {  	v55 =	vadd.s32 $0x1, v10;
	vm12 =	vgt.s32 v54, v8  }
0x7f: {  	v7 =	vsel vm12, v7, v55;
	v9 =	vsel vm12, v10, v9  }
0x80: {  	v10 =	vadd.s32 v9, v7  }
0x81: {  	v10 =	vshra.s32 v10, $0x1;
	_ =	sdelay $0x4  }
0x82: {  	v56 =	vld.idx.msk [tilespmem:v10+s13+$0x0], $0xffff;
	_ =	sdelay $0x4  }
0x83: {  	v57 =	vadd.s32 $0x1, v10;
	vm13 =	vgt.s32 v56, v8  }
0x84: {  	v7 =	vsel vm13, v7, v57;
	v9 =	vsel vm13, v10, v9  }
0x85: {  	v10 =	vadd.s32 v9, v7  }
0x86: {  	v10 =	vshra.s32 v10, $0x1;
	_ =	sdelay $0x4  }
0x87: {  	v58 =	vld.idx.msk [tilespmem:v10+s13+$0x0], $0xffff;
	_ =	sdelay $0x4  }
0x88: {  	v59 =	vadd.s32 $0x1, v10;
	vm14 =	vgt.s32 v58, v8  }
0x89: {  	v7 =	vsel vm14, v7, v59;
	v9 =	vsel vm14, v10, v9  }
0x8a: {  	v9 =	vadd.s32 v9, v7  }
0x8b: {  	v9 =	vshra.s32 v9, $0x1;
	_ =	sdelay $0x4  }
0x8c: {  	v60 =	vld.idx.msk [tilespmem:v9+s13+$0x0], $0xffff;
	_ =	sdelay $0x4  }
0x8d: {  	vm15 =	vgt.s32 v60, v8;
	v8 =	vadd.s32 $0x1, v9  }
0x8e: {  	v7 =	vsel vm15, v7, v8  }
0x8f: {  	v7 =	vsub.s32 v7, v1  }
0x90: {  	(v2sf) =	vpush v7, $0x0;
	_ =	sdelay $0xe  }
0x91: {  	s26 =	spop (v2sf)  }
0x92: {  	p2 =	sgt.s32 s26, $0x0  }
0x93: {  	s26 =	simm.s32 @!p2 $0x0  }
0x94: {  	s26 =	smin.u32 s26, $0x20F  }
0x95: {  	[tilespmem:$0x1C880] =	vst v7;
	s26 =	sshll.u32 s26, $0x7  }
0x96: {  	v7 =	vld [tilespmem:s26+$0x0]  }
0x97: {  	v8 =	vld [tilespmem:s26+$0x10]  }
0x98: {  	v61 =	vld [tilespmem:s26+$0x20]  }
0x99: {  	v62 =	vld [tilespmem:s26+$0x30]  }
0x9a: {  	v63 =	vld [tilespmem:s26+$0x40]  }
0x9b: {  	v12 =	vld [tilespmem:s26+$0x50]  }
0x9c: {  	v13 =	vld [tilespmem:s26+$0x60]  }
0x9d: {  	v14 =	vld [tilespmem:s26+$0x70];
	[tilespmem:s25+$0xFFFFFC00] =	vst v7  }
0x9e: {  	[tilespmem:s25+$0xFFFFFC10] =	vst v8  }
0x9f: {  	[tilespmem:s25+$0xFFFFFC20] =	vst v61  }
0xa0: {  	[tilespmem:s25+$0xFFFFFC30] =	vst v62  }
0xa1: {  	[tilespmem:s25+$0xFFFFFC40] =	vst v63  }
0xa2: {  	[tilespmem:s25+$0xFFFFFC50] =	vst v12  }
0xa3: {  	[tilespmem:s25+$0xFFFFFC60] =	vst v13  }
0xa4: {  	[tilespmem:s25+$0xFFFFFC70] =	vst v14  }
0xa5: {  	v7 =	vld [tilespmem:$0x1C881];
	_ =	sdelay $0x4  }
0xa6: {  	(v2sf) =	vpush v7, $0x0;
	_ =	sdelay $0xe  }
0xa7: {  	s26 =	spop (v2sf)  }
0xa8: {  	p2 =	sgt.s32 s26, $0x0  }
0xa9: {  	s26 =	simm.s32 @!p2 $0x0  }
0xaa: {  	s26 =	smin.u32 s26, $0x20F  }
0xab: {  	s26 =	sshll.u32 s26, $0x7  }
0xac: {  	v7 =	vld [tilespmem:s26+$0x0]  }
0xad: {  	v8 =	vld [tilespmem:s26+$0x10]  }
0xae: {  	v9 =	vld [tilespmem:s26+$0x20]  }
0xaf: {  	v10 =	vld [tilespmem:s26+$0x30]  }
0xb0: {  	v11 =	vld [tilespmem:s26+$0x40]  }
0xb1: {  	v12 =	vld [tilespmem:s26+$0x50]  }
0xb2: {  	v13 =	vld [tilespmem:s26+$0x60]  }
0xb3: {  	v14 =	vld [tilespmem:s26+$0x70];
	[tilespmem:s25+$0xFFFFFC80] =	vst v7  }
0xb4: {  	[tilespmem:s25+$0xFFFFFC90] =	vst v8  }
0xb5: {  	[tilespmem:s25+$0xFFFFFCA0] =	vst v9  }
0xb6: {  	[tilespmem:s25+$0xFFFFFCB0] =	vst v10  }
0xb7: {  	[tilespmem:s25+$0xFFFFFCC0] =	vst v11  }
0xb8: {  	[tilespmem:s25+$0xFFFFFCD0] =	vst v12  }
0xb9: {  	[tilespmem:s25+$0xFFFFFCE0] =	vst v13  }
0xba: {  	[tilespmem:s25+$0xFFFFFCF0] =	vst v14  }
0xbb: {  	v7 =	vld [tilespmem:$0x1C882];
	_ =	sdelay $0x4  }
0xbc: {  	(v2sf) =	vpush v7, $0x0;
	_ =	sdelay $0xe  }
0xbd: {  	s26 =	spop (v2sf)  }
0xbe: {  	p2 =	sgt.s32 s26, $0x0  }
0xbf: {  	s26 =	simm.s32 @!p2 $0x0  }
0xc0: {  	s26 =	smin.u32 s26, $0x20F  }
0xc1: {  	s26 =	sshll.u32 s26, $0x7  }
0xc2: {  	v7 =	vld [tilespmem:s26+$0x0]  }
0xc3: {  	v8 =	vld [tilespmem:s26+$0x10]  }
0xc4: {  	v9 =	vld [tilespmem:s26+$0x20]  }
0xc5: {  	v10 =	vld [tilespmem:s26+$0x30]  }
0xc6: {  	v11 =	vld [tilespmem:s26+$0x40]  }
0xc7: {  	v12 =	vld [tilespmem:s26+$0x50]  }
0xc8: {  	v13 =	vld [tilespmem:s26+$0x60]  }
0xc9: {  	v14 =	vld [tilespmem:s26+$0x70];
	[tilespmem:s25+$0xFFFFFD00] =	vst v7  }
0xca: {  	[tilespmem:s25+$0xFFFFFD10] =	vst v8  }
0xcb: {  	[tilespmem:s25+$0xFFFFFD20] =	vst v9  }
0xcc: {  	[tilespmem:s25+$0xFFFFFD30] =	vst v10  }
0xcd: {  	[tilespmem:s25+$0xFFFFFD40] =	vst v11  }
0xce: {  	[tilespmem:s25+$0xFFFFFD50] =	vst v12  }
0xcf: {  	[tilespmem:s25+$0xFFFFFD60] =	vst v13  }
0xd0: {  	[tilespmem:s25+$0xFFFFFD70] =	vst v14  }
0xd1: {  	v7 =	vld [tilespmem:$0x1C883];
	_ =	sdelay $0x4  }
0xd2: {  	(v2sf) =	vpush v7, $0x0;
	_ =	sdelay $0xe  }
0xd3: {  	s26 =	spop (v2sf)  }
0xd4: {  	p2 =	sgt.s32 s26, $0x0  }
0xd5: {  	s26 =	simm.s32 @!p2 $0x0  }
0xd6: {  	s26 =	smin.u32 s26, $0x20F  }
0xd7: {  	s26 =	sshll.u32 s26, $0x7  }
0xd8: {  	v7 =	vld [tilespmem:s26+$0x0]  }
0xd9: {  	v8 =	vld [tilespmem:s26+$0x10]  }
0xda: {  	v9 =	vld [tilespmem:s26+$0x20]  }
0xdb: {  	v10 =	vld [tilespmem:s26+$0x30]  }
0xdc: {  	v11 =	vld [tilespmem:s26+$0x40]  }
0xdd: {  	v12 =	vld [tilespmem:s26+$0x50]  }
0xde: {  	v13 =	vld [tilespmem:s26+$0x60]  }
0xdf: {  	v14 =	vld [tilespmem:s26+$0x70];
	[tilespmem:s25+$0xFFFFFD80] =	vst v7  }
0xe0: {  	[tilespmem:s25+$0xFFFFFD90] =	vst v8  }
0xe1: {  	[tilespmem:s25+$0xFFFFFDA0] =	vst v9  }
0xe2: {  	[tilespmem:s25+$0xFFFFFDB0] =	vst v10  }
0xe3: {  	[tilespmem:s25+$0xFFFFFDC0] =	vst v11  }
0xe4: {  	[tilespmem:s25+$0xFFFFFDD0] =	vst v12  }
0xe5: {  	[tilespmem:s25+$0xFFFFFDE0] =	vst v13  }
0xe6: {  	[tilespmem:s25+$0xFFFFFDF0] =	vst v14  }
0xe7: {  	v7 =	vld [tilespmem:$0x1C884];
	_ =	sdelay $0x4  }
0xe8: {  	(v2sf) =	vpush v7, $0x0;
	_ =	sdelay $0xe  }
0xe9: {  	s26 =	spop (v2sf)  }
0xea: {  	p2 =	sgt.s32 s26, $0x0  }
0xeb: {  	s26 =	simm.s32 @!p2 $0x0  }
0xec: {  	s26 =	smin.u32 s26, $0x20F  }
0xed: {  	s26 =	sshll.u32 s26, $0x7  }
0xee: {  	v7 =	vld [tilespmem:s26+$0x0]  }
0xef: {  	v8 =	vld [tilespmem:s26+$0x10]  }
0xf0: {  	v9 =	vld [tilespmem:s26+$0x20]  }
0xf1: {  	v10 =	vld [tilespmem:s26+$0x30]  }
0xf2: {  	v11 =	vld [tilespmem:s26+$0x40]  }
0xf3: {  	v12 =	vld [tilespmem:s26+$0x50]  }
0xf4: {  	v13 =	vld [tilespmem:s26+$0x60]  }
0xf5: {  	v14 =	vld [tilespmem:s26+$0x70];
	[tilespmem:s25+$0xFFFFFE00] =	vst v7  }
0xf6: {  	[tilespmem:s25+$0xFFFFFE10] =	vst v8  }
0xf7: {  	[tilespmem:s25+$0xFFFFFE20] =	vst v9  }
0xf8: {  	[tilespmem:s25+$0xFFFFFE30] =	vst v10  }
0xf9: {  	[tilespmem:s25+$0xFFFFFE40] =	vst v11  }
0xfa: {  	[tilespmem:s25+$0xFFFFFE50] =	vst v12  }
0xfb: {  	[tilespmem:s25+$0xFFFFFE60] =	vst v13  }
0xfc: {  	[tilespmem:s25+$0xFFFFFE70] =	vst v14  }
0xfd: {  	v7 =	vld [tilespmem:$0x1C885];
	_ =	sdelay $0x4  }
0xfe: {  	(v2sf) =	vpush v7, $0x0;
	_ =	sdelay $0xe  }
0xff: {  	s26 =	spop (v2sf)  }
0x100: {  	p2 =	sgt.s32 s26, $0x0  }
0x101: {  	s26 =	simm.s32 @!p2 $0x0  }
0x102: {  	s26 =	smin.u32 s26, $0x20F  }
0x103: {  	s26 =	sshll.u32 s26, $0x7  }
0x104: {  	v7 =	vld [tilespmem:s26+$0x0]  }
0x105: {  	v8 =	vld [tilespmem:s26+$0x10]  }
0x106: {  	v9 =	vld [tilespmem:s26+$0x20]  }
0x107: {  	v10 =	vld [tilespmem:s26+$0x30]  }
0x108: {  	v11 =	vld [tilespmem:s26+$0x40]  }
0x109: {  	v12 =	vld [tilespmem:s26+$0x50]  }
0x10a: {  	v13 =	vld [tilespmem:s26+$0x60]  }
0x10b: {  	v14 =	vld [tilespmem:s26+$0x70];
	[tilespmem:s25+$0xFFFFFE80] =	vst v7  }
0x10c: {  	[tilespmem:s25+$0xFFFFFE90] =	vst v8  }
0x10d: {  	[tilespmem:s25+$0xFFFFFEA0] =	vst v9  }
0x10e: {  	[tilespmem:s25+$0xFFFFFEB0] =	vst v10  }
0x10f: {  	[tilespmem:s25+$0xFFFFFEC0] =	vst v11  }
0x110: {  	[tilespmem:s25+$0xFFFFFED0] =	vst v12  }
0x111: {  	[tilespmem:s25+$0xFFFFFEE0] =	vst v13  }
0x112: {  	[tilespmem:s25+$0xFFFFFEF0] =	vst v14  }
0x113: {  	v7 =	vld [tilespmem:$0x1C886];
	_ =	sdelay $0x4  }
0x114: {  	(v2sf) =	vpush v7, $0x0;
	_ =	sdelay $0xe  }
0x115: {  	s26 =	spop (v2sf)  }
0x116: {  	p2 =	sgt.s32 s26, $0x0  }
0x117: {  	s26 =	simm.s32 @!p2 $0x0  }
0x118: {  	s26 =	smin.u32 s26, $0x20F  }
0x119: {  	s26 =	sshll.u32 s26, $0x7  }
0x11a: {  	v7 =	vld [tilespmem:s26+$0x0]  }
0x11b: {  	v8 =	vld [tilespmem:s26+$0x10]  }
0x11c: {  	v9 =	vld [tilespmem:s26+$0x20]  }
0x11d: {  	v10 =	vld [tilespmem:s26+$0x30]  }
0x11e: {  	v11 =	vld [tilespmem:s26+$0x40]  }
0x11f: {  	v12 =	vld [tilespmem:s26+$0x50]  }
0x120: {  	v13 =	vld [tilespmem:s26+$0x60]  }
0x121: {  	v14 =	vld [tilespmem:s26+$0x70];
	[tilespmem:s25+$0xFFFFFF00] =	vst v7  }
0x122: {  	[tilespmem:s25+$0xFFFFFF10] =	vst v8  }
0x123: {  	[tilespmem:s25+$0xFFFFFF20] =	vst v9  }
0x124: {  	[tilespmem:s25+$0xFFFFFF30] =	vst v10  }
0x125: {  	[tilespmem:s25+$0xFFFFFF40] =	vst v11  }
0x126: {  	[tilespmem:s25+$0xFFFFFF50] =	vst v12  }
0x127: {  	[tilespmem:s25+$0xFFFFFF60] =	vst v13  }
0x128: {  	[tilespmem:s25+$0xFFFFFF70] =	vst v14  }
0x129: {  	v7 =	vld [tilespmem:$0x1C887];
	_ =	sdelay $0x4  }
0x12a: {  	(v2sf) =	vpush v7, $0x0;
	_ =	sdelay $0xe  }
0x12b: {  	s26 =	spop (v2sf)  }
0x12c: {  	p2 =	sgt.s32 s26, $0x0  }
0x12d: {  	s26 =	simm.s32 @!p2 $0x0  }
0x12e: {  	s26 =	smin.u32 s26, $0x20F  }
0x12f: {  	s26 =	sshll.u32 s26, $0x7  }
0x130: {  	v7 =	vld [tilespmem:s26+$0x0]  }
0x131: {  	v8 =	vld [tilespmem:s26+$0x10]  }
0x132: {  	v9 =	vld [tilespmem:s26+$0x20]  }
0x133: {  	v10 =	vld [tilespmem:s26+$0x30]  }
0x134: {  	v11 =	vld [tilespmem:s26+$0x40]  }
0x135: {  	v12 =	vld [tilespmem:s26+$0x50]  }
0x136: {  	v13 =	vld [tilespmem:s26+$0x60]  }
0x137: {  	v14 =	vld [tilespmem:s26+$0x70];
	[tilespmem:s25+$0xFFFFFF80] =	vst v7  }
0x138: {  	[tilespmem:s25+$0xFFFFFF90] =	vst v8  }
0x139: {  	[tilespmem:s25+$0xFFFFFFA0] =	vst v9  }
0x13a: {  	[tilespmem:s25+$0xFFFFFFB0] =	vst v10  }
0x13b: {  	[tilespmem:s25+$0xFFFFFFC0] =	vst v11  }
0x13c: {  	[tilespmem:s25+$0xFFFFFFD0] =	vst v12  }
0x13d: {  	[tilespmem:s25+$0xFFFFFFE0] =	vst v13  }
0x13e: {  	[tilespmem:s25+$0xFFFFFFF0] =	vst v14  }
0x13f: {  	v7 =	vld [tilespmem:$0x1C888];
	_ =	sdelay $0x4  }
0x140: {  	(v2sf) =	vpush v7, $0x0;
	_ =	sdelay $0xe  }
0x141: {  	s26 =	spop (v2sf)  }
0x142: {  	p2 =	sgt.s32 s26, $0x0  }
0x143: {  	s26 =	simm.s32 @!p2 $0x0  }
0x144: {  	s26 =	smin.u32 s26, $0x20F  }
0x145: {  	s26 =	sshll.u32 s26, $0x7  }
0x146: {  	v7 =	vld [tilespmem:s26+$0x0]  }
0x147: {  	v8 =	vld [tilespmem:s26+$0x10]  }
0x148: {  	v9 =	vld [tilespmem:s26+$0x20]  }
0x149: {  	v10 =	vld [tilespmem:s26+$0x30]  }
0x14a: {  	v11 =	vld [tilespmem:s26+$0x40]  }
0x14b: {  	v12 =	vld [tilespmem:s26+$0x50]  }
0x14c: {  	v13 =	vld [tilespmem:s26+$0x60]  }
0x14d: {  	v14 =	vld [tilespmem:s26+$0x70];
	[tilespmem:s25+$0x0] =	vst v7  }
0x14e: {  	[tilespmem:s25+$0x10] =	vst v8  }
0x14f: {  	[tilespmem:s25+$0x20] =	vst v9  }
0x150: {  	[tilespmem:s25+$0x30] =	vst v10  }
0x151: {  	[tilespmem:s25+$0x40] =	vst v11  }
0x152: {  	[tilespmem:s25+$0x50] =	vst v12  }
0x153: {  	[tilespmem:s25+$0x60] =	vst v13  }
0x154: {  	[tilespmem:s25+$0x70] =	vst v14  }
0x155: {  	v7 =	vld [tilespmem:$0x1C889];
	_ =	sdelay $0x4  }
0x156: {  	(v2sf) =	vpush v7, $0x0;
	_ =	sdelay $0xe  }
0x157: {  	s26 =	spop (v2sf)  }
0x158: {  	p2 =	sgt.s32 s26, $0x0  }
0x159: {  	s26 =	simm.s32 @!p2 $0x0  }
0x15a: {  	s26 =	smin.u32 s26, $0x20F  }
0x15b: {  	s26 =	sshll.u32 s26, $0x7  }
0x15c: {  	v7 =	vld [tilespmem:s26+$0x0]  }
0x15d: {  	v8 =	vld [tilespmem:s26+$0x10]  }
0x15e: {  	v9 =	vld [tilespmem:s26+$0x20]  }
0x15f: {  	v10 =	vld [tilespmem:s26+$0x30]  }
0x160: {  	v11 =	vld [tilespmem:s26+$0x40]  }
0x161: {  	v12 =	vld [tilespmem:s26+$0x50]  }
0x162: {  	v13 =	vld [tilespmem:s26+$0x60]  }
0x163: {  	v14 =	vld [tilespmem:s26+$0x70];
	[tilespmem:s25+$0x80] =	vst v7  }
0x164: {  	[tilespmem:s25+$0x90] =	vst v8  }
0x165: {  	[tilespmem:s25+$0xA0] =	vst v9  }
0x166: {  	[tilespmem:s25+$0xB0] =	vst v10  }
0x167: {  	[tilespmem:s25+$0xC0] =	vst v11  }
0x168: {  	[tilespmem:s25+$0xD0] =	vst v12  }
0x169: {  	[tilespmem:s25+$0xE0] =	vst v13  }
0x16a: {  	[tilespmem:s25+$0xF0] =	vst v14  }
0x16b: {  	v7 =	vld [tilespmem:$0x1C88A];
	_ =	sdelay $0x4  }
0x16c: {  	(v2sf) =	vpush v7, $0x0;
	_ =	sdelay $0xe  }
0x16d: {  	s26 =	spop (v2sf)  }
0x16e: {  	p2 =	sgt.s32 s26, $0x0  }
0x16f: {  	s26 =	simm.s32 @!p2 $0x0  }
0x170: {  	s26 =	smin.u32 s26, $0x20F  }
0x171: {  	s26 =	sshll.u32 s26, $0x7  }
0x172: {  	v7 =	vld [tilespmem:s26+$0x0]  }
0x173: {  	v8 =	vld [tilespmem:s26+$0x10]  }
0x174: {  	v9 =	vld [tilespmem:s26+$0x20]  }
0x175: {  	v10 =	vld [tilespmem:s26+$0x30]  }
0x176: {  	v11 =	vld [tilespmem:s26+$0x40]  }
0x177: {  	v12 =	vld [tilespmem:s26+$0x50]  }
0x178: {  	v13 =	vld [tilespmem:s26+$0x60]  }
0x179: {  	v14 =	vld [tilespmem:s26+$0x70];
	[tilespmem:s25+$0x100] =	vst v7  }
0x17a: {  	[tilespmem:s25+$0x110] =	vst v8  }
0x17b: {  	[tilespmem:s25+$0x120] =	vst v9  }
0x17c: {  	[tilespmem:s25+$0x130] =	vst v10  }
0x17d: {  	[tilespmem:s25+$0x140] =	vst v11  }
0x17e: {  	[tilespmem:s25+$0x150] =	vst v12  }
0x17f: {  	[tilespmem:s25+$0x160] =	vst v13  }
0x180: {  	[tilespmem:s25+$0x170] =	vst v14  }
0x181: {  	v7 =	vld [tilespmem:$0x1C88B];
	_ =	sdelay $0x4  }
0x182: {  	(v2sf) =	vpush v7, $0x0;
	_ =	sdelay $0xe  }
0x183: {  	s26 =	spop (v2sf)  }
0x184: {  	p2 =	sgt.s32 s26, $0x0  }
0x185: {  	s26 =	simm.s32 @!p2 $0x0  }
0x186: {  	s26 =	smin.u32 s26, $0x20F  }
0x187: {  	s26 =	sshll.u32 s26, $0x7  }
0x188: {  	v7 =	vld [tilespmem:s26+$0x0]  }
0x189: {  	v8 =	vld [tilespmem:s26+$0x10]  }
0x18a: {  	v9 =	vld [tilespmem:s26+$0x20]  }
0x18b: {  	v10 =	vld [tilespmem:s26+$0x30]  }
0x18c: {  	v11 =	vld [tilespmem:s26+$0x40]  }
0x18d: {  	v12 =	vld [tilespmem:s26+$0x50]  }
0x18e: {  	v13 =	vld [tilespmem:s26+$0x60]  }
0x18f: {  	v14 =	vld [tilespmem:s26+$0x70];
	[tilespmem:s25+$0x180] =	vst v7  }
0x190: {  	[tilespmem:s25+$0x190] =	vst v8  }
0x191: {  	[tilespmem:s25+$0x1A0] =	vst v9  }
0x192: {  	[tilespmem:s25+$0x1B0] =	vst v10  }
0x193: {  	[tilespmem:s25+$0x1C0] =	vst v11  }
0x194: {  	[tilespmem:s25+$0x1D0] =	vst v12  }
0x195: {  	[tilespmem:s25+$0x1E0] =	vst v13  }
0x196: {  	[tilespmem:s25+$0x1F0] =	vst v14  }
0x197: {  	v7 =	vld [tilespmem:$0x1C88C];
	_ =	sdelay $0x4  }
0x198: {  	(v2sf) =	vpush v7, $0x0;
	_ =	sdelay $0xe  }
0x199: {  	s26 =	spop (v2sf)  }
0x19a: {  	p2 =	sgt.s32 s26, $0x0  }
0x19b: {  	s26 =	simm.s32 @!p2 $0x0  }
0x19c: {  	s26 =	smin.u32 s26, $0x20F  }
0x19d: {  	s26 =	sshll.u32 s26, $0x7  }
0x19e: {  	v7 =	vld [tilespmem:s26+$0x0]  }
0x19f: {  	v8 =	vld [tilespmem:s26+$0x10]  }
0x1a0: {  	v9 =	vld [tilespmem:s26+$0x20]  }
0x1a1: {  	v10 =	vld [tilespmem:s26+$0x30]  }
0x1a2: {  	v11 =	vld [tilespmem:s26+$0x40]  }
0x1a3: {  	v12 =	vld [tilespmem:s26+$0x50]  }
0x1a4: {  	v13 =	vld [tilespmem:s26+$0x60]  }
0x1a5: {  	v14 =	vld [tilespmem:s26+$0x70];
	[tilespmem:s25+$0x200] =	vst v7  }
0x1a6: {  	[tilespmem:s25+$0x210] =	vst v8  }
0x1a7: {  	[tilespmem:s25+$0x220] =	vst v9  }
0x1a8: {  	[tilespmem:s25+$0x230] =	vst v10  }
0x1a9: {  	[tilespmem:s25+$0x240] =	vst v11  }
0x1aa: {  	[tilespmem:s25+$0x250] =	vst v12  }
0x1ab: {  	[tilespmem:s25+$0x260] =	vst v13  }
0x1ac: {  	[tilespmem:s25+$0x270] =	vst v14  }
0x1ad: {  	v7 =	vld [tilespmem:$0x1C88D];
	_ =	sdelay $0x4  }
0x1ae: {  	(v2sf) =	vpush v7, $0x0;
	_ =	sdelay $0xe  }
0x1af: {  	s26 =	spop (v2sf)  }
0x1b0: {  	p2 =	sgt.s32 s26, $0x0  }
0x1b1: {  	s26 =	simm.s32 @!p2 $0x0  }
0x1b2: {  	s26 =	smin.u32 s26, $0x20F  }
0x1b3: {  	s26 =	sshll.u32 s26, $0x7  }
0x1b4: {  	v7 =	vld [tilespmem:s26+$0x0]  }
0x1b5: {  	v8 =	vld [tilespmem:s26+$0x10]  }
0x1b6: {  	v9 =	vld [tilespmem:s26+$0x20]  }
0x1b7: {  	v10 =	vld [tilespmem:s26+$0x30]  }
0x1b8: {  	v11 =	vld [tilespmem:s26+$0x40]  }
0x1b9: {  	v12 =	vld [tilespmem:s26+$0x50]  }
0x1ba: {  	v13 =	vld [tilespmem:s26+$0x60]  }
0x1bb: {  	v14 =	vld [tilespmem:s26+$0x70];
	[tilespmem:s25+$0x280] =	vst v7  }
0x1bc: {  	[tilespmem:s25+$0x290] =	vst v8  }
0x1bd: {  	[tilespmem:s25+$0x2A0] =	vst v9  }
0x1be: {  	[tilespmem:s25+$0x2B0] =	vst v10  }
0x1bf: {  	[tilespmem:s25+$0x2C0] =	vst v11  }
0x1c0: {  	[tilespmem:s25+$0x2D0] =	vst v12  }
0x1c1: {  	[tilespmem:s25+$0x2E0] =	vst v13  }
0x1c2: {  	[tilespmem:s25+$0x2F0] =	vst v14  }
0x1c3: {  	v7 =	vld [tilespmem:$0x1C88E];
	_ =	sdelay $0x4  }
0x1c4: {  	(v2sf) =	vpush v7, $0x0;
	_ =	sdelay $0xe  }
0x1c5: {  	s26 =	spop (v2sf)  }
0x1c6: {  	p2 =	sgt.s32 s26, $0x0  }
0x1c7: {  	s26 =	simm.s32 @!p2 $0x0  }
0x1c8: {  	s26 =	smin.u32 s26, $0x20F  }
0x1c9: {  	s26 =	sshll.u32 s26, $0x7  }
0x1ca: {  	v7 =	vld [tilespmem:s26+$0x0]  }
0x1cb: {  	v8 =	vld [tilespmem:s26+$0x10]  }
0x1cc: {  	v9 =	vld [tilespmem:s26+$0x20]  }
0x1cd: {  	v10 =	vld [tilespmem:s26+$0x30]  }
0x1ce: {  	v11 =	vld [tilespmem:s26+$0x40]  }
0x1cf: {  	v12 =	vld [tilespmem:s26+$0x50]  }
0x1d0: {  	v13 =	vld [tilespmem:s26+$0x60]  }
0x1d1: {  	v14 =	vld [tilespmem:s26+$0x70];
	[tilespmem:s25+$0x300] =	vst v7  }
0x1d2: {  	[tilespmem:s25+$0x310] =	vst v8  }
0x1d3: {  	[tilespmem:s25+$0x320] =	vst v9  }
0x1d4: {  	[tilespmem:s25+$0x330] =	vst v10  }
0x1d5: {  	[tilespmem:s25+$0x340] =	vst v11  }
0x1d6: {  	[tilespmem:s25+$0x350] =	vst v12  }
0x1d7: {  	[tilespmem:s25+$0x360] =	vst v13  }
0x1d8: {  	[tilespmem:s25+$0x370] =	vst v14  }
0x1d9: {  	v7 =	vld [tilespmem:$0x1C88F];
	_ =	sdelay $0x4  }
0x1da: {  	(v2sf) =	vpush v7, $0x0;
	_ =	sdelay $0xe  }
0x1db: {  	s26 =	spop (v2sf)  }
0x1dc: {  	p2 =	sgt.s32 s26, $0x0  }
0x1dd: {  	s26 =	simm.s32 @!p2 $0x0  }
0x1de: {  	s26 =	smin.u32 s26, $0x20F  }
0x1df: {  	s26 =	sshll.u32 s26, $0x7  }
0x1e0: {  	v7 =	vld [tilespmem:s26+$0x0]  }
0x1e1: {  	v8 =	vld [tilespmem:s26+$0x10]  }
0x1e2: {  	v9 =	vld [tilespmem:s26+$0x20]  }
0x1e3: {  	v10 =	vld [tilespmem:s26+$0x30]  }
0x1e4: {  	v11 =	vld [tilespmem:s26+$0x40]  }
0x1e5: {  	v12 =	vld [tilespmem:s26+$0x50]  }
0x1e6: {  	v13 =	vld [tilespmem:s26+$0x60]  }
0x1e7: {  	v14 =	vld [tilespmem:s26+$0x70];
	[tilespmem:s25+$0x380] =	vst v7  }
0x1e8: {  	[tilespmem:s25+$0x390] =	vst v8  }
0x1e9: {  	p2 =	sne.s32 s24, $0xF0;
	[tilespmem:s25+$0x3A0] =	vst v9  }
.Ltmp5:
0x1ea: {  	[tilespmem:s25+$0x3B0] =	vst v10;
	(pc) =	sbr.rel @p2 .LBB2_4-.Ltmp5, $4  }
0x1eb: {  	[tilespmem:s25+$0x3C0] =	vst v11  }
0x1ec: {  	[tilespmem:s25+$0x3D0] =	vst v12  }
0x1ed: {  	[tilespmem:s25+$0x3E0] =	vst v13  }
0x1ee: {  	s24 =	sadd.s32 $0x10, s24;
	[tilespmem:s25+$0x3F0] =	vst v14;
	s25 =	sadd.s32 $0x800, s25  }
0x1ef: {  	p2 =	sne.s32 s22, $0x0  }
0x1f0: {  	v7 =	vimm.s32 @!p2 $0x2014;
	_ =	sdelay $0x3  }
0x1f1: {  	s24 =	simm.s32 @!p2 $0x18800  }
0x1f2: {  	v7 =	vld.idx.msk @!p2 [tilespmem:v7+s24+$0x0], $0xffff;
	_ =	sdelay $0x4  }
0x1f3: {  	vm0 =	vgt.s32 @!p2 v7, v6;
	v7 =	vimm.s32 @!p2 $0x301E  }
0x1f4: {  	v7 =	vsel @!p2 vm0, $0x100A, v7;
	_ =	sdelay $0x4  }
0x1f5: {  	v8 =	vld.idx.msk @!p2 [tilespmem:v7+s24+$0x0], $0xffff;
	_ =	sdelay $0x3  }
0x1f6: {  	v9 =	vimm.s32 @!p2 $0x4028  }
0x1f7: {  	v10 =	vimm.s32 @!p2 $0x2015;
	v9 =	vsel @!p2 vm0, $0x2014, v9;
	vm1 =	vgt.s32 @!p2 v8, v6  }
0x1f8: {  	v8 =	vsel @!p2 vm0, $0x0, v10;
	v10 =	vor.u32 @!p2 $0x1, v7;
	v7 =	vsel @!p2 vm1, v7, v9  }
0x1f9: {  	v8 =	vsel @!p2 vm1, v8, v10;
	v9 =	vadd.s32 @!p2 $0xFFFFFFFF, v7  }
0x1fa: {  	v10 =	vxor.u32 @!p2 v9, v8  }
0x1fb: {  	v9 =	vor.u32 @!p2 v9, v8;
	v10 =	vshrl.u32 @!p2 v10, $0x1  }
0x1fc: {  	v9 =	vsub.s32 @!p2 v9, v10;
	_ =	sdelay $0x4  }
0x1fd: {  	v10 =	vld.idx.msk @!p2 [tilespmem:v9+s24+$0x0], $0xffff;
	_ =	sdelay $0x4  }
0x1fe: {  	vm0 =	vgt.s32 @!p2 v10, v6;
	v10 =	vadd.s32 @!p2 $0x1, v9  }
0x1ff: {  	v8 =	vsel @!p2 vm0, v8, v10;
	v7 =	vsel @!p2 vm0, v9, v7  }
0x200: {  	v9 =	vxor.u32 @!p2 v7, v8  }
0x201: {  	v10 =	vand.u32 @!p2 v7, v8;
	v9 =	vshrl.u32 @!p2 v9, $0x1  }
0x202: {  	v9 =	vadd.s32 @!p2 v9, v10;
	_ =	sdelay $0x4  }
0x203: {  	v10 =	vld.idx.msk @!p2 [tilespmem:v9+s24+$0x0], $0xffff;
	_ =	sdelay $0x4  }
0x204: {  	vm0 =	vgt.s32 @!p2 v10, v6;
	v10 =	vadd.s32 @!p2 $0x1, v9  }
0x205: {  	v8 =	vsel @!p2 vm0, v8, v10;
	v7 =	vsel @!p2 vm0, v9, v7  }
0x206: {  	v9 =	vadd.s32 @!p2 v7, v8  }
0x207: {  	v9 =	vshrl.u32 @!p2 v9, $0x1;
	_ =	sdelay $0x4  }
0x208: {  	v10 =	vld.idx.msk @!p2 [tilespmem:v9+s24+$0x0], $0xffff;
	_ =	sdelay $0x4  }
0x209: {  	vm0 =	vgt.s32 @!p2 v10, v6;
	v10 =	vadd.s32 @!p2 $0x1, v9  }
0x20a: {  	v8 =	vsel @!p2 vm0, v8, v10;
	v7 =	vsel @!p2 vm0, v9, v7  }
0x20b: {  	v9 =	vadd.s32 @!p2 v7, v8  }
0x20c: {  	v9 =	vshrl.u32 @!p2 v9, $0x1;
	_ =	sdelay $0x4  }
0x20d: {  	v10 =	vld.idx.msk @!p2 [tilespmem:v9+s24+$0x0], $0xffff;
	_ =	sdelay $0x4  }
0x20e: {  	vm0 =	vgt.s32 @!p2 v10, v6;
	v10 =	vadd.s32 @!p2 $0x1, v9  }
0x20f: {  	v8 =	vsel @!p2 vm0, v8, v10;
	v7 =	vsel @!p2 vm0, v9, v7  }
0x210: {  	v9 =	vadd.s32 @!p2 v7, v8  }
0x211: {  	v9 =	vshrl.u32 @!p2 v9, $0x1;
	_ =	sdelay $0x4  }
0x212: {  	v10 =	vld.idx.msk @!p2 [tilespmem:v9+s24+$0x0], $0xffff;
	_ =	sdelay $0x4  }
0x213: {  	vm0 =	vgt.s32 @!p2 v10, v6;
	v10 =	vadd.s32 @!p2 $0x1, v9  }
0x214: {  	v8 =	vsel @!p2 vm0, v8, v10;
	v7 =	vsel @!p2 vm0, v9, v7  }
0x215: {  	v9 =	vadd.s32 @!p2 v7, v8  }
0x216: {  	v9 =	vshrl.u32 @!p2 v9, $0x1;
	_ =	sdelay $0x4  }
0x217: {  	v10 =	vld.idx.msk @!p2 [tilespmem:v9+s24+$0x0], $0xffff;
	_ =	sdelay $0x4  }
0x218: {  	vm0 =	vgt.s32 @!p2 v10, v6;
	v10 =	vadd.s32 @!p2 $0x1, v9  }
0x219: {  	v8 =	vsel @!p2 vm0, v8, v10;
	v7 =	vsel @!p2 vm0, v9, v7  }
0x21a: {  	v9 =	vadd.s32 @!p2 v7, v8  }
0x21b: {  	v9 =	vshrl.u32 @!p2 v9, $0x1;
	_ =	sdelay $0x4  }
0x21c: {  	v10 =	vld.idx.msk @!p2 [tilespmem:v9+s24+$0x0], $0xffff;
	_ =	sdelay $0x4  }
0x21d: {  	vm0 =	vgt.s32 @!p2 v10, v6;
	v10 =	vadd.s32 @!p2 $0x1, v9  }
0x21e: {  	v8 =	vsel @!p2 vm0, v8, v10;
	v7 =	vsel @!p2 vm0, v9, v7  }
0x21f: {  	v9 =	vadd.s32 @!p2 v7, v8  }
0x220: {  	v9 =	vshrl.u32 @!p2 v9, $0x1;
	_ =	sdelay $0x4  }
0x221: {  	v10 =	vld.idx.msk @!p2 [tilespmem:v9+s24+$0x0], $0xffff;
	_ =	sdelay $0x4  }
0x222: {  	vm0 =	vgt.s32 @!p2 v10, v6;
	v10 =	vadd.s32 @!p2 $0x1, v9  }
0x223: {  	v8 =	vsel @!p2 vm0, v8, v10;
	v7 =	vsel @!p2 vm0, v9, v7  }
0x224: {  	v9 =	vadd.s32 @!p2 v7, v8  }
0x225: {  	v9 =	vshrl.u32 @!p2 v9, $0x1;
	_ =	sdelay $0x4  }
0x226: {  	v10 =	vld.idx.msk @!p2 [tilespmem:v9+s24+$0x0], $0xffff;
	_ =	sdelay $0x4  }
0x227: {  	vm0 =	vgt.s32 @!p2 v10, v6;
	v10 =	vadd.s32 @!p2 $0x1, v9  }
0x228: {  	v8 =	vsel @!p2 vm0, v8, v10;
	v7 =	vsel @!p2 vm0, v9, v7  }
0x229: {  	v9 =	vadd.s32 @!p2 v7, v8  }
0x22a: {  	v9 =	vshrl.u32 @!p2 v9, $0x1;
	_ =	sdelay $0x4  }
0x22b: {  	v10 =	vld.idx.msk @!p2 [tilespmem:v9+s24+$0x0], $0xffff;
	_ =	sdelay $0x4  }
0x22c: {  	vm0 =	vgt.s32 @!p2 v10, v6;
	v10 =	vadd.s32 @!p2 $0x1, v9  }
0x22d: {  	v8 =	vsel @!p2 vm0, v8, v10;
	v7 =	vsel @!p2 vm0, v9, v7  }
0x22e: {  	v9 =	vadd.s32 @!p2 v7, v8  }
0x22f: {  	v9 =	vshrl.u32 @!p2 v9, $0x1;
	_ =	sdelay $0x4  }
0x230: {  	v10 =	vld.idx.msk @!p2 [tilespmem:v9+s24+$0x0], $0xffff;
	_ =	sdelay $0x4  }
0x231: {  	vm0 =	vgt.s32 @!p2 v10, v6;
	v10 =	vadd.s32 @!p2 $0x1, v9  }
0x232: {  	v8 =	vsel @!p2 vm0, v8, v10;
	v7 =	vsel @!p2 vm0, v9, v7  }
0x233: {  	v9 =	vadd.s32 @!p2 v7, v8  }
0x234: {  	v9 =	vshrl.u32 @!p2 v9, $0x1;
	_ =	sdelay $0x4  }
0x235: {  	v10 =	vld.idx.msk @!p2 [tilespmem:v9+s24+$0x0], $0xffff;
	_ =	sdelay $0x4  }
0x236: {  	vm0 =	vgt.s32 @!p2 v10, v6;
	v10 =	vadd.s32 @!p2 $0x1, v9  }
0x237: {  	v8 =	vsel @!p2 vm0, v8, v10;
	v7 =	vsel @!p2 vm0, v9, v7  }
0x238: {  	v7 =	vadd.s32 @!p2 v7, v8  }
0x239: {  	v7 =	vshrl.u32 @!p2 v7, $0x1;
	_ =	sdelay $0x4  }
0x23a: {  	v9 =	vld.idx.msk @!p2 [tilespmem:v7+s24+$0x0], $0xffff;
	_ =	sdelay $0x4  }
0x23b: {  	v7 =	vadd.s32 @!p2 $0x1, v7;
	vm0 =	vgt.s32 @!p2 v9, v6  }
0x23c: {  	p3 =	slt.s32 @!p2 s20, $0x1;
	v7 =	vsel @!p2 vm0, v8, v7  }
0x23d: {  	p3 =	por p2, p3;
	v7 =	vsub.s32 @!p2 v7, v1  }
0x23e: {  	(v2sf) =	vpush @!p3 v7, $0x0;
	_ =	sdelay $0xe  }
0x23f: {  	s24 =	spop @!p3 (v2sf)  }
0x240: {  	s25 =	sadd.s32 @!p3 s5, s24;
	s24 =	sand.u32 @!p3 $0x7, s24  }
0x241: {  	p4 =	slt.s32 @!p3 s25, $0x1;
	p5 =	sne.s32 @!p3 s24, $0x0  }
0x242: {  	s24 =	sshra.s32 @!p3 s25, $0x1F;
	p4 =	por @!p3 !p4, !p5  }
0x243: {  	s24 =	sshrl.u32 @!p3 s24, $0x1D;
	p4 =	por @!p3 !p4, !p4  }
0x244: {  	s26 =	simm.s32 @!p3 $0x1;
	s24 =	sadd.s32 @!p3 s24, s25;
	p4 =	por !p4, p3  }
0x245: {  	s24 =	sshra.s32 @!p3 s24, $0x3;
	s26 =	simm.s32 @p4 $0x0  }
0x246: {  	s24 =	ssub.s32 @!p3 s24, s26  }
0x247: {  	s26 =	sshll.u32 @!p3 s24, $0x7  }
0x248: {  	s28 =	simm.s32 @!p3 $0x1;
	s26 =	sand.u32 @!p3 $0x1FFFFF80, s26  }
0x249: {  	s29 =	simm.s32 @!p3 $0x0;
	s30 =	simm.s32 @!p3 $0x1C900;
	[tilespmem:$0x1C880] =	vst @!p2 v7;
	s26 =	sadd.s32 @!p3 s2, s26  }
0x24a: {  	[tilespmem:s30], [sflag:$0x1] =	stream.linear.gather @!p3 [hbm4b:s26+s29], $0x400, $0x38;
	[tilespmem:$0x1CD00] =	vst v63  }
0x24b: {  	_ =	swait.ge @!p3 [sflag:s28], $0x400  }
0x24c: {  	s25 =	sshll.u32 @!p3 s25, $0x7;
	s24 =	sshll.u32 @!p3 s24, $0xA;
	[sflag:s28] =	ssyncset.done @!p3 $0x0  }
0x24d: {  	s24 =	ssub.s32 @!p3 s25, s24;
	[sflag:s28] =	ssyncadd.s32 @!p3 $0xFFFFFC00  }
0x24e: {  	v7 =	vld @!p3 [tilespmem:s24+$0x1C900];
	_ =	sdelay $0x4  }
0x24f: {  	[tilespmem:$0x10800] =	vst @!p3 v7  }
0x250: {  	v7 =	vld @!p3 [tilespmem:s24+$0x1C910];
	_ =	sdelay $0x4  }
0x251: {  	[tilespmem:$0x10810] =	vst @!p3 v7  }
0x252: {  	v7 =	vld @!p3 [tilespmem:s24+$0x1C920];
	_ =	sdelay $0x2  }
0x253: {  	p2 =	seq.s32 @!p3 s20, $0x1  }
0x254: {  	p2 =	por p3, p2  }
0x255: {  	[tilespmem:$0x10820] =	vst @!p3 v7;
	v7 =	vld @!p2 [tilespmem:$0x1C881]  }
0x256: {  	v8 =	vld @!p3 [tilespmem:s24+$0x1C930];
	_ =	sdelay $0x3  }
0x257: {  	(v2sf) =	vpush @!p2 v7, $0x0  }
0x258: {  	[tilespmem:$0x10830] =	vst @!p3 v8  }
0x259: {  	v7 =	vld @!p3 [tilespmem:s24+$0x1C940];
	_ =	sdelay $0x4  }
0x25a: {  	[tilespmem:$0x10840] =	vst @!p3 v7  }
0x25b: {  	v7 =	vld @!p3 [tilespmem:s24+$0x1C950];
	_ =	sdelay $0x4  }
0x25c: {  	[tilespmem:$0x10850] =	vst @!p3 v7  }
0x25d: {  	v7 =	vld @!p3 [tilespmem:s24+$0x1C960]  }
0x25e: {  	s25 =	spop @!p2 (v2sf)  }
0x25f: {  	s26 =	sadd.s32 @!p2 s5, s25;
	s25 =	sand.u32 @!p2 $0x7, s25  }
0x260: {  	p4 =	slt.s32 @!p2 s26, $0x1;
	p5 =	sne.s32 @!p2 s25, $0x0  }
0x261: {  	s25 =	sshra.s32 @!p2 s26, $0x1F;
	p4 =	por @!p2 !p4, !p5  }
0x262: {  	s25 =	sshrl.u32 @!p2 s25, $0x1D;
	[tilespmem:$0x10860] =	vst @!p3 v7;
	p4 =	por @!p2 !p4, !p4  }
0x263: {  	v7 =	vld @!p3 [tilespmem:s24+$0x1C970];
	s24 =	sadd.s32 @!p2 s25, s26;
	p4 =	por !p4, p2;
	s25 =	simm.s32 @!p2 $0x1  }
0x264: {  	s24 =	sshra.s32 @!p2 s24, $0x3;
	s25 =	simm.s32 @p4 $0x0  }
0x265: {  	s24 =	ssub.s32 @!p2 s24, s25  }
0x266: {  	s25 =	sshll.u32 @!p2 s24, $0x7  }
0x267: {  	s29 =	simm.s32 @!p2 $0x0;
	s25 =	sand.u32 @!p2 $0x1FFFFF80, s25  }
0x268: {  	s30 =	simm.s32 @!p2 $0x1C900;
	s28 =	simm.s32 @!p2 $0x1;
	[tilespmem:$0x10870] =	vst @!p3 v7;
	s25 =	sadd.s32 @!p2 s2, s25  }
0x269: {  	[tilespmem:s30], [sflag:$0x1] =	stream.linear.gather @!p2 [hbm4b:s25+s29], $0x400, $0x38;
	[tilespmem:$0x1CD00] =	vst v63  }
0x26a: {  	_ =	swait.ge @!p2 [sflag:s28], $0x400  }
0x26b: {  	s24 =	sshll.u32 @!p2 s24, $0xA;
	s25 =	sshll.u32 @!p2 s26, $0x7;
	[sflag:s28] =	ssyncset.done @!p2 $0x0  }
0x26c: {  	s24 =	ssub.s32 @!p2 s25, s24;
	[sflag:s28] =	ssyncadd.s32 @!p2 $0xFFFFFC00  }
0x26d: {  	v7 =	vld @!p2 [tilespmem:s24+$0x1C900];
	_ =	sdelay $0x4  }
0x26e: {  	[tilespmem:$0x10880] =	vst @!p2 v7  }
0x26f: {  	v7 =	vld @!p2 [tilespmem:s24+$0x1C910];
	_ =	sdelay $0x4  }
0x270: {  	[tilespmem:$0x10890] =	vst @!p2 v7  }
0x271: {  	v7 =	vld @!p2 [tilespmem:s24+$0x1C920];
	_ =	sdelay $0x2  }
0x272: {  	p3 =	slt.u32 @!p2 s20, $0x3  }
0x273: {  	p3 =	por p2, p3  }
0x274: {  	[tilespmem:$0x108A0] =	vst @!p2 v7;
	v7 =	vld @!p3 [tilespmem:$0x1C882]  }
0x275: {  	v8 =	vld @!p2 [tilespmem:s24+$0x1C930];
	_ =	sdelay $0x3  }
0x276: {  	(v2sf) =	vpush @!p3 v7, $0x0  }
0x277: {  	[tilespmem:$0x108B0] =	vst @!p2 v8  }
0x278: {  	v7 =	vld @!p2 [tilespmem:s24+$0x1C940];
	_ =	sdelay $0x4  }
0x279: {  	[tilespmem:$0x108C0] =	vst @!p2 v7  }
0x27a: {  	v7 =	vld @!p2 [tilespmem:s24+$0x1C950];
	_ =	sdelay $0x4  }
0x27b: {  	[tilespmem:$0x108D0] =	vst @!p2 v7  }
0x27c: {  	v7 =	vld @!p2 [tilespmem:s24+$0x1C960]  }
0x27d: {  	s25 =	spop @!p3 (v2sf)  }
0x27e: {  	s26 =	sadd.s32 @!p3 s5, s25;
	s25 =	sand.u32 @!p3 $0x7, s25  }
0x27f: {  	p4 =	slt.s32 @!p3 s26, $0x1;
	p5 =	sne.s32 @!p3 s25, $0x0  }
0x280: {  	s25 =	sshra.s32 @!p3 s26, $0x1F;
	p4 =	por @!p3 !p4, !p5  }
0x281: {  	s25 =	sshrl.u32 @!p3 s25, $0x1D;
	[tilespmem:$0x108E0] =	vst @!p2 v7;
	p4 =	por @!p3 !p4, !p4  }
0x282: {  	v7 =	vld @!p2 [tilespmem:s24+$0x1C970];
	s24 =	sadd.s32 @!p3 s25, s26;
	p4 =	por !p4, p3;
	s25 =	simm.s32 @!p3 $0x1  }
0x283: {  	s24 =	sshra.s32 @!p3 s24, $0x3;
	s25 =	simm.s32 @p4 $0x0  }
0x284: {  	s24 =	ssub.s32 @!p3 s24, s25  }
0x285: {  	s25 =	sshll.u32 @!p3 s24, $0x7  }
0x286: {  	s29 =	simm.s32 @!p3 $0x0;
	s25 =	sand.u32 @!p3 $0x1FFFFF80, s25  }
0x287: {  	s30 =	simm.s32 @!p3 $0x1C900;
	s28 =	simm.s32 @!p3 $0x1;
	[tilespmem:$0x108F0] =	vst @!p2 v7;
	s25 =	sadd.s32 @!p3 s2, s25  }
0x288: {  	[tilespmem:s30], [sflag:$0x1] =	stream.linear.gather @!p3 [hbm4b:s25+s29], $0x400, $0x38;
	[tilespmem:$0x1CD00] =	vst v63  }
0x289: {  	_ =	swait.ge @!p3 [sflag:s28], $0x400  }
0x28a: {  	s24 =	sshll.u32 @!p3 s24, $0xA;
	s25 =	sshll.u32 @!p3 s26, $0x7;
	[sflag:s28] =	ssyncset.done @!p3 $0x0  }
0x28b: {  	s24 =	ssub.s32 @!p3 s25, s24;
	[sflag:s28] =	ssyncadd.s32 @!p3 $0xFFFFFC00  }
0x28c: {  	v7 =	vld @!p3 [tilespmem:s24+$0x1C900];
	_ =	sdelay $0x4  }
0x28d: {  	[tilespmem:$0x10900] =	vst @!p3 v7  }
0x28e: {  	v7 =	vld @!p3 [tilespmem:s24+$0x1C910];
	_ =	sdelay $0x4  }
0x28f: {  	[tilespmem:$0x10910] =	vst @!p3 v7  }
0x290: {  	v7 =	vld @!p3 [tilespmem:s24+$0x1C920];
	_ =	sdelay $0x2  }
0x291: {  	p2 =	seq.s32 @!p3 s20, $0x3  }
0x292: {  	p2 =	por p3, p2  }
0x293: {  	[tilespmem:$0x10920] =	vst @!p3 v7;
	v7 =	vld @!p2 [tilespmem:$0x1C883]  }
0x294: {  	v8 =	vld @!p3 [tilespmem:s24+$0x1C930];
	_ =	sdelay $0x3  }
0x295: {  	(v2sf) =	vpush @!p2 v7, $0x0  }
0x296: {  	[tilespmem:$0x10930] =	vst @!p3 v8  }
0x297: {  	v7 =	vld @!p3 [tilespmem:s24+$0x1C940];
	_ =	sdelay $0x4  }
0x298: {  	[tilespmem:$0x10940] =	vst @!p3 v7  }
0x299: {  	v7 =	vld @!p3 [tilespmem:s24+$0x1C950];
	_ =	sdelay $0x4  }
0x29a: {  	[tilespmem:$0x10950] =	vst @!p3 v7  }
0x29b: {  	v7 =	vld @!p3 [tilespmem:s24+$0x1C960]  }
0x29c: {  	s25 =	spop @!p2 (v2sf)  }
0x29d: {  	s26 =	sadd.s32 @!p2 s5, s25;
	s25 =	sand.u32 @!p2 $0x7, s25  }
0x29e: {  	p4 =	slt.s32 @!p2 s26, $0x1;
	p5 =	sne.s32 @!p2 s25, $0x0  }
0x29f: {  	s25 =	sshra.s32 @!p2 s26, $0x1F;
	p4 =	por @!p2 !p4, !p5  }
0x2a0: {  	s25 =	sshrl.u32 @!p2 s25, $0x1D;
	[tilespmem:$0x10960] =	vst @!p3 v7;
	p4 =	por @!p2 !p4, !p4  }
0x2a1: {  	v7 =	vld @!p3 [tilespmem:s24+$0x1C970];
	s24 =	sadd.s32 @!p2 s25, s26;
	p4 =	por !p4, p2;
	s25 =	simm.s32 @!p2 $0x1  }
0x2a2: {  	s24 =	sshra.s32 @!p2 s24, $0x3;
	s25 =	simm.s32 @p4 $0x0  }
0x2a3: {  	s24 =	ssub.s32 @!p2 s24, s25  }
0x2a4: {  	s25 =	sshll.u32 @!p2 s24, $0x7  }
0x2a5: {  	s29 =	simm.s32 @!p2 $0x0;
	s25 =	sand.u32 @!p2 $0x1FFFFF80, s25  }
0x2a6: {  	s30 =	simm.s32 @!p2 $0x1C900;
	s28 =	simm.s32 @!p2 $0x1;
	[tilespmem:$0x10970] =	vst @!p3 v7;
	s25 =	sadd.s32 @!p2 s2, s25  }
0x2a7: {  	[tilespmem:s30], [sflag:$0x1] =	stream.linear.gather @!p2 [hbm4b:s25+s29], $0x400, $0x38;
	[tilespmem:$0x1CD00] =	vst v63  }
0x2a8: {  	_ =	swait.ge @!p2 [sflag:s28], $0x400  }
0x2a9: {  	s24 =	sshll.u32 @!p2 s24, $0xA;
	s25 =	sshll.u32 @!p2 s26, $0x7;
	[sflag:s28] =	ssyncset.done @!p2 $0x0  }
0x2aa: {  	s24 =	ssub.s32 @!p2 s25, s24;
	[sflag:s28] =	ssyncadd.s32 @!p2 $0xFFFFFC00  }
0x2ab: {  	v7 =	vld @!p2 [tilespmem:s24+$0x1C900];
	_ =	sdelay $0x4  }
0x2ac: {  	[tilespmem:$0x10980] =	vst @!p2 v7  }
0x2ad: {  	v7 =	vld @!p2 [tilespmem:s24+$0x1C910];
	_ =	sdelay $0x4  }
0x2ae: {  	[tilespmem:$0x10990] =	vst @!p2 v7  }
0x2af: {  	v7 =	vld @!p2 [tilespmem:s24+$0x1C920];
	_ =	sdelay $0x2  }
0x2b0: {  	p3 =	slt.u32 @!p2 s20, $0x5  }
0x2b1: {  	p3 =	por p2, p3  }
0x2b2: {  	[tilespmem:$0x109A0] =	vst @!p2 v7;
	v7 =	vld @!p3 [tilespmem:$0x1C884]  }
0x2b3: {  	v8 =	vld @!p2 [tilespmem:s24+$0x1C930];
	_ =	sdelay $0x3  }
0x2b4: {  	(v2sf) =	vpush @!p3 v7, $0x0  }
0x2b5: {  	[tilespmem:$0x109B0] =	vst @!p2 v8  }
0x2b6: {  	v7 =	vld @!p2 [tilespmem:s24+$0x1C940];
	_ =	sdelay $0x4  }
0x2b7: {  	[tilespmem:$0x109C0] =	vst @!p2 v7  }
0x2b8: {  	v7 =	vld @!p2 [tilespmem:s24+$0x1C950];
	_ =	sdelay $0x4  }
0x2b9: {  	[tilespmem:$0x109D0] =	vst @!p2 v7  }
0x2ba: {  	v7 =	vld @!p2 [tilespmem:s24+$0x1C960]  }
0x2bb: {  	s25 =	spop @!p3 (v2sf)  }
0x2bc: {  	s26 =	sadd.s32 @!p3 s5, s25;
	s25 =	sand.u32 @!p3 $0x7, s25  }
0x2bd: {  	p4 =	slt.s32 @!p3 s26, $0x1;
	p5 =	sne.s32 @!p3 s25, $0x0  }
0x2be: {  	s25 =	sshra.s32 @!p3 s26, $0x1F;
	p4 =	por @!p3 !p4, !p5  }
0x2bf: {  	s25 =	sshrl.u32 @!p3 s25, $0x1D;
	[tilespmem:$0x109E0] =	vst @!p2 v7;
	p4 =	por @!p3 !p4, !p4  }
0x2c0: {  	v7 =	vld @!p2 [tilespmem:s24+$0x1C970];
	s24 =	sadd.s32 @!p3 s25, s26;
	p4 =	por !p4, p3;
	s25 =	simm.s32 @!p3 $0x1  }
0x2c1: {  	s24 =	sshra.s32 @!p3 s24, $0x3;
	s25 =	simm.s32 @p4 $0x0  }
0x2c2: {  	s24 =	ssub.s32 @!p3 s24, s25  }
0x2c3: {  	s25 =	sshll.u32 @!p3 s24, $0x7  }
0x2c4: {  	s29 =	simm.s32 @!p3 $0x0;
	s25 =	sand.u32 @!p3 $0x1FFFFF80, s25  }
0x2c5: {  	s30 =	simm.s32 @!p3 $0x1C900;
	s28 =	simm.s32 @!p3 $0x1;
	[tilespmem:$0x109F0] =	vst @!p2 v7;
	s25 =	sadd.s32 @!p3 s2, s25  }
0x2c6: {  	[tilespmem:s30], [sflag:$0x1] =	stream.linear.gather @!p3 [hbm4b:s25+s29], $0x400, $0x38;
	[tilespmem:$0x1CD00] =	vst v63  }
0x2c7: {  	_ =	swait.ge @!p3 [sflag:s28], $0x400  }
0x2c8: {  	s24 =	sshll.u32 @!p3 s24, $0xA;
	s25 =	sshll.u32 @!p3 s26, $0x7;
	[sflag:s28] =	ssyncset.done @!p3 $0x0  }
0x2c9: {  	s24 =	ssub.s32 @!p3 s25, s24;
	[sflag:s28] =	ssyncadd.s32 @!p3 $0xFFFFFC00  }
0x2ca: {  	v7 =	vld @!p3 [tilespmem:s24+$0x1C900];
	_ =	sdelay $0x4  }
0x2cb: {  	[tilespmem:$0x10A00] =	vst @!p3 v7  }
0x2cc: {  	v7 =	vld @!p3 [tilespmem:s24+$0x1C910];
	_ =	sdelay $0x4  }
0x2cd: {  	[tilespmem:$0x10A10] =	vst @!p3 v7  }
0x2ce: {  	v7 =	vld @!p3 [tilespmem:s24+$0x1C920];
	_ =	sdelay $0x2  }
0x2cf: {  	p2 =	seq.s32 @!p3 s20, $0x5  }
0x2d0: {  	p2 =	por p3, p2  }
0x2d1: {  	[tilespmem:$0x10A20] =	vst @!p3 v7;
	v7 =	vld @!p2 [tilespmem:$0x1C885]  }
0x2d2: {  	v8 =	vld @!p3 [tilespmem:s24+$0x1C930];
	_ =	sdelay $0x3  }
0x2d3: {  	(v2sf) =	vpush @!p2 v7, $0x0  }
0x2d4: {  	[tilespmem:$0x10A30] =	vst @!p3 v8  }
0x2d5: {  	v7 =	vld @!p3 [tilespmem:s24+$0x1C940];
	_ =	sdelay $0x4  }
0x2d6: {  	[tilespmem:$0x10A40] =	vst @!p3 v7  }
0x2d7: {  	v7 =	vld @!p3 [tilespmem:s24+$0x1C950];
	_ =	sdelay $0x4  }
0x2d8: {  	[tilespmem:$0x10A50] =	vst @!p3 v7  }
0x2d9: {  	v7 =	vld @!p3 [tilespmem:s24+$0x1C960]  }
0x2da: {  	s25 =	spop @!p2 (v2sf)  }
0x2db: {  	s26 =	sadd.s32 @!p2 s5, s25;
	s25 =	sand.u32 @!p2 $0x7, s25  }
0x2dc: {  	p4 =	slt.s32 @!p2 s26, $0x1;
	p5 =	sne.s32 @!p2 s25, $0x0  }
0x2dd: {  	s25 =	sshra.s32 @!p2 s26, $0x1F;
	p4 =	por @!p2 !p4, !p5  }
0x2de: {  	s25 =	sshrl.u32 @!p2 s25, $0x1D;
	[tilespmem:$0x10A60] =	vst @!p3 v7;
	p4 =	por @!p2 !p4, !p4  }
0x2df: {  	v7 =	vld @!p3 [tilespmem:s24+$0x1C970];
	s24 =	sadd.s32 @!p2 s25, s26;
	p4 =	por !p4, p2;
	s25 =	simm.s32 @!p2 $0x1  }
0x2e0: {  	s24 =	sshra.s32 @!p2 s24, $0x3;
	s25 =	simm.s32 @p4 $0x0  }
0x2e1: {  	s24 =	ssub.s32 @!p2 s24, s25  }
0x2e2: {  	s25 =	sshll.u32 @!p2 s24, $0x7  }
0x2e3: {  	s29 =	simm.s32 @!p2 $0x0;
	s25 =	sand.u32 @!p2 $0x1FFFFF80, s25  }
0x2e4: {  	s30 =	simm.s32 @!p2 $0x1C900;
	s28 =	simm.s32 @!p2 $0x1;
	[tilespmem:$0x10A70] =	vst @!p3 v7;
	s25 =	sadd.s32 @!p2 s2, s25  }
0x2e5: {  	[tilespmem:s30], [sflag:$0x1] =	stream.linear.gather @!p2 [hbm4b:s25+s29], $0x400, $0x38;
	[tilespmem:$0x1CD00] =	vst v63  }
0x2e6: {  	_ =	swait.ge @!p2 [sflag:s28], $0x400  }
0x2e7: {  	s24 =	sshll.u32 @!p2 s24, $0xA;
	s25 =	sshll.u32 @!p2 s26, $0x7;
	[sflag:s28] =	ssyncset.done @!p2 $0x0  }
0x2e8: {  	s24 =	ssub.s32 @!p2 s25, s24;
	[sflag:s28] =	ssyncadd.s32 @!p2 $0xFFFFFC00  }
0x2e9: {  	v7 =	vld @!p2 [tilespmem:s24+$0x1C900];
	_ =	sdelay $0x4  }
0x2ea: {  	[tilespmem:$0x10A80] =	vst @!p2 v7  }
0x2eb: {  	v7 =	vld @!p2 [tilespmem:s24+$0x1C910];
	_ =	sdelay $0x4  }
0x2ec: {  	[tilespmem:$0x10A90] =	vst @!p2 v7  }
0x2ed: {  	v7 =	vld @!p2 [tilespmem:s24+$0x1C920];
	_ =	sdelay $0x4  }
0x2ee: {  	[tilespmem:$0x10AA0] =	vst @!p2 v7  }
0x2ef: {  	v7 =	vld @!p2 [tilespmem:s24+$0x1C930];
	_ =	sdelay $0x4  }
0x2f0: {  	[tilespmem:$0x10AB0] =	vst @!p2 v7  }
0x2f1: {  	v7 =	vld @!p2 [tilespmem:s24+$0x1C940];
	_ =	sdelay $0x4  }
0x2f2: {  	[tilespmem:$0x10AC0] =	vst @!p2 v7  }
0x2f3: {  	v7 =	vld @!p2 [tilespmem:s24+$0x1C950];
	_ =	sdelay $0x4  }
0x2f4: {  	[tilespmem:$0x10AD0] =	vst @!p2 v7  }
0x2f5: {  	v7 =	vld @!p2 [tilespmem:s24+$0x1C960];
	_ =	sdelay $0x4  }
0x2f6: {  	p3 =	slt.u32 @!p2 s20, $0x7;
	[tilespmem:$0x10AE0] =	vst @!p2 v7  }
0x2f7: {  	p3 =	por p2, p3;
	v7 =	vld @!p2 [tilespmem:s24+$0x1C970]  }
.Ltmp6:
0x2f8: {  	_ = 	snop;
	(pc) =	sbr.rel @p3 .LBB2_7-.Ltmp6, $2  }
0x2f9: {  	_ =	sdelay $0x2  }
0x2fa: {  	[tilespmem:$0x10AF0] =	vst @!p2 v7  }
0x2fb: {  	v7 =	vld [tilespmem:$0x1C886];
	_ =	sdelay $0x4  }
0x2fc: {  	(v2sf) =	vpush v7, $0x0;
	_ =	sdelay $0xe  }
0x2fd: {  	s24 =	spop (v2sf)  }
0x2fe: {  	s25 =	sadd.s32 s5, s24;
	s24 =	sand.u32 $0x7, s24  }
0x2ff: {  	s26 =	sshra.s32 s25, $0x1F;
	p2 =	slt.s32 s25, $0x1;
	p3 =	sne.s32 s24, $0x0  }
0x300: {  	s31 =	sshrl.u32 s26, $0x1D;
	p2 =	por !p2, !p3  }
0x301: {  	s26 =	simm.s32 $0x1;
	s24 =	sadd.s32 s31, s25;
	p2 =	por !p2, !p2  }
0x302: {  	s24 =	sshra.s32 s24, $0x3;
	s26 =	simm.s32 @!p2 $0x0  }
0x303: {  	s24 =	ssub.s32 s24, s26  }
0x304: {  	s26 =	sshll.u32 s24, $0x7  }
0x305: {  	s26 =	sand.u32 $0x1FFFFF80, s26  }
0x306: {  	s26 =	sadd.s32 s2, s26  }
0x307: {  	[tilespmem:s15], [sflag:$0x1] =	stream.linear.gather [hbm4b:s26+s4], $0x400, $0x38;
	[tilespmem:$0x1CD00] =	vst v63  }
0x308: {  	_ =	swait.ge [sflag:s14], $0x400  }
0x309: {  	s25 =	sshll.u32 s25, $0x7;
	s24 =	sshll.u32 s24, $0xA;
	[sflag:s14] =	ssyncset.done $0x0  }
0x30a: {  	s24 =	ssub.s32 s25, s24;
	[sflag:s14] =	ssyncadd.s32 $0xFFFFFC00  }
0x30b: {  	v7 =	vld [tilespmem:s24+$0x1C900];
	_ =	sdelay $0x4  }
0x30c: {  	[tilespmem:$0x10B00] =	vst v7  }
0x30d: {  	v7 =	vld [tilespmem:s24+$0x1C910];
	_ =	sdelay $0x4  }
0x30e: {  	[tilespmem:$0x10B10] =	vst v7  }
0x30f: {  	v7 =	vld [tilespmem:s24+$0x1C920];
	_ =	sdelay $0x4  }
0x310: {  	[tilespmem:$0x10B20] =	vst v7;
	v7 =	vld @!p1 [tilespmem:$0x1C887]  }
0x311: {  	v8 =	vld [tilespmem:s24+$0x1C930];
	_ =	sdelay $0x3  }
0x312: {  	(v2sf) =	vpush @!p1 v7, $0x0  }
0x313: {  	[tilespmem:$0x10B30] =	vst v8  }
0x314: {  	v7 =	vld [tilespmem:s24+$0x1C940];
	_ =	sdelay $0x4  }
0x315: {  	[tilespmem:$0x10B40] =	vst v7  }
0x316: {  	v7 =	vld [tilespmem:s24+$0x1C950];
	_ =	sdelay $0x4  }
0x317: {  	[tilespmem:$0x10B50] =	vst v7  }
0x318: {  	v7 =	vld [tilespmem:s24+$0x1C960]  }
0x319: {  	s25 =	spop @!p1 (v2sf)  }
0x31a: {  	s26 =	sadd.s32 @!p1 s5, s25;
	s25 =	sand.u32 @!p1 $0x7, s25  }
0x31b: {  	p2 =	slt.s32 @!p1 s26, $0x1;
	p3 =	sne.s32 @!p1 s25, $0x0  }
0x31c: {  	s25 =	sshra.s32 @!p1 s26, $0x1F;
	p2 =	por @!p1 !p2, !p3  }
0x31d: {  	s25 =	sshrl.u32 @!p1 s25, $0x1D;
	[tilespmem:$0x10B60] =	vst v7;
	p2 =	por @!p1 !p2, !p2  }
0x31e: {  	v7 =	vld [tilespmem:s24+$0x1C970];
	s24 =	sadd.s32 @!p1 s25, s26;
	p2 =	por !p2, p1;
	s25 =	simm.s32 @!p1 $0x1  }
0x31f: {  	s24 =	sshra.s32 @!p1 s24, $0x3;
	s25 =	simm.s32 @p2 $0x0  }
0x320: {  	s24 =	ssub.s32 @!p1 s24, s25  }
0x321: {  	s25 =	sshll.u32 @!p1 s24, $0x7  }
0x322: {  	s28 =	simm.s32 @!p1 $0x1;
	s25 =	sand.u32 @!p1 $0x1FFFFF80, s25  }
0x323: {  	s29 =	simm.s32 @!p1 $0x0;
	s30 =	simm.s32 @!p1 $0x1C900;
	[tilespmem:$0x10B70] =	vst v7;
	s25 =	sadd.s32 @!p1 s2, s25  }
0x324: {  	[tilespmem:s30], [sflag:$0x1] =	stream.linear.gather @!p1 [hbm4b:s25+s29], $0x400, $0x38;
	[tilespmem:$0x1CD00] =	vst v63  }
0x325: {  	_ =	swait.ge @!p1 [sflag:s28], $0x400  }
0x326: {  	s24 =	sshll.u32 @!p1 s24, $0xA;
	s25 =	sshll.u32 @!p1 s26, $0x7;
	[sflag:s28] =	ssyncset.done @!p1 $0x0  }
0x327: {  	s24 =	ssub.s32 @!p1 s25, s24;
	[sflag:s28] =	ssyncadd.s32 @!p1 $0xFFFFFC00  }
0x328: {  	v7 =	vld @!p1 [tilespmem:s24+$0x1C900];
	_ =	sdelay $0x4  }
0x329: {  	[tilespmem:$0x10B80] =	vst @!p1 v7  }
0x32a: {  	v7 =	vld @!p1 [tilespmem:s24+$0x1C910];
	_ =	sdelay $0x4  }
0x32b: {  	[tilespmem:$0x10B90] =	vst @!p1 v7  }
0x32c: {  	v7 =	vld @!p1 [tilespmem:s24+$0x1C920];
	_ =	sdelay $0x4  }
0x32d: {  	[tilespmem:$0x10BA0] =	vst @!p1 v7  }
0x32e: {  	v7 =	vld @!p1 [tilespmem:s24+$0x1C930];
	_ =	sdelay $0x4  }
0x32f: {  	[tilespmem:$0x10BB0] =	vst @!p1 v7  }
0x330: {  	v7 =	vld @!p1 [tilespmem:s24+$0x1C940];
	_ =	sdelay $0x4  }
0x331: {  	[tilespmem:$0x10BC0] =	vst @!p1 v7  }
0x332: {  	v7 =	vld @!p1 [tilespmem:s24+$0x1C950];
	_ =	sdelay $0x4  }
0x333: {  	[tilespmem:$0x10BD0] =	vst @!p1 v7  }
0x334: {  	v7 =	vld @!p1 [tilespmem:s24+$0x1C960];
	_ =	sdelay $0x4  }
0x335: {  	[tilespmem:$0x10BE0] =	vst @!p1 v7  }
0x336: {  	v7 =	vld @!p1 [tilespmem:s24+$0x1C970];
	_ =	sdelay $0x4  }
0x337: {  	[tilespmem:$0x10BF0] =	vst @!p1 v7  }
.LBB2_7:
0x338: {  	s24 =	sadd.s32 $0x100, s23  }
0x339: {  	p2 =	sgt.s32 s24, s19  }
.Ltmp7:
0x33a: {  	_ = 	snop;
	(pc) =	sbr.rel @p2 .LBB2_9-.Ltmp7, $1  }
0x33b: {  	_ =	sdelay $0x3  }
0x33c: {  	s23 =	sshll.u32 s23, $0x4  }
.Ltmp8:
0x33d: {  	s23 =	sadd.s32 s7, s23;
	(pc) =	sbr.rel .LBB2_10-.Ltmp8, $4  }
0x33e: {  	[hbm4b:s23+s4] =	stream.linear.scatter [tilespmem:s16], [sflag:$0x1], $0x8000, $0x38;
	[tilespmem:$0x1CD00] =	vst v63  }
0x33f: {  	_ =	swait.ge [sflag:s14], $0x8000  }
0x340: {  	[sflag:s14] =	ssyncset.done $0x0  }
0x341: {  	[sflag:s14] =	ssyncadd.s32 $0xFFFF8000  }
.LBB2_11:
0x342: {  	v6 =	vld [tilespmem:$0x1C807];
	_ =	sdelay $0x4  }
0x343: {  	(v2sf) =	vpush v6, $0x0;
	_ =	sdelay $0xe  }
0x344: {  	s18 =	spop (v2sf)  }
0x345: {  	s18 =	sadd.s32 $0x7, s18  }
0x346: {  	s19 =	sand.u32 $0x7, s18  }
0x347: {  	s20 =	sshra.s32 s18, $0x1F;
	p1 =	slt.s32 s18, $0x1;
	p2 =	sne.s32 s19, $0x0  }
0x348: {  	s28 =	sshrl.u32 s20, $0x1D;
	p1 =	por !p1, !p2  }
0x349: {  	s19 =	simm.s32 $0x1;
	s18 =	sadd.s32 s28, s18;
	p1 =	por !p1, !p1  }
0x34a: {  	s18 =	sshra.s32 s18, $0x3;
	s19 =	simm.s32 @!p1 $0x0  }
0x34b: {  	s18 =	ssub.s32 s18, s19  }
0x34c: {  	s19 =	sshll.u32 s18, $0x3  }
0x34d: {  	s19 =	ssub.s32 $0x2C000, s19  }
0x34e: {  	s19 =	sshra.s32 s19, $0x3  }
0x34f: {  	s29 =	smul.u32 s3, s19  }
0x350: {  	s19 =	smul.u32 s9, s19  }
0x351: {  	s21 =	sshra.s32 s29, $0x1F;
	s22 =	sand.u32 $0x1F, s29;
	p4 =	slt.s32 s29, $0x1  }
0x352: {  	s31 =	sshra.s32 s19, $0x1F;
	s23 =	sand.u32 $0x1F, s19;
	p6 =	slt.s32 s19, $0x1  }
0x353: {  	s21 =	sshrl.u32 s21, $0x1B;
	p5 =	sne.s32 s22, $0x0;
	p3 =	sne.s32 s23, $0x0  }
0x354: {  	s23 =	simm.s32 $0x1;
	s20 =	sadd.s32 s21, s29;
	p1 =	por !p4, !p5  }
0x355: {  	s21 =	sshrl.u32 s31, $0x1B;
	p2 =	por !p6, !p3;
	s20 =	sshra.s32 s20, $0x5  }
0x356: {  	p1 =	por !p1, !p1;
	s19 =	sadd.s32 s21, s19;
	p2 =	por !p2, !p2  }
0x357: {  	s30 =	sadd.s32 s18, s20;
	s21 =	sshra.s32 s19, $0x5;
	s19 =	simm.s32 $0x1  }
0x358: {  	s23 =	simm.s32 @!p1 $0x0;
	s18 =	sadd.s32 s18, s21;
	s19 =	simm.s32 @!p2 $0x0  }
0x359: {  	s22 =	ssub.s32 s30, s23;
	s18 =	ssub.s32 s18, s19  }
0x35a: {  	s19 =	sshll.u32 s22, $0x3;
	s18 =	sshll.u32 s18, $0x3  }
0x35b: {  	p3 =	sge.s32 s19, s18  }
.Ltmp9:
0x35c: {  	_ = 	snop;
	(pc) =	sbr.rel @p3 .LBB2_18-.Ltmp9, $1  }
0x35d: {  	_ =	sdelay $0x3  }
0x35e: {  	s23 =	simm.s32 $0xFFFFFFFF;
	s25 =	simm.s32 $0xFFFFFFFF;
	s24 =	simm.s32 $0x0  }
0x35f: {  	s26 =	simm.s32 $0x200;
	s23 =	simm.s32 @!p1 $0x0;
	s25 =	simm.s32 @!p2 $0x0  }
.LBB2_13:
0x360: {  	p1 =	sne.s32 s26, $0x1FE00;
	[tilespmem:s24+$0x10870] =	vst v5  }
0x361: {  	[tilespmem:s24+$0x10800] =	vst v5  }
0x362: {  	[tilespmem:s24+$0x10810] =	vst v5  }
.Ltmp10:
0x363: {  	[tilespmem:s24+$0x10820] =	vst v5;
	(pc) =	sbr.rel @p1 .LBB2_13-.Ltmp10, $4  }
0x364: {  	[tilespmem:s24+$0x10830] =	vst v5  }
0x365: {  	[tilespmem:s24+$0x10840] =	vst v5  }
0x366: {  	[tilespmem:s24+$0x10850] =	vst v5  }
0x367: {  	[tilespmem:s24+$0x10860] =	vst v5;
	s24 =	sshra.s32 s26, $0x2;
	s26 =	sadd.s32 $0x200, s26  }
0x368: {  	[tilespmem:s24+$0x10870] =	vst v5  }
0x369: {  	[tilespmem:s24+$0x10800] =	vst v5  }
0x36a: {  	[tilespmem:s24+$0x10810] =	vst v5  }
.Ltmp11:
0x36b: {  	[tilespmem:s24+$0x10820] =	vst v5;
	(pc) =	sbr.rel .LBB2_15-.Ltmp11, $4  }
0x36c: {  	[tilespmem:s24+$0x10830] =	vst v5  }
0x36d: {  	[tilespmem:s24+$0x10840] =	vst v5;
	s19 =	sadd.s32 $0x100, s19;
	s21 =	sadd.s32 s25, s21;
	s20 =	sadd.s32 s23, s20  }
0x36e: {  	[tilespmem:s24+$0x10850] =	vst v5;
	s21 =	sshll.u32 s21, $0x3;
	s23 =	sshll.u32 s20, $0x3;
	s20 =	sshll.u32 s22, $0x7  }
0x36f: {  	[tilespmem:s24+$0x10860] =	vst v5;
	s21 =	ssub.s32 s21, s23;
	s22 =	sadd.s32 s20, s7;
	s23 =	simm.s32 $0x0  }
.LBB2_17:
0x370: {  	s23 =	sadd.s32 $0x1000, s23  }
0x371: {  	p1 =	sne.s32 s23, $0x17000  }
.Ltmp12:
0x372: {  	_ = 	snop;
	(pc) =	sbr.rel @!p1 .LBB2_18-.Ltmp12, $2  }
0x373: {  	_ =	sdelay $0x2  }
0x374: {  	s19 =	sadd.s32 $0x100, s19;
	s21 =	sadd.s32 $0xFFFFFF00, s21  }
.LBB2_15:
0x375: {  	s24 =	sadd.s32 $0xFFFFFF00, s19  }
0x376: {  	p1 =	sge.s32 s24, s18  }
.Ltmp13:
0x377: {  	_ = 	snop;
	(pc) =	sbr.rel @p1 .LBB2_17-.Ltmp13, $1  }
0x378: {  	_ =	sdelay $0x3  }
0x379: {  	p1 =	sgt.s32 s19, s18  }
0x37a: {  	s24 =	sand.u32 @p1 $0x80, s21  }
0x37b: {  	p2 =	seq.s32 @p1 s24, $0x0  }
0x37c: {  	p2 =	por p2, !p1  }
0x37d: {  	s25 =	sadd.s32 @!p2 s23, s22;
	s26 =	simm.s32 @!p2 $0x0;
	s28 =	simm.s32 @!p2 $0x10800  }
0x37e: {  	[hbm4b:s25+s26] =	stream.linear.scatter @!p2 [tilespmem:s28], [sflag:$0x1], $0x4000, $0x38;
	[tilespmem:$0x1CD00] =	vst v63  }
0x37f: {  	s31 =	sshll.u32 s21, $0x4;
	s26 =	simm.s32 @!p2 $0x1;
	s28 =	sand.u32 @p1 $0x40, s21  }
0x380: {  	s29 =	sand.u32 $0x800, s31;
	_ =	swait.ge @!p2 [sflag:s26], $0x4000;
	p3 =	seq.s32 @p1 s28, $0x0  }
0x381: {  	s28 =	sadd.s32 s29, s7;
	[sflag:s26] =	ssyncset.done @!p2 $0x0;
	p3 =	por p3, !p1  }
0x382: {  	[sflag:s26] =	ssyncadd.s32 @!p2 $0xFFFFC000;
	s24 =	sshll.u32 @!p3 s24, $0x7;
	s26 =	sadd.s32 @!p3 s23, s20  }
0x383: {  	s24 =	sadd.s32 @!p3 $0x10800, s24;
	s26 =	sadd.s32 @!p3 s28, s26;
	s28 =	simm.s32 @!p3 $0x0  }
0x384: {  	[hbm4b:s26+s28] =	stream.linear.scatter @!p3 [tilespmem:s24], [sflag:$0x1], $0x2000, $0x38;
	[tilespmem:$0x1CD00] =	vst v63  }
0x385: {  	s24 =	sand.u32 @p1 $0x20, s21  }
0x386: {  	s26 =	simm.s32 @!p3 $0x1;
	p2 =	seq.s32 @p1 s24, $0x0  }
0x387: {  	s29 =	sand.u32 $0xC00, s31;
	_ =	swait.ge @!p3 [sflag:s26], $0x2000;
	p2 =	por p2, !p1  }
0x388: {  	s24 =	sadd.s32 s29, s7;
	[sflag:s26] =	ssyncset.done @!p3 $0x0;
	s28 =	sand.u32 @!p2 $0xC0, s21  }
0x389: {  	[sflag:s26] =	ssyncadd.s32 @!p3 $0xFFFFE000;
	s26 =	sshll.u32 @!p2 s28, $0x7;
	s28 =	sadd.s32 @!p2 s23, s20  }
0x38a: {  	s26 =	sor.u32 @!p2 $0x10800, s26;
	s24 =	sadd.s32 @!p2 s24, s28;
	s28 =	simm.s32 @!p2 $0x0  }
0x38b: {  	[hbm4b:s24+s28] =	stream.linear.scatter @!p2 [tilespmem:s26], [sflag:$0x1], $0x1000, $0x38;
	[tilespmem:$0x1CD00] =	vst v63  }
0x38c: {  	s24 =	sand.u32 @p1 $0x10, s21  }
0x38d: {  	s26 =	simm.s32 @!p2 $0x1;
	p3 =	seq.s32 @p1 s24, $0x0  }
0x38e: {  	s30 =	sand.u32 $0xE00, s31;
	_ =	swait.ge @!p2 [sflag:s26], $0x1000;
	p3 =	por p3, !p1  }
0x38f: {  	s24 =	sadd.s32 s30, s7;
	[sflag:s26] =	ssyncset.done @!p2 $0x0;
	s28 =	sand.u32 @!p3 $0xE0, s21  }
0x390: {  	[sflag:s26] =	ssyncadd.s32 @!p2 $0xFFFFF000;
	s26 =	sshll.u32 @!p3 s28, $0x7;
	s28 =	sadd.s32 @!p3 s23, s20  }
0x391: {  	s26 =	sor.u32 @!p3 $0x10800, s26;
	s24 =	sadd.s32 @!p3 s24, s28;
	s28 =	simm.s32 @!p3 $0x0  }
0x392: {  	[hbm4b:s24+s28] =	stream.linear.scatter @!p3 [tilespmem:s26], [sflag:$0x1], $0x800, $0x38;
	[tilespmem:$0x1CD00] =	vst v63  }
0x393: {  	s24 =	simm.s32 @!p3 $0x1;
	s26 =	sand.u32 @p1 $0x8, s21  }
0x394: {  	_ =	swait.ge @!p3 [sflag:s24], $0x800;
	p2 =	seq.s32 @p1 s26, $0x0  }
0x395: {  	[sflag:s24] =	ssyncset.done @!p3 $0x0;
	p2 =	por p2, !p1  }
0x396: {  	s31 =	sand.u32 $0xF00, s31;
	[sflag:s24] =	ssyncadd.s32 @!p3 $0xFFFFF800;
	s25 =	sand.u32 @!p2 $0xF0, s21  }
0x397: {  	s24 =	sadd.s32 s31, s7;
	s26 =	sadd.s32 @!p2 s23, s20;
	s25 =	sshll.u32 @!p2 s25, $0x7  }
0x398: {  	s24 =	sadd.s32 @!p2 s24, s26;
	s26 =	simm.s32 @!p2 $0x0;
	s25 =	sadd.s32 @!p2 $0x10800, s25  }
0x399: {  	[hbm4b:s24+s26] =	stream.linear.scatter @!p2 [tilespmem:s25], [sflag:$0x1], $0x400, $0x38;
	[tilespmem:$0x1CD00] =	vst v63  }
0x39a: {  	s24 =	simm.s32 @!p2 $0x1  }
0x39b: {  	_ =	swait.ge @!p2 [sflag:s24], $0x400  }
0x39c: {  	s25 =	simm.s32 @!p1 $0x0;
	[sflag:s24] =	ssyncset.done @!p2 $0x0  }
0x39d: {  	s26 =	simm.s32 @!p1 $0x10800;
	[sflag:s24] =	ssyncadd.s32 @!p2 $0xFFFFFC00;
	s24 =	sadd.s32 @!p1 s23, s22  }
0x39e: {  	[hbm4b:s24+s25] =	stream.linear.scatter @!p1 [tilespmem:s26], [sflag:$0x1], $0x8000, $0x38;
	[tilespmem:$0x1CD00] =	vst v63  }
.Ltmp14:
0x39f: {  	_ = 	snop;
	(pc) =	sbr.rel .LBB2_17-.Ltmp14, $4  }
0x3a0: {  	s24 =	simm.s32 @!p1 $0x1  }
0x3a1: {  	_ =	swait.ge @!p1 [sflag:s24], $0x8000  }
0x3a2: {  	[sflag:s24] =	ssyncset.done @!p1 $0x0  }
0x3a3: {  	[sflag:s24] =	ssyncadd.s32 @!p1 $0xFFFF8000  }
.LBB2_19:
0x3a4: {  	_ =	sfence.sel $0x180000  }
0x3a5: {  	[bflag:$0x0] =	sbarrier.arrive $0xFFFF  }
0x3a6: {  	p0 =	sne.s32 s0, $0x0;
	_ =	strace $0x9000004A  }
0x3a7: {  	s0 =	sadd.s32 @!p0 $0x100000, s1;
	[bflag:$0x2] =	sbarrier.arrive $0xFFFF  }
0x3a8: {  	[sflag:s0] =	ssyncadd.tile.s32 @!p0 $0x1;
	_ =	shalt  }
.Lfunc_end2:
_tile_overlayer_lowered:
.L_overlay_start_2:
0x3a9: {  	(tag) =	ssettag $0x2  }
0x3aa: {  	s0 =	rddreg [dreg:$0x0];
	s2 =	stileid.u32  }
0x3ab: {  	s1 =	rddreg [dreg:$0x1];
	p0 =	sne.s32 s2, $0x0  }
0x3ac: {  	s3 =	rddreg [dreg:$0x2];
	[bflag:$0x3] =	sbarrier.arrive $0xFFFF;
	s2 =	simm.s32 @!p0 $0x1C02  }
0x3ad: {  	[timem:s3], [sflag:s2] =	dma.local @!p0 [hbm:s0], s1  }
0x3ae: {  	s0 =	simm.s32 @!p0 $0x2  }
0x3af: {  	_ =	swait.ge @!p0 [sflag:s0], s1  }
0x3b0: {  	s1 =	ssub.s32 @!p0 $0x0, s1;
	[sflag:s0] =	ssyncset.done @!p0 $0x0  }
0x3b1: {  	[sflag:s0] =	ssyncadd.s32 @!p0 s1  }
0x3b2: {  	[bflag:$0x3] =	sbarrier.arrive $0xFFFF  }
0x3b3: {  	_ =	shalt  }

</sc_bundles>
